<compile_context>
chip_gen: v7x
topology: tpu7x:2x2x1
jax: 0.10.2.dev20260603
libtpu: 0.0.44.dev20260713+nightly
codegen_flags: <defaults>
</compile_context>

<pallas_src>
import functools

import jax
import jax.numpy as jnp
from jax import lax
from jax.experimental import pallas as pl
from jax.experimental.pallas import tpu as pltpu
from jax.experimental.pallas import tpu_sc as plsc

N = 10000
NPH = 10240
HHALF = NPH // 2
NPA = 10112
NHIST = 10240
E = 320000
D = 128
NC = 2
NS = 16
NT = NC * NS
EPT = 10240
EPAD = NT * EPT
ACC_RPT = NPA // NS
HROWS = HHALF // NS
HR = NHIST // NS
PAD_NODE = 10016
ECHUNK = 32
NBUF = 2
LCH = EPT // ECHUNK
LGRP = LCH // NBUF
DCHUNK = 64
DITERS = EPAD // NS // DCHUNK
DBUF = 4
PCH = EPT // DCHUNK
BLKH = 640
BLKA = 632
GRID = 16

_mesh = plsc.VectorSubcoreMesh(core_axis_name="c", subcore_axis_name="s")


def _rsqrt16(d):
    i = lax.bitcast_convert_type(d, jnp.int32)
    i = jnp.int32(0x5F3759DF) - lax.shift_right_arithmetic(i, 1)
    y = lax.bitcast_convert_type(i, jnp.float32)
    for _ in range(3):
        y = y * (jnp.float32(1.5) - jnp.float32(0.5) * d * y * y)
    return jnp.where(d > jnp.float32(0.5), y, jnp.float32(0.0))


@functools.partial(
    pl.kernel,
    out_type=(
        jax.ShapeDtypeStruct((NHIST,), jnp.float32),
        jax.ShapeDtypeStruct((NHIST,), jnp.float32),
        jax.ShapeDtypeStruct((NC * NT * 2 * EPT,), jnp.int32),
    ),
    mesh=_mesh,
    scratch_types=[
        pltpu.VMEM_SHARED((NHIST,), jnp.float32),
        pltpu.VMEM((DITERS, DCHUNK), jnp.int32),
        pltpu.VMEM((PCH, DCHUNK), jnp.int32),
        pltpu.VMEM((PCH, DCHUNK), jnp.int32),
        pltpu.VMEM((EPT,), jnp.int32),
        pltpu.VMEM((EPT,), jnp.int32),
        pltpu.VMEM((EPT,), jnp.int32),
        pltpu.VMEM((EPT,), jnp.int32),
        pltpu.VMEM((DCHUNK,), jnp.float32),
        pltpu.VMEM((HR,), jnp.float32),
    ]
    + [pltpu.SemaphoreType.DMA] * DBUF,
)
def _prep(src2_hbm, dst2_hbm, z1_hbm, ns_hbm, nd_hbm, lists_hbm,
          hist, idxa, srcp, dstp, l0s, l1s, l0d, l1d, onesb, normv, *sems):
    c = lax.axis_index("c")
    s = lax.axis_index("s")
    t = c * NS + s
    r0 = pl.multiple_of(s * HR, 128)
    pltpu.sync_copy(z1_hbm.at[pl.ds(r0, HR)], hist.at[pl.ds(r0, HR)])
    for j in range(DCHUNK // 16):
        onesb[pl.ds(j * 16, 16)] = jnp.full((16,), 1.0, jnp.float32)

    @pl.when(c == 0)
    def _():
        pltpu.sync_copy(src2_hbm.at[pl.ds(s * DITERS, DITERS)], idxa)

    @pl.when(c == 1)
    def _():
        pltpu.sync_copy(dst2_hbm.at[pl.ds(s * DITERS, DITERS)], idxa)

    pltpu.sync_copy(src2_hbm.at[pl.ds(t * PCH, PCH)], srcp)
    pltpu.sync_copy(dst2_hbm.at[pl.ds(t * PCH, PCH)], dstp)
    plsc.subcore_barrier()

    def _hstart(b, ci):
        pltpu.async_copy(onesb, hist.at[idxa.at[ci]], sems[b], add=True)

    def _hwait(b):
        pltpu.make_async_copy(onesb, hist.at[idxa.at[0]], sems[b]).wait()

    for b in range(DBUF):
        _hstart(b, b)

    def hbody(g, carry):
        for b in range(DBUF):
            _hwait(b)
            _hstart(b, (g + 1) * DBUF + b)
        return carry

    lax.fori_loop(0, DITERS // DBUF - 1, hbody, 0)
    for b in range(DBUF):
        _hwait(b)

    hh = jnp.full((16,), HHALF, jnp.int32)
    lane = lax.iota(jnp.int32, 16)

    def prow(r, carry):
        rv = lax.broadcast_in_dim(r * 16, (16,), ()) + lane
        jsrc = jnp.bitwise_and(rv, jnp.full((16,), 4095, jnp.int32))
        jdst = jnp.full((16,), 10000, jnp.int32) + jnp.bitwise_and(
            rv, jnp.full((16,), 63, jnp.int32))
        for co in range(DCHUNK // 16):
            cs = pl.ds(co * 16, 16)
            fs = pl.ds(pl.multiple_of(r * DCHUNK + co * 16, 16), 16)
            sv = srcp[r, cs]
            dv = dstp[r, cs]
            m0 = sv < hh
            l0s[fs] = jnp.where(m0, sv, jsrc)
            l0d[fs] = jnp.where(m0, dv, jdst)
            l1s[fs] = jnp.where(m0, jsrc, sv - hh)
            l1d[fs] = jnp.where(m0, jdst, dv)
        return carry

    lax.fori_loop(0, PCH, prow, 0)
    pltpu.sync_copy(l0s, lists_hbm.at[pl.ds(((0 * NT + t) * 2 + 0) * EPT, EPT)])
    pltpu.sync_copy(l0d, lists_hbm.at[pl.ds(((0 * NT + t) * 2 + 1) * EPT, EPT)])
    pltpu.sync_copy(l1s, lists_hbm.at[pl.ds(((1 * NT + t) * 2 + 0) * EPT, EPT)])
    pltpu.sync_copy(l1d, lists_hbm.at[pl.ds(((1 * NT + t) * 2 + 1) * EPT, EPT)])

    plsc.subcore_barrier()
    pltpu.sync_copy(hist.at[pl.ds(r0, HR)], normv)
    for j in range(HR // 16):
        normv[pl.ds(j * 16, 16)] = _rsqrt16(normv[pl.ds(j * 16, 16)])

    @pl.when(c == 0)
    def _():
        pltpu.sync_copy(normv, ns_hbm.at[pl.ds(r0, HR)])

    @pl.when(c == 1)
    def _():
        pltpu.sync_copy(normv, nd_hbm.at[pl.ds(r0, HR)])


@functools.partial(
    pl.kernel,
    out_type=jax.ShapeDtypeStruct((NC, NPA, D), jnp.float32),
    mesh=_mesh,
    scratch_types=[
        pltpu.VMEM_SHARED((HHALF, D), jnp.float32),
        pltpu.VMEM_SHARED((NPA, D), jnp.float32),
        pltpu.VMEM((2 * NBUF, ECHUNK), jnp.int32),
        pltpu.VMEM((2 * NBUF, ECHUNK), jnp.int32),
    ]
    + [pltpu.VMEM((ECHUNK, D), jnp.float32)] * NBUF
    + [pltpu.SemaphoreType.DMA] * (2 * NBUF + 2),
)
def _edge_scatter(h_hbm, lists_hbm, z2_hbm, out_hbm, hsh, acc, sidxg, didxg, *bufs):
    rows = bufs[:NBUF]
    gsem = bufs[NBUF:2 * NBUF]
    ssem = bufs[2 * NBUF:3 * NBUF]
    issem, idsem = bufs[3 * NBUF:]
    c = lax.axis_index("c")
    s = lax.axis_index("s")
    r0 = pl.multiple_of(s * ACC_RPT, 8)
    h0 = pl.multiple_of(s * HROWS, 8)
    pltpu.sync_copy(z2_hbm.at[pl.ds(r0, ACC_RPT)], acc.at[pl.ds(r0, ACC_RPT)])
    pltpu.sync_copy(h_hbm.at[pl.ds(c * HHALF + h0, HROWS)], hsh.at[pl.ds(h0, HROWS)])
    plsc.subcore_barrier()

    def _gstart(b, slot):
        pltpu.async_copy(hsh.at[sidxg.at[slot * NBUF + b]], rows[b], gsem[b])

    def _gwait(b):
        pltpu.make_async_copy(hsh.at[sidxg.at[0]], rows[b], gsem[b]).wait()

    def _sstart(b, slot):
        pltpu.async_copy(rows[b], acc.at[didxg.at[slot * NBUF + b]], ssem[b], add=True)

    def _swait(b):
        pltpu.make_async_copy(rows[b], acc.at[didxg.at[0]], ssem[b]).wait()

    for j in range(2):
        t2 = 2 * s + j
        sl = lists_hbm.at[c, t2, 0]
        dl = lists_hbm.at[c, t2, 1]

        def _istart(g, slot, sl=sl, dl=dl):
            pltpu.async_copy(sl.at[pl.ds(g * NBUF, NBUF)],
                             sidxg.at[pl.ds(slot * NBUF, NBUF)], issem)
            pltpu.async_copy(dl.at[pl.ds(g * NBUF, NBUF)],
                             didxg.at[pl.ds(slot * NBUF, NBUF)], idsem)

        def _iwait(sl=sl, dl=dl):
            pltpu.make_async_copy(sl.at[pl.ds(0, NBUF)],
                                  sidxg.at[pl.ds(0, NBUF)], issem).wait()
            pltpu.make_async_copy(dl.at[pl.ds(0, NBUF)],
                                  didxg.at[pl.ds(0, NBUF)], idsem).wait()

        pltpu.sync_copy(sl.at[pl.ds(0, NBUF)], sidxg.at[pl.ds(0, NBUF)])
        pltpu.sync_copy(dl.at[pl.ds(0, NBUF)], didxg.at[pl.ds(0, NBUF)])
        for b in range(NBUF):
            _gstart(b, 0)

        def body(g, carry, _istart=_istart, _iwait=_iwait):
            p = lax.rem(g, 2)
            _istart(g + 1, 1 - p)
            for b in range(NBUF):
                _gwait(b)
                _sstart(b, p)
            _iwait()
            for b in range(NBUF):
                _swait(b)
                _gstart(b, 1 - p)
            return carry

        lax.fori_loop(0, LGRP - 1, body, 0)
        pl_last = (LGRP - 1) % 2
        for b in range(NBUF):
            _gwait(b)
            _sstart(b, pl_last)
        for b in range(NBUF):
            _swait(b)

    plsc.subcore_barrier()
    pltpu.sync_copy(acc.at[pl.ds(r0, ACC_RPT)], out_hbm.at[c, pl.ds(r0, ACC_RPT)])


def _dot(a, b):
    return lax.dot_general(a, b, (((1,), (0,)), ((), ())),
                           preferred_element_type=jnp.float32,
                           precision=lax.Precision.HIGHEST)


def _mm_body(x_ref, ns_ref, w_ref, o_ref):
    o_ref[...] = _dot(x_ref[...] * ns_ref[...], w_ref[...])


def _mm_call(x, ns2, W):
    return pl.pallas_call(
        _mm_body,
        grid=(GRID,),
        in_specs=[
            pl.BlockSpec((BLKH, D), lambda i: (i, 0)),
            pl.BlockSpec((BLKH, 1), lambda i: (i, 0)),
            pl.BlockSpec((D, D), lambda i: (0, 0)),
        ],
        out_specs=pl.BlockSpec((BLKH, D), lambda i: (i, 0)),
        out_shape=jax.ShapeDtypeStruct((NPH, D), jnp.float32),
    )(x, ns2, W)


def _mid_body(a_ref, nd_ref, ns_ref, b_ref, w_ref, o_ref):
    agg = a_ref[0] + a_ref[1]
    mid = jnp.maximum(agg * nd_ref[...] + b_ref[...], 0.0)
    o_ref[...] = _dot(mid * ns_ref[...], w_ref[...])


def _mid_call(aggp, nd2, ns2, b1r, W2):
    return pl.pallas_call(
        _mid_body,
        grid=(GRID,),
        in_specs=[
            pl.BlockSpec((NC, BLKA, D), lambda i: (0, i, 0)),
            pl.BlockSpec((BLKA, 1), lambda i: (i, 0)),
            pl.BlockSpec((BLKA, 1), lambda i: (i, 0)),
            pl.BlockSpec((1, D), lambda i: (0, 0)),
            pl.BlockSpec((D, D), lambda i: (0, 0)),
        ],
        out_specs=pl.BlockSpec((BLKA, D), lambda i: (i, 0)),
        out_shape=jax.ShapeDtypeStruct((NPH, D), jnp.float32),
    )(aggp, nd2, ns2, b1r, W2)


def _fin_body(a_ref, nd_ref, b_ref, o_ref):
    agg = a_ref[0] + a_ref[1]
    o_ref[...] = jnp.maximum(agg * nd_ref[...] + b_ref[...], 0.0)


def _fin_call(aggp, nd2, b2r):
    return pl.pallas_call(
        _fin_body,
        grid=(GRID,),
        in_specs=[
            pl.BlockSpec((NC, BLKA, D), lambda i: (0, i, 0)),
            pl.BlockSpec((BLKA, 1), lambda i: (i, 0)),
            pl.BlockSpec((1, D), lambda i: (0, 0)),
        ],
        out_specs=pl.BlockSpec((BLKA, D), lambda i: (i, 0)),
        out_shape=jax.ShapeDtypeStruct((NPA, D), jnp.float32),
    )(aggp, nd2, b2r)


def kernel(node_features, edge_index, W1, b1, W2, b2):
    src = edge_index[0].astype(jnp.int32).reshape(NT, E // NT)
    dst = edge_index[1].astype(jnp.int32).reshape(NT, E // NT)
    padw = ((0, 0), (0, EPT - E // NT))
    src_p = jnp.pad(src, padw, constant_values=PAD_NODE).reshape(EPAD // DCHUNK, DCHUNK)
    dst_p = jnp.pad(dst, padw, constant_values=PAD_NODE).reshape(EPAD // DCHUNK, DCHUNK)
    x_p = jnp.pad(node_features, ((0, NPH - N), (0, 0)))
    z1 = jnp.zeros((NHIST,), jnp.float32)
    z2 = jnp.zeros((NPA, D), jnp.float32)

    ns, nd, lists = _prep(src_p, dst_p, z1)
    lists_c = lists.reshape(NC, NT, 2, LCH, ECHUNK)
    ns2 = ns[:NPH, None]
    nsa = ns[:NPA, None]
    nda = nd[:NPA, None]

    h1 = _mm_call(x_p, ns2, W1)
    agg1 = _edge_scatter(h1, lists_c, z2)
    h2 = _mid_call(agg1, nda, nsa, b1[None, :], W2)
    agg2 = _edge_scatter(h2, lists_c, z2)
    out = _fin_call(agg2, nda, b2[None, :])
    return out[:N]

# --- scband reference (transcript-rebuilt; emitter-appended) ---
"""Pipeline reference for scband-feature-extractor-47751446397491 (READ-ONLY COPY).

The authoritative reference and input builder live on the scoring server;
editing this copy changes nothing except your own understanding.
"""

import jax, jax.numpy as jnp
import numpy as np

N_NODES = 10000
N_EDGES = 320000
D_FEAT = 128
D_HID = 128


def _gcn_layer(x, src, dst, W, b, n):
    # DGL GraphConv with norm='both', allow_zero_in_degree=True:
    # h = D_in^{-1/2} A D_out^{-1/2} x W + b
    ones = jnp.ones((src.shape[0],), dtype=x.dtype)
    deg_out = jax.ops.segment_sum(ones, src, num_segments=n)
    deg_in = jax.ops.segment_sum(ones, dst, num_segments=n)
    norm_src = jnp.where(deg_out > 0, jnp.power(jnp.maximum(deg_out, 1.0), -0.5), 0.0)
    norm_dst = jnp.where(deg_in > 0, jnp.power(jnp.maximum(deg_in, 1.0), -0.5), 0.0)
    h = x * norm_src[:, None]
    h = h @ W  # mult-then-aggregate (in_feats >= out_feats path)
    m = h[src]  # gather along edges
    agg = jax.ops.segment_sum(m, dst, num_segments=n)  # scatter-add to dst nodes
    agg = agg * norm_dst[:, None]
    return agg + b


def setup_inputs(seed: int = 0) -> dict:
    key = jax.random.key(seed)
    k1, k2, k3, k4, k5, k6 = jax.random.split(key, 6)
    x = jax.random.normal(k1, (N_NODES, D_FEAT), dtype=jnp.float32)
    edge_index = jax.random.randint(k2, (2, N_EDGES), 0, N_NODES, dtype=jnp.int64)
    s1 = 1.0 / np.sqrt(D_FEAT)
    s2 = 1.0 / np.sqrt(D_HID)
    W1 = jax.random.normal(k3, (D_FEAT, D_HID), dtype=jnp.float32) * s1
    b1 = jnp.zeros((D_HID,), dtype=jnp.float32)
    W2 = jax.random.normal(k4, (D_HID, D_HID), dtype=jnp.float32) * s2
    b2 = jnp.zeros((D_HID,), dtype=jnp.float32)
    return {"node_features": x, "edge_index": edge_index, "W1": W1, "b1": b1, "W2": W2, "b2": b2}


def reference(node_features, edge_index, W1, b1, W2, b2):
    src = edge_index[0]
    dst = edge_index[1]
    h = _gcn_layer(node_features, src, dst, W1, b1, N_NODES)
    h = jax.nn.relu(h)
    h = _gcn_layer(h, src, dst, W2, b2, N_NODES)
    h = jax.nn.relu(h)
    return h

if __name__ == "__main__":
    import jax
    _d = setup_inputs()
    print(jax.jit(kernel)(*tuple(_d.values())))

</pallas_src>

<mosaic_0001>
#map = affine_map<(d0, d1) -> (0, 0)>
#map1 = affine_map<(d0, d1) -> (0)>
module attributes {stable_mosaic.version = 14 : i64} {
  func.func @_prep(%arg0: i32, %arg1: i32, %arg2: memref<5120x64xi32, #tpu.memory_space<hbm>>, %arg3: memref<5120x64xi32, #tpu.memory_space<hbm>>, %arg4: memref<10240xf32, #tpu.memory_space<hbm>>, %arg5: memref<10240xf32, #tpu.memory_space<hbm>>, %arg6: memref<10240xf32, #tpu.memory_space<hbm>>, %arg7: memref<1310720xi32, #tpu.memory_space<hbm>>, %arg8: memref<10240xf32, #tpu.memory_space<vmem_shared>>, %arg9: memref<320x64xi32, #tpu.memory_space<vmem>>, %arg10: memref<160x64xi32, #tpu.memory_space<vmem>>, %arg11: memref<160x64xi32, #tpu.memory_space<vmem>>, %arg12: memref<10240xi32, #tpu.memory_space<vmem>>, %arg13: memref<10240xi32, #tpu.memory_space<vmem>>, %arg14: memref<10240xi32, #tpu.memory_space<vmem>>, %arg15: memref<10240xi32, #tpu.memory_space<vmem>>, %arg16: memref<64xf32, #tpu.memory_space<vmem>>, %arg17: memref<640xf32, #tpu.memory_space<vmem>>, %arg18: memref<!tpu.dma_semaphore, #tpu.memory_space<semaphore_mem>>, %arg19: memref<!tpu.dma_semaphore, #tpu.memory_space<semaphore_mem>>, %arg20: memref<!tpu.dma_semaphore, #tpu.memory_space<semaphore_mem>>, %arg21: memref<!tpu.dma_semaphore, #tpu.memory_space<semaphore_mem>>) attributes {dimension_semantics = [#tpu.dimension_semantics<core_parallel>, #tpu.dimension_semantics<subcore_parallel>], iteration_bounds = array<i64: 2, 16>, scalar_prefetch = 0 : i64, scratch_operands = 14 : i64, tpu.core_type = #tpu.core_type<sc_vector_subcore>, window_params = [{transform_indices = #map}, {transform_indices = #map}, {transform_indices = #map1}, {transform_indices = #map1}, {transform_indices = #map1}, {transform_indices = #map1}]} {
    %mul3A = arith.constant 16 : i32
    %mul3A_0 = arith.muli %arg0, %mul3A : i32
    %add3A = arith.addi %mul3A_0, %arg1 : i32
    %mul3A_1 = arith.constant 640 : i32
    %mul3A_2 = arith.muli %arg1, %mul3A_1 : i32
    %multiple_of3A = tpu.assume_multiple %mul3A_2, 128 : i32
    "tpu.region"() ({
      %run_scoped3A = tpu.sem_alloc : memref<!tpu.dma_semaphore, #tpu.memory_space<semaphore_mem>>
      %dma_start3A_2051 = tpu.memref_slice %arg8[%multiple_of3A] : memref<10240xf32, #tpu.memory_space<vmem_shared>> -> memref<640xf32, #tpu.memory_space<vmem_shared>>
      %dma_start3A_2052 = tpu.memref_slice %arg4[%multiple_of3A] : memref<10240xf32, #tpu.memory_space<hbm>> -> memref<640xf32, #tpu.memory_space<hbm>>
      tpu.enqueue_dma source(%dma_start3A_2052 : memref<640xf32, #tpu.memory_space<hbm>>) target(%dma_start3A_2051 : memref<640xf32, #tpu.memory_space<vmem_shared>>) target_semaphore(%run_scoped3A : memref<!tpu.dma_semaphore, #tpu.memory_space<semaphore_mem>>)
      %dma_wait3A_2053 = tpu.memref_slice %arg8[%multiple_of3A] : memref<10240xf32, #tpu.memory_space<vmem_shared>> -> memref<640xf32, #tpu.memory_space<vmem_shared>>
      %dma_wait3A_2054 = tpu.memref_slice %arg4[%multiple_of3A] : memref<10240xf32, #tpu.memory_space<hbm>> -> memref<640xf32, #tpu.memory_space<hbm>>
      tpu.wait_dma2 semaphore(%run_scoped3A : memref<!tpu.dma_semaphore, #tpu.memory_space<semaphore_mem>>) src(%dma_wait3A_2054 : memref<640xf32, #tpu.memory_space<hbm>>) dst(%dma_wait3A_2053 : memref<640xf32, #tpu.memory_space<vmem_shared>>)
      tpu.yield
    }) : () -> ()
    %broadcast_in_dim3A = arith.constant 1.000000e+00 : f32
    %broadcast_in_dim3A_3 = vector.broadcast %broadcast_in_dim3A : f32 to vector<16xf32>
    %swap3A = arith.constant 0 : index
    %swap3A_4 = tpu.vector_load %arg16[%swap3A] {strides = array<i32>} : memref<64xf32, #tpu.memory_space<vmem>>, vector<16xf32>,
    %swap3A_5 = vector.shape_cast %swap3A_4 : vector<16xf32> to vector<16xf32>
    %swap3A_6 = vector.shape_cast %broadcast_in_dim3A_3 : vector<16xf32> to vector<16xf32>
    tpu.vector_store %arg16[%swap3A], %swap3A_6 {strides = array<i32>} : memref<64xf32, #tpu.memory_space<vmem>>, vector<16xf32>,
    %broadcast_in_dim3A_7 = arith.constant 1.000000e+00 : f32
    %broadcast_in_dim3A_8 = vector.broadcast %broadcast_in_dim3A_7 : f32 to vector<16xf32>
    %swap3A_9 = arith.constant 16 : index
    %swap3A_10 = tpu.vector_load %arg16[%swap3A_9] {strides = array<i32>} : memref<64xf32, #tpu.memory_space<vmem>>, vector<16xf32>,
    %swap3A_11 = vector.shape_cast %swap3A_10 : vector<16xf32> to vector<16xf32>
    %swap3A_12 = vector.shape_cast %broadcast_in_dim3A_8 : vector<16xf32> to vector<16xf32>
    tpu.vector_store %arg16[%swap3A_9], %swap3A_12 {strides = array<i32>} : memref<64xf32, #tpu.memory_space<vmem>>, vector<16xf32>,
    %broadcast_in_dim3A_13 = arith.constant 1.000000e+00 : f32
    %broadcast_in_dim3A_14 = vector.broadcast %broadcast_in_dim3A_13 : f32 to vector<16xf32>
    %swap3A_15 = arith.constant 32 : index
    %swap3A_16 = tpu.vector_load %arg16[%swap3A_15] {strides = array<i32>} : memref<64xf32, #tpu.memory_space<vmem>>, vector<16xf32>,
    %swap3A_17 = vector.shape_cast %swap3A_16 : vector<16xf32> to vector<16xf32>
    %swap3A_18 = vector.shape_cast %broadcast_in_dim3A_14 : vector<16xf32> to vector<16xf32>
    tpu.vector_store %arg16[%swap3A_15], %swap3A_18 {strides = array<i32>} : memref<64xf32, #tpu.memory_space<vmem>>, vector<16xf32>,
    %broadcast_in_dim3A_19 = arith.constant 1.000000e+00 : f32
    %broadcast_in_dim3A_20 = vector.broadcast %broadcast_in_dim3A_19 : f32 to vector<16xf32>
    %swap3A_21 = arith.constant 48 : index
    %swap3A_22 = tpu.vector_load %arg16[%swap3A_21] {strides = array<i32>} : memref<64xf32, #tpu.memory_space<vmem>>, vector<16xf32>,
    %swap3A_23 = vector.shape_cast %swap3A_22 : vector<16xf32> to vector<16xf32>
    %swap3A_24 = vector.shape_cast %broadcast_in_dim3A_20 : vector<16xf32> to vector<16xf32>
    tpu.vector_store %arg16[%swap3A_21], %swap3A_24 {strides = array<i32>} : memref<64xf32, #tpu.memory_space<vmem>>, vector<16xf32>,
    %eq3A = arith.constant 0 : i32
    %eq3A_25 = arith.cmpi eq, %arg0, %eq3A : i32
    %convert_element_type3A = arith.extui %eq3A_25 : i1 to i32
    %cond3A = arith.constant 0 : i32
    %cond3A_26 = arith.cmpi ne, %convert_element_type3A, %cond3A : i32
    scf.if %cond3A_26 {
      %mul3A_2051 = arith.constant 320 : i32
      %mul3A_2052 = arith.muli %arg1, %mul3A_2051 : i32
      "tpu.region"() ({
        %run_scoped3A = tpu.sem_alloc : memref<!tpu.dma_semaphore, #tpu.memory_space<semaphore_mem>>
        %dma_start3A_2053 = arith.constant 0 : i32
        %dma_start3A_2054 = tpu.memref_slice %arg2[%mul3A_2052, %dma_start3A_2053] : memref<5120x64xi32, #tpu.memory_space<hbm>> -> memref<320x64xi32, #tpu.memory_space<hbm>>
        %dma_start3A_2055 = arith.constant 0 : i32
        %dma_start3A_2056 = tpu.memref_slice %arg2[%mul3A_2052, %dma_start3A_2055] : memref<5120x64xi32, #tpu.memory_space<hbm>> -> memref<320x64xi32, #tpu.memory_space<hbm>>
        tpu.enqueue_dma source(%dma_start3A_2056 : memref<320x64xi32, #tpu.memory_space<hbm>>) target(%arg9 : memref<320x64xi32, #tpu.memory_space<vmem>>) target_semaphore(%run_scoped3A : memref<!tpu.dma_semaphore, #tpu.memory_space<semaphore_mem>>)
        %dma_wait3A_2057 = arith.constant 0 : i32
        %dma_wait3A_2058 = tpu.memref_slice %arg2[%mul3A_2052, %dma_wait3A_2057] : memref<5120x64xi32, #tpu.memory_space<hbm>> -> memref<320x64xi32, #tpu.memory_space<hbm>>
        %dma_wait3A_2059 = arith.constant 0 : i32
        %dma_wait3A_2060 = tpu.memref_slice %arg2[%mul3A_2052, %dma_wait3A_2059] : memref<5120x64xi32, #tpu.memory_space<hbm>> -> memref<320x64xi32, #tpu.memory_space<hbm>>
        tpu.wait_dma2 semaphore(%run_scoped3A : memref<!tpu.dma_semaphore, #tpu.memory_space<semaphore_mem>>) src(%dma_wait3A_2060 : memref<320x64xi32, #tpu.memory_space<hbm>>) dst(%arg9 : memref<320x64xi32, #tpu.memory_space<vmem>>)
        tpu.yield
      }) : () -> ()
    } else {
    }
    %eq3A_27 = arith.constant 1 : i32
    %eq3A_28 = arith.cmpi eq, %arg0, %eq3A_27 : i32
    %convert_element_type3A_29 = arith.extui %eq3A_28 : i1 to i32
    %cond3A_30 = arith.constant 0 : i32
    %cond3A_31 = arith.cmpi ne, %convert_element_type3A_29, %cond3A_30 : i32
    scf.if %cond3A_31 {
      %mul3A_2051 = arith.constant 320 : i32
      %mul3A_2052 = arith.muli %arg1, %mul3A_2051 : i32
      "tpu.region"() ({
        %run_scoped3A = tpu.sem_alloc : memref<!tpu.dma_semaphore, #tpu.memory_space<semaphore_mem>>
        %dma_start3A_2053 = arith.constant 0 : i32
        %dma_start3A_2054 = tpu.memref_slice %arg3[%mul3A_2052, %dma_start3A_2053] : memref<5120x64xi32, #tpu.memory_space<hbm>> -> memref<320x64xi32, #tpu.memory_space<hbm>>
        %dma_start3A_2055 = arith.constant 0 : i32
        %dma_start3A_2056 = tpu.memref_slice %arg3[%mul3A_2052, %dma_start3A_2055] : memref<5120x64xi32, #tpu.memory_space<hbm>> -> memref<320x64xi32, #tpu.memory_space<hbm>>
        tpu.enqueue_dma source(%dma_start3A_2056 : memref<320x64xi32, #tpu.memory_space<hbm>>) target(%arg9 : memref<320x64xi32, #tpu.memory_space<vmem>>) target_semaphore(%run_scoped3A : memref<!tpu.dma_semaphore, #tpu.memory_space<semaphore_mem>>)
        %dma_wait3A_2057 = arith.constant 0 : i32
        %dma_wait3A_2058 = tpu.memref_slice %arg3[%mul3A_2052, %dma_wait3A_2057] : memref<5120x64xi32, #tpu.memory_space<hbm>> -> memref<320x64xi32, #tpu.memory_space<hbm>>
        %dma_wait3A_2059 = arith.constant 0 : i32
        %dma_wait3A_2060 = tpu.memref_slice %arg3[%mul3A_2052, %dma_wait3A_2059] : memref<5120x64xi32, #tpu.memory_space<hbm>> -> memref<320x64xi32, #tpu.memory_space<hbm>>
        tpu.wait_dma2 semaphore(%run_scoped3A : memref<!tpu.dma_semaphore, #tpu.memory_space<semaphore_mem>>) src(%dma_wait3A_2060 : memref<320x64xi32, #tpu.memory_space<hbm>>) dst(%arg9 : memref<320x64xi32, #tpu.memory_space<vmem>>)
        tpu.yield
      }) : () -> ()
    } else {
    }
    %mul3A_32 = arith.constant 160 : i32
    %mul3A_33 = arith.muli %add3A, %mul3A_32 : i32
    "tpu.region"() ({
      %run_scoped3A = tpu.sem_alloc : memref<!tpu.dma_semaphore, #tpu.memory_space<semaphore_mem>>
      %dma_start3A_2051 = arith.constant 0 : i32
      %dma_start3A_2052 = tpu.memref_slice %arg2[%mul3A_33, %dma_start3A_2051] : memref<5120x64xi32, #tpu.memory_space<hbm>> -> memref<160x64xi32, #tpu.memory_space<hbm>>
      %dma_start3A_2053 = arith.constant 0 : i32
      %dma_start3A_2054 = tpu.memref_slice %arg2[%mul3A_33, %dma_start3A_2053] : memref<5120x64xi32, #tpu.memory_space<hbm>> -> memref<160x64xi32, #tpu.memory_space<hbm>>
      tpu.enqueue_dma source(%dma_start3A_2054 : memref<160x64xi32, #tpu.memory_space<hbm>>) target(%arg10 : memref<160x64xi32, #tpu.memory_space<vmem>>) target_semaphore(%run_scoped3A : memref<!tpu.dma_semaphore, #tpu.memory_space<semaphore_mem>>)
      %dma_wait3A_2055 = arith.constant 0 : i32
      %dma_wait3A_2056 = tpu.memref_slice %arg2[%mul3A_33, %dma_wait3A_2055] : memref<5120x64xi32, #tpu.memory_space<hbm>> -> memref<160x64xi32, #tpu.memory_space<hbm>>
      %dma_wait3A_2057 = arith.constant 0 : i32
      %dma_wait3A_2058 = tpu.memref_slice %arg2[%mul3A_33, %dma_wait3A_2057] : memref<5120x64xi32, #tpu.memory_space<hbm>> -> memref<160x64xi32, #tpu.memory_space<hbm>>
      tpu.wait_dma2 semaphore(%run_scoped3A : memref<!tpu.dma_semaphore, #tpu.memory_space<semaphore_mem>>) src(%dma_wait3A_2058 : memref<160x64xi32, #tpu.memory_space<hbm>>) dst(%arg10 : memref<160x64xi32, #tpu.memory_space<vmem>>)
      tpu.yield
    }) : () -> ()
    %mul3A_34 = arith.constant 160 : i32
    %mul3A_35 = arith.muli %add3A, %mul3A_34 : i32
    "tpu.region"() ({
      %run_scoped3A = tpu.sem_alloc : memref<!tpu.dma_semaphore, #tpu.memory_space<semaphore_mem>>
      %dma_start3A_2051 = arith.constant 0 : i32
      %dma_start3A_2052 = tpu.memref_slice %arg3[%mul3A_35, %dma_start3A_2051] : memref<5120x64xi32, #tpu.memory_space<hbm>> -> memref<160x64xi32, #tpu.memory_space<hbm>>
      %dma_start3A_2053 = arith.constant 0 : i32
      %dma_start3A_2054 = tpu.memref_slice %arg3[%mul3A_35, %dma_start3A_2053] : memref<5120x64xi32, #tpu.memory_space<hbm>> -> memref<160x64xi32, #tpu.memory_space<hbm>>
      tpu.enqueue_dma source(%dma_start3A_2054 : memref<160x64xi32, #tpu.memory_space<hbm>>) target(%arg11 : memref<160x64xi32, #tpu.memory_space<vmem>>) target_semaphore(%run_scoped3A : memref<!tpu.dma_semaphore, #tpu.memory_space<semaphore_mem>>)
      %dma_wait3A_2055 = arith.constant 0 : i32
      %dma_wait3A_2056 = tpu.memref_slice %arg3[%mul3A_35, %dma_wait3A_2055] : memref<5120x64xi32, #tpu.memory_space<hbm>> -> memref<160x64xi32, #tpu.memory_space<hbm>>
      %dma_wait3A_2057 = arith.constant 0 : i32
      %dma_wait3A_2058 = tpu.memref_slice %arg3[%mul3A_35, %dma_wait3A_2057] : memref<5120x64xi32, #tpu.memory_space<hbm>> -> memref<160x64xi32, #tpu.memory_space<hbm>>
      tpu.wait_dma2 semaphore(%run_scoped3A : memref<!tpu.dma_semaphore, #tpu.memory_space<semaphore_mem>>) src(%dma_wait3A_2058 : memref<160x64xi32, #tpu.memory_space<hbm>>) dst(%arg11 : memref<160x64xi32, #tpu.memory_space<vmem>>)
      tpu.yield
    }) : () -> ()
    %barrier3A = arith.constant 0 : index
    tpu.barrier barrier_id(%barrier3A)
    %dma_start3A = arith.constant 0 : i32
    %dma_start3A_36 = arith.constant 0 : i32
    %dma_start3A_37 = tpu.memref_slice %arg9[%dma_start3A, %dma_start3A_36] : memref<320x64xi32, #tpu.memory_space<vmem>> -> memref<1x64xi32, #tpu.memory_space<vmem>>
    %dma_start3A_38 = tpu.memref_squeeze %dma_start3A_37 : memref<1x64xi32, #tpu.memory_space<vmem>> -> memref<64xi32, #tpu.memory_space<vmem>>
    %dma_start3A_39 = arith.constant 0 : i32
    %dma_start3A_40 = tpu.memref_slice %arg8[%dma_start3A_39] : memref<10240xf32, #tpu.memory_space<vmem_shared>> -> memref<10240xf32, #tpu.memory_space<vmem_shared>>
    tpu.enqueue_indirect_dma source(%arg16 : memref<64xf32, #tpu.memory_space<vmem>>) target(%dma_start3A_40 : memref<10240xf32, #tpu.memory_space<vmem_shared>>) offsets(%dma_start3A_38 : memref<64xi32, #tpu.memory_space<vmem>>) semaphore(%arg18 : memref<!tpu.dma_semaphore, #tpu.memory_space<semaphore_mem>>) {add = true}
    %dma_start3A_41 = arith.constant 1 : i32
    %dma_start3A_42 = arith.constant 0 : i32
    %dma_start3A_43 = tpu.memref_slice %arg9[%dma_start3A_41, %dma_start3A_42] : memref<320x64xi32, #tpu.memory_space<vmem>> -> memref<1x64xi32, #tpu.memory_space<vmem>>
    %dma_start3A_44 = tpu.memref_squeeze %dma_start3A_43 : memref<1x64xi32, #tpu.memory_space<vmem>> -> memref<64xi32, #tpu.memory_space<vmem>>
    %dma_start3A_45 = arith.constant 0 : i32
    %dma_start3A_46 = tpu.memref_slice %arg8[%dma_start3A_45] : memref<10240xf32, #tpu.memory_space<vmem_shared>> -> memref<10240xf32, #tpu.memory_space<vmem_shared>>
    tpu.enqueue_indirect_dma source(%arg16 : memref<64xf32, #tpu.memory_space<vmem>>) target(%dma_start3A_46 : memref<10240xf32, #tpu.memory_space<vmem_shared>>) offsets(%dma_start3A_44 : memref<64xi32, #tpu.memory_space<vmem>>) semaphore(%arg19 : memref<!tpu.dma_semaphore, #tpu.memory_space<semaphore_mem>>) {add = true}
    %dma_start3A_47 = arith.constant 2 : i32
    %dma_start3A_48 = arith.constant 0 : i32
    %dma_start3A_49 = tpu.memref_slice %arg9[%dma_start3A_47, %dma_start3A_48] : memref<320x64xi32, #tpu.memory_space<vmem>> -> memref<1x64xi32, #tpu.memory_space<vmem>>
    %dma_start3A_50 = tpu.memref_squeeze %dma_start3A_49 : memref<1x64xi32, #tpu.memory_space<vmem>> -> memref<64xi32, #tpu.memory_space<vmem>>
    %dma_start3A_51 = arith.constant 0 : i32
    %dma_start3A_52 = tpu.memref_slice %arg8[%dma_start3A_51] : memref<10240xf32, #tpu.memory_space<vmem_shared>> -> memref<10240xf32, #tpu.memory_space<vmem_shared>>
    tpu.enqueue_indirect_dma source(%arg16 : memref<64xf32, #tpu.memory_space<vmem>>) target(%dma_start3A_52 : memref<10240xf32, #tpu.memory_space<vmem_shared>>) offsets(%dma_start3A_50 : memref<64xi32, #tpu.memory_space<vmem>>) semaphore(%arg20 : memref<!tpu.dma_semaphore, #tpu.memory_space<semaphore_mem>>) {add = true}
    %dma_start3A_53 = arith.constant 3 : i32
    %dma_start3A_54 = arith.constant 0 : i32
    %dma_start3A_55 = tpu.memref_slice %arg9[%dma_start3A_53, %dma_start3A_54] : memref<320x64xi32, #tpu.memory_space<vmem>> -> memref<1x64xi32, #tpu.memory_space<vmem>>
    %dma_start3A_56 = tpu.memref_squeeze %dma_start3A_55 : memref<1x64xi32, #tpu.memory_space<vmem>> -> memref<64xi32, #tpu.memory_space<vmem>>
    %dma_start3A_57 = arith.constant 0 : i32
    %dma_start3A_58 = tpu.memref_slice %arg8[%dma_start3A_57] : memref<10240xf32, #tpu.memory_space<vmem_shared>> -> memref<10240xf32, #tpu.memory_space<vmem_shared>>
    tpu.enqueue_indirect_dma source(%arg16 : memref<64xf32, #tpu.memory_space<vmem>>) target(%dma_start3A_58 : memref<10240xf32, #tpu.memory_space<vmem_shared>>) offsets(%dma_start3A_56 : memref<64xi32, #tpu.memory_space<vmem>>) semaphore(%arg21 : memref<!tpu.dma_semaphore, #tpu.memory_space<semaphore_mem>>) {add = true}
    %scan3A = arith.constant 0 : i32
    %scan3A_59 = arith.constant 0 : i32
    %scan3A_60 = arith.constant 79 : i32
    %scan3A_61 = arith.addi %scan3A_59, %scan3A_60 : i32
    %scan3A_62 = arith.constant 1 : i32
    scf.for %scan3A_2051 = %scan3A_59 to %scan3A_61 step %scan3A_62  : i32 {
      %dma_wait3A_2052 = arith.constant 0 : i32
      %dma_wait3A_2053 = arith.constant 0 : i32
      %dma_wait3A_2054 = tpu.memref_slice %arg9[%dma_wait3A_2052, %dma_wait3A_2053] : memref<320x64xi32, #tpu.memory_space<vmem>> -> memref<1x64xi32, #tpu.memory_space<vmem>>
      %dma_wait3A_2055 = tpu.memref_squeeze %dma_wait3A_2054 : memref<1x64xi32, #tpu.memory_space<vmem>> -> memref<64xi32, #tpu.memory_space<vmem>>
      %dma_wait3A_2056 = arith.constant 0 : i32
      %dma_wait3A_2057 = tpu.memref_slice %arg8[%dma_wait3A_2056] : memref<10240xf32, #tpu.memory_space<vmem_shared>> -> memref<10240xf32, #tpu.memory_space<vmem_shared>>
      tpu.wait_indirect_dma semaphore(%arg18 : memref<!tpu.dma_semaphore, #tpu.memory_space<semaphore_mem>>) src(%arg16 : memref<64xf32, #tpu.memory_space<vmem>>) dst(%dma_wait3A_2057 : memref<10240xf32, #tpu.memory_space<vmem_shared>>)
      %add3A_2058 = arith.constant 1 : i32
      %add3A_2059 = arith.addi %scan3A_2051, %add3A_2058 : i32
      %mul3A_2060 = arith.constant 4 : i32
      %mul3A_2061 = arith.muli %add3A_2059, %mul3A_2060 : i32
      %add3A_2062 = arith.constant 0 : i32
      %add3A_2063 = arith.addi %mul3A_2061, %add3A_2062 : i32
      %dma_start3A_2064 = arith.constant 0 : i32
      %dma_start3A_2065 = tpu.memref_slice %arg9[%add3A_2063, %dma_start3A_2064] : memref<320x64xi32, #tpu.memory_space<vmem>> -> memref<1x64xi32, #tpu.memory_space<vmem>>
      %dma_start3A_2066 = tpu.memref_squeeze %dma_start3A_2065 : memref<1x64xi32, #tpu.memory_space<vmem>> -> memref<64xi32, #tpu.memory_space<vmem>>
      %dma_start3A_2067 = arith.constant 0 : i32
      %dma_start3A_2068 = tpu.memref_slice %arg8[%dma_start3A_2067] : memref<10240xf32, #tpu.memory_space<vmem_shared>> -> memref<10240xf32, #tpu.memory_space<vmem_shared>>
      tpu.enqueue_indirect_dma source(%arg16 : memref<64xf32, #tpu.memory_space<vmem>>) target(%dma_start3A_2068 : memref<10240xf32, #tpu.memory_space<vmem_shared>>) offsets(%dma_start3A_2066 : memref<64xi32, #tpu.memory_space<vmem>>) semaphore(%arg18 : memref<!tpu.dma_semaphore, #tpu.memory_space<semaphore_mem>>) {add = true}
      %dma_wait3A_2069 = arith.constant 0 : i32
      %dma_wait3A_2070 = arith.constant 0 : i32
      %dma_wait3A_2071 = tpu.memref_slice %arg9[%dma_wait3A_2069, %dma_wait3A_2070] : memref<320x64xi32, #tpu.memory_space<vmem>> -> memref<1x64xi32, #tpu.memory_space<vmem>>
      %dma_wait3A_2072 = tpu.memref_squeeze %dma_wait3A_2071 : memref<1x64xi32, #tpu.memory_space<vmem>> -> memref<64xi32, #tpu.memory_space<vmem>>
      %dma_wait3A_2073 = arith.constant 0 : i32
      %dma_wait3A_2074 = tpu.memref_slice %arg8[%dma_wait3A_2073] : memref<10240xf32, #tpu.memory_space<vmem_shared>> -> memref<10240xf32, #tpu.memory_space<vmem_shared>>
      tpu.wait_indirect_dma semaphore(%arg19 : memref<!tpu.dma_semaphore, #tpu.memory_space<semaphore_mem>>) src(%arg16 : memref<64xf32, #tpu.memory_space<vmem>>) dst(%dma_wait3A_2074 : memref<10240xf32, #tpu.memory_space<vmem_shared>>)
      %add3A_2075 = arith.constant 1 : i32
      %add3A_2076 = arith.addi %scan3A_2051, %add3A_2075 : i32
      %mul3A_2077 = arith.constant 4 : i32
      %mul3A_2078 = arith.muli %add3A_2076, %mul3A_2077 : i32
      %add3A_2079 = arith.constant 1 : i32
      %add3A_2080 = arith.addi %mul3A_2078, %add3A_2079 : i32
      %dma_start3A_2081 = arith.constant 0 : i32
      %dma_start3A_2082 = tpu.memref_slice %arg9[%add3A_2080, %dma_start3A_2081] : memref<320x64xi32, #tpu.memory_space<vmem>> -> memref<1x64xi32, #tpu.memory_space<vmem>>
      %dma_start3A_2083 = tpu.memref_squeeze %dma_start3A_2082 : memref<1x64xi32, #tpu.memory_space<vmem>> -> memref<64xi32, #tpu.memory_space<vmem>>
      %dma_start3A_2084 = arith.constant 0 : i32
      %dma_start3A_2085 = tpu.memref_slice %arg8[%dma_start3A_2084] : memref<10240xf32, #tpu.memory_space<vmem_shared>> -> memref<10240xf32, #tpu.memory_space<vmem_shared>>
      tpu.enqueue_indirect_dma source(%arg16 : memref<64xf32, #tpu.memory_space<vmem>>) target(%dma_start3A_2085 : memref<10240xf32, #tpu.memory_space<vmem_shared>>) offsets(%dma_start3A_2083 : memref<64xi32, #tpu.memory_space<vmem>>) semaphore(%arg19 : memref<!tpu.dma_semaphore, #tpu.memory_space<semaphore_mem>>) {add = true}
      %dma_wait3A_2086 = arith.constant 0 : i32
      %dma_wait3A_2087 = arith.constant 0 : i32
      %dma_wait3A_2088 = tpu.memref_slice %arg9[%dma_wait3A_2086, %dma_wait3A_2087] : memref<320x64xi32, #tpu.memory_space<vmem>> -> memref<1x64xi32, #tpu.memory_space<vmem>>
      %dma_wait3A_2089 = tpu.memref_squeeze %dma_wait3A_2088 : memref<1x64xi32, #tpu.memory_space<vmem>> -> memref<64xi32, #tpu.memory_space<vmem>>
      %dma_wait3A_2090 = arith.constant 0 : i32
      %dma_wait3A_2091 = tpu.memref_slice %arg8[%dma_wait3A_2090] : memref<10240xf32, #tpu.memory_space<vmem_shared>> -> memref<10240xf32, #tpu.memory_space<vmem_shared>>
      tpu.wait_indirect_dma semaphore(%arg20 : memref<!tpu.dma_semaphore, #tpu.memory_space<semaphore_mem>>) src(%arg16 : memref<64xf32, #tpu.memory_space<vmem>>) dst(%dma_wait3A_2091 : memref<10240xf32, #tpu.memory_space<vmem_shared>>)
      %add3A_2092 = arith.constant 1 : i32
      %add3A_2093 = arith.addi %scan3A_2051, %add3A_2092 : i32
      %mul3A_2094 = arith.constant 4 : i32
      %mul3A_2095 = arith.muli %add3A_2093, %mul3A_2094 : i32
      %add3A_2096 = arith.constant 2 : i32
      %add3A_2097 = arith.addi %mul3A_2095, %add3A_2096 : i32
      %dma_start3A_2098 = arith.constant 0 : i32
      %dma_start3A_2099 = tpu.memref_slice %arg9[%add3A_2097, %dma_start3A_2098] : memref<320x64xi32, #tpu.memory_space<vmem>> -> memref<1x64xi32, #tpu.memory_space<vmem>>
      %dma_start3A_2100 = tpu.memref_squeeze %dma_start3A_2099 : memref<1x64xi32, #tpu.memory_space<vmem>> -> memref<64xi32, #tpu.memory_space<vmem>>
      %dma_start3A_2101 = arith.constant 0 : i32
      %dma_start3A_2102 = tpu.memref_slice %arg8[%dma_start3A_2101] : memref<10240xf32, #tpu.memory_space<vmem_shared>> -> memref<10240xf32, #tpu.memory_space<vmem_shared>>
      tpu.enqueue_indirect_dma source(%arg16 : memref<64xf32, #tpu.memory_space<vmem>>) target(%dma_start3A_2102 : memref<10240xf32, #tpu.memory_space<vmem_shared>>) offsets(%dma_start3A_2100 : memref<64xi32, #tpu.memory_space<vmem>>) semaphore(%arg20 : memref<!tpu.dma_semaphore, #tpu.memory_space<semaphore_mem>>) {add = true}
      %dma_wait3A_2103 = arith.constant 0 : i32
      %dma_wait3A_2104 = arith.constant 0 : i32
      %dma_wait3A_2105 = tpu.memref_slice %arg9[%dma_wait3A_2103, %dma_wait3A_2104] : memref<320x64xi32, #tpu.memory_space<vmem>> -> memref<1x64xi32, #tpu.memory_space<vmem>>
      %dma_wait3A_2106 = tpu.memref_squeeze %dma_wait3A_2105 : memref<1x64xi32, #tpu.memory_space<vmem>> -> memref<64xi32, #tpu.memory_space<vmem>>
      %dma_wait3A_2107 = arith.constant 0 : i32
      %dma_wait3A_2108 = tpu.memref_slice %arg8[%dma_wait3A_2107] : memref<10240xf32, #tpu.memory_space<vmem_shared>> -> memref<10240xf32, #tpu.memory_space<vmem_shared>>
      tpu.wait_indirect_dma semaphore(%arg21 : memref<!tpu.dma_semaphore, #tpu.memory_space<semaphore_mem>>) src(%arg16 : memref<64xf32, #tpu.memory_space<vmem>>) dst(%dma_wait3A_2108 : memref<10240xf32, #tpu.memory_space<vmem_shared>>)
      %add3A_2109 = arith.constant 1 : i32
      %add3A_2110 = arith.addi %scan3A_2051, %add3A_2109 : i32
      %mul3A_2111 = arith.constant 4 : i32
      %mul3A_2112 = arith.muli %add3A_2110, %mul3A_2111 : i32
      %add3A_2113 = arith.constant 3 : i32
      %add3A_2114 = arith.addi %mul3A_2112, %add3A_2113 : i32
      %dma_start3A_2115 = arith.constant 0 : i32
      %dma_start3A_2116 = tpu.memref_slice %arg9[%add3A_2114, %dma_start3A_2115] : memref<320x64xi32, #tpu.memory_space<vmem>> -> memref<1x64xi32, #tpu.memory_space<vmem>>
      %dma_start3A_2117 = tpu.memref_squeeze %dma_start3A_2116 : memref<1x64xi32, #tpu.memory_space<vmem>> -> memref<64xi32, #tpu.memory_space<vmem>>
      %dma_start3A_2118 = arith.constant 0 : i32
      %dma_start3A_2119 = tpu.memref_slice %arg8[%dma_start3A_2118] : memref<10240xf32, #tpu.memory_space<vmem_shared>> -> memref<10240xf32, #tpu.memory_space<vmem_shared>>
      tpu.enqueue_indirect_dma source(%arg16 : memref<64xf32, #tpu.memory_space<vmem>>) target(%dma_start3A_2119 : memref<10240xf32, #tpu.memory_space<vmem_shared>>) offsets(%dma_start3A_2117 : memref<64xi32, #tpu.memory_space<vmem>>) semaphore(%arg21 : memref<!tpu.dma_semaphore, #tpu.memory_space<semaphore_mem>>) {add = true}
    }
    %scan3A_63 = arith.constant 79 : i32
    %dma_wait3A = arith.constant 0 : i32
    %dma_wait3A_64 = arith.constant 0 : i32
    %dma_wait3A_65 = tpu.memref_slice %arg9[%dma_wait3A, %dma_wait3A_64] : memref<320x64xi32, #tpu.memory_space<vmem>> -> memref<1x64xi32, #tpu.memory_space<vmem>>
    %dma_wait3A_66 = tpu.memref_squeeze %dma_wait3A_65 : memref<1x64xi32, #tpu.memory_space<vmem>> -> memref<64xi32, #tpu.memory_space<vmem>>
    %dma_wait3A_67 = arith.constant 0 : i32
    %dma_wait3A_68 = tpu.memref_slice %arg8[%dma_wait3A_67] : memref<10240xf32, #tpu.memory_space<vmem_shared>> -> memref<10240xf32, #tpu.memory_space<vmem_shared>>
    tpu.wait_indirect_dma semaphore(%arg18 : memref<!tpu.dma_semaphore, #tpu.memory_space<semaphore_mem>>) src(%arg16 : memref<64xf32, #tpu.memory_space<vmem>>) dst(%dma_wait3A_68 : memref<10240xf32, #tpu.memory_space<vmem_shared>>)
    %dma_wait3A_69 = arith.constant 0 : i32
    %dma_wait3A_70 = arith.constant 0 : i32
    %dma_wait3A_71 = tpu.memref_slice %arg9[%dma_wait3A_69, %dma_wait3A_70] : memref<320x64xi32, #tpu.memory_space<vmem>> -> memref<1x64xi32, #tpu.memory_space<vmem>>
    %dma_wait3A_72 = tpu.memref_squeeze %dma_wait3A_71 : memref<1x64xi32, #tpu.memory_space<vmem>> -> memref<64xi32, #tpu.memory_space<vmem>>
    %dma_wait3A_73 = arith.constant 0 : i32
    %dma_wait3A_74 = tpu.memref_slice %arg8[%dma_wait3A_73] : memref<10240xf32, #tpu.memory_space<vmem_shared>> -> memref<10240xf32, #tpu.memory_space<vmem_shared>>
    tpu.wait_indirect_dma semaphore(%arg19 : memref<!tpu.dma_semaphore, #tpu.memory_space<semaphore_mem>>) src(%arg16 : memref<64xf32, #tpu.memory_space<vmem>>) dst(%dma_wait3A_74 : memref<10240xf32, #tpu.memory_space<vmem_shared>>)
    %dma_wait3A_75 = arith.constant 0 : i32
    %dma_wait3A_76 = arith.constant 0 : i32
    %dma_wait3A_77 = tpu.memref_slice %arg9[%dma_wait3A_75, %dma_wait3A_76] : memref<320x64xi32, #tpu.memory_space<vmem>> -> memref<1x64xi32, #tpu.memory_space<vmem>>
    %dma_wait3A_78 = tpu.memref_squeeze %dma_wait3A_77 : memref<1x64xi32, #tpu.memory_space<vmem>> -> memref<64xi32, #tpu.memory_space<vmem>>
    %dma_wait3A_79 = arith.constant 0 : i32
    %dma_wait3A_80 = tpu.memref_slice %arg8[%dma_wait3A_79] : memref<10240xf32, #tpu.memory_space<vmem_shared>> -> memref<10240xf32, #tpu.memory_space<vmem_shared>>
    tpu.wait_indirect_dma semaphore(%arg20 : memref<!tpu.dma_semaphore, #tpu.memory_space<semaphore_mem>>) src(%arg16 : memref<64xf32, #tpu.memory_space<vmem>>) dst(%dma_wait3A_80 : memref<10240xf32, #tpu.memory_space<vmem_shared>>)
    %dma_wait3A_81 = arith.constant 0 : i32
    %dma_wait3A_82 = arith.constant 0 : i32
    %dma_wait3A_83 = tpu.memref_slice %arg9[%dma_wait3A_81, %dma_wait3A_82] : memref<320x64xi32, #tpu.memory_space<vmem>> -> memref<1x64xi32, #tpu.memory_space<vmem>>
    %dma_wait3A_84 = tpu.memref_squeeze %dma_wait3A_83 : memref<1x64xi32, #tpu.memory_space<vmem>> -> memref<64xi32, #tpu.memory_space<vmem>>
    %dma_wait3A_85 = arith.constant 0 : i32
    %dma_wait3A_86 = tpu.memref_slice %arg8[%dma_wait3A_85] : memref<10240xf32, #tpu.memory_space<vmem_shared>> -> memref<10240xf32, #tpu.memory_space<vmem_shared>>
    tpu.wait_indirect_dma semaphore(%arg21 : memref<!tpu.dma_semaphore, #tpu.memory_space<semaphore_mem>>) src(%arg16 : memref<64xf32, #tpu.memory_space<vmem>>) dst(%dma_wait3A_86 : memref<10240xf32, #tpu.memory_space<vmem_shared>>)
    %broadcast_in_dim3A_87 = arith.constant 5120 : i32
    %broadcast_in_dim3A_88 = vector.broadcast %broadcast_in_dim3A_87 : i32 to vector<16xi32>
    %iota3A = tpu.iota {dimensions = array<i32: 0>} : vector<16xi32>
    %scan3A_89 = arith.constant 0 : i32
    %scan3A_90 = arith.constant 0 : i32
    %scan3A_91 = arith.constant 160 : i32
    %scan3A_92 = arith.addi %scan3A_90, %scan3A_91 : i32
    %scan3A_93 = arith.constant 1 : i32
    scf.for %scan3A_2051 = %scan3A_90 to %scan3A_92 step %scan3A_93  : i32 {
      %mul3A_2052 = arith.constant 16 : i32
      %mul3A_2053 = arith.muli %scan3A_2051, %mul3A_2052 : i32
      %broadcast_in_dim3A_2054 = vector.broadcast %mul3A_2053 : i32 to vector<16xi32>
      %add3A_2055 = arith.addi %broadcast_in_dim3A_2054, %iota3A : vector<16xi32>
      %broadcast_in_dim3A_2056 = arith.constant 4095 : i32
      %broadcast_in_dim3A_2057 = vector.broadcast %broadcast_in_dim3A_2056 : i32 to vector<16xi32>
      %and3A = arith.andi %add3A_2055, %broadcast_in_dim3A_2057 : vector<16xi32>
      %broadcast_in_dim3A_2058 = arith.constant 10000 : i32
      %broadcast_in_dim3A_2059 = vector.broadcast %broadcast_in_dim3A_2058 : i32 to vector<16xi32>
      %broadcast_in_dim3A_2060 = arith.constant 63 : i32
      %broadcast_in_dim3A_2061 = vector.broadcast %broadcast_in_dim3A_2060 : i32 to vector<16xi32>
      %and3A_2062 = arith.andi %add3A_2055, %broadcast_in_dim3A_2061 : vector<16xi32>
      %add3A_2063 = arith.addi %broadcast_in_dim3A_2059, %and3A_2062 : vector<16xi32>
      %mul3A_2064 = arith.constant 64 : i32
      %mul3A_2065 = arith.muli %scan3A_2051, %mul3A_2064 : i32
      %add3A_2066 = arith.constant 0 : i32
      %add3A_2067 = arith.addi %mul3A_2065, %add3A_2066 : i32
      %multiple_of3A_2068 = tpu.assume_multiple %add3A_2067, 16 : i32
      %get3A_2069 = arith.index_cast %scan3A_2051 : i32 to index
      %get3A_2070 = arith.constant 0 : index
      %get3A_2071 = tpu.vector_load %arg10[%get3A_2069, %get3A_2070] {strides = array<i32>} : memref<160x64xi32, #tpu.memory_space<vmem>>, vector<1x16xi32>,
      %get3A_2072 = vector.shape_cast %get3A_2071 : vector<1x16xi32> to vector<16xi32>
      %get3A_2073 = arith.index_cast %scan3A_2051 : i32 to index
      %get3A_2074 = arith.constant 0 : index
      %get3A_2075 = tpu.vector_load %arg11[%get3A_2073, %get3A_2074] {strides = array<i32>} : memref<160x64xi32, #tpu.memory_space<vmem>>, vector<1x16xi32>,
      %get3A_2076 = vector.shape_cast %get3A_2075 : vector<1x16xi32> to vector<16xi32>
      %lt3A = arith.cmpi slt, %get3A_2072, %broadcast_in_dim3A_88 : vector<16xi32>
      %select_n3A_2077 = arith.select %lt3A, %get3A_2072, %and3A : vector<16xi1>, vector<16xi32>
      %swap3A_2078 = arith.index_cast %multiple_of3A_2068 : i32 to index
      %swap3A_2079 = tpu.vector_load %arg12[%swap3A_2078] {strides = array<i32>} : memref<10240xi32, #tpu.memory_space<vmem>>, vector<16xi32>,
      %swap3A_2080 = vector.shape_cast %swap3A_2079 : vector<16xi32> to vector<16xi32>
      %swap3A_2081 = vector.shape_cast %select_n3A_2077 : vector<16xi32> to vector<16xi32>
      tpu.vector_store %arg12[%swap3A_2078], %swap3A_2081 {strides = array<i32>} : memref<10240xi32, #tpu.memory_space<vmem>>, vector<16xi32>,
      %select_n3A_2082 = arith.select %lt3A, %get3A_2076, %add3A_2063 : vector<16xi1>, vector<16xi32>
      %swap3A_2083 = arith.index_cast %multiple_of3A_2068 : i32 to index
      %swap3A_2084 = tpu.vector_load %arg14[%swap3A_2083] {strides = array<i32>} : memref<10240xi32, #tpu.memory_space<vmem>>, vector<16xi32>,
      %swap3A_2085 = vector.shape_cast %swap3A_2084 : vector<16xi32> to vector<16xi32>
      %swap3A_2086 = vector.shape_cast %select_n3A_2082 : vector<16xi32> to vector<16xi32>
      tpu.vector_store %arg14[%swap3A_2083], %swap3A_2086 {strides = array<i32>} : memref<10240xi32, #tpu.memory_space<vmem>>, vector<16xi32>,
      %sub3A_2087 = arith.subi %get3A_2072, %broadcast_in_dim3A_88 : vector<16xi32>
      %select_n3A_2088 = arith.select %lt3A, %and3A, %sub3A_2087 : vector<16xi1>, vector<16xi32>
      %swap3A_2089 = arith.index_cast %multiple_of3A_2068 : i32 to index
      %swap3A_2090 = tpu.vector_load %arg13[%swap3A_2089] {strides = array<i32>} : memref<10240xi32, #tpu.memory_space<vmem>>, vector<16xi32>,
      %swap3A_2091 = vector.shape_cast %swap3A_2090 : vector<16xi32> to vector<16xi32>
      %swap3A_2092 = vector.shape_cast %select_n3A_2088 : vector<16xi32> to vector<16xi32>
      tpu.vector_store %arg13[%swap3A_2089], %swap3A_2092 {strides = array<i32>} : memref<10240xi32, #tpu.memory_space<vmem>>, vector<16xi32>,
      %select_n3A_2093 = arith.select %lt3A, %add3A_2063, %get3A_2076 : vector<16xi1>, vector<16xi32>
      %swap3A_2094 = arith.index_cast %multiple_of3A_2068 : i32 to index
      %swap3A_2095 = tpu.vector_load %arg15[%swap3A_2094] {strides = array<i32>} : memref<10240xi32, #tpu.memory_space<vmem>>, vector<16xi32>,
      %swap3A_2096 = vector.shape_cast %swap3A_2095 : vector<16xi32> to vector<16xi32>
      %swap3A_2097 = vector.shape_cast %select_n3A_2093 : vector<16xi32> to vector<16xi32>
      tpu.vector_store %arg15[%swap3A_2094], %swap3A_2097 {strides = array<i32>} : memref<10240xi32, #tpu.memory_space<vmem>>, vector<16xi32>,
      %mul3A_2098 = arith.constant 64 : i32
      %mul3A_2099 = arith.muli %scan3A_2051, %mul3A_2098 : i32
      %add3A_2100 = arith.constant 16 : i32
      %add3A_2101 = arith.addi %mul3A_2099, %add3A_2100 : i32
      %multiple_of3A_2102 = tpu.assume_multiple %add3A_2101, 16 : i32
      %get3A_2103 = arith.index_cast %scan3A_2051 : i32 to index
      %get3A_2104 = arith.constant 16 : index
      %get3A_2105 = tpu.vector_load %arg10[%get3A_2103, %get3A_2104] {strides = array<i32>} : memref<160x64xi32, #tpu.memory_space<vmem>>, vector<1x16xi32>,
      %get3A_2106 = vector.shape_cast %get3A_2105 : vector<1x16xi32> to vector<16xi32>
      %get3A_2107 = arith.index_cast %scan3A_2051 : i32 to index
      %get3A_2108 = arith.constant 16 : index
      %get3A_2109 = tpu.vector_load %arg11[%get3A_2107, %get3A_2108] {strides = array<i32>} : memref<160x64xi32, #tpu.memory_space<vmem>>, vector<1x16xi32>,
      %get3A_2110 = vector.shape_cast %get3A_2109 : vector<1x16xi32> to vector<16xi32>
      %lt3A_2111 = arith.cmpi slt, %get3A_2106, %broadcast_in_dim3A_88 : vector<16xi32>
      %select_n3A_2112 = arith.select %lt3A_2111, %get3A_2106, %and3A : vector<16xi1>, vector<16xi32>
      %swap3A_2113 = arith.index_cast %multiple_of3A_2102 : i32 to index
      %swap3A_2114 = tpu.vector_load %arg12[%swap3A_2113] {strides = array<i32>} : memref<10240xi32, #tpu.memory_space<vmem>>, vector<16xi32>,
      %swap3A_2115 = vector.shape_cast %swap3A_2114 : vector<16xi32> to vector<16xi32>
      %swap3A_2116 = vector.shape_cast %select_n3A_2112 : vector<16xi32> to vector<16xi32>
      tpu.vector_store %arg12[%swap3A_2113], %swap3A_2116 {strides = array<i32>} : memref<10240xi32, #tpu.memory_space<vmem>>, vector<16xi32>,
      %select_n3A_2117 = arith.select %lt3A_2111, %get3A_2110, %add3A_2063 : vector<16xi1>, vector<16xi32>
      %swap3A_2118 = arith.index_cast %multiple_of3A_2102 : i32 to index
      %swap3A_2119 = tpu.vector_load %arg14[%swap3A_2118] {strides = array<i32>} : memref<10240xi32, #tpu.memory_space<vmem>>, vector<16xi32>,
      %swap3A_2120 = vector.shape_cast %swap3A_2119 : vector<16xi32> to vector<16xi32>
      %swap3A_2121 = vector.shape_cast %select_n3A_2117 : vector<16xi32> to vector<16xi32>
      tpu.vector_store %arg14[%swap3A_2118], %swap3A_2121 {strides = array<i32>} : memref<10240xi32, #tpu.memory_space<vmem>>, vector<16xi32>,
      %sub3A_2122 = arith.subi %get3A_2106, %broadcast_in_dim3A_88 : vector<16xi32>
      %select_n3A_2123 = arith.select %lt3A_2111, %and3A, %sub3A_2122 : vector<16xi1>, vector<16xi32>
      %swap3A_2124 = arith.index_cast %multiple_of3A_2102 : i32 to index
      %swap3A_2125 = tpu.vector_load %arg13[%swap3A_2124] {strides = array<i32>} : memref<10240xi32, #tpu.memory_space<vmem>>, vector<16xi32>,
      %swap3A_2126 = vector.shape_cast %swap3A_2125 : vector<16xi32> to vector<16xi32>
      %swap3A_2127 = vector.shape_cast %select_n3A_2123 : vector<16xi32> to vector<16xi32>
      tpu.vector_store %arg13[%swap3A_2124], %swap3A_2127 {strides = array<i32>} : memref<10240xi32, #tpu.memory_space<vmem>>, vector<16xi32>,
      %select_n3A_2128 = arith.select %lt3A_2111, %add3A_2063, %get3A_2110 : vector<16xi1>, vector<16xi32>
      %swap3A_2129 = arith.index_cast %multiple_of3A_2102 : i32 to index
      %swap3A_2130 = tpu.vector_load %arg15[%swap3A_2129] {strides = array<i32>} : memref<10240xi32, #tpu.memory_space<vmem>>, vector<16xi32>,
      %swap3A_2131 = vector.shape_cast %swap3A_2130 : vector<16xi32> to vector<16xi32>
      %swap3A_2132 = vector.shape_cast %select_n3A_2128 : vector<16xi32> to vector<16xi32>
      tpu.vector_store %arg15[%swap3A_2129], %swap3A_2132 {strides = array<i32>} : memref<10240xi32, #tpu.memory_space<vmem>>, vector<16xi32>,
      %mul3A_2133 = arith.constant 64 : i32
      %mul3A_2134 = arith.muli %scan3A_2051, %mul3A_2133 : i32
      %add3A_2135 = arith.constant 32 : i32
      %add3A_2136 = arith.addi %mul3A_2134, %add3A_2135 : i32
      %multiple_of3A_2137 = tpu.assume_multiple %add3A_2136, 16 : i32
      %get3A_2138 = arith.index_cast %scan3A_2051 : i32 to index
      %get3A_2139 = arith.constant 32 : index
      %get3A_2140 = tpu.vector_load %arg10[%get3A_2138, %get3A_2139] {strides = array<i32>} : memref<160x64xi32, #tpu.memory_space<vmem>>, vector<1x16xi32>,
      %get3A_2141 = vector.shape_cast %get3A_2140 : vector<1x16xi32> to vector<16xi32>
      %get3A_2142 = arith.index_cast %scan3A_2051 : i32 to index
      %get3A_2143 = arith.constant 32 : index
      %get3A_2144 = tpu.vector_load %arg11[%get3A_2142, %get3A_2143] {strides = array<i32>} : memref<160x64xi32, #tpu.memory_space<vmem>>, vector<1x16xi32>,
      %get3A_2145 = vector.shape_cast %get3A_2144 : vector<1x16xi32> to vector<16xi32>
      %lt3A_2146 = arith.cmpi slt, %get3A_2141, %broadcast_in_dim3A_88 : vector<16xi32>
      %select_n3A_2147 = arith.select %lt3A_2146, %get3A_2141, %and3A : vector<16xi1>, vector<16xi32>
      %swap3A_2148 = arith.index_cast %multiple_of3A_2137 : i32 to index
      %swap3A_2149 = tpu.vector_load %arg12[%swap3A_2148] {strides = array<i32>} : memref<10240xi32, #tpu.memory_space<vmem>>, vector<16xi32>,
      %swap3A_2150 = vector.shape_cast %swap3A_2149 : vector<16xi32> to vector<16xi32>
      %swap3A_2151 = vector.shape_cast %select_n3A_2147 : vector<16xi32> to vector<16xi32>
      tpu.vector_store %arg12[%swap3A_2148], %swap3A_2151 {strides = array<i32>} : memref<10240xi32, #tpu.memory_space<vmem>>, vector<16xi32>,
      %select_n3A_2152 = arith.select %lt3A_2146, %get3A_2145, %add3A_2063 : vector<16xi1>, vector<16xi32>
      %swap3A_2153 = arith.index_cast %multiple_of3A_2137 : i32 to index
      %swap3A_2154 = tpu.vector_load %arg14[%swap3A_2153] {strides = array<i32>} : memref<10240xi32, #tpu.memory_space<vmem>>, vector<16xi32>,
      %swap3A_2155 = vector.shape_cast %swap3A_2154 : vector<16xi32> to vector<16xi32>
      %swap3A_2156 = vector.shape_cast %select_n3A_2152 : vector<16xi32> to vector<16xi32>
      tpu.vector_store %arg14[%swap3A_2153], %swap3A_2156 {strides = array<i32>} : memref<10240xi32, #tpu.memory_space<vmem>>, vector<16xi32>,
      %sub3A_2157 = arith.subi %get3A_2141, %broadcast_in_dim3A_88 : vector<16xi32>
      %select_n3A_2158 = arith.select %lt3A_2146, %and3A, %sub3A_2157 : vector<16xi1>, vector<16xi32>
      %swap3A_2159 = arith.index_cast %multiple_of3A_2137 : i32 to index
      %swap3A_2160 = tpu.vector_load %arg13[%swap3A_2159] {strides = array<i32>} : memref<10240xi32, #tpu.memory_space<vmem>>, vector<16xi32>,
      %swap3A_2161 = vector.shape_cast %swap3A_2160 : vector<16xi32> to vector<16xi32>
      %swap3A_2162 = vector.shape_cast %select_n3A_2158 : vector<16xi32> to vector<16xi32>
      tpu.vector_store %arg13[%swap3A_2159], %swap3A_2162 {strides = array<i32>} : memref<10240xi32, #tpu.memory_space<vmem>>, vector<16xi32>,
      %select_n3A_2163 = arith.select %lt3A_2146, %add3A_2063, %get3A_2145 : vector<16xi1>, vector<16xi32>
      %swap3A_2164 = arith.index_cast %multiple_of3A_2137 : i32 to index
      %swap3A_2165 = tpu.vector_load %arg15[%swap3A_2164] {strides = array<i32>} : memref<10240xi32, #tpu.memory_space<vmem>>, vector<16xi32>,
      %swap3A_2166 = vector.shape_cast %swap3A_2165 : vector<16xi32> to vector<16xi32>
      %swap3A_2167 = vector.shape_cast %select_n3A_2163 : vector<16xi32> to vector<16xi32>
      tpu.vector_store %arg15[%swap3A_2164], %swap3A_2167 {strides = array<i32>} : memref<10240xi32, #tpu.memory_space<vmem>>, vector<16xi32>,
      %mul3A_2168 = arith.constant 64 : i32
      %mul3A_2169 = arith.muli %scan3A_2051, %mul3A_2168 : i32
      %add3A_2170 = arith.constant 48 : i32
      %add3A_2171 = arith.addi %mul3A_2169, %add3A_2170 : i32
      %multiple_of3A_2172 = tpu.assume_multiple %add3A_2171, 16 : i32
      %get3A_2173 = arith.index_cast %scan3A_2051 : i32 to index
      %get3A_2174 = arith.constant 48 : index
      %get3A_2175 = tpu.vector_load %arg10[%get3A_2173, %get3A_2174] {strides = array<i32>} : memref<160x64xi32, #tpu.memory_space<vmem>>, vector<1x16xi32>,
      %get3A_2176 = vector.shape_cast %get3A_2175 : vector<1x16xi32> to vector<16xi32>
      %get3A_2177 = arith.index_cast %scan3A_2051 : i32 to index
      %get3A_2178 = arith.constant 48 : index
      %get3A_2179 = tpu.vector_load %arg11[%get3A_2177, %get3A_2178] {strides = array<i32>} : memref<160x64xi32, #tpu.memory_space<vmem>>, vector<1x16xi32>,
      %get3A_2180 = vector.shape_cast %get3A_2179 : vector<1x16xi32> to vector<16xi32>
      %lt3A_2181 = arith.cmpi slt, %get3A_2176, %broadcast_in_dim3A_88 : vector<16xi32>
      %select_n3A_2182 = arith.select %lt3A_2181, %get3A_2176, %and3A : vector<16xi1>, vector<16xi32>
      %swap3A_2183 = arith.index_cast %multiple_of3A_2172 : i32 to index
      %swap3A_2184 = tpu.vector_load %arg12[%swap3A_2183] {strides = array<i32>} : memref<10240xi32, #tpu.memory_space<vmem>>, vector<16xi32>,
      %swap3A_2185 = vector.shape_cast %swap3A_2184 : vector<16xi32> to vector<16xi32>
      %swap3A_2186 = vector.shape_cast %select_n3A_2182 : vector<16xi32> to vector<16xi32>
      tpu.vector_store %arg12[%swap3A_2183], %swap3A_2186 {strides = array<i32>} : memref<10240xi32, #tpu.memory_space<vmem>>, vector<16xi32>,
      %select_n3A_2187 = arith.select %lt3A_2181, %get3A_2180, %add3A_2063 : vector<16xi1>, vector<16xi32>
      %swap3A_2188 = arith.index_cast %multiple_of3A_2172 : i32 to index
      %swap3A_2189 = tpu.vector_load %arg14[%swap3A_2188] {strides = array<i32>} : memref<10240xi32, #tpu.memory_space<vmem>>, vector<16xi32>,
      %swap3A_2190 = vector.shape_cast %swap3A_2189 : vector<16xi32> to vector<16xi32>
      %swap3A_2191 = vector.shape_cast %select_n3A_2187 : vector<16xi32> to vector<16xi32>
      tpu.vector_store %arg14[%swap3A_2188], %swap3A_2191 {strides = array<i32>} : memref<10240xi32, #tpu.memory_space<vmem>>, vector<16xi32>,
      %sub3A_2192 = arith.subi %get3A_2176, %broadcast_in_dim3A_88 : vector<16xi32>
      %select_n3A_2193 = arith.select %lt3A_2181, %and3A, %sub3A_2192 : vector<16xi1>, vector<16xi32>
      %swap3A_2194 = arith.index_cast %multiple_of3A_2172 : i32 to index
      %swap3A_2195 = tpu.vector_load %arg13[%swap3A_2194] {strides = array<i32>} : memref<10240xi32, #tpu.memory_space<vmem>>, vector<16xi32>,
      %swap3A_2196 = vector.shape_cast %swap3A_2195 : vector<16xi32> to vector<16xi32>
      %swap3A_2197 = vector.shape_cast %select_n3A_2193 : vector<16xi32> to vector<16xi32>
      tpu.vector_store %arg13[%swap3A_2194], %swap3A_2197 {strides = array<i32>} : memref<10240xi32, #tpu.memory_space<vmem>>, vector<16xi32>,
      %select_n3A_2198 = arith.select %lt3A_2181, %add3A_2063, %get3A_2180 : vector<16xi1>, vector<16xi32>
      %swap3A_2199 = arith.index_cast %multiple_of3A_2172 : i32 to index
      %swap3A_2200 = tpu.vector_load %arg15[%swap3A_2199] {strides = array<i32>} : memref<10240xi32, #tpu.memory_space<vmem>>, vector<16xi32>,
      %swap3A_2201 = vector.shape_cast %swap3A_2200 : vector<16xi32> to vector<16xi32>
      %swap3A_2202 = vector.shape_cast %select_n3A_2198 : vector<16xi32> to vector<16xi32>
      tpu.vector_store %arg15[%swap3A_2199], %swap3A_2202 {strides = array<i32>} : memref<10240xi32, #tpu.memory_space<vmem>>, vector<16xi32>,
    }
    %scan3A_94 = arith.constant 160 : i32
    %add3A_95 = arith.constant 0 : i32
    %add3A_96 = arith.addi %add3A_95, %add3A : i32
    %mul3A_97 = arith.constant 2 : i32
    %mul3A_98 = arith.muli %add3A_96, %mul3A_97 : i32
    %add3A_99 = arith.constant 0 : i32
    %add3A_100 = arith.addi %mul3A_98, %add3A_99 : i32
    %mul3A_101 = arith.constant 10240 : i32
    %mul3A_102 = arith.muli %add3A_100, %mul3A_101 : i32
    "tpu.region"() ({
      %run_scoped3A = tpu.sem_alloc : memref<!tpu.dma_semaphore, #tpu.memory_space<semaphore_mem>>
      %dma_start3A_2051 = tpu.memref_slice %arg7[%mul3A_102] : memref<1310720xi32, #tpu.memory_space<hbm>> -> memref<10240xi32, #tpu.memory_space<hbm>>
      %dma_start3A_2052 = tpu.memref_slice %arg7[%mul3A_102] : memref<1310720xi32, #tpu.memory_space<hbm>> -> memref<10240xi32, #tpu.memory_space<hbm>>
      tpu.enqueue_dma source(%arg12 : memref<10240xi32, #tpu.memory_space<vmem>>) target(%dma_start3A_2052 : memref<10240xi32, #tpu.memory_space<hbm>>) target_semaphore(%run_scoped3A : memref<!tpu.dma_semaphore, #tpu.memory_space<semaphore_mem>>)
      %dma_wait3A_2053 = tpu.memref_slice %arg7[%mul3A_102] : memref<1310720xi32, #tpu.memory_space<hbm>> -> memref<10240xi32, #tpu.memory_space<hbm>>
      %dma_wait3A_2054 = tpu.memref_slice %arg7[%mul3A_102] : memref<1310720xi32, #tpu.memory_space<hbm>> -> memref<10240xi32, #tpu.memory_space<hbm>>
      tpu.wait_dma2 semaphore(%run_scoped3A : memref<!tpu.dma_semaphore, #tpu.memory_space<semaphore_mem>>) src(%arg12 : memref<10240xi32, #tpu.memory_space<vmem>>) dst(%dma_wait3A_2054 : memref<10240xi32, #tpu.memory_space<hbm>>)
      tpu.yield
    }) : () -> ()
    %add3A_103 = arith.constant 0 : i32
    %add3A_104 = arith.addi %add3A_103, %add3A : i32
    %mul3A_105 = arith.constant 2 : i32
    %mul3A_106 = arith.muli %add3A_104, %mul3A_105 : i32
    %add3A_107 = arith.constant 1 : i32
    %add3A_108 = arith.addi %mul3A_106, %add3A_107 : i32
    %mul3A_109 = arith.constant 10240 : i32
    %mul3A_110 = arith.muli %add3A_108, %mul3A_109 : i32
    "tpu.region"() ({
      %run_scoped3A = tpu.sem_alloc : memref<!tpu.dma_semaphore, #tpu.memory_space<semaphore_mem>>
      %dma_start3A_2051 = tpu.memref_slice %arg7[%mul3A_110] : memref<1310720xi32, #tpu.memory_space<hbm>> -> memref<10240xi32, #tpu.memory_space<hbm>>
      %dma_start3A_2052 = tpu.memref_slice %arg7[%mul3A_110] : memref<1310720xi32, #tpu.memory_space<hbm>> -> memref<10240xi32, #tpu.memory_space<hbm>>
      tpu.enqueue_dma source(%arg14 : memref<10240xi32, #tpu.memory_space<vmem>>) target(%dma_start3A_2052 : memref<10240xi32, #tpu.memory_space<hbm>>) target_semaphore(%run_scoped3A : memref<!tpu.dma_semaphore, #tpu.memory_space<semaphore_mem>>)
      %dma_wait3A_2053 = tpu.memref_slice %arg7[%mul3A_110] : memref<1310720xi32, #tpu.memory_space<hbm>> -> memref<10240xi32, #tpu.memory_space<hbm>>
      %dma_wait3A_2054 = tpu.memref_slice %arg7[%mul3A_110] : memref<1310720xi32, #tpu.memory_space<hbm>> -> memref<10240xi32, #tpu.memory_space<hbm>>
      tpu.wait_dma2 semaphore(%run_scoped3A : memref<!tpu.dma_semaphore, #tpu.memory_space<semaphore_mem>>) src(%arg14 : memref<10240xi32, #tpu.memory_space<vmem>>) dst(%dma_wait3A_2054 : memref<10240xi32, #tpu.memory_space<hbm>>)
      tpu.yield
    }) : () -> ()
    %add3A_111 = arith.constant 32 : i32
    %add3A_112 = arith.addi %add3A_111, %add3A : i32
    %mul3A_113 = arith.constant 2 : i32
    %mul3A_114 = arith.muli %add3A_112, %mul3A_113 : i32
    %add3A_115 = arith.constant 0 : i32
    %add3A_116 = arith.addi %mul3A_114, %add3A_115 : i32
    %mul3A_117 = arith.constant 10240 : i32
    %mul3A_118 = arith.muli %add3A_116, %mul3A_117 : i32
    "tpu.region"() ({
      %run_scoped3A = tpu.sem_alloc : memref<!tpu.dma_semaphore, #tpu.memory_space<semaphore_mem>>
      %dma_start3A_2051 = tpu.memref_slice %arg7[%mul3A_118] : memref<1310720xi32, #tpu.memory_space<hbm>> -> memref<10240xi32, #tpu.memory_space<hbm>>
      %dma_start3A_2052 = tpu.memref_slice %arg7[%mul3A_118] : memref<1310720xi32, #tpu.memory_space<hbm>> -> memref<10240xi32, #tpu.memory_space<hbm>>
      tpu.enqueue_dma source(%arg13 : memref<10240xi32, #tpu.memory_space<vmem>>) target(%dma_start3A_2052 : memref<10240xi32, #tpu.memory_space<hbm>>) target_semaphore(%run_scoped3A : memref<!tpu.dma_semaphore, #tpu.memory_space<semaphore_mem>>)
      %dma_wait3A_2053 = tpu.memref_slice %arg7[%mul3A_118] : memref<1310720xi32, #tpu.memory_space<hbm>> -> memref<10240xi32, #tpu.memory_space<hbm>>
      %dma_wait3A_2054 = tpu.memref_slice %arg7[%mul3A_118] : memref<1310720xi32, #tpu.memory_space<hbm>> -> memref<10240xi32, #tpu.memory_space<hbm>>
      tpu.wait_dma2 semaphore(%run_scoped3A : memref<!tpu.dma_semaphore, #tpu.memory_space<semaphore_mem>>) src(%arg13 : memref<10240xi32, #tpu.memory_space<vmem>>) dst(%dma_wait3A_2054 : memref<10240xi32, #tpu.memory_space<hbm>>)
      tpu.yield
    }) : () -> ()
    %add3A_119 = arith.constant 32 : i32
    %add3A_120 = arith.addi %add3A_119, %add3A : i32
    %mul3A_121 = arith.constant 2 : i32
    %mul3A_122 = arith.muli %add3A_120, %mul3A_121 : i32
    %add3A_123 = arith.constant 1 : i32
    %add3A_124 = arith.addi %mul3A_122, %add3A_123 : i32
    %mul3A_125 = arith.constant 10240 : i32
    %mul3A_126 = arith.muli %add3A_124, %mul3A_125 : i32
    "tpu.region"() ({
      %run_scoped3A = tpu.sem_alloc : memref<!tpu.dma_semaphore, #tpu.memory_space<semaphore_mem>>
      %dma_start3A_2051 = tpu.memref_slice %arg7[%mul3A_126] : memref<1310720xi32, #tpu.memory_space<hbm>> -> memref<10240xi32, #tpu.memory_space<hbm>>
      %dma_start3A_2052 = tpu.memref_slice %arg7[%mul3A_126] : memref<1310720xi32, #tpu.memory_space<hbm>> -> memref<10240xi32, #tpu.memory_space<hbm>>
      tpu.enqueue_dma source(%arg15 : memref<10240xi32, #tpu.memory_space<vmem>>) target(%dma_start3A_2052 : memref<10240xi32, #tpu.memory_space<hbm>>) target_semaphore(%run_scoped3A : memref<!tpu.dma_semaphore, #tpu.memory_space<semaphore_mem>>)
      %dma_wait3A_2053 = tpu.memref_slice %arg7[%mul3A_126] : memref<1310720xi32, #tpu.memory_space<hbm>> -> memref<10240xi32, #tpu.memory_space<hbm>>
      %dma_wait3A_2054 = tpu.memref_slice %arg7[%mul3A_126] : memref<1310720xi32, #tpu.memory_space<hbm>> -> memref<10240xi32, #tpu.memory_space<hbm>>
      tpu.wait_dma2 semaphore(%run_scoped3A : memref<!tpu.dma_semaphore, #tpu.memory_space<semaphore_mem>>) src(%arg15 : memref<10240xi32, #tpu.memory_space<vmem>>) dst(%dma_wait3A_2054 : memref<10240xi32, #tpu.memory_space<hbm>>)
      tpu.yield
    }) : () -> ()
    %barrier3A_127 = arith.constant 0 : index
    tpu.barrier barrier_id(%barrier3A_127)
    "tpu.region"() ({
      %run_scoped3A = tpu.sem_alloc : memref<!tpu.dma_semaphore, #tpu.memory_space<semaphore_mem>>
      %dma_start3A_2051 = tpu.memref_slice %arg8[%multiple_of3A] : memref<10240xf32, #tpu.memory_space<vmem_shared>> -> memref<640xf32, #tpu.memory_space<vmem_shared>>
      %dma_start3A_2052 = tpu.memref_slice %arg8[%multiple_of3A] : memref<10240xf32, #tpu.memory_space<vmem_shared>> -> memref<640xf32, #tpu.memory_space<vmem_shared>>
      tpu.enqueue_dma source(%dma_start3A_2052 : memref<640xf32, #tpu.memory_space<vmem_shared>>) target(%arg17 : memref<640xf32, #tpu.memory_space<vmem>>) target_semaphore(%run_scoped3A : memref<!tpu.dma_semaphore, #tpu.memory_space<semaphore_mem>>)
      %dma_wait3A_2053 = tpu.memref_slice %arg8[%multiple_of3A] : memref<10240xf32, #tpu.memory_space<vmem_shared>> -> memref<640xf32, #tpu.memory_space<vmem_shared>>
      %dma_wait3A_2054 = tpu.memref_slice %arg8[%multiple_of3A] : memref<10240xf32, #tpu.memory_space<vmem_shared>> -> memref<640xf32, #tpu.memory_space<vmem_shared>>
      tpu.wait_dma2 semaphore(%run_scoped3A : memref<!tpu.dma_semaphore, #tpu.memory_space<semaphore_mem>>) src(%dma_wait3A_2054 : memref<640xf32, #tpu.memory_space<vmem_shared>>) dst(%arg17 : memref<640xf32, #tpu.memory_space<vmem>>)
      tpu.yield
    }) : () -> ()
    %get3A = arith.constant 0 : index
    %get3A_128 = tpu.vector_load %arg17[%get3A] {strides = array<i32>} : memref<640xf32, #tpu.memory_space<vmem>>, vector<16xf32>,
    %get3A_129 = vector.shape_cast %get3A_128 : vector<16xf32> to vector<16xf32>
    %bitcast_convert_type3A = tpu.bitcast %get3A_129 : vector<16xf32> -> vector<16xi32>
    %shift_right_arithmetic3A = arith.constant 1 : i32
    %shift_right_arithmetic3A_130 = vector.broadcast %shift_right_arithmetic3A : i32 to vector<16xi32>
    %shift_right_arithmetic3A_131 = arith.shrsi %bitcast_convert_type3A, %shift_right_arithmetic3A_130 : vector<16xi32>
    %sub3A = arith.constant 1597463007 : i32
    %sub3A_132 = vector.broadcast %sub3A : i32 to vector<16xi32>
    %sub3A_133 = arith.subi %sub3A_132, %shift_right_arithmetic3A_131 : vector<16xi32>
    %bitcast_convert_type3A_134 = tpu.bitcast %sub3A_133 : vector<16xi32> -> vector<16xf32>
    %mul3A_135 = arith.constant 5.000000e-01 : f32
    %mul3A_136 = vector.broadcast %mul3A_135 : f32 to vector<16xf32>
    %mul3A_137 = arith.mulf %mul3A_136, %get3A_129 : vector<16xf32>
    %mul3A_138 = arith.mulf %mul3A_137, %bitcast_convert_type3A_134 : vector<16xf32>
    %mul3A_139 = arith.mulf %mul3A_138, %bitcast_convert_type3A_134 : vector<16xf32>
    %sub3A_140 = arith.constant 1.500000e+00 : f32
    %sub3A_141 = vector.broadcast %sub3A_140 : f32 to vector<16xf32>
    %sub3A_142 = arith.subf %sub3A_141, %mul3A_139 : vector<16xf32>
    %mul3A_143 = arith.mulf %bitcast_convert_type3A_134, %sub3A_142 : vector<16xf32>
    %mul3A_144 = arith.constant 5.000000e-01 : f32
    %mul3A_145 = vector.broadcast %mul3A_144 : f32 to vector<16xf32>
    %mul3A_146 = arith.mulf %mul3A_145, %get3A_129 : vector<16xf32>
    %mul3A_147 = arith.mulf %mul3A_146, %mul3A_143 : vector<16xf32>
    %mul3A_148 = arith.mulf %mul3A_147, %mul3A_143 : vector<16xf32>
    %sub3A_149 = arith.constant 1.500000e+00 : f32
    %sub3A_150 = vector.broadcast %sub3A_149 : f32 to vector<16xf32>
    %sub3A_151 = arith.subf %sub3A_150, %mul3A_148 : vector<16xf32>
    %mul3A_152 = arith.mulf %mul3A_143, %sub3A_151 : vector<16xf32>
    %mul3A_153 = arith.constant 5.000000e-01 : f32
    %mul3A_154 = vector.broadcast %mul3A_153 : f32 to vector<16xf32>
    %mul3A_155 = arith.mulf %mul3A_154, %get3A_129 : vector<16xf32>
    %mul3A_156 = arith.mulf %mul3A_155, %mul3A_152 : vector<16xf32>
    %mul3A_157 = arith.mulf %mul3A_156, %mul3A_152 : vector<16xf32>
    %sub3A_158 = arith.constant 1.500000e+00 : f32
    %sub3A_159 = vector.broadcast %sub3A_158 : f32 to vector<16xf32>
    %sub3A_160 = arith.subf %sub3A_159, %mul3A_157 : vector<16xf32>
    %mul3A_161 = arith.mulf %mul3A_152, %sub3A_160 : vector<16xf32>
    %gt3A = arith.constant 5.000000e-01 : f32
    %gt3A_162 = vector.broadcast %gt3A : f32 to vector<16xf32>
    %gt3A_163 = arith.cmpf ogt, %get3A_129, %gt3A_162 : vector<16xf32>
    %jit3A = arith.constant 0.000000e+00 : f32
    %broadcast_in_dim3A_164 = vector.broadcast %jit3A : f32 to vector<16xf32>
    %select_n3A = arith.select %gt3A_163, %mul3A_161, %broadcast_in_dim3A_164 : vector<16xi1>, vector<16xf32>
    %swap3A_165 = arith.constant 0 : index
    %swap3A_166 = tpu.vector_load %arg17[%swap3A_165] {strides = array<i32>} : memref<640xf32, #tpu.memory_space<vmem>>, vector<16xf32>,
    %swap3A_167 = vector.shape_cast %swap3A_166 : vector<16xf32> to vector<16xf32>
    %swap3A_168 = vector.shape_cast %select_n3A : vector<16xf32> to vector<16xf32>
    tpu.vector_store %arg17[%swap3A_165], %swap3A_168 {strides = array<i32>} : memref<640xf32, #tpu.memory_space<vmem>>, vector<16xf32>,
    %get3A_169 = arith.constant 16 : index
    %get3A_170 = tpu.vector_load %arg17[%get3A_169] {strides = array<i32>} : memref<640xf32, #tpu.memory_space<vmem>>, vector<16xf32>,
    %get3A_171 = vector.shape_cast %get3A_170 : vector<16xf32> to vector<16xf32>
    %bitcast_convert_type3A_172 = tpu.bitcast %get3A_171 : vector<16xf32> -> vector<16xi32>
    %shift_right_arithmetic3A_173 = arith.constant 1 : i32
    %shift_right_arithmetic3A_174 = vector.broadcast %shift_right_arithmetic3A_173 : i32 to vector<16xi32>
    %shift_right_arithmetic3A_175 = arith.shrsi %bitcast_convert_type3A_172, %shift_right_arithmetic3A_174 : vector<16xi32>
    %sub3A_176 = arith.constant 1597463007 : i32
    %sub3A_177 = vector.broadcast %sub3A_176 : i32 to vector<16xi32>
    %sub3A_178 = arith.subi %sub3A_177, %shift_right_arithmetic3A_175 : vector<16xi32>
    %bitcast_convert_type3A_179 = tpu.bitcast %sub3A_178 : vector<16xi32> -> vector<16xf32>
    %mul3A_180 = arith.constant 5.000000e-01 : f32
    %mul3A_181 = vector.broadcast %mul3A_180 : f32 to vector<16xf32>
    %mul3A_182 = arith.mulf %mul3A_181, %get3A_171 : vector<16xf32>
    %mul3A_183 = arith.mulf %mul3A_182, %bitcast_convert_type3A_179 : vector<16xf32>
    %mul3A_184 = arith.mulf %mul3A_183, %bitcast_convert_type3A_179 : vector<16xf32>
    %sub3A_185 = arith.constant 1.500000e+00 : f32
    %sub3A_186 = vector.broadcast %sub3A_185 : f32 to vector<16xf32>
    %sub3A_187 = arith.subf %sub3A_186, %mul3A_184 : vector<16xf32>
    %mul3A_188 = arith.mulf %bitcast_convert_type3A_179, %sub3A_187 : vector<16xf32>
    %mul3A_189 = arith.constant 5.000000e-01 : f32
    %mul3A_190 = vector.broadcast %mul3A_189 : f32 to vector<16xf32>
    %mul3A_191 = arith.mulf %mul3A_190, %get3A_171 : vector<16xf32>
    %mul3A_192 = arith.mulf %mul3A_191, %mul3A_188 : vector<16xf32>
    %mul3A_193 = arith.mulf %mul3A_192, %mul3A_188 : vector<16xf32>
    %sub3A_194 = arith.constant 1.500000e+00 : f32
    %sub3A_195 = vector.broadcast %sub3A_194 : f32 to vector<16xf32>
    %sub3A_196 = arith.subf %sub3A_195, %mul3A_193 : vector<16xf32>
    %mul3A_197 = arith.mulf %mul3A_188, %sub3A_196 : vector<16xf32>
    %mul3A_198 = arith.constant 5.000000e-01 : f32
    %mul3A_199 = vector.broadcast %mul3A_198 : f32 to vector<16xf32>
    %mul3A_200 = arith.mulf %mul3A_199, %get3A_171 : vector<16xf32>
    %mul3A_201 = arith.mulf %mul3A_200, %mul3A_197 : vector<16xf32>
    %mul3A_202 = arith.mulf %mul3A_201, %mul3A_197 : vector<16xf32>
    %sub3A_203 = arith.constant 1.500000e+00 : f32
    %sub3A_204 = vector.broadcast %sub3A_203 : f32 to vector<16xf32>
    %sub3A_205 = arith.subf %sub3A_204, %mul3A_202 : vector<16xf32>
    %mul3A_206 = arith.mulf %mul3A_197, %sub3A_205 : vector<16xf32>
    %gt3A_207 = arith.constant 5.000000e-01 : f32
    %gt3A_208 = vector.broadcast %gt3A_207 : f32 to vector<16xf32>
    %gt3A_209 = arith.cmpf ogt, %get3A_171, %gt3A_208 : vector<16xf32>
    %jit3A_210 = arith.constant 0.000000e+00 : f32
    %broadcast_in_dim3A_211 = vector.broadcast %jit3A_210 : f32 to vector<16xf32>
    %select_n3A_212 = arith.select %gt3A_209, %mul3A_206, %broadcast_in_dim3A_211 : vector<16xi1>, vector<16xf32>
    %swap3A_213 = arith.constant 16 : index
    %swap3A_214 = tpu.vector_load %arg17[%swap3A_213] {strides = array<i32>} : memref<640xf32, #tpu.memory_space<vmem>>, vector<16xf32>,
    %swap3A_215 = vector.shape_cast %swap3A_214 : vector<16xf32> to vector<16xf32>
    %swap3A_216 = vector.shape_cast %select_n3A_212 : vector<16xf32> to vector<16xf32>
    tpu.vector_store %arg17[%swap3A_213], %swap3A_216 {strides = array<i32>} : memref<640xf32, #tpu.memory_space<vmem>>, vector<16xf32>,
    %get3A_217 = arith.constant 32 : index
    %get3A_218 = tpu.vector_load %arg17[%get3A_217] {strides = array<i32>} : memref<640xf32, #tpu.memory_space<vmem>>, vector<16xf32>,
    %get3A_219 = vector.shape_cast %get3A_218 : vector<16xf32> to vector<16xf32>
    %bitcast_convert_type3A_220 = tpu.bitcast %get3A_219 : vector<16xf32> -> vector<16xi32>
    %shift_right_arithmetic3A_221 = arith.constant 1 : i32
    %shift_right_arithmetic3A_222 = vector.broadcast %shift_right_arithmetic3A_221 : i32 to vector<16xi32>
    %shift_right_arithmetic3A_223 = arith.shrsi %bitcast_convert_type3A_220, %shift_right_arithmetic3A_222 : vector<16xi32>
    %sub3A_224 = arith.constant 1597463007 : i32
    %sub3A_225 = vector.broadcast %sub3A_224 : i32 to vector<16xi32>
    %sub3A_226 = arith.subi %sub3A_225, %shift_right_arithmetic3A_223 : vector<16xi32>
    %bitcast_convert_type3A_227 = tpu.bitcast %sub3A_226 : vector<16xi32> -> vector<16xf32>
    %mul3A_228 = arith.constant 5.000000e-01 : f32
    %mul3A_229 = vector.broadcast %mul3A_228 : f32 to vector<16xf32>
    %mul3A_230 = arith.mulf %mul3A_229, %get3A_219 : vector<16xf32>
    %mul3A_231 = arith.mulf %mul3A_230, %bitcast_convert_type3A_227 : vector<16xf32>
    %mul3A_232 = arith.mulf %mul3A_231, %bitcast_convert_type3A_227 : vector<16xf32>
    %sub3A_233 = arith.constant 1.500000e+00 : f32
    %sub3A_234 = vector.broadcast %sub3A_233 : f32 to vector<16xf32>
    %sub3A_235 = arith.subf %sub3A_234, %mul3A_232 : vector<16xf32>
    %mul3A_236 = arith.mulf %bitcast_convert_type3A_227, %sub3A_235 : vector<16xf32>
    %mul3A_237 = arith.constant 5.000000e-01 : f32
    %mul3A_238 = vector.broadcast %mul3A_237 : f32 to vector<16xf32>
    %mul3A_239 = arith.mulf %mul3A_238, %get3A_219 : vector<16xf32>
    %mul3A_240 = arith.mulf %mul3A_239, %mul3A_236 : vector<16xf32>
    %mul3A_241 = arith.mulf %mul3A_240, %mul3A_236 : vector<16xf32>
    %sub3A_242 = arith.constant 1.500000e+00 : f32
    %sub3A_243 = vector.broadcast %sub3A_242 : f32 to vector<16xf32>
    %sub3A_244 = arith.subf %sub3A_243, %mul3A_241 : vector<16xf32>
    %mul3A_245 = arith.mulf %mul3A_236, %sub3A_244 : vector<16xf32>
    %mul3A_246 = arith.constant 5.000000e-01 : f32
    %mul3A_247 = vector.broadcast %mul3A_246 : f32 to vector<16xf32>
    %mul3A_248 = arith.mulf %mul3A_247, %get3A_219 : vector<16xf32>
    %mul3A_249 = arith.mulf %mul3A_248, %mul3A_245 : vector<16xf32>
    %mul3A_250 = arith.mulf %mul3A_249, %mul3A_245 : vector<16xf32>
    %sub3A_251 = arith.constant 1.500000e+00 : f32
    %sub3A_252 = vector.broadcast %sub3A_251 : f32 to vector<16xf32>
    %sub3A_253 = arith.subf %sub3A_252, %mul3A_250 : vector<16xf32>
    %mul3A_254 = arith.mulf %mul3A_245, %sub3A_253 : vector<16xf32>
    %gt3A_255 = arith.constant 5.000000e-01 : f32
    %gt3A_256 = vector.broadcast %gt3A_255 : f32 to vector<16xf32>
    %gt3A_257 = arith.cmpf ogt, %get3A_219, %gt3A_256 : vector<16xf32>
    %jit3A_258 = arith.constant 0.000000e+00 : f32
    %broadcast_in_dim3A_259 = vector.broadcast %jit3A_258 : f32 to vector<16xf32>
    %select_n3A_260 = arith.select %gt3A_257, %mul3A_254, %broadcast_in_dim3A_259 : vector<16xi1>, vector<16xf32>
    %swap3A_261 = arith.constant 32 : index
    %swap3A_262 = tpu.vector_load %arg17[%swap3A_261] {strides = array<i32>} : memref<640xf32, #tpu.memory_space<vmem>>, vector<16xf32>,
    %swap3A_263 = vector.shape_cast %swap3A_262 : vector<16xf32> to vector<16xf32>
    %swap3A_264 = vector.shape_cast %select_n3A_260 : vector<16xf32> to vector<16xf32>
    tpu.vector_store %arg17[%swap3A_261], %swap3A_264 {strides = array<i32>} : memref<640xf32, #tpu.memory_space<vmem>>, vector<16xf32>,
    %get3A_265 = arith.constant 48 : index
    %get3A_266 = tpu.vector_load %arg17[%get3A_265] {strides = array<i32>} : memref<640xf32, #tpu.memory_space<vmem>>, vector<16xf32>,
    %get3A_267 = vector.shape_cast %get3A_266 : vector<16xf32> to vector<16xf32>
    %bitcast_convert_type3A_268 = tpu.bitcast %get3A_267 : vector<16xf32> -> vector<16xi32>
    %shift_right_arithmetic3A_269 = arith.constant 1 : i32
    %shift_right_arithmetic3A_270 = vector.broadcast %shift_right_arithmetic3A_269 : i32 to vector<16xi32>
    %shift_right_arithmetic3A_271 = arith.shrsi %bitcast_convert_type3A_268, %shift_right_arithmetic3A_270 : vector<16xi32>
    %sub3A_272 = arith.constant 1597463007 : i32
    %sub3A_273 = vector.broadcast %sub3A_272 : i32 to vector<16xi32>
    %sub3A_274 = arith.subi %sub3A_273, %shift_right_arithmetic3A_271 : vector<16xi32>
    %bitcast_convert_type3A_275 = tpu.bitcast %sub3A_274 : vector<16xi32> -> vector<16xf32>
    %mul3A_276 = arith.constant 5.000000e-01 : f32
    %mul3A_277 = vector.broadcast %mul3A_276 : f32 to vector<16xf32>
    %mul3A_278 = arith.mulf %mul3A_277, %get3A_267 : vector<16xf32>
    %mul3A_279 = arith.mulf %mul3A_278, %bitcast_convert_type3A_275 : vector<16xf32>
    %mul3A_280 = arith.mulf %mul3A_279, %bitcast_convert_type3A_275 : vector<16xf32>
    %sub3A_281 = arith.constant 1.500000e+00 : f32
    %sub3A_282 = vector.broadcast %sub3A_281 : f32 to vector<16xf32>
    %sub3A_283 = arith.subf %sub3A_282, %mul3A_280 : vector<16xf32>
    %mul3A_284 = arith.mulf %bitcast_convert_type3A_275, %sub3A_283 : vector<16xf32>
    %mul3A_285 = arith.constant 5.000000e-01 : f32
    %mul3A_286 = vector.broadcast %mul3A_285 : f32 to vector<16xf32>
    %mul3A_287 = arith.mulf %mul3A_286, %get3A_267 : vector<16xf32>
    %mul3A_288 = arith.mulf %mul3A_287, %mul3A_284 : vector<16xf32>
    %mul3A_289 = arith.mulf %mul3A_288, %mul3A_284 : vector<16xf32>
    %sub3A_290 = arith.constant 1.500000e+00 : f32
    %sub3A_291 = vector.broadcast %sub3A_290 : f32 to vector<16xf32>
    %sub3A_292 = arith.subf %sub3A_291, %mul3A_289 : vector<16xf32>
    %mul3A_293 = arith.mulf %mul3A_284, %sub3A_292 : vector<16xf32>
    %mul3A_294 = arith.constant 5.000000e-01 : f32
    %mul3A_295 = vector.broadcast %mul3A_294 : f32 to vector<16xf32>
    %mul3A_296 = arith.mulf %mul3A_295, %get3A_267 : vector<16xf32>
    %mul3A_297 = arith.mulf %mul3A_296, %mul3A_293 : vector<16xf32>
    %mul3A_298 = arith.mulf %mul3A_297, %mul3A_293 : vector<16xf32>
    %sub3A_299 = arith.constant 1.500000e+00 : f32
    %sub3A_300 = vector.broadcast %sub3A_299 : f32 to vector<16xf32>
    %sub3A_301 = arith.subf %sub3A_300, %mul3A_298 : vector<16xf32>
    %mul3A_302 = arith.mulf %mul3A_293, %sub3A_301 : vector<16xf32>
    %gt3A_303 = arith.constant 5.000000e-01 : f32
    %gt3A_304 = vector.broadcast %gt3A_303 : f32 to vector<16xf32>
    %gt3A_305 = arith.cmpf ogt, %get3A_267, %gt3A_304 : vector<16xf32>
    %jit3A_306 = arith.constant 0.000000e+00 : f32
    %broadcast_in_dim3A_307 = vector.broadcast %jit3A_306 : f32 to vector<16xf32>
    %select_n3A_308 = arith.select %gt3A_305, %mul3A_302, %broadcast_in_dim3A_307 : vector<16xi1>, vector<16xf32>
    %swap3A_309 = arith.constant 48 : index
    %swap3A_310 = tpu.vector_load %arg17[%swap3A_309] {strides = array<i32>} : memref<640xf32, #tpu.memory_space<vmem>>, vector<16xf32>,
    %swap3A_311 = vector.shape_cast %swap3A_310 : vector<16xf32> to vector<16xf32>
    %swap3A_312 = vector.shape_cast %select_n3A_308 : vector<16xf32> to vector<16xf32>
    tpu.vector_store %arg17[%swap3A_309], %swap3A_312 {strides = array<i32>} : memref<640xf32, #tpu.memory_space<vmem>>, vector<16xf32>,
    %get3A_313 = arith.constant 64 : index
    %get3A_314 = tpu.vector_load %arg17[%get3A_313] {strides = array<i32>} : memref<640xf32, #tpu.memory_space<vmem>>, vector<16xf32>,
    %get3A_315 = vector.shape_cast %get3A_314 : vector<16xf32> to vector<16xf32>
    %bitcast_convert_type3A_316 = tpu.bitcast %get3A_315 : vector<16xf32> -> vector<16xi32>
    %shift_right_arithmetic3A_317 = arith.constant 1 : i32
    %shift_right_arithmetic3A_318 = vector.broadcast %shift_right_arithmetic3A_317 : i32 to vector<16xi32>
    %shift_right_arithmetic3A_319 = arith.shrsi %bitcast_convert_type3A_316, %shift_right_arithmetic3A_318 : vector<16xi32>
    %sub3A_320 = arith.constant 1597463007 : i32
    %sub3A_321 = vector.broadcast %sub3A_320 : i32 to vector<16xi32>
    %sub3A_322 = arith.subi %sub3A_321, %shift_right_arithmetic3A_319 : vector<16xi32>
    %bitcast_convert_type3A_323 = tpu.bitcast %sub3A_322 : vector<16xi32> -> vector<16xf32>
    %mul3A_324 = arith.constant 5.000000e-01 : f32
    %mul3A_325 = vector.broadcast %mul3A_324 : f32 to vector<16xf32>
    %mul3A_326 = arith.mulf %mul3A_325, %get3A_315 : vector<16xf32>
    %mul3A_327 = arith.mulf %mul3A_326, %bitcast_convert_type3A_323 : vector<16xf32>
    %mul3A_328 = arith.mulf %mul3A_327, %bitcast_convert_type3A_323 : vector<16xf32>
    %sub3A_329 = arith.constant 1.500000e+00 : f32
    %sub3A_330 = vector.broadcast %sub3A_329 : f32 to vector<16xf32>
    %sub3A_331 = arith.subf %sub3A_330, %mul3A_328 : vector<16xf32>
    %mul3A_332 = arith.mulf %bitcast_convert_type3A_323, %sub3A_331 : vector<16xf32>
    %mul3A_333 = arith.constant 5.000000e-01 : f32
    %mul3A_334 = vector.broadcast %mul3A_333 : f32 to vector<16xf32>
    %mul3A_335 = arith.mulf %mul3A_334, %get3A_315 : vector<16xf32>
    %mul3A_336 = arith.mulf %mul3A_335, %mul3A_332 : vector<16xf32>
    %mul3A_337 = arith.mulf %mul3A_336, %mul3A_332 : vector<16xf32>
    %sub3A_338 = arith.constant 1.500000e+00 : f32
    %sub3A_339 = vector.broadcast %sub3A_338 : f32 to vector<16xf32>
    %sub3A_340 = arith.subf %sub3A_339, %mul3A_337 : vector<16xf32>
    %mul3A_341 = arith.mulf %mul3A_332, %sub3A_340 : vector<16xf32>
    %mul3A_342 = arith.constant 5.000000e-01 : f32
    %mul3A_343 = vector.broadcast %mul3A_342 : f32 to vector<16xf32>
    %mul3A_344 = arith.mulf %mul3A_343, %get3A_315 : vector<16xf32>
    %mul3A_345 = arith.mulf %mul3A_344, %mul3A_341 : vector<16xf32>
    %mul3A_346 = arith.mulf %mul3A_345, %mul3A_341 : vector<16xf32>
    %sub3A_347 = arith.constant 1.500000e+00 : f32
    %sub3A_348 = vector.broadcast %sub3A_347 : f32 to vector<16xf32>
    %sub3A_349 = arith.subf %sub3A_348, %mul3A_346 : vector<16xf32>
    %mul3A_350 = arith.mulf %mul3A_341, %sub3A_349 : vector<16xf32>
    %gt3A_351 = arith.constant 5.000000e-01 : f32
    %gt3A_352 = vector.broadcast %gt3A_351 : f32 to vector<16xf32>
    %gt3A_353 = arith.cmpf ogt, %get3A_315, %gt3A_352 : vector<16xf32>
    %jit3A_354 = arith.constant 0.000000e+00 : f32
    %broadcast_in_dim3A_355 = vector.broadcast %jit3A_354 : f32 to vector<16xf32>
    %select_n3A_356 = arith.select %gt3A_353, %mul3A_350, %broadcast_in_dim3A_355 : vector<16xi1>, vector<16xf32>
    %swap3A_357 = arith.constant 64 : index
    %swap3A_358 = tpu.vector_load %arg17[%swap3A_357] {strides = array<i32>} : memref<640xf32, #tpu.memory_space<vmem>>, vector<16xf32>,
    %swap3A_359 = vector.shape_cast %swap3A_358 : vector<16xf32> to vector<16xf32>
    %swap3A_360 = vector.shape_cast %select_n3A_356 : vector<16xf32> to vector<16xf32>
    tpu.vector_store %arg17[%swap3A_357], %swap3A_360 {strides = array<i32>} : memref<640xf32, #tpu.memory_space<vmem>>, vector<16xf32>,
    %get3A_361 = arith.constant 80 : index
    %get3A_362 = tpu.vector_load %arg17[%get3A_361] {strides = array<i32>} : memref<640xf32, #tpu.memory_space<vmem>>, vector<16xf32>,
    %get3A_363 = vector.shape_cast %get3A_362 : vector<16xf32> to vector<16xf32>
    %bitcast_convert_type3A_364 = tpu.bitcast %get3A_363 : vector<16xf32> -> vector<16xi32>
    %shift_right_arithmetic3A_365 = arith.constant 1 : i32
    %shift_right_arithmetic3A_366 = vector.broadcast %shift_right_arithmetic3A_365 : i32 to vector<16xi32>
    %shift_right_arithmetic3A_367 = arith.shrsi %bitcast_convert_type3A_364, %shift_right_arithmetic3A_366 : vector<16xi32>
    %sub3A_368 = arith.constant 1597463007 : i32
    %sub3A_369 = vector.broadcast %sub3A_368 : i32 to vector<16xi32>
    %sub3A_370 = arith.subi %sub3A_369, %shift_right_arithmetic3A_367 : vector<16xi32>
    %bitcast_convert_type3A_371 = tpu.bitcast %sub3A_370 : vector<16xi32> -> vector<16xf32>
    %mul3A_372 = arith.constant 5.000000e-01 : f32
    %mul3A_373 = vector.broadcast %mul3A_372 : f32 to vector<16xf32>
    %mul3A_374 = arith.mulf %mul3A_373, %get3A_363 : vector<16xf32>
    %mul3A_375 = arith.mulf %mul3A_374, %bitcast_convert_type3A_371 : vector<16xf32>
    %mul3A_376 = arith.mulf %mul3A_375, %bitcast_convert_type3A_371 : vector<16xf32>
    %sub3A_377 = arith.constant 1.500000e+00 : f32
    %sub3A_378 = vector.broadcast %sub3A_377 : f32 to vector<16xf32>
    %sub3A_379 = arith.subf %sub3A_378, %mul3A_376 : vector<16xf32>
    %mul3A_380 = arith.mulf %bitcast_convert_type3A_371, %sub3A_379 : vector<16xf32>
    %mul3A_381 = arith.constant 5.000000e-01 : f32
    %mul3A_382 = vector.broadcast %mul3A_381 : f32 to vector<16xf32>
    %mul3A_383 = arith.mulf %mul3A_382, %get3A_363 : vector<16xf32>
    %mul3A_384 = arith.mulf %mul3A_383, %mul3A_380 : vector<16xf32>
    %mul3A_385 = arith.mulf %mul3A_384, %mul3A_380 : vector<16xf32>
    %sub3A_386 = arith.constant 1.500000e+00 : f32
    %sub3A_387 = vector.broadcast %sub3A_386 : f32 to vector<16xf32>
    %sub3A_388 = arith.subf %sub3A_387, %mul3A_385 : vector<16xf32>
    %mul3A_389 = arith.mulf %mul3A_380, %sub3A_388 : vector<16xf32>
    %mul3A_390 = arith.constant 5.000000e-01 : f32
    %mul3A_391 = vector.broadcast %mul3A_390 : f32 to vector<16xf32>
    %mul3A_392 = arith.mulf %mul3A_391, %get3A_363 : vector<16xf32>
    %mul3A_393 = arith.mulf %mul3A_392, %mul3A_389 : vector<16xf32>
    %mul3A_394 = arith.mulf %mul3A_393, %mul3A_389 : vector<16xf32>
    %sub3A_395 = arith.constant 1.500000e+00 : f32
    %sub3A_396 = vector.broadcast %sub3A_395 : f32 to vector<16xf32>
    %sub3A_397 = arith.subf %sub3A_396, %mul3A_394 : vector<16xf32>
    %mul3A_398 = arith.mulf %mul3A_389, %sub3A_397 : vector<16xf32>
    %gt3A_399 = arith.constant 5.000000e-01 : f32
    %gt3A_400 = vector.broadcast %gt3A_399 : f32 to vector<16xf32>
    %gt3A_401 = arith.cmpf ogt, %get3A_363, %gt3A_400 : vector<16xf32>
    %jit3A_402 = arith.constant 0.000000e+00 : f32
    %broadcast_in_dim3A_403 = vector.broadcast %jit3A_402 : f32 to vector<16xf32>
    %select_n3A_404 = arith.select %gt3A_401, %mul3A_398, %broadcast_in_dim3A_403 : vector<16xi1>, vector<16xf32>
    %swap3A_405 = arith.constant 80 : index
    %swap3A_406 = tpu.vector_load %arg17[%swap3A_405] {strides = array<i32>} : memref<640xf32, #tpu.memory_space<vmem>>, vector<16xf32>,
    %swap3A_407 = vector.shape_cast %swap3A_406 : vector<16xf32> to vector<16xf32>
    %swap3A_408 = vector.shape_cast %select_n3A_404 : vector<16xf32> to vector<16xf32>
    tpu.vector_store %arg17[%swap3A_405], %swap3A_408 {strides = array<i32>} : memref<640xf32, #tpu.memory_space<vmem>>, vector<16xf32>,
    %get3A_409 = arith.constant 96 : index
    %get3A_410 = tpu.vector_load %arg17[%get3A_409] {strides = array<i32>} : memref<640xf32, #tpu.memory_space<vmem>>, vector<16xf32>,
    %get3A_411 = vector.shape_cast %get3A_410 : vector<16xf32> to vector<16xf32>
    %bitcast_convert_type3A_412 = tpu.bitcast %get3A_411 : vector<16xf32> -> vector<16xi32>
    %shift_right_arithmetic3A_413 = arith.constant 1 : i32
    %shift_right_arithmetic3A_414 = vector.broadcast %shift_right_arithmetic3A_413 : i32 to vector<16xi32>
    %shift_right_arithmetic3A_415 = arith.shrsi %bitcast_convert_type3A_412, %shift_right_arithmetic3A_414 : vector<16xi32>
    %sub3A_416 = arith.constant 1597463007 : i32
    %sub3A_417 = vector.broadcast %sub3A_416 : i32 to vector<16xi32>
    %sub3A_418 = arith.subi %sub3A_417, %shift_right_arithmetic3A_415 : vector<16xi32>
    %bitcast_convert_type3A_419 = tpu.bitcast %sub3A_418 : vector<16xi32> -> vector<16xf32>
    %mul3A_420 = arith.constant 5.000000e-01 : f32
    %mul3A_421 = vector.broadcast %mul3A_420 : f32 to vector<16xf32>
    %mul3A_422 = arith.mulf %mul3A_421, %get3A_411 : vector<16xf32>
    %mul3A_423 = arith.mulf %mul3A_422, %bitcast_convert_type3A_419 : vector<16xf32>
    %mul3A_424 = arith.mulf %mul3A_423, %bitcast_convert_type3A_419 : vector<16xf32>
    %sub3A_425 = arith.constant 1.500000e+00 : f32
    %sub3A_426 = vector.broadcast %sub3A_425 : f32 to vector<16xf32>
    %sub3A_427 = arith.subf %sub3A_426, %mul3A_424 : vector<16xf32>
    %mul3A_428 = arith.mulf %bitcast_convert_type3A_419, %sub3A_427 : vector<16xf32>
    %mul3A_429 = arith.constant 5.000000e-01 : f32
    %mul3A_430 = vector.broadcast %mul3A_429 : f32 to vector<16xf32>
    %mul3A_431 = arith.mulf %mul3A_430, %get3A_411 : vector<16xf32>
    %mul3A_432 = arith.mulf %mul3A_431, %mul3A_428 : vector<16xf32>
    %mul3A_433 = arith.mulf %mul3A_432, %mul3A_428 : vector<16xf32>
    %sub3A_434 = arith.constant 1.500000e+00 : f32
    %sub3A_435 = vector.broadcast %sub3A_434 : f32 to vector<16xf32>
    %sub3A_436 = arith.subf %sub3A_435, %mul3A_433 : vector<16xf32>
    %mul3A_437 = arith.mulf %mul3A_428, %sub3A_436 : vector<16xf32>
    %mul3A_438 = arith.constant 5.000000e-01 : f32
    %mul3A_439 = vector.broadcast %mul3A_438 : f32 to vector<16xf32>
    %mul3A_440 = arith.mulf %mul3A_439, %get3A_411 : vector<16xf32>
    %mul3A_441 = arith.mulf %mul3A_440, %mul3A_437 : vector<16xf32>
    %mul3A_442 = arith.mulf %mul3A_441, %mul3A_437 : vector<16xf32>
    %sub3A_443 = arith.constant 1.500000e+00 : f32
    %sub3A_444 = vector.broadcast %sub3A_443 : f32 to vector<16xf32>
    %sub3A_445 = arith.subf %sub3A_444, %mul3A_442 : vector<16xf32>
    %mul3A_446 = arith.mulf %mul3A_437, %sub3A_445 : vector<16xf32>
    %gt3A_447 = arith.constant 5.000000e-01 : f32
    %gt3A_448 = vector.broadcast %gt3A_447 : f32 to vector<16xf32>
    %gt3A_449 = arith.cmpf ogt, %get3A_411, %gt3A_448 : vector<16xf32>
    %jit3A_450 = arith.constant 0.000000e+00 : f32
    %broadcast_in_dim3A_451 = vector.broadcast %jit3A_450 : f32 to vector<16xf32>
    %select_n3A_452 = arith.select %gt3A_449, %mul3A_446, %broadcast_in_dim3A_451 : vector<16xi1>, vector<16xf32>
    %swap3A_453 = arith.constant 96 : index
    %swap3A_454 = tpu.vector_load %arg17[%swap3A_453] {strides = array<i32>} : memref<640xf32, #tpu.memory_space<vmem>>, vector<16xf32>,
    %swap3A_455 = vector.shape_cast %swap3A_454 : vector<16xf32> to vector<16xf32>
    %swap3A_456 = vector.shape_cast %select_n3A_452 : vector<16xf32> to vector<16xf32>
    tpu.vector_store %arg17[%swap3A_453], %swap3A_456 {strides = array<i32>} : memref<640xf32, #tpu.memory_space<vmem>>, vector<16xf32>,
    %get3A_457 = arith.constant 112 : index
    %get3A_458 = tpu.vector_load %arg17[%get3A_457] {strides = array<i32>} : memref<640xf32, #tpu.memory_space<vmem>>, vector<16xf32>,
    %get3A_459 = vector.shape_cast %get3A_458 : vector<16xf32> to vector<16xf32>
    %bitcast_convert_type3A_460 = tpu.bitcast %get3A_459 : vector<16xf32> -> vector<16xi32>
    %shift_right_arithmetic3A_461 = arith.constant 1 : i32
    %shift_right_arithmetic3A_462 = vector.broadcast %shift_right_arithmetic3A_461 : i32 to vector<16xi32>
    %shift_right_arithmetic3A_463 = arith.shrsi %bitcast_convert_type3A_460, %shift_right_arithmetic3A_462 : vector<16xi32>
    %sub3A_464 = arith.constant 1597463007 : i32
    %sub3A_465 = vector.broadcast %sub3A_464 : i32 to vector<16xi32>
    %sub3A_466 = arith.subi %sub3A_465, %shift_right_arithmetic3A_463 : vector<16xi32>
    %bitcast_convert_type3A_467 = tpu.bitcast %sub3A_466 : vector<16xi32> -> vector<16xf32>
    %mul3A_468 = arith.constant 5.000000e-01 : f32
    %mul3A_469 = vector.broadcast %mul3A_468 : f32 to vector<16xf32>
    %mul3A_470 = arith.mulf %mul3A_469, %get3A_459 : vector<16xf32>
    %mul3A_471 = arith.mulf %mul3A_470, %bitcast_convert_type3A_467 : vector<16xf32>
    %mul3A_472 = arith.mulf %mul3A_471, %bitcast_convert_type3A_467 : vector<16xf32>
    %sub3A_473 = arith.constant 1.500000e+00 : f32
    %sub3A_474 = vector.broadcast %sub3A_473 : f32 to vector<16xf32>
    %sub3A_475 = arith.subf %sub3A_474, %mul3A_472 : vector<16xf32>
    %mul3A_476 = arith.mulf %bitcast_convert_type3A_467, %sub3A_475 : vector<16xf32>
    %mul3A_477 = arith.constant 5.000000e-01 : f32
    %mul3A_478 = vector.broadcast %mul3A_477 : f32 to vector<16xf32>
    %mul3A_479 = arith.mulf %mul3A_478, %get3A_459 : vector<16xf32>
    %mul3A_480 = arith.mulf %mul3A_479, %mul3A_476 : vector<16xf32>
    %mul3A_481 = arith.mulf %mul3A_480, %mul3A_476 : vector<16xf32>
    %sub3A_482 = arith.constant 1.500000e+00 : f32
    %sub3A_483 = vector.broadcast %sub3A_482 : f32 to vector<16xf32>
    %sub3A_484 = arith.subf %sub3A_483, %mul3A_481 : vector<16xf32>
    %mul3A_485 = arith.mulf %mul3A_476, %sub3A_484 : vector<16xf32>
    %mul3A_486 = arith.constant 5.000000e-01 : f32
    %mul3A_487 = vector.broadcast %mul3A_486 : f32 to vector<16xf32>
    %mul3A_488 = arith.mulf %mul3A_487, %get3A_459 : vector<16xf32>
    %mul3A_489 = arith.mulf %mul3A_488, %mul3A_485 : vector<16xf32>
    %mul3A_490 = arith.mulf %mul3A_489, %mul3A_485 : vector<16xf32>
    %sub3A_491 = arith.constant 1.500000e+00 : f32
    %sub3A_492 = vector.broadcast %sub3A_491 : f32 to vector<16xf32>
    %sub3A_493 = arith.subf %sub3A_492, %mul3A_490 : vector<16xf32>
    %mul3A_494 = arith.mulf %mul3A_485, %sub3A_493 : vector<16xf32>
    %gt3A_495 = arith.constant 5.000000e-01 : f32
    %gt3A_496 = vector.broadcast %gt3A_495 : f32 to vector<16xf32>
    %gt3A_497 = arith.cmpf ogt, %get3A_459, %gt3A_496 : vector<16xf32>
    %jit3A_498 = arith.constant 0.000000e+00 : f32
    %broadcast_in_dim3A_499 = vector.broadcast %jit3A_498 : f32 to vector<16xf32>
    %select_n3A_500 = arith.select %gt3A_497, %mul3A_494, %broadcast_in_dim3A_499 : vector<16xi1>, vector<16xf32>
    %swap3A_501 = arith.constant 112 : index
    %swap3A_502 = tpu.vector_load %arg17[%swap3A_501] {strides = array<i32>} : memref<640xf32, #tpu.memory_space<vmem>>, vector<16xf32>,
    %swap3A_503 = vector.shape_cast %swap3A_502 : vector<16xf32> to vector<16xf32>
    %swap3A_504 = vector.shape_cast %select_n3A_500 : vector<16xf32> to vector<16xf32>
    tpu.vector_store %arg17[%swap3A_501], %swap3A_504 {strides = array<i32>} : memref<640xf32, #tpu.memory_space<vmem>>, vector<16xf32>,
    %get3A_505 = arith.constant 128 : index
    %get3A_506 = tpu.vector_load %arg17[%get3A_505] {strides = array<i32>} : memref<640xf32, #tpu.memory_space<vmem>>, vector<16xf32>,
    %get3A_507 = vector.shape_cast %get3A_506 : vector<16xf32> to vector<16xf32>
    %bitcast_convert_type3A_508 = tpu.bitcast %get3A_507 : vector<16xf32> -> vector<16xi32>
    %shift_right_arithmetic3A_509 = arith.constant 1 : i32
    %shift_right_arithmetic3A_510 = vector.broadcast %shift_right_arithmetic3A_509 : i32 to vector<16xi32>
    %shift_right_arithmetic3A_511 = arith.shrsi %bitcast_convert_type3A_508, %shift_right_arithmetic3A_510 : vector<16xi32>
    %sub3A_512 = arith.constant 1597463007 : i32
    %sub3A_513 = vector.broadcast %sub3A_512 : i32 to vector<16xi32>
    %sub3A_514 = arith.subi %sub3A_513, %shift_right_arithmetic3A_511 : vector<16xi32>
    %bitcast_convert_type3A_515 = tpu.bitcast %sub3A_514 : vector<16xi32> -> vector<16xf32>
    %mul3A_516 = arith.constant 5.000000e-01 : f32
    %mul3A_517 = vector.broadcast %mul3A_516 : f32 to vector<16xf32>
    %mul3A_518 = arith.mulf %mul3A_517, %get3A_507 : vector<16xf32>
    %mul3A_519 = arith.mulf %mul3A_518, %bitcast_convert_type3A_515 : vector<16xf32>
    %mul3A_520 = arith.mulf %mul3A_519, %bitcast_convert_type3A_515 : vector<16xf32>
    %sub3A_521 = arith.constant 1.500000e+00 : f32
    %sub3A_522 = vector.broadcast %sub3A_521 : f32 to vector<16xf32>
    %sub3A_523 = arith.subf %sub3A_522, %mul3A_520 : vector<16xf32>
    %mul3A_524 = arith.mulf %bitcast_convert_type3A_515, %sub3A_523 : vector<16xf32>
    %mul3A_525 = arith.constant 5.000000e-01 : f32
    %mul3A_526 = vector.broadcast %mul3A_525 : f32 to vector<16xf32>
    %mul3A_527 = arith.mulf %mul3A_526, %get3A_507 : vector<16xf32>
    %mul3A_528 = arith.mulf %mul3A_527, %mul3A_524 : vector<16xf32>
    %mul3A_529 = arith.mulf %mul3A_528, %mul3A_524 : vector<16xf32>
    %sub3A_530 = arith.constant 1.500000e+00 : f32
    %sub3A_531 = vector.broadcast %sub3A_530 : f32 to vector<16xf32>
    %sub3A_532 = arith.subf %sub3A_531, %mul3A_529 : vector<16xf32>
    %mul3A_533 = arith.mulf %mul3A_524, %sub3A_532 : vector<16xf32>
    %mul3A_534 = arith.constant 5.000000e-01 : f32
    %mul3A_535 = vector.broadcast %mul3A_534 : f32 to vector<16xf32>
    %mul3A_536 = arith.mulf %mul3A_535, %get3A_507 : vector<16xf32>
    %mul3A_537 = arith.mulf %mul3A_536, %mul3A_533 : vector<16xf32>
    %mul3A_538 = arith.mulf %mul3A_537, %mul3A_533 : vector<16xf32>
    %sub3A_539 = arith.constant 1.500000e+00 : f32
    %sub3A_540 = vector.broadcast %sub3A_539 : f32 to vector<16xf32>
    %sub3A_541 = arith.subf %sub3A_540, %mul3A_538 : vector<16xf32>
    %mul3A_542 = arith.mulf %mul3A_533, %sub3A_541 : vector<16xf32>
    %gt3A_543 = arith.constant 5.000000e-01 : f32
    %gt3A_544 = vector.broadcast %gt3A_543 : f32 to vector<16xf32>
    %gt3A_545 = arith.cmpf ogt, %get3A_507, %gt3A_544 : vector<16xf32>
    %jit3A_546 = arith.constant 0.000000e+00 : f32
    %broadcast_in_dim3A_547 = vector.broadcast %jit3A_546 : f32 to vector<16xf32>
    %select_n3A_548 = arith.select %gt3A_545, %mul3A_542, %broadcast_in_dim3A_547 : vector<16xi1>, vector<16xf32>
    %swap3A_549 = arith.constant 128 : index
    %swap3A_550 = tpu.vector_load %arg17[%swap3A_549] {strides = array<i32>} : memref<640xf32, #tpu.memory_space<vmem>>, vector<16xf32>,
    %swap3A_551 = vector.shape_cast %swap3A_550 : vector<16xf32> to vector<16xf32>
    %swap3A_552 = vector.shape_cast %select_n3A_548 : vector<16xf32> to vector<16xf32>
    tpu.vector_store %arg17[%swap3A_549], %swap3A_552 {strides = array<i32>} : memref<640xf32, #tpu.memory_space<vmem>>, vector<16xf32>,
    %get3A_553 = arith.constant 144 : index
    %get3A_554 = tpu.vector_load %arg17[%get3A_553] {strides = array<i32>} : memref<640xf32, #tpu.memory_space<vmem>>, vector<16xf32>,
    %get3A_555 = vector.shape_cast %get3A_554 : vector<16xf32> to vector<16xf32>
    %bitcast_convert_type3A_556 = tpu.bitcast %get3A_555 : vector<16xf32> -> vector<16xi32>
    %shift_right_arithmetic3A_557 = arith.constant 1 : i32
    %shift_right_arithmetic3A_558 = vector.broadcast %shift_right_arithmetic3A_557 : i32 to vector<16xi32>
    %shift_right_arithmetic3A_559 = arith.shrsi %bitcast_convert_type3A_556, %shift_right_arithmetic3A_558 : vector<16xi32>
    %sub3A_560 = arith.constant 1597463007 : i32
    %sub3A_561 = vector.broadcast %sub3A_560 : i32 to vector<16xi32>
    %sub3A_562 = arith.subi %sub3A_561, %shift_right_arithmetic3A_559 : vector<16xi32>
    %bitcast_convert_type3A_563 = tpu.bitcast %sub3A_562 : vector<16xi32> -> vector<16xf32>
    %mul3A_564 = arith.constant 5.000000e-01 : f32
    %mul3A_565 = vector.broadcast %mul3A_564 : f32 to vector<16xf32>
    %mul3A_566 = arith.mulf %mul3A_565, %get3A_555 : vector<16xf32>
    %mul3A_567 = arith.mulf %mul3A_566, %bitcast_convert_type3A_563 : vector<16xf32>
    %mul3A_568 = arith.mulf %mul3A_567, %bitcast_convert_type3A_563 : vector<16xf32>
    %sub3A_569 = arith.constant 1.500000e+00 : f32
    %sub3A_570 = vector.broadcast %sub3A_569 : f32 to vector<16xf32>
    %sub3A_571 = arith.subf %sub3A_570, %mul3A_568 : vector<16xf32>
    %mul3A_572 = arith.mulf %bitcast_convert_type3A_563, %sub3A_571 : vector<16xf32>
    %mul3A_573 = arith.constant 5.000000e-01 : f32
    %mul3A_574 = vector.broadcast %mul3A_573 : f32 to vector<16xf32>
    %mul3A_575 = arith.mulf %mul3A_574, %get3A_555 : vector<16xf32>
    %mul3A_576 = arith.mulf %mul3A_575, %mul3A_572 : vector<16xf32>
    %mul3A_577 = arith.mulf %mul3A_576, %mul3A_572 : vector<16xf32>
    %sub3A_578 = arith.constant 1.500000e+00 : f32
    %sub3A_579 = vector.broadcast %sub3A_578 : f32 to vector<16xf32>
    %sub3A_580 = arith.subf %sub3A_579, %mul3A_577 : vector<16xf32>
    %mul3A_581 = arith.mulf %mul3A_572, %sub3A_580 : vector<16xf32>
    %mul3A_582 = arith.constant 5.000000e-01 : f32
    %mul3A_583 = vector.broadcast %mul3A_582 : f32 to vector<16xf32>
    %mul3A_584 = arith.mulf %mul3A_583, %get3A_555 : vector<16xf32>
    %mul3A_585 = arith.mulf %mul3A_584, %mul3A_581 : vector<16xf32>
    %mul3A_586 = arith.mulf %mul3A_585, %mul3A_581 : vector<16xf32>
    %sub3A_587 = arith.constant 1.500000e+00 : f32
    %sub3A_588 = vector.broadcast %sub3A_587 : f32 to vector<16xf32>
    %sub3A_589 = arith.subf %sub3A_588, %mul3A_586 : vector<16xf32>
    %mul3A_590 = arith.mulf %mul3A_581, %sub3A_589 : vector<16xf32>
    %gt3A_591 = arith.constant 5.000000e-01 : f32
    %gt3A_592 = vector.broadcast %gt3A_591 : f32 to vector<16xf32>
    %gt3A_593 = arith.cmpf ogt, %get3A_555, %gt3A_592 : vector<16xf32>
    %jit3A_594 = arith.constant 0.000000e+00 : f32
    %broadcast_in_dim3A_595 = vector.broadcast %jit3A_594 : f32 to vector<16xf32>
    %select_n3A_596 = arith.select %gt3A_593, %mul3A_590, %broadcast_in_dim3A_595 : vector<16xi1>, vector<16xf32>
    %swap3A_597 = arith.constant 144 : index
    %swap3A_598 = tpu.vector_load %arg17[%swap3A_597] {strides = array<i32>} : memref<640xf32, #tpu.memory_space<vmem>>, vector<16xf32>,
    %swap3A_599 = vector.shape_cast %swap3A_598 : vector<16xf32> to vector<16xf32>
    %swap3A_600 = vector.shape_cast %select_n3A_596 : vector<16xf32> to vector<16xf32>
    tpu.vector_store %arg17[%swap3A_597], %swap3A_600 {strides = array<i32>} : memref<640xf32, #tpu.memory_space<vmem>>, vector<16xf32>,
    %get3A_601 = arith.constant 160 : index
    %get3A_602 = tpu.vector_load %arg17[%get3A_601] {strides = array<i32>} : memref<640xf32, #tpu.memory_space<vmem>>, vector<16xf32>,
    %get3A_603 = vector.shape_cast %get3A_602 : vector<16xf32> to vector<16xf32>
    %bitcast_convert_type3A_604 = tpu.bitcast %get3A_603 : vector<16xf32> -> vector<16xi32>
    %shift_right_arithmetic3A_605 = arith.constant 1 : i32
    %shift_right_arithmetic3A_606 = vector.broadcast %shift_right_arithmetic3A_605 : i32 to vector<16xi32>
    %shift_right_arithmetic3A_607 = arith.shrsi %bitcast_convert_type3A_604, %shift_right_arithmetic3A_606 : vector<16xi32>
    %sub3A_608 = arith.constant 1597463007 : i32
    %sub3A_609 = vector.broadcast %sub3A_608 : i32 to vector<16xi32>
    %sub3A_610 = arith.subi %sub3A_609, %shift_right_arithmetic3A_607 : vector<16xi32>
    %bitcast_convert_type3A_611 = tpu.bitcast %sub3A_610 : vector<16xi32> -> vector<16xf32>
    %mul3A_612 = arith.constant 5.000000e-01 : f32
    %mul3A_613 = vector.broadcast %mul3A_612 : f32 to vector<16xf32>
    %mul3A_614 = arith.mulf %mul3A_613, %get3A_603 : vector<16xf32>
    %mul3A_615 = arith.mulf %mul3A_614, %bitcast_convert_type3A_611 : vector<16xf32>
    %mul3A_616 = arith.mulf %mul3A_615, %bitcast_convert_type3A_611 : vector<16xf32>
    %sub3A_617 = arith.constant 1.500000e+00 : f32
    %sub3A_618 = vector.broadcast %sub3A_617 : f32 to vector<16xf32>
    %sub3A_619 = arith.subf %sub3A_618, %mul3A_616 : vector<16xf32>
    %mul3A_620 = arith.mulf %bitcast_convert_type3A_611, %sub3A_619 : vector<16xf32>
    %mul3A_621 = arith.constant 5.000000e-01 : f32
    %mul3A_622 = vector.broadcast %mul3A_621 : f32 to vector<16xf32>
    %mul3A_623 = arith.mulf %mul3A_622, %get3A_603 : vector<16xf32>
    %mul3A_624 = arith.mulf %mul3A_623, %mul3A_620 : vector<16xf32>
    %mul3A_625 = arith.mulf %mul3A_624, %mul3A_620 : vector<16xf32>
    %sub3A_626 = arith.constant 1.500000e+00 : f32
    %sub3A_627 = vector.broadcast %sub3A_626 : f32 to vector<16xf32>
    %sub3A_628 = arith.subf %sub3A_627, %mul3A_625 : vector<16xf32>
    %mul3A_629 = arith.mulf %mul3A_620, %sub3A_628 : vector<16xf32>
    %mul3A_630 = arith.constant 5.000000e-01 : f32
    %mul3A_631 = vector.broadcast %mul3A_630 : f32 to vector<16xf32>
    %mul3A_632 = arith.mulf %mul3A_631, %get3A_603 : vector<16xf32>
    %mul3A_633 = arith.mulf %mul3A_632, %mul3A_629 : vector<16xf32>
    %mul3A_634 = arith.mulf %mul3A_633, %mul3A_629 : vector<16xf32>
    %sub3A_635 = arith.constant 1.500000e+00 : f32
    %sub3A_636 = vector.broadcast %sub3A_635 : f32 to vector<16xf32>
    %sub3A_637 = arith.subf %sub3A_636, %mul3A_634 : vector<16xf32>
    %mul3A_638 = arith.mulf %mul3A_629, %sub3A_637 : vector<16xf32>
    %gt3A_639 = arith.constant 5.000000e-01 : f32
    %gt3A_640 = vector.broadcast %gt3A_639 : f32 to vector<16xf32>
    %gt3A_641 = arith.cmpf ogt, %get3A_603, %gt3A_640 : vector<16xf32>
    %jit3A_642 = arith.constant 0.000000e+00 : f32
    %broadcast_in_dim3A_643 = vector.broadcast %jit3A_642 : f32 to vector<16xf32>
    %select_n3A_644 = arith.select %gt3A_641, %mul3A_638, %broadcast_in_dim3A_643 : vector<16xi1>, vector<16xf32>
    %swap3A_645 = arith.constant 160 : index
    %swap3A_646 = tpu.vector_load %arg17[%swap3A_645] {strides = array<i32>} : memref<640xf32, #tpu.memory_space<vmem>>, vector<16xf32>,
    %swap3A_647 = vector.shape_cast %swap3A_646 : vector<16xf32> to vector<16xf32>
    %swap3A_648 = vector.shape_cast %select_n3A_644 : vector<16xf32> to vector<16xf32>
    tpu.vector_store %arg17[%swap3A_645], %swap3A_648 {strides = array<i32>} : memref<640xf32, #tpu.memory_space<vmem>>, vector<16xf32>,
    %get3A_649 = arith.constant 176 : index
    %get3A_650 = tpu.vector_load %arg17[%get3A_649] {strides = array<i32>} : memref<640xf32, #tpu.memory_space<vmem>>, vector<16xf32>,
    %get3A_651 = vector.shape_cast %get3A_650 : vector<16xf32> to vector<16xf32>
    %bitcast_convert_type3A_652 = tpu.bitcast %get3A_651 : vector<16xf32> -> vector<16xi32>
    %shift_right_arithmetic3A_653 = arith.constant 1 : i32
    %shift_right_arithmetic3A_654 = vector.broadcast %shift_right_arithmetic3A_653 : i32 to vector<16xi32>
    %shift_right_arithmetic3A_655 = arith.shrsi %bitcast_convert_type3A_652, %shift_right_arithmetic3A_654 : vector<16xi32>
    %sub3A_656 = arith.constant 1597463007 : i32
    %sub3A_657 = vector.broadcast %sub3A_656 : i32 to vector<16xi32>
    %sub3A_658 = arith.subi %sub3A_657, %shift_right_arithmetic3A_655 : vector<16xi32>
    %bitcast_convert_type3A_659 = tpu.bitcast %sub3A_658 : vector<16xi32> -> vector<16xf32>
    %mul3A_660 = arith.constant 5.000000e-01 : f32
    %mul3A_661 = vector.broadcast %mul3A_660 : f32 to vector<16xf32>
    %mul3A_662 = arith.mulf %mul3A_661, %get3A_651 : vector<16xf32>
    %mul3A_663 = arith.mulf %mul3A_662, %bitcast_convert_type3A_659 : vector<16xf32>
    %mul3A_664 = arith.mulf %mul3A_663, %bitcast_convert_type3A_659 : vector<16xf32>
    %sub3A_665 = arith.constant 1.500000e+00 : f32
    %sub3A_666 = vector.broadcast %sub3A_665 : f32 to vector<16xf32>
    %sub3A_667 = arith.subf %sub3A_666, %mul3A_664 : vector<16xf32>
    %mul3A_668 = arith.mulf %bitcast_convert_type3A_659, %sub3A_667 : vector<16xf32>
    %mul3A_669 = arith.constant 5.000000e-01 : f32
    %mul3A_670 = vector.broadcast %mul3A_669 : f32 to vector<16xf32>
    %mul3A_671 = arith.mulf %mul3A_670, %get3A_651 : vector<16xf32>
    %mul3A_672 = arith.mulf %mul3A_671, %mul3A_668 : vector<16xf32>
    %mul3A_673 = arith.mulf %mul3A_672, %mul3A_668 : vector<16xf32>
    %sub3A_674 = arith.constant 1.500000e+00 : f32
    %sub3A_675 = vector.broadcast %sub3A_674 : f32 to vector<16xf32>
    %sub3A_676 = arith.subf %sub3A_675, %mul3A_673 : vector<16xf32>
    %mul3A_677 = arith.mulf %mul3A_668, %sub3A_676 : vector<16xf32>
    %mul3A_678 = arith.constant 5.000000e-01 : f32
    %mul3A_679 = vector.broadcast %mul3A_678 : f32 to vector<16xf32>
    %mul3A_680 = arith.mulf %mul3A_679, %get3A_651 : vector<16xf32>
    %mul3A_681 = arith.mulf %mul3A_680, %mul3A_677 : vector<16xf32>
    %mul3A_682 = arith.mulf %mul3A_681, %mul3A_677 : vector<16xf32>
    %sub3A_683 = arith.constant 1.500000e+00 : f32
    %sub3A_684 = vector.broadcast %sub3A_683 : f32 to vector<16xf32>
    %sub3A_685 = arith.subf %sub3A_684, %mul3A_682 : vector<16xf32>
    %mul3A_686 = arith.mulf %mul3A_677, %sub3A_685 : vector<16xf32>
    %gt3A_687 = arith.constant 5.000000e-01 : f32
    %gt3A_688 = vector.broadcast %gt3A_687 : f32 to vector<16xf32>
    %gt3A_689 = arith.cmpf ogt, %get3A_651, %gt3A_688 : vector<16xf32>
    %jit3A_690 = arith.constant 0.000000e+00 : f32
    %broadcast_in_dim3A_691 = vector.broadcast %jit3A_690 : f32 to vector<16xf32>
    %select_n3A_692 = arith.select %gt3A_689, %mul3A_686, %broadcast_in_dim3A_691 : vector<16xi1>, vector<16xf32>
    %swap3A_693 = arith.constant 176 : index
    %swap3A_694 = tpu.vector_load %arg17[%swap3A_693] {strides = array<i32>} : memref<640xf32, #tpu.memory_space<vmem>>, vector<16xf32>,
    %swap3A_695 = vector.shape_cast %swap3A_694 : vector<16xf32> to vector<16xf32>
    %swap3A_696 = vector.shape_cast %select_n3A_692 : vector<16xf32> to vector<16xf32>
    tpu.vector_store %arg17[%swap3A_693], %swap3A_696 {strides = array<i32>} : memref<640xf32, #tpu.memory_space<vmem>>, vector<16xf32>,
    %get3A_697 = arith.constant 192 : index
    %get3A_698 = tpu.vector_load %arg17[%get3A_697] {strides = array<i32>} : memref<640xf32, #tpu.memory_space<vmem>>, vector<16xf32>,
    %get3A_699 = vector.shape_cast %get3A_698 : vector<16xf32> to vector<16xf32>
    %bitcast_convert_type3A_700 = tpu.bitcast %get3A_699 : vector<16xf32> -> vector<16xi32>
    %shift_right_arithmetic3A_701 = arith.constant 1 : i32
    %shift_right_arithmetic3A_702 = vector.broadcast %shift_right_arithmetic3A_701 : i32 to vector<16xi32>
    %shift_right_arithmetic3A_703 = arith.shrsi %bitcast_convert_type3A_700, %shift_right_arithmetic3A_702 : vector<16xi32>
    %sub3A_704 = arith.constant 1597463007 : i32
    %sub3A_705 = vector.broadcast %sub3A_704 : i32 to vector<16xi32>
    %sub3A_706 = arith.subi %sub3A_705, %shift_right_arithmetic3A_703 : vector<16xi32>
    %bitcast_convert_type3A_707 = tpu.bitcast %sub3A_706 : vector<16xi32> -> vector<16xf32>
    %mul3A_708 = arith.constant 5.000000e-01 : f32
    %mul3A_709 = vector.broadcast %mul3A_708 : f32 to vector<16xf32>
    %mul3A_710 = arith.mulf %mul3A_709, %get3A_699 : vector<16xf32>
    %mul3A_711 = arith.mulf %mul3A_710, %bitcast_convert_type3A_707 : vector<16xf32>
    %mul3A_712 = arith.mulf %mul3A_711, %bitcast_convert_type3A_707 : vector<16xf32>
    %sub3A_713 = arith.constant 1.500000e+00 : f32
    %sub3A_714 = vector.broadcast %sub3A_713 : f32 to vector<16xf32>
    %sub3A_715 = arith.subf %sub3A_714, %mul3A_712 : vector<16xf32>
    %mul3A_716 = arith.mulf %bitcast_convert_type3A_707, %sub3A_715 : vector<16xf32>
    %mul3A_717 = arith.constant 5.000000e-01 : f32
    %mul3A_718 = vector.broadcast %mul3A_717 : f32 to vector<16xf32>
    %mul3A_719 = arith.mulf %mul3A_718, %get3A_699 : vector<16xf32>
    %mul3A_720 = arith.mulf %mul3A_719, %mul3A_716 : vector<16xf32>
    %mul3A_721 = arith.mulf %mul3A_720, %mul3A_716 : vector<16xf32>
    %sub3A_722 = arith.constant 1.500000e+00 : f32
    %sub3A_723 = vector.broadcast %sub3A_722 : f32 to vector<16xf32>
    %sub3A_724 = arith.subf %sub3A_723, %mul3A_721 : vector<16xf32>
    %mul3A_725 = arith.mulf %mul3A_716, %sub3A_724 : vector<16xf32>
    %mul3A_726 = arith.constant 5.000000e-01 : f32
    %mul3A_727 = vector.broadcast %mul3A_726 : f32 to vector<16xf32>
    %mul3A_728 = arith.mulf %mul3A_727, %get3A_699 : vector<16xf32>
    %mul3A_729 = arith.mulf %mul3A_728, %mul3A_725 : vector<16xf32>
    %mul3A_730 = arith.mulf %mul3A_729, %mul3A_725 : vector<16xf32>
    %sub3A_731 = arith.constant 1.500000e+00 : f32
    %sub3A_732 = vector.broadcast %sub3A_731 : f32 to vector<16xf32>
    %sub3A_733 = arith.subf %sub3A_732, %mul3A_730 : vector<16xf32>
    %mul3A_734 = arith.mulf %mul3A_725, %sub3A_733 : vector<16xf32>
    %gt3A_735 = arith.constant 5.000000e-01 : f32
    %gt3A_736 = vector.broadcast %gt3A_735 : f32 to vector<16xf32>
    %gt3A_737 = arith.cmpf ogt, %get3A_699, %gt3A_736 : vector<16xf32>
    %jit3A_738 = arith.constant 0.000000e+00 : f32
    %broadcast_in_dim3A_739 = vector.broadcast %jit3A_738 : f32 to vector<16xf32>
    %select_n3A_740 = arith.select %gt3A_737, %mul3A_734, %broadcast_in_dim3A_739 : vector<16xi1>, vector<16xf32>
    %swap3A_741 = arith.constant 192 : index
    %swap3A_742 = tpu.vector_load %arg17[%swap3A_741] {strides = array<i32>} : memref<640xf32, #tpu.memory_space<vmem>>, vector<16xf32>,
    %swap3A_743 = vector.shape_cast %swap3A_742 : vector<16xf32> to vector<16xf32>
    %swap3A_744 = vector.shape_cast %select_n3A_740 : vector<16xf32> to vector<16xf32>
    tpu.vector_store %arg17[%swap3A_741], %swap3A_744 {strides = array<i32>} : memref<640xf32, #tpu.memory_space<vmem>>, vector<16xf32>,
    %get3A_745 = arith.constant 208 : index
    %get3A_746 = tpu.vector_load %arg17[%get3A_745] {strides = array<i32>} : memref<640xf32, #tpu.memory_space<vmem>>, vector<16xf32>,
    %get3A_747 = vector.shape_cast %get3A_746 : vector<16xf32> to vector<16xf32>
    %bitcast_convert_type3A_748 = tpu.bitcast %get3A_747 : vector<16xf32> -> vector<16xi32>
    %shift_right_arithmetic3A_749 = arith.constant 1 : i32
    %shift_right_arithmetic3A_750 = vector.broadcast %shift_right_arithmetic3A_749 : i32 to vector<16xi32>
    %shift_right_arithmetic3A_751 = arith.shrsi %bitcast_convert_type3A_748, %shift_right_arithmetic3A_750 : vector<16xi32>
    %sub3A_752 = arith.constant 1597463007 : i32
    %sub3A_753 = vector.broadcast %sub3A_752 : i32 to vector<16xi32>
    %sub3A_754 = arith.subi %sub3A_753, %shift_right_arithmetic3A_751 : vector<16xi32>
    %bitcast_convert_type3A_755 = tpu.bitcast %sub3A_754 : vector<16xi32> -> vector<16xf32>
    %mul3A_756 = arith.constant 5.000000e-01 : f32
    %mul3A_757 = vector.broadcast %mul3A_756 : f32 to vector<16xf32>
    %mul3A_758 = arith.mulf %mul3A_757, %get3A_747 : vector<16xf32>
    %mul3A_759 = arith.mulf %mul3A_758, %bitcast_convert_type3A_755 : vector<16xf32>
    %mul3A_760 = arith.mulf %mul3A_759, %bitcast_convert_type3A_755 : vector<16xf32>
    %sub3A_761 = arith.constant 1.500000e+00 : f32
    %sub3A_762 = vector.broadcast %sub3A_761 : f32 to vector<16xf32>
    %sub3A_763 = arith.subf %sub3A_762, %mul3A_760 : vector<16xf32>
    %mul3A_764 = arith.mulf %bitcast_convert_type3A_755, %sub3A_763 : vector<16xf32>
    %mul3A_765 = arith.constant 5.000000e-01 : f32
    %mul3A_766 = vector.broadcast %mul3A_765 : f32 to vector<16xf32>
    %mul3A_767 = arith.mulf %mul3A_766, %get3A_747 : vector<16xf32>
    %mul3A_768 = arith.mulf %mul3A_767, %mul3A_764 : vector<16xf32>
    %mul3A_769 = arith.mulf %mul3A_768, %mul3A_764 : vector<16xf32>
    %sub3A_770 = arith.constant 1.500000e+00 : f32
    %sub3A_771 = vector.broadcast %sub3A_770 : f32 to vector<16xf32>
    %sub3A_772 = arith.subf %sub3A_771, %mul3A_769 : vector<16xf32>
    %mul3A_773 = arith.mulf %mul3A_764, %sub3A_772 : vector<16xf32>
    %mul3A_774 = arith.constant 5.000000e-01 : f32
    %mul3A_775 = vector.broadcast %mul3A_774 : f32 to vector<16xf32>
    %mul3A_776 = arith.mulf %mul3A_775, %get3A_747 : vector<16xf32>
    %mul3A_777 = arith.mulf %mul3A_776, %mul3A_773 : vector<16xf32>
    %mul3A_778 = arith.mulf %mul3A_777, %mul3A_773 : vector<16xf32>
    %sub3A_779 = arith.constant 1.500000e+00 : f32
    %sub3A_780 = vector.broadcast %sub3A_779 : f32 to vector<16xf32>
    %sub3A_781 = arith.subf %sub3A_780, %mul3A_778 : vector<16xf32>
    %mul3A_782 = arith.mulf %mul3A_773, %sub3A_781 : vector<16xf32>
    %gt3A_783 = arith.constant 5.000000e-01 : f32
    %gt3A_784 = vector.broadcast %gt3A_783 : f32 to vector<16xf32>
    %gt3A_785 = arith.cmpf ogt, %get3A_747, %gt3A_784 : vector<16xf32>
    %jit3A_786 = arith.constant 0.000000e+00 : f32
    %broadcast_in_dim3A_787 = vector.broadcast %jit3A_786 : f32 to vector<16xf32>
    %select_n3A_788 = arith.select %gt3A_785, %mul3A_782, %broadcast_in_dim3A_787 : vector<16xi1>, vector<16xf32>
    %swap3A_789 = arith.constant 208 : index
    %swap3A_790 = tpu.vector_load %arg17[%swap3A_789] {strides = array<i32>} : memref<640xf32, #tpu.memory_space<vmem>>, vector<16xf32>,
    %swap3A_791 = vector.shape_cast %swap3A_790 : vector<16xf32> to vector<16xf32>
    %swap3A_792 = vector.shape_cast %select_n3A_788 : vector<16xf32> to vector<16xf32>
    tpu.vector_store %arg17[%swap3A_789], %swap3A_792 {strides = array<i32>} : memref<640xf32, #tpu.memory_space<vmem>>, vector<16xf32>,
    %get3A_793 = arith.constant 224 : index
    %get3A_794 = tpu.vector_load %arg17[%get3A_793] {strides = array<i32>} : memref<640xf32, #tpu.memory_space<vmem>>, vector<16xf32>,
    %get3A_795 = vector.shape_cast %get3A_794 : vector<16xf32> to vector<16xf32>
    %bitcast_convert_type3A_796 = tpu.bitcast %get3A_795 : vector<16xf32> -> vector<16xi32>
    %shift_right_arithmetic3A_797 = arith.constant 1 : i32
    %shift_right_arithmetic3A_798 = vector.broadcast %shift_right_arithmetic3A_797 : i32 to vector<16xi32>
    %shift_right_arithmetic3A_799 = arith.shrsi %bitcast_convert_type3A_796, %shift_right_arithmetic3A_798 : vector<16xi32>
    %sub3A_800 = arith.constant 1597463007 : i32
    %sub3A_801 = vector.broadcast %sub3A_800 : i32 to vector<16xi32>
    %sub3A_802 = arith.subi %sub3A_801, %shift_right_arithmetic3A_799 : vector<16xi32>
    %bitcast_convert_type3A_803 = tpu.bitcast %sub3A_802 : vector<16xi32> -> vector<16xf32>
    %mul3A_804 = arith.constant 5.000000e-01 : f32
    %mul3A_805 = vector.broadcast %mul3A_804 : f32 to vector<16xf32>
    %mul3A_806 = arith.mulf %mul3A_805, %get3A_795 : vector<16xf32>
    %mul3A_807 = arith.mulf %mul3A_806, %bitcast_convert_type3A_803 : vector<16xf32>
    %mul3A_808 = arith.mulf %mul3A_807, %bitcast_convert_type3A_803 : vector<16xf32>
    %sub3A_809 = arith.constant 1.500000e+00 : f32
    %sub3A_810 = vector.broadcast %sub3A_809 : f32 to vector<16xf32>
    %sub3A_811 = arith.subf %sub3A_810, %mul3A_808 : vector<16xf32>
    %mul3A_812 = arith.mulf %bitcast_convert_type3A_803, %sub3A_811 : vector<16xf32>
    %mul3A_813 = arith.constant 5.000000e-01 : f32
    %mul3A_814 = vector.broadcast %mul3A_813 : f32 to vector<16xf32>
    %mul3A_815 = arith.mulf %mul3A_814, %get3A_795 : vector<16xf32>
    %mul3A_816 = arith.mulf %mul3A_815, %mul3A_812 : vector<16xf32>
    %mul3A_817 = arith.mulf %mul3A_816, %mul3A_812 : vector<16xf32>
    %sub3A_818 = arith.constant 1.500000e+00 : f32
    %sub3A_819 = vector.broadcast %sub3A_818 : f32 to vector<16xf32>
    %sub3A_820 = arith.subf %sub3A_819, %mul3A_817 : vector<16xf32>
    %mul3A_821 = arith.mulf %mul3A_812, %sub3A_820 : vector<16xf32>
    %mul3A_822 = arith.constant 5.000000e-01 : f32
    %mul3A_823 = vector.broadcast %mul3A_822 : f32 to vector<16xf32>
    %mul3A_824 = arith.mulf %mul3A_823, %get3A_795 : vector<16xf32>
    %mul3A_825 = arith.mulf %mul3A_824, %mul3A_821 : vector<16xf32>
    %mul3A_826 = arith.mulf %mul3A_825, %mul3A_821 : vector<16xf32>
    %sub3A_827 = arith.constant 1.500000e+00 : f32
    %sub3A_828 = vector.broadcast %sub3A_827 : f32 to vector<16xf32>
    %sub3A_829 = arith.subf %sub3A_828, %mul3A_826 : vector<16xf32>
    %mul3A_830 = arith.mulf %mul3A_821, %sub3A_829 : vector<16xf32>
    %gt3A_831 = arith.constant 5.000000e-01 : f32
    %gt3A_832 = vector.broadcast %gt3A_831 : f32 to vector<16xf32>
    %gt3A_833 = arith.cmpf ogt, %get3A_795, %gt3A_832 : vector<16xf32>
    %jit3A_834 = arith.constant 0.000000e+00 : f32
    %broadcast_in_dim3A_835 = vector.broadcast %jit3A_834 : f32 to vector<16xf32>
    %select_n3A_836 = arith.select %gt3A_833, %mul3A_830, %broadcast_in_dim3A_835 : vector<16xi1>, vector<16xf32>
    %swap3A_837 = arith.constant 224 : index
    %swap3A_838 = tpu.vector_load %arg17[%swap3A_837] {strides = array<i32>} : memref<640xf32, #tpu.memory_space<vmem>>, vector<16xf32>,
    %swap3A_839 = vector.shape_cast %swap3A_838 : vector<16xf32> to vector<16xf32>
    %swap3A_840 = vector.shape_cast %select_n3A_836 : vector<16xf32> to vector<16xf32>
    tpu.vector_store %arg17[%swap3A_837], %swap3A_840 {strides = array<i32>} : memref<640xf32, #tpu.memory_space<vmem>>, vector<16xf32>,
    %get3A_841 = arith.constant 240 : index
    %get3A_842 = tpu.vector_load %arg17[%get3A_841] {strides = array<i32>} : memref<640xf32, #tpu.memory_space<vmem>>, vector<16xf32>,
    %get3A_843 = vector.shape_cast %get3A_842 : vector<16xf32> to vector<16xf32>
    %bitcast_convert_type3A_844 = tpu.bitcast %get3A_843 : vector<16xf32> -> vector<16xi32>
    %shift_right_arithmetic3A_845 = arith.constant 1 : i32
    %shift_right_arithmetic3A_846 = vector.broadcast %shift_right_arithmetic3A_845 : i32 to vector<16xi32>
    %shift_right_arithmetic3A_847 = arith.shrsi %bitcast_convert_type3A_844, %shift_right_arithmetic3A_846 : vector<16xi32>
    %sub3A_848 = arith.constant 1597463007 : i32
    %sub3A_849 = vector.broadcast %sub3A_848 : i32 to vector<16xi32>
    %sub3A_850 = arith.subi %sub3A_849, %shift_right_arithmetic3A_847 : vector<16xi32>
    %bitcast_convert_type3A_851 = tpu.bitcast %sub3A_850 : vector<16xi32> -> vector<16xf32>
    %mul3A_852 = arith.constant 5.000000e-01 : f32
    %mul3A_853 = vector.broadcast %mul3A_852 : f32 to vector<16xf32>
    %mul3A_854 = arith.mulf %mul3A_853, %get3A_843 : vector<16xf32>
    %mul3A_855 = arith.mulf %mul3A_854, %bitcast_convert_type3A_851 : vector<16xf32>
    %mul3A_856 = arith.mulf %mul3A_855, %bitcast_convert_type3A_851 : vector<16xf32>
    %sub3A_857 = arith.constant 1.500000e+00 : f32
    %sub3A_858 = vector.broadcast %sub3A_857 : f32 to vector<16xf32>
    %sub3A_859 = arith.subf %sub3A_858, %mul3A_856 : vector<16xf32>
    %mul3A_860 = arith.mulf %bitcast_convert_type3A_851, %sub3A_859 : vector<16xf32>
    %mul3A_861 = arith.constant 5.000000e-01 : f32
    %mul3A_862 = vector.broadcast %mul3A_861 : f32 to vector<16xf32>
    %mul3A_863 = arith.mulf %mul3A_862, %get3A_843 : vector<16xf32>
    %mul3A_864 = arith.mulf %mul3A_863, %mul3A_860 : vector<16xf32>
    %mul3A_865 = arith.mulf %mul3A_864, %mul3A_860 : vector<16xf32>
    %sub3A_866 = arith.constant 1.500000e+00 : f32
    %sub3A_867 = vector.broadcast %sub3A_866 : f32 to vector<16xf32>
    %sub3A_868 = arith.subf %sub3A_867, %mul3A_865 : vector<16xf32>
    %mul3A_869 = arith.mulf %mul3A_860, %sub3A_868 : vector<16xf32>
    %mul3A_870 = arith.constant 5.000000e-01 : f32
    %mul3A_871 = vector.broadcast %mul3A_870 : f32 to vector<16xf32>
    %mul3A_872 = arith.mulf %mul3A_871, %get3A_843 : vector<16xf32>
    %mul3A_873 = arith.mulf %mul3A_872, %mul3A_869 : vector<16xf32>
    %mul3A_874 = arith.mulf %mul3A_873, %mul3A_869 : vector<16xf32>
    %sub3A_875 = arith.constant 1.500000e+00 : f32
    %sub3A_876 = vector.broadcast %sub3A_875 : f32 to vector<16xf32>
    %sub3A_877 = arith.subf %sub3A_876, %mul3A_874 : vector<16xf32>
    %mul3A_878 = arith.mulf %mul3A_869, %sub3A_877 : vector<16xf32>
    %gt3A_879 = arith.constant 5.000000e-01 : f32
    %gt3A_880 = vector.broadcast %gt3A_879 : f32 to vector<16xf32>
    %gt3A_881 = arith.cmpf ogt, %get3A_843, %gt3A_880 : vector<16xf32>
    %jit3A_882 = arith.constant 0.000000e+00 : f32
    %broadcast_in_dim3A_883 = vector.broadcast %jit3A_882 : f32 to vector<16xf32>
    %select_n3A_884 = arith.select %gt3A_881, %mul3A_878, %broadcast_in_dim3A_883 : vector<16xi1>, vector<16xf32>
    %swap3A_885 = arith.constant 240 : index
    %swap3A_886 = tpu.vector_load %arg17[%swap3A_885] {strides = array<i32>} : memref<640xf32, #tpu.memory_space<vmem>>, vector<16xf32>,
    %swap3A_887 = vector.shape_cast %swap3A_886 : vector<16xf32> to vector<16xf32>
    %swap3A_888 = vector.shape_cast %select_n3A_884 : vector<16xf32> to vector<16xf32>
    tpu.vector_store %arg17[%swap3A_885], %swap3A_888 {strides = array<i32>} : memref<640xf32, #tpu.memory_space<vmem>>, vector<16xf32>,
    %get3A_889 = arith.constant 256 : index
    %get3A_890 = tpu.vector_load %arg17[%get3A_889] {strides = array<i32>} : memref<640xf32, #tpu.memory_space<vmem>>, vector<16xf32>,
    %get3A_891 = vector.shape_cast %get3A_890 : vector<16xf32> to vector<16xf32>
    %bitcast_convert_type3A_892 = tpu.bitcast %get3A_891 : vector<16xf32> -> vector<16xi32>
    %shift_right_arithmetic3A_893 = arith.constant 1 : i32
    %shift_right_arithmetic3A_894 = vector.broadcast %shift_right_arithmetic3A_893 : i32 to vector<16xi32>
    %shift_right_arithmetic3A_895 = arith.shrsi %bitcast_convert_type3A_892, %shift_right_arithmetic3A_894 : vector<16xi32>
    %sub3A_896 = arith.constant 1597463007 : i32
    %sub3A_897 = vector.broadcast %sub3A_896 : i32 to vector<16xi32>
    %sub3A_898 = arith.subi %sub3A_897, %shift_right_arithmetic3A_895 : vector<16xi32>
    %bitcast_convert_type3A_899 = tpu.bitcast %sub3A_898 : vector<16xi32> -> vector<16xf32>
    %mul3A_900 = arith.constant 5.000000e-01 : f32
    %mul3A_901 = vector.broadcast %mul3A_900 : f32 to vector<16xf32>
    %mul3A_902 = arith.mulf %mul3A_901, %get3A_891 : vector<16xf32>
    %mul3A_903 = arith.mulf %mul3A_902, %bitcast_convert_type3A_899 : vector<16xf32>
    %mul3A_904 = arith.mulf %mul3A_903, %bitcast_convert_type3A_899 : vector<16xf32>
    %sub3A_905 = arith.constant 1.500000e+00 : f32
    %sub3A_906 = vector.broadcast %sub3A_905 : f32 to vector<16xf32>
    %sub3A_907 = arith.subf %sub3A_906, %mul3A_904 : vector<16xf32>
    %mul3A_908 = arith.mulf %bitcast_convert_type3A_899, %sub3A_907 : vector<16xf32>
    %mul3A_909 = arith.constant 5.000000e-01 : f32
    %mul3A_910 = vector.broadcast %mul3A_909 : f32 to vector<16xf32>
    %mul3A_911 = arith.mulf %mul3A_910, %get3A_891 : vector<16xf32>
    %mul3A_912 = arith.mulf %mul3A_911, %mul3A_908 : vector<16xf32>
    %mul3A_913 = arith.mulf %mul3A_912, %mul3A_908 : vector<16xf32>
    %sub3A_914 = arith.constant 1.500000e+00 : f32
    %sub3A_915 = vector.broadcast %sub3A_914 : f32 to vector<16xf32>
    %sub3A_916 = arith.subf %sub3A_915, %mul3A_913 : vector<16xf32>
    %mul3A_917 = arith.mulf %mul3A_908, %sub3A_916 : vector<16xf32>
    %mul3A_918 = arith.constant 5.000000e-01 : f32
    %mul3A_919 = vector.broadcast %mul3A_918 : f32 to vector<16xf32>
    %mul3A_920 = arith.mulf %mul3A_919, %get3A_891 : vector<16xf32>
    %mul3A_921 = arith.mulf %mul3A_920, %mul3A_917 : vector<16xf32>
    %mul3A_922 = arith.mulf %mul3A_921, %mul3A_917 : vector<16xf32>
    %sub3A_923 = arith.constant 1.500000e+00 : f32
    %sub3A_924 = vector.broadcast %sub3A_923 : f32 to vector<16xf32>
    %sub3A_925 = arith.subf %sub3A_924, %mul3A_922 : vector<16xf32>
    %mul3A_926 = arith.mulf %mul3A_917, %sub3A_925 : vector<16xf32>
    %gt3A_927 = arith.constant 5.000000e-01 : f32
    %gt3A_928 = vector.broadcast %gt3A_927 : f32 to vector<16xf32>
    %gt3A_929 = arith.cmpf ogt, %get3A_891, %gt3A_928 : vector<16xf32>
    %jit3A_930 = arith.constant 0.000000e+00 : f32
    %broadcast_in_dim3A_931 = vector.broadcast %jit3A_930 : f32 to vector<16xf32>
    %select_n3A_932 = arith.select %gt3A_929, %mul3A_926, %broadcast_in_dim3A_931 : vector<16xi1>, vector<16xf32>
    %swap3A_933 = arith.constant 256 : index
    %swap3A_934 = tpu.vector_load %arg17[%swap3A_933] {strides = array<i32>} : memref<640xf32, #tpu.memory_space<vmem>>, vector<16xf32>,
    %swap3A_935 = vector.shape_cast %swap3A_934 : vector<16xf32> to vector<16xf32>
    %swap3A_936 = vector.shape_cast %select_n3A_932 : vector<16xf32> to vector<16xf32>
    tpu.vector_store %arg17[%swap3A_933], %swap3A_936 {strides = array<i32>} : memref<640xf32, #tpu.memory_space<vmem>>, vector<16xf32>,
    %get3A_937 = arith.constant 272 : index
    %get3A_938 = tpu.vector_load %arg17[%get3A_937] {strides = array<i32>} : memref<640xf32, #tpu.memory_space<vmem>>, vector<16xf32>,
    %get3A_939 = vector.shape_cast %get3A_938 : vector<16xf32> to vector<16xf32>
    %bitcast_convert_type3A_940 = tpu.bitcast %get3A_939 : vector<16xf32> -> vector<16xi32>
    %shift_right_arithmetic3A_941 = arith.constant 1 : i32
    %shift_right_arithmetic3A_942 = vector.broadcast %shift_right_arithmetic3A_941 : i32 to vector<16xi32>
    %shift_right_arithmetic3A_943 = arith.shrsi %bitcast_convert_type3A_940, %shift_right_arithmetic3A_942 : vector<16xi32>
    %sub3A_944 = arith.constant 1597463007 : i32
    %sub3A_945 = vector.broadcast %sub3A_944 : i32 to vector<16xi32>
    %sub3A_946 = arith.subi %sub3A_945, %shift_right_arithmetic3A_943 : vector<16xi32>
    %bitcast_convert_type3A_947 = tpu.bitcast %sub3A_946 : vector<16xi32> -> vector<16xf32>
    %mul3A_948 = arith.constant 5.000000e-01 : f32
    %mul3A_949 = vector.broadcast %mul3A_948 : f32 to vector<16xf32>
    %mul3A_950 = arith.mulf %mul3A_949, %get3A_939 : vector<16xf32>
    %mul3A_951 = arith.mulf %mul3A_950, %bitcast_convert_type3A_947 : vector<16xf32>
    %mul3A_952 = arith.mulf %mul3A_951, %bitcast_convert_type3A_947 : vector<16xf32>
    %sub3A_953 = arith.constant 1.500000e+00 : f32
    %sub3A_954 = vector.broadcast %sub3A_953 : f32 to vector<16xf32>
    %sub3A_955 = arith.subf %sub3A_954, %mul3A_952 : vector<16xf32>
    %mul3A_956 = arith.mulf %bitcast_convert_type3A_947, %sub3A_955 : vector<16xf32>
    %mul3A_957 = arith.constant 5.000000e-01 : f32
    %mul3A_958 = vector.broadcast %mul3A_957 : f32 to vector<16xf32>
    %mul3A_959 = arith.mulf %mul3A_958, %get3A_939 : vector<16xf32>
    %mul3A_960 = arith.mulf %mul3A_959, %mul3A_956 : vector<16xf32>
    %mul3A_961 = arith.mulf %mul3A_960, %mul3A_956 : vector<16xf32>
    %sub3A_962 = arith.constant 1.500000e+00 : f32
    %sub3A_963 = vector.broadcast %sub3A_962 : f32 to vector<16xf32>
    %sub3A_964 = arith.subf %sub3A_963, %mul3A_961 : vector<16xf32>
    %mul3A_965 = arith.mulf %mul3A_956, %sub3A_964 : vector<16xf32>
    %mul3A_966 = arith.constant 5.000000e-01 : f32
    %mul3A_967 = vector.broadcast %mul3A_966 : f32 to vector<16xf32>
    %mul3A_968 = arith.mulf %mul3A_967, %get3A_939 : vector<16xf32>
    %mul3A_969 = arith.mulf %mul3A_968, %mul3A_965 : vector<16xf32>
    %mul3A_970 = arith.mulf %mul3A_969, %mul3A_965 : vector<16xf32>
    %sub3A_971 = arith.constant 1.500000e+00 : f32
    %sub3A_972 = vector.broadcast %sub3A_971 : f32 to vector<16xf32>
    %sub3A_973 = arith.subf %sub3A_972, %mul3A_970 : vector<16xf32>
    %mul3A_974 = arith.mulf %mul3A_965, %sub3A_973 : vector<16xf32>
    %gt3A_975 = arith.constant 5.000000e-01 : f32
    %gt3A_976 = vector.broadcast %gt3A_975 : f32 to vector<16xf32>
    %gt3A_977 = arith.cmpf ogt, %get3A_939, %gt3A_976 : vector<16xf32>
    %jit3A_978 = arith.constant 0.000000e+00 : f32
    %broadcast_in_dim3A_979 = vector.broadcast %jit3A_978 : f32 to vector<16xf32>
    %select_n3A_980 = arith.select %gt3A_977, %mul3A_974, %broadcast_in_dim3A_979 : vector<16xi1>, vector<16xf32>
    %swap3A_981 = arith.constant 272 : index
    %swap3A_982 = tpu.vector_load %arg17[%swap3A_981] {strides = array<i32>} : memref<640xf32, #tpu.memory_space<vmem>>, vector<16xf32>,
    %swap3A_983 = vector.shape_cast %swap3A_982 : vector<16xf32> to vector<16xf32>
    %swap3A_984 = vector.shape_cast %select_n3A_980 : vector<16xf32> to vector<16xf32>
    tpu.vector_store %arg17[%swap3A_981], %swap3A_984 {strides = array<i32>} : memref<640xf32, #tpu.memory_space<vmem>>, vector<16xf32>,
    %get3A_985 = arith.constant 288 : index
    %get3A_986 = tpu.vector_load %arg17[%get3A_985] {strides = array<i32>} : memref<640xf32, #tpu.memory_space<vmem>>, vector<16xf32>,
    %get3A_987 = vector.shape_cast %get3A_986 : vector<16xf32> to vector<16xf32>
    %bitcast_convert_type3A_988 = tpu.bitcast %get3A_987 : vector<16xf32> -> vector<16xi32>
    %shift_right_arithmetic3A_989 = arith.constant 1 : i32
    %shift_right_arithmetic3A_990 = vector.broadcast %shift_right_arithmetic3A_989 : i32 to vector<16xi32>
    %shift_right_arithmetic3A_991 = arith.shrsi %bitcast_convert_type3A_988, %shift_right_arithmetic3A_990 : vector<16xi32>
    %sub3A_992 = arith.constant 1597463007 : i32
    %sub3A_993 = vector.broadcast %sub3A_992 : i32 to vector<16xi32>
    %sub3A_994 = arith.subi %sub3A_993, %shift_right_arithmetic3A_991 : vector<16xi32>
    %bitcast_convert_type3A_995 = tpu.bitcast %sub3A_994 : vector<16xi32> -> vector<16xf32>
    %mul3A_996 = arith.constant 5.000000e-01 : f32
    %mul3A_997 = vector.broadcast %mul3A_996 : f32 to vector<16xf32>
    %mul3A_998 = arith.mulf %mul3A_997, %get3A_987 : vector<16xf32>
    %mul3A_999 = arith.mulf %mul3A_998, %bitcast_convert_type3A_995 : vector<16xf32>
    %mul3A_1000 = arith.mulf %mul3A_999, %bitcast_convert_type3A_995 : vector<16xf32>
    %sub3A_1001 = arith.constant 1.500000e+00 : f32
    %sub3A_1002 = vector.broadcast %sub3A_1001 : f32 to vector<16xf32>
    %sub3A_1003 = arith.subf %sub3A_1002, %mul3A_1000 : vector<16xf32>
    %mul3A_1004 = arith.mulf %bitcast_convert_type3A_995, %sub3A_1003 : vector<16xf32>
    %mul3A_1005 = arith.constant 5.000000e-01 : f32
    %mul3A_1006 = vector.broadcast %mul3A_1005 : f32 to vector<16xf32>
    %mul3A_1007 = arith.mulf %mul3A_1006, %get3A_987 : vector<16xf32>
    %mul3A_1008 = arith.mulf %mul3A_1007, %mul3A_1004 : vector<16xf32>
    %mul3A_1009 = arith.mulf %mul3A_1008, %mul3A_1004 : vector<16xf32>
    %sub3A_1010 = arith.constant 1.500000e+00 : f32
    %sub3A_1011 = vector.broadcast %sub3A_1010 : f32 to vector<16xf32>
    %sub3A_1012 = arith.subf %sub3A_1011, %mul3A_1009 : vector<16xf32>
    %mul3A_1013 = arith.mulf %mul3A_1004, %sub3A_1012 : vector<16xf32>
    %mul3A_1014 = arith.constant 5.000000e-01 : f32
    %mul3A_1015 = vector.broadcast %mul3A_1014 : f32 to vector<16xf32>
    %mul3A_1016 = arith.mulf %mul3A_1015, %get3A_987 : vector<16xf32>
    %mul3A_1017 = arith.mulf %mul3A_1016, %mul3A_1013 : vector<16xf32>
    %mul3A_1018 = arith.mulf %mul3A_1017, %mul3A_1013 : vector<16xf32>
    %sub3A_1019 = arith.constant 1.500000e+00 : f32
    %sub3A_1020 = vector.broadcast %sub3A_1019 : f32 to vector<16xf32>
    %sub3A_1021 = arith.subf %sub3A_1020, %mul3A_1018 : vector<16xf32>
    %mul3A_1022 = arith.mulf %mul3A_1013, %sub3A_1021 : vector<16xf32>
    %gt3A_1023 = arith.constant 5.000000e-01 : f32
    %gt3A_1024 = vector.broadcast %gt3A_1023 : f32 to vector<16xf32>
    %gt3A_1025 = arith.cmpf ogt, %get3A_987, %gt3A_1024 : vector<16xf32>
    %jit3A_1026 = arith.constant 0.000000e+00 : f32
    %broadcast_in_dim3A_1027 = vector.broadcast %jit3A_1026 : f32 to vector<16xf32>
    %select_n3A_1028 = arith.select %gt3A_1025, %mul3A_1022, %broadcast_in_dim3A_1027 : vector<16xi1>, vector<16xf32>
    %swap3A_1029 = arith.constant 288 : index
    %swap3A_1030 = tpu.vector_load %arg17[%swap3A_1029] {strides = array<i32>} : memref<640xf32, #tpu.memory_space<vmem>>, vector<16xf32>,
    %swap3A_1031 = vector.shape_cast %swap3A_1030 : vector<16xf32> to vector<16xf32>
    %swap3A_1032 = vector.shape_cast %select_n3A_1028 : vector<16xf32> to vector<16xf32>
    tpu.vector_store %arg17[%swap3A_1029], %swap3A_1032 {strides = array<i32>} : memref<640xf32, #tpu.memory_space<vmem>>, vector<16xf32>,
    %get3A_1033 = arith.constant 304 : index
    %get3A_1034 = tpu.vector_load %arg17[%get3A_1033] {strides = array<i32>} : memref<640xf32, #tpu.memory_space<vmem>>, vector<16xf32>,
    %get3A_1035 = vector.shape_cast %get3A_1034 : vector<16xf32> to vector<16xf32>
    %bitcast_convert_type3A_1036 = tpu.bitcast %get3A_1035 : vector<16xf32> -> vector<16xi32>
    %shift_right_arithmetic3A_1037 = arith.constant 1 : i32
    %shift_right_arithmetic3A_1038 = vector.broadcast %shift_right_arithmetic3A_1037 : i32 to vector<16xi32>
    %shift_right_arithmetic3A_1039 = arith.shrsi %bitcast_convert_type3A_1036, %shift_right_arithmetic3A_1038 : vector<16xi32>
    %sub3A_1040 = arith.constant 1597463007 : i32
    %sub3A_1041 = vector.broadcast %sub3A_1040 : i32 to vector<16xi32>
    %sub3A_1042 = arith.subi %sub3A_1041, %shift_right_arithmetic3A_1039 : vector<16xi32>
    %bitcast_convert_type3A_1043 = tpu.bitcast %sub3A_1042 : vector<16xi32> -> vector<16xf32>
    %mul3A_1044 = arith.constant 5.000000e-01 : f32
    %mul3A_1045 = vector.broadcast %mul3A_1044 : f32 to vector<16xf32>
    %mul3A_1046 = arith.mulf %mul3A_1045, %get3A_1035 : vector<16xf32>
    %mul3A_1047 = arith.mulf %mul3A_1046, %bitcast_convert_type3A_1043 : vector<16xf32>
    %mul3A_1048 = arith.mulf %mul3A_1047, %bitcast_convert_type3A_1043 : vector<16xf32>
    %sub3A_1049 = arith.constant 1.500000e+00 : f32
    %sub3A_1050 = vector.broadcast %sub3A_1049 : f32 to vector<16xf32>
    %sub3A_1051 = arith.subf %sub3A_1050, %mul3A_1048 : vector<16xf32>
    %mul3A_1052 = arith.mulf %bitcast_convert_type3A_1043, %sub3A_1051 : vector<16xf32>
    %mul3A_1053 = arith.constant 5.000000e-01 : f32
    %mul3A_1054 = vector.broadcast %mul3A_1053 : f32 to vector<16xf32>
    %mul3A_1055 = arith.mulf %mul3A_1054, %get3A_1035 : vector<16xf32>
    %mul3A_1056 = arith.mulf %mul3A_1055, %mul3A_1052 : vector<16xf32>
    %mul3A_1057 = arith.mulf %mul3A_1056, %mul3A_1052 : vector<16xf32>
    %sub3A_1058 = arith.constant 1.500000e+00 : f32
    %sub3A_1059 = vector.broadcast %sub3A_1058 : f32 to vector<16xf32>
    %sub3A_1060 = arith.subf %sub3A_1059, %mul3A_1057 : vector<16xf32>
    %mul3A_1061 = arith.mulf %mul3A_1052, %sub3A_1060 : vector<16xf32>
    %mul3A_1062 = arith.constant 5.000000e-01 : f32
    %mul3A_1063 = vector.broadcast %mul3A_1062 : f32 to vector<16xf32>
    %mul3A_1064 = arith.mulf %mul3A_1063, %get3A_1035 : vector<16xf32>
    %mul3A_1065 = arith.mulf %mul3A_1064, %mul3A_1061 : vector<16xf32>
    %mul3A_1066 = arith.mulf %mul3A_1065, %mul3A_1061 : vector<16xf32>
    %sub3A_1067 = arith.constant 1.500000e+00 : f32
    %sub3A_1068 = vector.broadcast %sub3A_1067 : f32 to vector<16xf32>
    %sub3A_1069 = arith.subf %sub3A_1068, %mul3A_1066 : vector<16xf32>
    %mul3A_1070 = arith.mulf %mul3A_1061, %sub3A_1069 : vector<16xf32>
    %gt3A_1071 = arith.constant 5.000000e-01 : f32
    %gt3A_1072 = vector.broadcast %gt3A_1071 : f32 to vector<16xf32>
    %gt3A_1073 = arith.cmpf ogt, %get3A_1035, %gt3A_1072 : vector<16xf32>
    %jit3A_1074 = arith.constant 0.000000e+00 : f32
    %broadcast_in_dim3A_1075 = vector.broadcast %jit3A_1074 : f32 to vector<16xf32>
    %select_n3A_1076 = arith.select %gt3A_1073, %mul3A_1070, %broadcast_in_dim3A_1075 : vector<16xi1>, vector<16xf32>
    %swap3A_1077 = arith.constant 304 : index
    %swap3A_1078 = tpu.vector_load %arg17[%swap3A_1077] {strides = array<i32>} : memref<640xf32, #tpu.memory_space<vmem>>, vector<16xf32>,
    %swap3A_1079 = vector.shape_cast %swap3A_1078 : vector<16xf32> to vector<16xf32>
    %swap3A_1080 = vector.shape_cast %select_n3A_1076 : vector<16xf32> to vector<16xf32>
    tpu.vector_store %arg17[%swap3A_1077], %swap3A_1080 {strides = array<i32>} : memref<640xf32, #tpu.memory_space<vmem>>, vector<16xf32>,
    %get3A_1081 = arith.constant 320 : index
    %get3A_1082 = tpu.vector_load %arg17[%get3A_1081] {strides = array<i32>} : memref<640xf32, #tpu.memory_space<vmem>>, vector<16xf32>,
    %get3A_1083 = vector.shape_cast %get3A_1082 : vector<16xf32> to vector<16xf32>
    %bitcast_convert_type3A_1084 = tpu.bitcast %get3A_1083 : vector<16xf32> -> vector<16xi32>
    %shift_right_arithmetic3A_1085 = arith.constant 1 : i32
    %shift_right_arithmetic3A_1086 = vector.broadcast %shift_right_arithmetic3A_1085 : i32 to vector<16xi32>
    %shift_right_arithmetic3A_1087 = arith.shrsi %bitcast_convert_type3A_1084, %shift_right_arithmetic3A_1086 : vector<16xi32>
    %sub3A_1088 = arith.constant 1597463007 : i32
    %sub3A_1089 = vector.broadcast %sub3A_1088 : i32 to vector<16xi32>
    %sub3A_1090 = arith.subi %sub3A_1089, %shift_right_arithmetic3A_1087 : vector<16xi32>
    %bitcast_convert_type3A_1091 = tpu.bitcast %sub3A_1090 : vector<16xi32> -> vector<16xf32>
    %mul3A_1092 = arith.constant 5.000000e-01 : f32
    %mul3A_1093 = vector.broadcast %mul3A_1092 : f32 to vector<16xf32>
    %mul3A_1094 = arith.mulf %mul3A_1093, %get3A_1083 : vector<16xf32>
    %mul3A_1095 = arith.mulf %mul3A_1094, %bitcast_convert_type3A_1091 : vector<16xf32>
    %mul3A_1096 = arith.mulf %mul3A_1095, %bitcast_convert_type3A_1091 : vector<16xf32>
    %sub3A_1097 = arith.constant 1.500000e+00 : f32
    %sub3A_1098 = vector.broadcast %sub3A_1097 : f32 to vector<16xf32>
    %sub3A_1099 = arith.subf %sub3A_1098, %mul3A_1096 : vector<16xf32>
    %mul3A_1100 = arith.mulf %bitcast_convert_type3A_1091, %sub3A_1099 : vector<16xf32>
    %mul3A_1101 = arith.constant 5.000000e-01 : f32
    %mul3A_1102 = vector.broadcast %mul3A_1101 : f32 to vector<16xf32>
    %mul3A_1103 = arith.mulf %mul3A_1102, %get3A_1083 : vector<16xf32>
    %mul3A_1104 = arith.mulf %mul3A_1103, %mul3A_1100 : vector<16xf32>
    %mul3A_1105 = arith.mulf %mul3A_1104, %mul3A_1100 : vector<16xf32>
    %sub3A_1106 = arith.constant 1.500000e+00 : f32
    %sub3A_1107 = vector.broadcast %sub3A_1106 : f32 to vector<16xf32>
    %sub3A_1108 = arith.subf %sub3A_1107, %mul3A_1105 : vector<16xf32>
    %mul3A_1109 = arith.mulf %mul3A_1100, %sub3A_1108 : vector<16xf32>
    %mul3A_1110 = arith.constant 5.000000e-01 : f32
    %mul3A_1111 = vector.broadcast %mul3A_1110 : f32 to vector<16xf32>
    %mul3A_1112 = arith.mulf %mul3A_1111, %get3A_1083 : vector<16xf32>
    %mul3A_1113 = arith.mulf %mul3A_1112, %mul3A_1109 : vector<16xf32>
    %mul3A_1114 = arith.mulf %mul3A_1113, %mul3A_1109 : vector<16xf32>
    %sub3A_1115 = arith.constant 1.500000e+00 : f32
    %sub3A_1116 = vector.broadcast %sub3A_1115 : f32 to vector<16xf32>
    %sub3A_1117 = arith.subf %sub3A_1116, %mul3A_1114 : vector<16xf32>
    %mul3A_1118 = arith.mulf %mul3A_1109, %sub3A_1117 : vector<16xf32>
    %gt3A_1119 = arith.constant 5.000000e-01 : f32
    %gt3A_1120 = vector.broadcast %gt3A_1119 : f32 to vector<16xf32>
    %gt3A_1121 = arith.cmpf ogt, %get3A_1083, %gt3A_1120 : vector<16xf32>
    %jit3A_1122 = arith.constant 0.000000e+00 : f32
    %broadcast_in_dim3A_1123 = vector.broadcast %jit3A_1122 : f32 to vector<16xf32>
    %select_n3A_1124 = arith.select %gt3A_1121, %mul3A_1118, %broadcast_in_dim3A_1123 : vector<16xi1>, vector<16xf32>
    %swap3A_1125 = arith.constant 320 : index
    %swap3A_1126 = tpu.vector_load %arg17[%swap3A_1125] {strides = array<i32>} : memref<640xf32, #tpu.memory_space<vmem>>, vector<16xf32>,
    %swap3A_1127 = vector.shape_cast %swap3A_1126 : vector<16xf32> to vector<16xf32>
    %swap3A_1128 = vector.shape_cast %select_n3A_1124 : vector<16xf32> to vector<16xf32>
    tpu.vector_store %arg17[%swap3A_1125], %swap3A_1128 {strides = array<i32>} : memref<640xf32, #tpu.memory_space<vmem>>, vector<16xf32>,
    %get3A_1129 = arith.constant 336 : index
    %get3A_1130 = tpu.vector_load %arg17[%get3A_1129] {strides = array<i32>} : memref<640xf32, #tpu.memory_space<vmem>>, vector<16xf32>,
    %get3A_1131 = vector.shape_cast %get3A_1130 : vector<16xf32> to vector<16xf32>
    %bitcast_convert_type3A_1132 = tpu.bitcast %get3A_1131 : vector<16xf32> -> vector<16xi32>
    %shift_right_arithmetic3A_1133 = arith.constant 1 : i32
    %shift_right_arithmetic3A_1134 = vector.broadcast %shift_right_arithmetic3A_1133 : i32 to vector<16xi32>
    %shift_right_arithmetic3A_1135 = arith.shrsi %bitcast_convert_type3A_1132, %shift_right_arithmetic3A_1134 : vector<16xi32>
    %sub3A_1136 = arith.constant 1597463007 : i32
    %sub3A_1137 = vector.broadcast %sub3A_1136 : i32 to vector<16xi32>
    %sub3A_1138 = arith.subi %sub3A_1137, %shift_right_arithmetic3A_1135 : vector<16xi32>
    %bitcast_convert_type3A_1139 = tpu.bitcast %sub3A_1138 : vector<16xi32> -> vector<16xf32>
    %mul3A_1140 = arith.constant 5.000000e-01 : f32
    %mul3A_1141 = vector.broadcast %mul3A_1140 : f32 to vector<16xf32>
    %mul3A_1142 = arith.mulf %mul3A_1141, %get3A_1131 : vector<16xf32>
    %mul3A_1143 = arith.mulf %mul3A_1142, %bitcast_convert_type3A_1139 : vector<16xf32>
    %mul3A_1144 = arith.mulf %mul3A_1143, %bitcast_convert_type3A_1139 : vector<16xf32>
    %sub3A_1145 = arith.constant 1.500000e+00 : f32
    %sub3A_1146 = vector.broadcast %sub3A_1145 : f32 to vector<16xf32>
    %sub3A_1147 = arith.subf %sub3A_1146, %mul3A_1144 : vector<16xf32>
    %mul3A_1148 = arith.mulf %bitcast_convert_type3A_1139, %sub3A_1147 : vector<16xf32>
    %mul3A_1149 = arith.constant 5.000000e-01 : f32
    %mul3A_1150 = vector.broadcast %mul3A_1149 : f32 to vector<16xf32>
    %mul3A_1151 = arith.mulf %mul3A_1150, %get3A_1131 : vector<16xf32>
    %mul3A_1152 = arith.mulf %mul3A_1151, %mul3A_1148 : vector<16xf32>
    %mul3A_1153 = arith.mulf %mul3A_1152, %mul3A_1148 : vector<16xf32>
    %sub3A_1154 = arith.constant 1.500000e+00 : f32
    %sub3A_1155 = vector.broadcast %sub3A_1154 : f32 to vector<16xf32>
    %sub3A_1156 = arith.subf %sub3A_1155, %mul3A_1153 : vector<16xf32>
    %mul3A_1157 = arith.mulf %mul3A_1148, %sub3A_1156 : vector<16xf32>
    %mul3A_1158 = arith.constant 5.000000e-01 : f32
    %mul3A_1159 = vector.broadcast %mul3A_1158 : f32 to vector<16xf32>
    %mul3A_1160 = arith.mulf %mul3A_1159, %get3A_1131 : vector<16xf32>
    %mul3A_1161 = arith.mulf %mul3A_1160, %mul3A_1157 : vector<16xf32>
    %mul3A_1162 = arith.mulf %mul3A_1161, %mul3A_1157 : vector<16xf32>
    %sub3A_1163 = arith.constant 1.500000e+00 : f32
    %sub3A_1164 = vector.broadcast %sub3A_1163 : f32 to vector<16xf32>
    %sub3A_1165 = arith.subf %sub3A_1164, %mul3A_1162 : vector<16xf32>
    %mul3A_1166 = arith.mulf %mul3A_1157, %sub3A_1165 : vector<16xf32>
    %gt3A_1167 = arith.constant 5.000000e-01 : f32
    %gt3A_1168 = vector.broadcast %gt3A_1167 : f32 to vector<16xf32>
    %gt3A_1169 = arith.cmpf ogt, %get3A_1131, %gt3A_1168 : vector<16xf32>
    %jit3A_1170 = arith.constant 0.000000e+00 : f32
    %broadcast_in_dim3A_1171 = vector.broadcast %jit3A_1170 : f32 to vector<16xf32>
    %select_n3A_1172 = arith.select %gt3A_1169, %mul3A_1166, %broadcast_in_dim3A_1171 : vector<16xi1>, vector<16xf32>
    %swap3A_1173 = arith.constant 336 : index
    %swap3A_1174 = tpu.vector_load %arg17[%swap3A_1173] {strides = array<i32>} : memref<640xf32, #tpu.memory_space<vmem>>, vector<16xf32>,
    %swap3A_1175 = vector.shape_cast %swap3A_1174 : vector<16xf32> to vector<16xf32>
    %swap3A_1176 = vector.shape_cast %select_n3A_1172 : vector<16xf32> to vector<16xf32>
    tpu.vector_store %arg17[%swap3A_1173], %swap3A_1176 {strides = array<i32>} : memref<640xf32, #tpu.memory_space<vmem>>, vector<16xf32>,
    %get3A_1177 = arith.constant 352 : index
    %get3A_1178 = tpu.vector_load %arg17[%get3A_1177] {strides = array<i32>} : memref<640xf32, #tpu.memory_space<vmem>>, vector<16xf32>,
    %get3A_1179 = vector.shape_cast %get3A_1178 : vector<16xf32> to vector<16xf32>
    %bitcast_convert_type3A_1180 = tpu.bitcast %get3A_1179 : vector<16xf32> -> vector<16xi32>
    %shift_right_arithmetic3A_1181 = arith.constant 1 : i32
    %shift_right_arithmetic3A_1182 = vector.broadcast %shift_right_arithmetic3A_1181 : i32 to vector<16xi32>
    %shift_right_arithmetic3A_1183 = arith.shrsi %bitcast_convert_type3A_1180, %shift_right_arithmetic3A_1182 : vector<16xi32>
    %sub3A_1184 = arith.constant 1597463007 : i32
    %sub3A_1185 = vector.broadcast %sub3A_1184 : i32 to vector<16xi32>
    %sub3A_1186 = arith.subi %sub3A_1185, %shift_right_arithmetic3A_1183 : vector<16xi32>
    %bitcast_convert_type3A_1187 = tpu.bitcast %sub3A_1186 : vector<16xi32> -> vector<16xf32>
    %mul3A_1188 = arith.constant 5.000000e-01 : f32
    %mul3A_1189 = vector.broadcast %mul3A_1188 : f32 to vector<16xf32>
    %mul3A_1190 = arith.mulf %mul3A_1189, %get3A_1179 : vector<16xf32>
    %mul3A_1191 = arith.mulf %mul3A_1190, %bitcast_convert_type3A_1187 : vector<16xf32>
    %mul3A_1192 = arith.mulf %mul3A_1191, %bitcast_convert_type3A_1187 : vector<16xf32>
    %sub3A_1193 = arith.constant 1.500000e+00 : f32
    %sub3A_1194 = vector.broadcast %sub3A_1193 : f32 to vector<16xf32>
    %sub3A_1195 = arith.subf %sub3A_1194, %mul3A_1192 : vector<16xf32>
    %mul3A_1196 = arith.mulf %bitcast_convert_type3A_1187, %sub3A_1195 : vector<16xf32>
    %mul3A_1197 = arith.constant 5.000000e-01 : f32
    %mul3A_1198 = vector.broadcast %mul3A_1197 : f32 to vector<16xf32>
    %mul3A_1199 = arith.mulf %mul3A_1198, %get3A_1179 : vector<16xf32>
    %mul3A_1200 = arith.mulf %mul3A_1199, %mul3A_1196 : vector<16xf32>
    %mul3A_1201 = arith.mulf %mul3A_1200, %mul3A_1196 : vector<16xf32>
    %sub3A_1202 = arith.constant 1.500000e+00 : f32
    %sub3A_1203 = vector.broadcast %sub3A_1202 : f32 to vector<16xf32>
    %sub3A_1204 = arith.subf %sub3A_1203, %mul3A_1201 : vector<16xf32>
    %mul3A_1205 = arith.mulf %mul3A_1196, %sub3A_1204 : vector<16xf32>
    %mul3A_1206 = arith.constant 5.000000e-01 : f32
    %mul3A_1207 = vector.broadcast %mul3A_1206 : f32 to vector<16xf32>
    %mul3A_1208 = arith.mulf %mul3A_1207, %get3A_1179 : vector<16xf32>
    %mul3A_1209 = arith.mulf %mul3A_1208, %mul3A_1205 : vector<16xf32>
    %mul3A_1210 = arith.mulf %mul3A_1209, %mul3A_1205 : vector<16xf32>
    %sub3A_1211 = arith.constant 1.500000e+00 : f32
    %sub3A_1212 = vector.broadcast %sub3A_1211 : f32 to vector<16xf32>
    %sub3A_1213 = arith.subf %sub3A_1212, %mul3A_1210 : vector<16xf32>
    %mul3A_1214 = arith.mulf %mul3A_1205, %sub3A_1213 : vector<16xf32>
    %gt3A_1215 = arith.constant 5.000000e-01 : f32
    %gt3A_1216 = vector.broadcast %gt3A_1215 : f32 to vector<16xf32>
    %gt3A_1217 = arith.cmpf ogt, %get3A_1179, %gt3A_1216 : vector<16xf32>
    %jit3A_1218 = arith.constant 0.000000e+00 : f32
    %broadcast_in_dim3A_1219 = vector.broadcast %jit3A_1218 : f32 to vector<16xf32>
    %select_n3A_1220 = arith.select %gt3A_1217, %mul3A_1214, %broadcast_in_dim3A_1219 : vector<16xi1>, vector<16xf32>
    %swap3A_1221 = arith.constant 352 : index
    %swap3A_1222 = tpu.vector_load %arg17[%swap3A_1221] {strides = array<i32>} : memref<640xf32, #tpu.memory_space<vmem>>, vector<16xf32>,
    %swap3A_1223 = vector.shape_cast %swap3A_1222 : vector<16xf32> to vector<16xf32>
    %swap3A_1224 = vector.shape_cast %select_n3A_1220 : vector<16xf32> to vector<16xf32>
    tpu.vector_store %arg17[%swap3A_1221], %swap3A_1224 {strides = array<i32>} : memref<640xf32, #tpu.memory_space<vmem>>, vector<16xf32>,
    %get3A_1225 = arith.constant 368 : index
    %get3A_1226 = tpu.vector_load %arg17[%get3A_1225] {strides = array<i32>} : memref<640xf32, #tpu.memory_space<vmem>>, vector<16xf32>,
    %get3A_1227 = vector.shape_cast %get3A_1226 : vector<16xf32> to vector<16xf32>
    %bitcast_convert_type3A_1228 = tpu.bitcast %get3A_1227 : vector<16xf32> -> vector<16xi32>
    %shift_right_arithmetic3A_1229 = arith.constant 1 : i32
    %shift_right_arithmetic3A_1230 = vector.broadcast %shift_right_arithmetic3A_1229 : i32 to vector<16xi32>
    %shift_right_arithmetic3A_1231 = arith.shrsi %bitcast_convert_type3A_1228, %shift_right_arithmetic3A_1230 : vector<16xi32>
    %sub3A_1232 = arith.constant 1597463007 : i32
    %sub3A_1233 = vector.broadcast %sub3A_1232 : i32 to vector<16xi32>
    %sub3A_1234 = arith.subi %sub3A_1233, %shift_right_arithmetic3A_1231 : vector<16xi32>
    %bitcast_convert_type3A_1235 = tpu.bitcast %sub3A_1234 : vector<16xi32> -> vector<16xf32>
    %mul3A_1236 = arith.constant 5.000000e-01 : f32
    %mul3A_1237 = vector.broadcast %mul3A_1236 : f32 to vector<16xf32>
    %mul3A_1238 = arith.mulf %mul3A_1237, %get3A_1227 : vector<16xf32>
    %mul3A_1239 = arith.mulf %mul3A_1238, %bitcast_convert_type3A_1235 : vector<16xf32>
    %mul3A_1240 = arith.mulf %mul3A_1239, %bitcast_convert_type3A_1235 : vector<16xf32>
    %sub3A_1241 = arith.constant 1.500000e+00 : f32
    %sub3A_1242 = vector.broadcast %sub3A_1241 : f32 to vector<16xf32>
    %sub3A_1243 = arith.subf %sub3A_1242, %mul3A_1240 : vector<16xf32>
    %mul3A_1244 = arith.mulf %bitcast_convert_type3A_1235, %sub3A_1243 : vector<16xf32>
    %mul3A_1245 = arith.constant 5.000000e-01 : f32
    %mul3A_1246 = vector.broadcast %mul3A_1245 : f32 to vector<16xf32>
    %mul3A_1247 = arith.mulf %mul3A_1246, %get3A_1227 : vector<16xf32>
    %mul3A_1248 = arith.mulf %mul3A_1247, %mul3A_1244 : vector<16xf32>
    %mul3A_1249 = arith.mulf %mul3A_1248, %mul3A_1244 : vector<16xf32>
    %sub3A_1250 = arith.constant 1.500000e+00 : f32
    %sub3A_1251 = vector.broadcast %sub3A_1250 : f32 to vector<16xf32>
    %sub3A_1252 = arith.subf %sub3A_1251, %mul3A_1249 : vector<16xf32>
    %mul3A_1253 = arith.mulf %mul3A_1244, %sub3A_1252 : vector<16xf32>
    %mul3A_1254 = arith.constant 5.000000e-01 : f32
    %mul3A_1255 = vector.broadcast %mul3A_1254 : f32 to vector<16xf32>
    %mul3A_1256 = arith.mulf %mul3A_1255, %get3A_1227 : vector<16xf32>
    %mul3A_1257 = arith.mulf %mul3A_1256, %mul3A_1253 : vector<16xf32>
    %mul3A_1258 = arith.mulf %mul3A_1257, %mul3A_1253 : vector<16xf32>
    %sub3A_1259 = arith.constant 1.500000e+00 : f32
    %sub3A_1260 = vector.broadcast %sub3A_1259 : f32 to vector<16xf32>
    %sub3A_1261 = arith.subf %sub3A_1260, %mul3A_1258 : vector<16xf32>
    %mul3A_1262 = arith.mulf %mul3A_1253, %sub3A_1261 : vector<16xf32>
    %gt3A_1263 = arith.constant 5.000000e-01 : f32
    %gt3A_1264 = vector.broadcast %gt3A_1263 : f32 to vector<16xf32>
    %gt3A_1265 = arith.cmpf ogt, %get3A_1227, %gt3A_1264 : vector<16xf32>
    %jit3A_1266 = arith.constant 0.000000e+00 : f32
    %broadcast_in_dim3A_1267 = vector.broadcast %jit3A_1266 : f32 to vector<16xf32>
    %select_n3A_1268 = arith.select %gt3A_1265, %mul3A_1262, %broadcast_in_dim3A_1267 : vector<16xi1>, vector<16xf32>
    %swap3A_1269 = arith.constant 368 : index
    %swap3A_1270 = tpu.vector_load %arg17[%swap3A_1269] {strides = array<i32>} : memref<640xf32, #tpu.memory_space<vmem>>, vector<16xf32>,
    %swap3A_1271 = vector.shape_cast %swap3A_1270 : vector<16xf32> to vector<16xf32>
    %swap3A_1272 = vector.shape_cast %select_n3A_1268 : vector<16xf32> to vector<16xf32>
    tpu.vector_store %arg17[%swap3A_1269], %swap3A_1272 {strides = array<i32>} : memref<640xf32, #tpu.memory_space<vmem>>, vector<16xf32>,
    %get3A_1273 = arith.constant 384 : index
    %get3A_1274 = tpu.vector_load %arg17[%get3A_1273] {strides = array<i32>} : memref<640xf32, #tpu.memory_space<vmem>>, vector<16xf32>,
    %get3A_1275 = vector.shape_cast %get3A_1274 : vector<16xf32> to vector<16xf32>
    %bitcast_convert_type3A_1276 = tpu.bitcast %get3A_1275 : vector<16xf32> -> vector<16xi32>
    %shift_right_arithmetic3A_1277 = arith.constant 1 : i32
    %shift_right_arithmetic3A_1278 = vector.broadcast %shift_right_arithmetic3A_1277 : i32 to vector<16xi32>
    %shift_right_arithmetic3A_1279 = arith.shrsi %bitcast_convert_type3A_1276, %shift_right_arithmetic3A_1278 : vector<16xi32>
    %sub3A_1280 = arith.constant 1597463007 : i32
    %sub3A_1281 = vector.broadcast %sub3A_1280 : i32 to vector<16xi32>
    %sub3A_1282 = arith.subi %sub3A_1281, %shift_right_arithmetic3A_1279 : vector<16xi32>
    %bitcast_convert_type3A_1283 = tpu.bitcast %sub3A_1282 : vector<16xi32> -> vector<16xf32>
    %mul3A_1284 = arith.constant 5.000000e-01 : f32
    %mul3A_1285 = vector.broadcast %mul3A_1284 : f32 to vector<16xf32>
    %mul3A_1286 = arith.mulf %mul3A_1285, %get3A_1275 : vector<16xf32>
    %mul3A_1287 = arith.mulf %mul3A_1286, %bitcast_convert_type3A_1283 : vector<16xf32>
    %mul3A_1288 = arith.mulf %mul3A_1287, %bitcast_convert_type3A_1283 : vector<16xf32>
    %sub3A_1289 = arith.constant 1.500000e+00 : f32
    %sub3A_1290 = vector.broadcast %sub3A_1289 : f32 to vector<16xf32>
    %sub3A_1291 = arith.subf %sub3A_1290, %mul3A_1288 : vector<16xf32>
    %mul3A_1292 = arith.mulf %bitcast_convert_type3A_1283, %sub3A_1291 : vector<16xf32>
    %mul3A_1293 = arith.constant 5.000000e-01 : f32
    %mul3A_1294 = vector.broadcast %mul3A_1293 : f32 to vector<16xf32>
    %mul3A_1295 = arith.mulf %mul3A_1294, %get3A_1275 : vector<16xf32>
    %mul3A_1296 = arith.mulf %mul3A_1295, %mul3A_1292 : vector<16xf32>
    %mul3A_1297 = arith.mulf %mul3A_1296, %mul3A_1292 : vector<16xf32>
    %sub3A_1298 = arith.constant 1.500000e+00 : f32
    %sub3A_1299 = vector.broadcast %sub3A_1298 : f32 to vector<16xf32>
    %sub3A_1300 = arith.subf %sub3A_1299, %mul3A_1297 : vector<16xf32>
    %mul3A_1301 = arith.mulf %mul3A_1292, %sub3A_1300 : vector<16xf32>
    %mul3A_1302 = arith.constant 5.000000e-01 : f32
    %mul3A_1303 = vector.broadcast %mul3A_1302 : f32 to vector<16xf32>
    %mul3A_1304 = arith.mulf %mul3A_1303, %get3A_1275 : vector<16xf32>
    %mul3A_1305 = arith.mulf %mul3A_1304, %mul3A_1301 : vector<16xf32>
    %mul3A_1306 = arith.mulf %mul3A_1305, %mul3A_1301 : vector<16xf32>
    %sub3A_1307 = arith.constant 1.500000e+00 : f32
    %sub3A_1308 = vector.broadcast %sub3A_1307 : f32 to vector<16xf32>
    %sub3A_1309 = arith.subf %sub3A_1308, %mul3A_1306 : vector<16xf32>
    %mul3A_1310 = arith.mulf %mul3A_1301, %sub3A_1309 : vector<16xf32>
    %gt3A_1311 = arith.constant 5.000000e-01 : f32
    %gt3A_1312 = vector.broadcast %gt3A_1311 : f32 to vector<16xf32>
    %gt3A_1313 = arith.cmpf ogt, %get3A_1275, %gt3A_1312 : vector<16xf32>
    %jit3A_1314 = arith.constant 0.000000e+00 : f32
    %broadcast_in_dim3A_1315 = vector.broadcast %jit3A_1314 : f32 to vector<16xf32>
    %select_n3A_1316 = arith.select %gt3A_1313, %mul3A_1310, %broadcast_in_dim3A_1315 : vector<16xi1>, vector<16xf32>
    %swap3A_1317 = arith.constant 384 : index
    %swap3A_1318 = tpu.vector_load %arg17[%swap3A_1317] {strides = array<i32>} : memref<640xf32, #tpu.memory_space<vmem>>, vector<16xf32>,
    %swap3A_1319 = vector.shape_cast %swap3A_1318 : vector<16xf32> to vector<16xf32>
    %swap3A_1320 = vector.shape_cast %select_n3A_1316 : vector<16xf32> to vector<16xf32>
    tpu.vector_store %arg17[%swap3A_1317], %swap3A_1320 {strides = array<i32>} : memref<640xf32, #tpu.memory_space<vmem>>, vector<16xf32>,
    %get3A_1321 = arith.constant 400 : index
    %get3A_1322 = tpu.vector_load %arg17[%get3A_1321] {strides = array<i32>} : memref<640xf32, #tpu.memory_space<vmem>>, vector<16xf32>,
    %get3A_1323 = vector.shape_cast %get3A_1322 : vector<16xf32> to vector<16xf32>
    %bitcast_convert_type3A_1324 = tpu.bitcast %get3A_1323 : vector<16xf32> -> vector<16xi32>
    %shift_right_arithmetic3A_1325 = arith.constant 1 : i32
    %shift_right_arithmetic3A_1326 = vector.broadcast %shift_right_arithmetic3A_1325 : i32 to vector<16xi32>
    %shift_right_arithmetic3A_1327 = arith.shrsi %bitcast_convert_type3A_1324, %shift_right_arithmetic3A_1326 : vector<16xi32>
    %sub3A_1328 = arith.constant 1597463007 : i32
    %sub3A_1329 = vector.broadcast %sub3A_1328 : i32 to vector<16xi32>
    %sub3A_1330 = arith.subi %sub3A_1329, %shift_right_arithmetic3A_1327 : vector<16xi32>
    %bitcast_convert_type3A_1331 = tpu.bitcast %sub3A_1330 : vector<16xi32> -> vector<16xf32>
    %mul3A_1332 = arith.constant 5.000000e-01 : f32
    %mul3A_1333 = vector.broadcast %mul3A_1332 : f32 to vector<16xf32>
    %mul3A_1334 = arith.mulf %mul3A_1333, %get3A_1323 : vector<16xf32>
    %mul3A_1335 = arith.mulf %mul3A_1334, %bitcast_convert_type3A_1331 : vector<16xf32>
    %mul3A_1336 = arith.mulf %mul3A_1335, %bitcast_convert_type3A_1331 : vector<16xf32>
    %sub3A_1337 = arith.constant 1.500000e+00 : f32
    %sub3A_1338 = vector.broadcast %sub3A_1337 : f32 to vector<16xf32>
    %sub3A_1339 = arith.subf %sub3A_1338, %mul3A_1336 : vector<16xf32>
    %mul3A_1340 = arith.mulf %bitcast_convert_type3A_1331, %sub3A_1339 : vector<16xf32>
    %mul3A_1341 = arith.constant 5.000000e-01 : f32
    %mul3A_1342 = vector.broadcast %mul3A_1341 : f32 to vector<16xf32>
    %mul3A_1343 = arith.mulf %mul3A_1342, %get3A_1323 : vector<16xf32>
    %mul3A_1344 = arith.mulf %mul3A_1343, %mul3A_1340 : vector<16xf32>
    %mul3A_1345 = arith.mulf %mul3A_1344, %mul3A_1340 : vector<16xf32>
    %sub3A_1346 = arith.constant 1.500000e+00 : f32
    %sub3A_1347 = vector.broadcast %sub3A_1346 : f32 to vector<16xf32>
    %sub3A_1348 = arith.subf %sub3A_1347, %mul3A_1345 : vector<16xf32>
    %mul3A_1349 = arith.mulf %mul3A_1340, %sub3A_1348 : vector<16xf32>
    %mul3A_1350 = arith.constant 5.000000e-01 : f32
    %mul3A_1351 = vector.broadcast %mul3A_1350 : f32 to vector<16xf32>
    %mul3A_1352 = arith.mulf %mul3A_1351, %get3A_1323 : vector<16xf32>
    %mul3A_1353 = arith.mulf %mul3A_1352, %mul3A_1349 : vector<16xf32>
    %mul3A_1354 = arith.mulf %mul3A_1353, %mul3A_1349 : vector<16xf32>
    %sub3A_1355 = arith.constant 1.500000e+00 : f32
    %sub3A_1356 = vector.broadcast %sub3A_1355 : f32 to vector<16xf32>
    %sub3A_1357 = arith.subf %sub3A_1356, %mul3A_1354 : vector<16xf32>
    %mul3A_1358 = arith.mulf %mul3A_1349, %sub3A_1357 : vector<16xf32>
    %gt3A_1359 = arith.constant 5.000000e-01 : f32
    %gt3A_1360 = vector.broadcast %gt3A_1359 : f32 to vector<16xf32>
    %gt3A_1361 = arith.cmpf ogt, %get3A_1323, %gt3A_1360 : vector<16xf32>
    %jit3A_1362 = arith.constant 0.000000e+00 : f32
    %broadcast_in_dim3A_1363 = vector.broadcast %jit3A_1362 : f32 to vector<16xf32>
    %select_n3A_1364 = arith.select %gt3A_1361, %mul3A_1358, %broadcast_in_dim3A_1363 : vector<16xi1>, vector<16xf32>
    %swap3A_1365 = arith.constant 400 : index
    %swap3A_1366 = tpu.vector_load %arg17[%swap3A_1365] {strides = array<i32>} : memref<640xf32, #tpu.memory_space<vmem>>, vector<16xf32>,
    %swap3A_1367 = vector.shape_cast %swap3A_1366 : vector<16xf32> to vector<16xf32>
    %swap3A_1368 = vector.shape_cast %select_n3A_1364 : vector<16xf32> to vector<16xf32>
    tpu.vector_store %arg17[%swap3A_1365], %swap3A_1368 {strides = array<i32>} : memref<640xf32, #tpu.memory_space<vmem>>, vector<16xf32>,
    %get3A_1369 = arith.constant 416 : index
    %get3A_1370 = tpu.vector_load %arg17[%get3A_1369] {strides = array<i32>} : memref<640xf32, #tpu.memory_space<vmem>>, vector<16xf32>,
    %get3A_1371 = vector.shape_cast %get3A_1370 : vector<16xf32> to vector<16xf32>
    %bitcast_convert_type3A_1372 = tpu.bitcast %get3A_1371 : vector<16xf32> -> vector<16xi32>
    %shift_right_arithmetic3A_1373 = arith.constant 1 : i32
    %shift_right_arithmetic3A_1374 = vector.broadcast %shift_right_arithmetic3A_1373 : i32 to vector<16xi32>
    %shift_right_arithmetic3A_1375 = arith.shrsi %bitcast_convert_type3A_1372, %shift_right_arithmetic3A_1374 : vector<16xi32>
    %sub3A_1376 = arith.constant 1597463007 : i32
    %sub3A_1377 = vector.broadcast %sub3A_1376 : i32 to vector<16xi32>
    %sub3A_1378 = arith.subi %sub3A_1377, %shift_right_arithmetic3A_1375 : vector<16xi32>
    %bitcast_convert_type3A_1379 = tpu.bitcast %sub3A_1378 : vector<16xi32> -> vector<16xf32>
    %mul3A_1380 = arith.constant 5.000000e-01 : f32
    %mul3A_1381 = vector.broadcast %mul3A_1380 : f32 to vector<16xf32>
    %mul3A_1382 = arith.mulf %mul3A_1381, %get3A_1371 : vector<16xf32>
    %mul3A_1383 = arith.mulf %mul3A_1382, %bitcast_convert_type3A_1379 : vector<16xf32>
    %mul3A_1384 = arith.mulf %mul3A_1383, %bitcast_convert_type3A_1379 : vector<16xf32>
    %sub3A_1385 = arith.constant 1.500000e+00 : f32
    %sub3A_1386 = vector.broadcast %sub3A_1385 : f32 to vector<16xf32>
    %sub3A_1387 = arith.subf %sub3A_1386, %mul3A_1384 : vector<16xf32>
    %mul3A_1388 = arith.mulf %bitcast_convert_type3A_1379, %sub3A_1387 : vector<16xf32>
    %mul3A_1389 = arith.constant 5.000000e-01 : f32
    %mul3A_1390 = vector.broadcast %mul3A_1389 : f32 to vector<16xf32>
    %mul3A_1391 = arith.mulf %mul3A_1390, %get3A_1371 : vector<16xf32>
    %mul3A_1392 = arith.mulf %mul3A_1391, %mul3A_1388 : vector<16xf32>
    %mul3A_1393 = arith.mulf %mul3A_1392, %mul3A_1388 : vector<16xf32>
    %sub3A_1394 = arith.constant 1.500000e+00 : f32
    %sub3A_1395 = vector.broadcast %sub3A_1394 : f32 to vector<16xf32>
    %sub3A_1396 = arith.subf %sub3A_1395, %mul3A_1393 : vector<16xf32>
    %mul3A_1397 = arith.mulf %mul3A_1388, %sub3A_1396 : vector<16xf32>
    %mul3A_1398 = arith.constant 5.000000e-01 : f32
    %mul3A_1399 = vector.broadcast %mul3A_1398 : f32 to vector<16xf32>
    %mul3A_1400 = arith.mulf %mul3A_1399, %get3A_1371 : vector<16xf32>
    %mul3A_1401 = arith.mulf %mul3A_1400, %mul3A_1397 : vector<16xf32>
    %mul3A_1402 = arith.mulf %mul3A_1401, %mul3A_1397 : vector<16xf32>
    %sub3A_1403 = arith.constant 1.500000e+00 : f32
    %sub3A_1404 = vector.broadcast %sub3A_1403 : f32 to vector<16xf32>
    %sub3A_1405 = arith.subf %sub3A_1404, %mul3A_1402 : vector<16xf32>
    %mul3A_1406 = arith.mulf %mul3A_1397, %sub3A_1405 : vector<16xf32>
    %gt3A_1407 = arith.constant 5.000000e-01 : f32
    %gt3A_1408 = vector.broadcast %gt3A_1407 : f32 to vector<16xf32>
    %gt3A_1409 = arith.cmpf ogt, %get3A_1371, %gt3A_1408 : vector<16xf32>
    %jit3A_1410 = arith.constant 0.000000e+00 : f32
    %broadcast_in_dim3A_1411 = vector.broadcast %jit3A_1410 : f32 to vector<16xf32>
    %select_n3A_1412 = arith.select %gt3A_1409, %mul3A_1406, %broadcast_in_dim3A_1411 : vector<16xi1>, vector<16xf32>
    %swap3A_1413 = arith.constant 416 : index
    %swap3A_1414 = tpu.vector_load %arg17[%swap3A_1413] {strides = array<i32>} : memref<640xf32, #tpu.memory_space<vmem>>, vector<16xf32>,
    %swap3A_1415 = vector.shape_cast %swap3A_1414 : vector<16xf32> to vector<16xf32>
    %swap3A_1416 = vector.shape_cast %select_n3A_1412 : vector<16xf32> to vector<16xf32>
    tpu.vector_store %arg17[%swap3A_1413], %swap3A_1416 {strides = array<i32>} : memref<640xf32, #tpu.memory_space<vmem>>, vector<16xf32>,
    %get3A_1417 = arith.constant 432 : index
    %get3A_1418 = tpu.vector_load %arg17[%get3A_1417] {strides = array<i32>} : memref<640xf32, #tpu.memory_space<vmem>>, vector<16xf32>,
    %get3A_1419 = vector.shape_cast %get3A_1418 : vector<16xf32> to vector<16xf32>
    %bitcast_convert_type3A_1420 = tpu.bitcast %get3A_1419 : vector<16xf32> -> vector<16xi32>
    %shift_right_arithmetic3A_1421 = arith.constant 1 : i32
    %shift_right_arithmetic3A_1422 = vector.broadcast %shift_right_arithmetic3A_1421 : i32 to vector<16xi32>
    %shift_right_arithmetic3A_1423 = arith.shrsi %bitcast_convert_type3A_1420, %shift_right_arithmetic3A_1422 : vector<16xi32>
    %sub3A_1424 = arith.constant 1597463007 : i32
    %sub3A_1425 = vector.broadcast %sub3A_1424 : i32 to vector<16xi32>
    %sub3A_1426 = arith.subi %sub3A_1425, %shift_right_arithmetic3A_1423 : vector<16xi32>
    %bitcast_convert_type3A_1427 = tpu.bitcast %sub3A_1426 : vector<16xi32> -> vector<16xf32>
    %mul3A_1428 = arith.constant 5.000000e-01 : f32
    %mul3A_1429 = vector.broadcast %mul3A_1428 : f32 to vector<16xf32>
    %mul3A_1430 = arith.mulf %mul3A_1429, %get3A_1419 : vector<16xf32>
    %mul3A_1431 = arith.mulf %mul3A_1430, %bitcast_convert_type3A_1427 : vector<16xf32>
    %mul3A_1432 = arith.mulf %mul3A_1431, %bitcast_convert_type3A_1427 : vector<16xf32>
    %sub3A_1433 = arith.constant 1.500000e+00 : f32
    %sub3A_1434 = vector.broadcast %sub3A_1433 : f32 to vector<16xf32>
    %sub3A_1435 = arith.subf %sub3A_1434, %mul3A_1432 : vector<16xf32>
    %mul3A_1436 = arith.mulf %bitcast_convert_type3A_1427, %sub3A_1435 : vector<16xf32>
    %mul3A_1437 = arith.constant 5.000000e-01 : f32
    %mul3A_1438 = vector.broadcast %mul3A_1437 : f32 to vector<16xf32>
    %mul3A_1439 = arith.mulf %mul3A_1438, %get3A_1419 : vector<16xf32>
    %mul3A_1440 = arith.mulf %mul3A_1439, %mul3A_1436 : vector<16xf32>
    %mul3A_1441 = arith.mulf %mul3A_1440, %mul3A_1436 : vector<16xf32>
    %sub3A_1442 = arith.constant 1.500000e+00 : f32
    %sub3A_1443 = vector.broadcast %sub3A_1442 : f32 to vector<16xf32>
    %sub3A_1444 = arith.subf %sub3A_1443, %mul3A_1441 : vector<16xf32>
    %mul3A_1445 = arith.mulf %mul3A_1436, %sub3A_1444 : vector<16xf32>
    %mul3A_1446 = arith.constant 5.000000e-01 : f32
    %mul3A_1447 = vector.broadcast %mul3A_1446 : f32 to vector<16xf32>
    %mul3A_1448 = arith.mulf %mul3A_1447, %get3A_1419 : vector<16xf32>
    %mul3A_1449 = arith.mulf %mul3A_1448, %mul3A_1445 : vector<16xf32>
    %mul3A_1450 = arith.mulf %mul3A_1449, %mul3A_1445 : vector<16xf32>
    %sub3A_1451 = arith.constant 1.500000e+00 : f32
    %sub3A_1452 = vector.broadcast %sub3A_1451 : f32 to vector<16xf32>
    %sub3A_1453 = arith.subf %sub3A_1452, %mul3A_1450 : vector<16xf32>
    %mul3A_1454 = arith.mulf %mul3A_1445, %sub3A_1453 : vector<16xf32>
    %gt3A_1455 = arith.constant 5.000000e-01 : f32
    %gt3A_1456 = vector.broadcast %gt3A_1455 : f32 to vector<16xf32>
    %gt3A_1457 = arith.cmpf ogt, %get3A_1419, %gt3A_1456 : vector<16xf32>
    %jit3A_1458 = arith.constant 0.000000e+00 : f32
    %broadcast_in_dim3A_1459 = vector.broadcast %jit3A_1458 : f32 to vector<16xf32>
    %select_n3A_1460 = arith.select %gt3A_1457, %mul3A_1454, %broadcast_in_dim3A_1459 : vector<16xi1>, vector<16xf32>
    %swap3A_1461 = arith.constant 432 : index
    %swap3A_1462 = tpu.vector_load %arg17[%swap3A_1461] {strides = array<i32>} : memref<640xf32, #tpu.memory_space<vmem>>, vector<16xf32>,
    %swap3A_1463 = vector.shape_cast %swap3A_1462 : vector<16xf32> to vector<16xf32>
    %swap3A_1464 = vector.shape_cast %select_n3A_1460 : vector<16xf32> to vector<16xf32>
    tpu.vector_store %arg17[%swap3A_1461], %swap3A_1464 {strides = array<i32>} : memref<640xf32, #tpu.memory_space<vmem>>, vector<16xf32>,
    %get3A_1465 = arith.constant 448 : index
    %get3A_1466 = tpu.vector_load %arg17[%get3A_1465] {strides = array<i32>} : memref<640xf32, #tpu.memory_space<vmem>>, vector<16xf32>,
    %get3A_1467 = vector.shape_cast %get3A_1466 : vector<16xf32> to vector<16xf32>
    %bitcast_convert_type3A_1468 = tpu.bitcast %get3A_1467 : vector<16xf32> -> vector<16xi32>
    %shift_right_arithmetic3A_1469 = arith.constant 1 : i32
    %shift_right_arithmetic3A_1470 = vector.broadcast %shift_right_arithmetic3A_1469 : i32 to vector<16xi32>
    %shift_right_arithmetic3A_1471 = arith.shrsi %bitcast_convert_type3A_1468, %shift_right_arithmetic3A_1470 : vector<16xi32>
    %sub3A_1472 = arith.constant 1597463007 : i32
    %sub3A_1473 = vector.broadcast %sub3A_1472 : i32 to vector<16xi32>
    %sub3A_1474 = arith.subi %sub3A_1473, %shift_right_arithmetic3A_1471 : vector<16xi32>
    %bitcast_convert_type3A_1475 = tpu.bitcast %sub3A_1474 : vector<16xi32> -> vector<16xf32>
    %mul3A_1476 = arith.constant 5.000000e-01 : f32
    %mul3A_1477 = vector.broadcast %mul3A_1476 : f32 to vector<16xf32>
    %mul3A_1478 = arith.mulf %mul3A_1477, %get3A_1467 : vector<16xf32>
    %mul3A_1479 = arith.mulf %mul3A_1478, %bitcast_convert_type3A_1475 : vector<16xf32>
    %mul3A_1480 = arith.mulf %mul3A_1479, %bitcast_convert_type3A_1475 : vector<16xf32>
    %sub3A_1481 = arith.constant 1.500000e+00 : f32
    %sub3A_1482 = vector.broadcast %sub3A_1481 : f32 to vector<16xf32>
    %sub3A_1483 = arith.subf %sub3A_1482, %mul3A_1480 : vector<16xf32>
    %mul3A_1484 = arith.mulf %bitcast_convert_type3A_1475, %sub3A_1483 : vector<16xf32>
    %mul3A_1485 = arith.constant 5.000000e-01 : f32
    %mul3A_1486 = vector.broadcast %mul3A_1485 : f32 to vector<16xf32>
    %mul3A_1487 = arith.mulf %mul3A_1486, %get3A_1467 : vector<16xf32>
    %mul3A_1488 = arith.mulf %mul3A_1487, %mul3A_1484 : vector<16xf32>
    %mul3A_1489 = arith.mulf %mul3A_1488, %mul3A_1484 : vector<16xf32>
    %sub3A_1490 = arith.constant 1.500000e+00 : f32
    %sub3A_1491 = vector.broadcast %sub3A_1490 : f32 to vector<16xf32>
    %sub3A_1492 = arith.subf %sub3A_1491, %mul3A_1489 : vector<16xf32>
    %mul3A_1493 = arith.mulf %mul3A_1484, %sub3A_1492 : vector<16xf32>
    %mul3A_1494 = arith.constant 5.000000e-01 : f32
    %mul3A_1495 = vector.broadcast %mul3A_1494 : f32 to vector<16xf32>
    %mul3A_1496 = arith.mulf %mul3A_1495, %get3A_1467 : vector<16xf32>
    %mul3A_1497 = arith.mulf %mul3A_1496, %mul3A_1493 : vector<16xf32>
    %mul3A_1498 = arith.mulf %mul3A_1497, %mul3A_1493 : vector<16xf32>
    %sub3A_1499 = arith.constant 1.500000e+00 : f32
    %sub3A_1500 = vector.broadcast %sub3A_1499 : f32 to vector<16xf32>
    %sub3A_1501 = arith.subf %sub3A_1500, %mul3A_1498 : vector<16xf32>
    %mul3A_1502 = arith.mulf %mul3A_1493, %sub3A_1501 : vector<16xf32>
    %gt3A_1503 = arith.constant 5.000000e-01 : f32
    %gt3A_1504 = vector.broadcast %gt3A_1503 : f32 to vector<16xf32>
    %gt3A_1505 = arith.cmpf ogt, %get3A_1467, %gt3A_1504 : vector<16xf32>
    %jit3A_1506 = arith.constant 0.000000e+00 : f32
    %broadcast_in_dim3A_1507 = vector.broadcast %jit3A_1506 : f32 to vector<16xf32>
    %select_n3A_1508 = arith.select %gt3A_1505, %mul3A_1502, %broadcast_in_dim3A_1507 : vector<16xi1>, vector<16xf32>
    %swap3A_1509 = arith.constant 448 : index
    %swap3A_1510 = tpu.vector_load %arg17[%swap3A_1509] {strides = array<i32>} : memref<640xf32, #tpu.memory_space<vmem>>, vector<16xf32>,
    %swap3A_1511 = vector.shape_cast %swap3A_1510 : vector<16xf32> to vector<16xf32>
    %swap3A_1512 = vector.shape_cast %select_n3A_1508 : vector<16xf32> to vector<16xf32>
    tpu.vector_store %arg17[%swap3A_1509], %swap3A_1512 {strides = array<i32>} : memref<640xf32, #tpu.memory_space<vmem>>, vector<16xf32>,
    %get3A_1513 = arith.constant 464 : index
    %get3A_1514 = tpu.vector_load %arg17[%get3A_1513] {strides = array<i32>} : memref<640xf32, #tpu.memory_space<vmem>>, vector<16xf32>,
    %get3A_1515 = vector.shape_cast %get3A_1514 : vector<16xf32> to vector<16xf32>
    %bitcast_convert_type3A_1516 = tpu.bitcast %get3A_1515 : vector<16xf32> -> vector<16xi32>
    %shift_right_arithmetic3A_1517 = arith.constant 1 : i32
    %shift_right_arithmetic3A_1518 = vector.broadcast %shift_right_arithmetic3A_1517 : i32 to vector<16xi32>
    %shift_right_arithmetic3A_1519 = arith.shrsi %bitcast_convert_type3A_1516, %shift_right_arithmetic3A_1518 : vector<16xi32>
    %sub3A_1520 = arith.constant 1597463007 : i32
    %sub3A_1521 = vector.broadcast %sub3A_1520 : i32 to vector<16xi32>
    %sub3A_1522 = arith.subi %sub3A_1521, %shift_right_arithmetic3A_1519 : vector<16xi32>
    %bitcast_convert_type3A_1523 = tpu.bitcast %sub3A_1522 : vector<16xi32> -> vector<16xf32>
    %mul3A_1524 = arith.constant 5.000000e-01 : f32
    %mul3A_1525 = vector.broadcast %mul3A_1524 : f32 to vector<16xf32>
    %mul3A_1526 = arith.mulf %mul3A_1525, %get3A_1515 : vector<16xf32>
    %mul3A_1527 = arith.mulf %mul3A_1526, %bitcast_convert_type3A_1523 : vector<16xf32>
    %mul3A_1528 = arith.mulf %mul3A_1527, %bitcast_convert_type3A_1523 : vector<16xf32>
    %sub3A_1529 = arith.constant 1.500000e+00 : f32
    %sub3A_1530 = vector.broadcast %sub3A_1529 : f32 to vector<16xf32>
    %sub3A_1531 = arith.subf %sub3A_1530, %mul3A_1528 : vector<16xf32>
    %mul3A_1532 = arith.mulf %bitcast_convert_type3A_1523, %sub3A_1531 : vector<16xf32>
    %mul3A_1533 = arith.constant 5.000000e-01 : f32
    %mul3A_1534 = vector.broadcast %mul3A_1533 : f32 to vector<16xf32>
    %mul3A_1535 = arith.mulf %mul3A_1534, %get3A_1515 : vector<16xf32>
    %mul3A_1536 = arith.mulf %mul3A_1535, %mul3A_1532 : vector<16xf32>
    %mul3A_1537 = arith.mulf %mul3A_1536, %mul3A_1532 : vector<16xf32>
    %sub3A_1538 = arith.constant 1.500000e+00 : f32
    %sub3A_1539 = vector.broadcast %sub3A_1538 : f32 to vector<16xf32>
    %sub3A_1540 = arith.subf %sub3A_1539, %mul3A_1537 : vector<16xf32>
    %mul3A_1541 = arith.mulf %mul3A_1532, %sub3A_1540 : vector<16xf32>
    %mul3A_1542 = arith.constant 5.000000e-01 : f32
    %mul3A_1543 = vector.broadcast %mul3A_1542 : f32 to vector<16xf32>
    %mul3A_1544 = arith.mulf %mul3A_1543, %get3A_1515 : vector<16xf32>
    %mul3A_1545 = arith.mulf %mul3A_1544, %mul3A_1541 : vector<16xf32>
    %mul3A_1546 = arith.mulf %mul3A_1545, %mul3A_1541 : vector<16xf32>
    %sub3A_1547 = arith.constant 1.500000e+00 : f32
    %sub3A_1548 = vector.broadcast %sub3A_1547 : f32 to vector<16xf32>
    %sub3A_1549 = arith.subf %sub3A_1548, %mul3A_1546 : vector<16xf32>
    %mul3A_1550 = arith.mulf %mul3A_1541, %sub3A_1549 : vector<16xf32>
    %gt3A_1551 = arith.constant 5.000000e-01 : f32
    %gt3A_1552 = vector.broadcast %gt3A_1551 : f32 to vector<16xf32>
    %gt3A_1553 = arith.cmpf ogt, %get3A_1515, %gt3A_1552 : vector<16xf32>
    %jit3A_1554 = arith.constant 0.000000e+00 : f32
    %broadcast_in_dim3A_1555 = vector.broadcast %jit3A_1554 : f32 to vector<16xf32>
    %select_n3A_1556 = arith.select %gt3A_1553, %mul3A_1550, %broadcast_in_dim3A_1555 : vector<16xi1>, vector<16xf32>
    %swap3A_1557 = arith.constant 464 : index
    %swap3A_1558 = tpu.vector_load %arg17[%swap3A_1557] {strides = array<i32>} : memref<640xf32, #tpu.memory_space<vmem>>, vector<16xf32>,
    %swap3A_1559 = vector.shape_cast %swap3A_1558 : vector<16xf32> to vector<16xf32>
    %swap3A_1560 = vector.shape_cast %select_n3A_1556 : vector<16xf32> to vector<16xf32>
    tpu.vector_store %arg17[%swap3A_1557], %swap3A_1560 {strides = array<i32>} : memref<640xf32, #tpu.memory_space<vmem>>, vector<16xf32>,
    %get3A_1561 = arith.constant 480 : index
    %get3A_1562 = tpu.vector_load %arg17[%get3A_1561] {strides = array<i32>} : memref<640xf32, #tpu.memory_space<vmem>>, vector<16xf32>,
    %get3A_1563 = vector.shape_cast %get3A_1562 : vector<16xf32> to vector<16xf32>
    %bitcast_convert_type3A_1564 = tpu.bitcast %get3A_1563 : vector<16xf32> -> vector<16xi32>
    %shift_right_arithmetic3A_1565 = arith.constant 1 : i32
    %shift_right_arithmetic3A_1566 = vector.broadcast %shift_right_arithmetic3A_1565 : i32 to vector<16xi32>
    %shift_right_arithmetic3A_1567 = arith.shrsi %bitcast_convert_type3A_1564, %shift_right_arithmetic3A_1566 : vector<16xi32>
    %sub3A_1568 = arith.constant 1597463007 : i32
    %sub3A_1569 = vector.broadcast %sub3A_1568 : i32 to vector<16xi32>
    %sub3A_1570 = arith.subi %sub3A_1569, %shift_right_arithmetic3A_1567 : vector<16xi32>
    %bitcast_convert_type3A_1571 = tpu.bitcast %sub3A_1570 : vector<16xi32> -> vector<16xf32>
    %mul3A_1572 = arith.constant 5.000000e-01 : f32
    %mul3A_1573 = vector.broadcast %mul3A_1572 : f32 to vector<16xf32>
    %mul3A_1574 = arith.mulf %mul3A_1573, %get3A_1563 : vector<16xf32>
    %mul3A_1575 = arith.mulf %mul3A_1574, %bitcast_convert_type3A_1571 : vector<16xf32>
    %mul3A_1576 = arith.mulf %mul3A_1575, %bitcast_convert_type3A_1571 : vector<16xf32>
    %sub3A_1577 = arith.constant 1.500000e+00 : f32
    %sub3A_1578 = vector.broadcast %sub3A_1577 : f32 to vector<16xf32>
    %sub3A_1579 = arith.subf %sub3A_1578, %mul3A_1576 : vector<16xf32>
    %mul3A_1580 = arith.mulf %bitcast_convert_type3A_1571, %sub3A_1579 : vector<16xf32>
    %mul3A_1581 = arith.constant 5.000000e-01 : f32
    %mul3A_1582 = vector.broadcast %mul3A_1581 : f32 to vector<16xf32>
    %mul3A_1583 = arith.mulf %mul3A_1582, %get3A_1563 : vector<16xf32>
    %mul3A_1584 = arith.mulf %mul3A_1583, %mul3A_1580 : vector<16xf32>
    %mul3A_1585 = arith.mulf %mul3A_1584, %mul3A_1580 : vector<16xf32>
    %sub3A_1586 = arith.constant 1.500000e+00 : f32
    %sub3A_1587 = vector.broadcast %sub3A_1586 : f32 to vector<16xf32>
    %sub3A_1588 = arith.subf %sub3A_1587, %mul3A_1585 : vector<16xf32>
    %mul3A_1589 = arith.mulf %mul3A_1580, %sub3A_1588 : vector<16xf32>
    %mul3A_1590 = arith.constant 5.000000e-01 : f32
    %mul3A_1591 = vector.broadcast %mul3A_1590 : f32 to vector<16xf32>
    %mul3A_1592 = arith.mulf %mul3A_1591, %get3A_1563 : vector<16xf32>
    %mul3A_1593 = arith.mulf %mul3A_1592, %mul3A_1589 : vector<16xf32>
    %mul3A_1594 = arith.mulf %mul3A_1593, %mul3A_1589 : vector<16xf32>
    %sub3A_1595 = arith.constant 1.500000e+00 : f32
    %sub3A_1596 = vector.broadcast %sub3A_1595 : f32 to vector<16xf32>
    %sub3A_1597 = arith.subf %sub3A_1596, %mul3A_1594 : vector<16xf32>
    %mul3A_1598 = arith.mulf %mul3A_1589, %sub3A_1597 : vector<16xf32>
    %gt3A_1599 = arith.constant 5.000000e-01 : f32
    %gt3A_1600 = vector.broadcast %gt3A_1599 : f32 to vector<16xf32>
    %gt3A_1601 = arith.cmpf ogt, %get3A_1563, %gt3A_1600 : vector<16xf32>
    %jit3A_1602 = arith.constant 0.000000e+00 : f32
    %broadcast_in_dim3A_1603 = vector.broadcast %jit3A_1602 : f32 to vector<16xf32>
    %select_n3A_1604 = arith.select %gt3A_1601, %mul3A_1598, %broadcast_in_dim3A_1603 : vector<16xi1>, vector<16xf32>
    %swap3A_1605 = arith.constant 480 : index
    %swap3A_1606 = tpu.vector_load %arg17[%swap3A_1605] {strides = array<i32>} : memref<640xf32, #tpu.memory_space<vmem>>, vector<16xf32>,
    %swap3A_1607 = vector.shape_cast %swap3A_1606 : vector<16xf32> to vector<16xf32>
    %swap3A_1608 = vector.shape_cast %select_n3A_1604 : vector<16xf32> to vector<16xf32>
    tpu.vector_store %arg17[%swap3A_1605], %swap3A_1608 {strides = array<i32>} : memref<640xf32, #tpu.memory_space<vmem>>, vector<16xf32>,
    %get3A_1609 = arith.constant 496 : index
    %get3A_1610 = tpu.vector_load %arg17[%get3A_1609] {strides = array<i32>} : memref<640xf32, #tpu.memory_space<vmem>>, vector<16xf32>,
    %get3A_1611 = vector.shape_cast %get3A_1610 : vector<16xf32> to vector<16xf32>
    %bitcast_convert_type3A_1612 = tpu.bitcast %get3A_1611 : vector<16xf32> -> vector<16xi32>
    %shift_right_arithmetic3A_1613 = arith.constant 1 : i32
    %shift_right_arithmetic3A_1614 = vector.broadcast %shift_right_arithmetic3A_1613 : i32 to vector<16xi32>
    %shift_right_arithmetic3A_1615 = arith.shrsi %bitcast_convert_type3A_1612, %shift_right_arithmetic3A_1614 : vector<16xi32>
    %sub3A_1616 = arith.constant 1597463007 : i32
    %sub3A_1617 = vector.broadcast %sub3A_1616 : i32 to vector<16xi32>
    %sub3A_1618 = arith.subi %sub3A_1617, %shift_right_arithmetic3A_1615 : vector<16xi32>
    %bitcast_convert_type3A_1619 = tpu.bitcast %sub3A_1618 : vector<16xi32> -> vector<16xf32>
    %mul3A_1620 = arith.constant 5.000000e-01 : f32
    %mul3A_1621 = vector.broadcast %mul3A_1620 : f32 to vector<16xf32>
    %mul3A_1622 = arith.mulf %mul3A_1621, %get3A_1611 : vector<16xf32>
    %mul3A_1623 = arith.mulf %mul3A_1622, %bitcast_convert_type3A_1619 : vector<16xf32>
    %mul3A_1624 = arith.mulf %mul3A_1623, %bitcast_convert_type3A_1619 : vector<16xf32>
    %sub3A_1625 = arith.constant 1.500000e+00 : f32
    %sub3A_1626 = vector.broadcast %sub3A_1625 : f32 to vector<16xf32>
    %sub3A_1627 = arith.subf %sub3A_1626, %mul3A_1624 : vector<16xf32>
    %mul3A_1628 = arith.mulf %bitcast_convert_type3A_1619, %sub3A_1627 : vector<16xf32>
    %mul3A_1629 = arith.constant 5.000000e-01 : f32
    %mul3A_1630 = vector.broadcast %mul3A_1629 : f32 to vector<16xf32>
    %mul3A_1631 = arith.mulf %mul3A_1630, %get3A_1611 : vector<16xf32>
    %mul3A_1632 = arith.mulf %mul3A_1631, %mul3A_1628 : vector<16xf32>
    %mul3A_1633 = arith.mulf %mul3A_1632, %mul3A_1628 : vector<16xf32>
    %sub3A_1634 = arith.constant 1.500000e+00 : f32
    %sub3A_1635 = vector.broadcast %sub3A_1634 : f32 to vector<16xf32>
    %sub3A_1636 = arith.subf %sub3A_1635, %mul3A_1633 : vector<16xf32>
    %mul3A_1637 = arith.mulf %mul3A_1628, %sub3A_1636 : vector<16xf32>
    %mul3A_1638 = arith.constant 5.000000e-01 : f32
    %mul3A_1639 = vector.broadcast %mul3A_1638 : f32 to vector<16xf32>
    %mul3A_1640 = arith.mulf %mul3A_1639, %get3A_1611 : vector<16xf32>
    %mul3A_1641 = arith.mulf %mul3A_1640, %mul3A_1637 : vector<16xf32>
    %mul3A_1642 = arith.mulf %mul3A_1641, %mul3A_1637 : vector<16xf32>
    %sub3A_1643 = arith.constant 1.500000e+00 : f32
    %sub3A_1644 = vector.broadcast %sub3A_1643 : f32 to vector<16xf32>
    %sub3A_1645 = arith.subf %sub3A_1644, %mul3A_1642 : vector<16xf32>
    %mul3A_1646 = arith.mulf %mul3A_1637, %sub3A_1645 : vector<16xf32>
    %gt3A_1647 = arith.constant 5.000000e-01 : f32
    %gt3A_1648 = vector.broadcast %gt3A_1647 : f32 to vector<16xf32>
    %gt3A_1649 = arith.cmpf ogt, %get3A_1611, %gt3A_1648 : vector<16xf32>
    %jit3A_1650 = arith.constant 0.000000e+00 : f32
    %broadcast_in_dim3A_1651 = vector.broadcast %jit3A_1650 : f32 to vector<16xf32>
    %select_n3A_1652 = arith.select %gt3A_1649, %mul3A_1646, %broadcast_in_dim3A_1651 : vector<16xi1>, vector<16xf32>
    %swap3A_1653 = arith.constant 496 : index
    %swap3A_1654 = tpu.vector_load %arg17[%swap3A_1653] {strides = array<i32>} : memref<640xf32, #tpu.memory_space<vmem>>, vector<16xf32>,
    %swap3A_1655 = vector.shape_cast %swap3A_1654 : vector<16xf32> to vector<16xf32>
    %swap3A_1656 = vector.shape_cast %select_n3A_1652 : vector<16xf32> to vector<16xf32>
    tpu.vector_store %arg17[%swap3A_1653], %swap3A_1656 {strides = array<i32>} : memref<640xf32, #tpu.memory_space<vmem>>, vector<16xf32>,
    %get3A_1657 = arith.constant 512 : index
    %get3A_1658 = tpu.vector_load %arg17[%get3A_1657] {strides = array<i32>} : memref<640xf32, #tpu.memory_space<vmem>>, vector<16xf32>,
    %get3A_1659 = vector.shape_cast %get3A_1658 : vector<16xf32> to vector<16xf32>
    %bitcast_convert_type3A_1660 = tpu.bitcast %get3A_1659 : vector<16xf32> -> vector<16xi32>
    %shift_right_arithmetic3A_1661 = arith.constant 1 : i32
    %shift_right_arithmetic3A_1662 = vector.broadcast %shift_right_arithmetic3A_1661 : i32 to vector<16xi32>
    %shift_right_arithmetic3A_1663 = arith.shrsi %bitcast_convert_type3A_1660, %shift_right_arithmetic3A_1662 : vector<16xi32>
    %sub3A_1664 = arith.constant 1597463007 : i32
    %sub3A_1665 = vector.broadcast %sub3A_1664 : i32 to vector<16xi32>
    %sub3A_1666 = arith.subi %sub3A_1665, %shift_right_arithmetic3A_1663 : vector<16xi32>
    %bitcast_convert_type3A_1667 = tpu.bitcast %sub3A_1666 : vector<16xi32> -> vector<16xf32>
    %mul3A_1668 = arith.constant 5.000000e-01 : f32
    %mul3A_1669 = vector.broadcast %mul3A_1668 : f32 to vector<16xf32>
    %mul3A_1670 = arith.mulf %mul3A_1669, %get3A_1659 : vector<16xf32>
    %mul3A_1671 = arith.mulf %mul3A_1670, %bitcast_convert_type3A_1667 : vector<16xf32>
    %mul3A_1672 = arith.mulf %mul3A_1671, %bitcast_convert_type3A_1667 : vector<16xf32>
    %sub3A_1673 = arith.constant 1.500000e+00 : f32
    %sub3A_1674 = vector.broadcast %sub3A_1673 : f32 to vector<16xf32>
    %sub3A_1675 = arith.subf %sub3A_1674, %mul3A_1672 : vector<16xf32>
    %mul3A_1676 = arith.mulf %bitcast_convert_type3A_1667, %sub3A_1675 : vector<16xf32>
    %mul3A_1677 = arith.constant 5.000000e-01 : f32
    %mul3A_1678 = vector.broadcast %mul3A_1677 : f32 to vector<16xf32>
    %mul3A_1679 = arith.mulf %mul3A_1678, %get3A_1659 : vector<16xf32>
    %mul3A_1680 = arith.mulf %mul3A_1679, %mul3A_1676 : vector<16xf32>
    %mul3A_1681 = arith.mulf %mul3A_1680, %mul3A_1676 : vector<16xf32>
    %sub3A_1682 = arith.constant 1.500000e+00 : f32
    %sub3A_1683 = vector.broadcast %sub3A_1682 : f32 to vector<16xf32>
    %sub3A_1684 = arith.subf %sub3A_1683, %mul3A_1681 : vector<16xf32>
    %mul3A_1685 = arith.mulf %mul3A_1676, %sub3A_1684 : vector<16xf32>
    %mul3A_1686 = arith.constant 5.000000e-01 : f32
    %mul3A_1687 = vector.broadcast %mul3A_1686 : f32 to vector<16xf32>
    %mul3A_1688 = arith.mulf %mul3A_1687, %get3A_1659 : vector<16xf32>
    %mul3A_1689 = arith.mulf %mul3A_1688, %mul3A_1685 : vector<16xf32>
    %mul3A_1690 = arith.mulf %mul3A_1689, %mul3A_1685 : vector<16xf32>
    %sub3A_1691 = arith.constant 1.500000e+00 : f32
    %sub3A_1692 = vector.broadcast %sub3A_1691 : f32 to vector<16xf32>
    %sub3A_1693 = arith.subf %sub3A_1692, %mul3A_1690 : vector<16xf32>
    %mul3A_1694 = arith.mulf %mul3A_1685, %sub3A_1693 : vector<16xf32>
    %gt3A_1695 = arith.constant 5.000000e-01 : f32
    %gt3A_1696 = vector.broadcast %gt3A_1695 : f32 to vector<16xf32>
    %gt3A_1697 = arith.cmpf ogt, %get3A_1659, %gt3A_1696 : vector<16xf32>
    %jit3A_1698 = arith.constant 0.000000e+00 : f32
    %broadcast_in_dim3A_1699 = vector.broadcast %jit3A_1698 : f32 to vector<16xf32>
    %select_n3A_1700 = arith.select %gt3A_1697, %mul3A_1694, %broadcast_in_dim3A_1699 : vector<16xi1>, vector<16xf32>
    %swap3A_1701 = arith.constant 512 : index
    %swap3A_1702 = tpu.vector_load %arg17[%swap3A_1701] {strides = array<i32>} : memref<640xf32, #tpu.memory_space<vmem>>, vector<16xf32>,
    %swap3A_1703 = vector.shape_cast %swap3A_1702 : vector<16xf32> to vector<16xf32>
    %swap3A_1704 = vector.shape_cast %select_n3A_1700 : vector<16xf32> to vector<16xf32>
    tpu.vector_store %arg17[%swap3A_1701], %swap3A_1704 {strides = array<i32>} : memref<640xf32, #tpu.memory_space<vmem>>, vector<16xf32>,
    %get3A_1705 = arith.constant 528 : index
    %get3A_1706 = tpu.vector_load %arg17[%get3A_1705] {strides = array<i32>} : memref<640xf32, #tpu.memory_space<vmem>>, vector<16xf32>,
    %get3A_1707 = vector.shape_cast %get3A_1706 : vector<16xf32> to vector<16xf32>
    %bitcast_convert_type3A_1708 = tpu.bitcast %get3A_1707 : vector<16xf32> -> vector<16xi32>
    %shift_right_arithmetic3A_1709 = arith.constant 1 : i32
    %shift_right_arithmetic3A_1710 = vector.broadcast %shift_right_arithmetic3A_1709 : i32 to vector<16xi32>
    %shift_right_arithmetic3A_1711 = arith.shrsi %bitcast_convert_type3A_1708, %shift_right_arithmetic3A_1710 : vector<16xi32>
    %sub3A_1712 = arith.constant 1597463007 : i32
    %sub3A_1713 = vector.broadcast %sub3A_1712 : i32 to vector<16xi32>
    %sub3A_1714 = arith.subi %sub3A_1713, %shift_right_arithmetic3A_1711 : vector<16xi32>
    %bitcast_convert_type3A_1715 = tpu.bitcast %sub3A_1714 : vector<16xi32> -> vector<16xf32>
    %mul3A_1716 = arith.constant 5.000000e-01 : f32
    %mul3A_1717 = vector.broadcast %mul3A_1716 : f32 to vector<16xf32>
    %mul3A_1718 = arith.mulf %mul3A_1717, %get3A_1707 : vector<16xf32>
    %mul3A_1719 = arith.mulf %mul3A_1718, %bitcast_convert_type3A_1715 : vector<16xf32>
    %mul3A_1720 = arith.mulf %mul3A_1719, %bitcast_convert_type3A_1715 : vector<16xf32>
    %sub3A_1721 = arith.constant 1.500000e+00 : f32
    %sub3A_1722 = vector.broadcast %sub3A_1721 : f32 to vector<16xf32>
    %sub3A_1723 = arith.subf %sub3A_1722, %mul3A_1720 : vector<16xf32>
    %mul3A_1724 = arith.mulf %bitcast_convert_type3A_1715, %sub3A_1723 : vector<16xf32>
    %mul3A_1725 = arith.constant 5.000000e-01 : f32
    %mul3A_1726 = vector.broadcast %mul3A_1725 : f32 to vector<16xf32>
    %mul3A_1727 = arith.mulf %mul3A_1726, %get3A_1707 : vector<16xf32>
    %mul3A_1728 = arith.mulf %mul3A_1727, %mul3A_1724 : vector<16xf32>
    %mul3A_1729 = arith.mulf %mul3A_1728, %mul3A_1724 : vector<16xf32>
    %sub3A_1730 = arith.constant 1.500000e+00 : f32
    %sub3A_1731 = vector.broadcast %sub3A_1730 : f32 to vector<16xf32>
    %sub3A_1732 = arith.subf %sub3A_1731, %mul3A_1729 : vector<16xf32>
    %mul3A_1733 = arith.mulf %mul3A_1724, %sub3A_1732 : vector<16xf32>
    %mul3A_1734 = arith.constant 5.000000e-01 : f32
    %mul3A_1735 = vector.broadcast %mul3A_1734 : f32 to vector<16xf32>
    %mul3A_1736 = arith.mulf %mul3A_1735, %get3A_1707 : vector<16xf32>
    %mul3A_1737 = arith.mulf %mul3A_1736, %mul3A_1733 : vector<16xf32>
    %mul3A_1738 = arith.mulf %mul3A_1737, %mul3A_1733 : vector<16xf32>
    %sub3A_1739 = arith.constant 1.500000e+00 : f32
    %sub3A_1740 = vector.broadcast %sub3A_1739 : f32 to vector<16xf32>
    %sub3A_1741 = arith.subf %sub3A_1740, %mul3A_1738 : vector<16xf32>
    %mul3A_1742 = arith.mulf %mul3A_1733, %sub3A_1741 : vector<16xf32>
    %gt3A_1743 = arith.constant 5.000000e-01 : f32
    %gt3A_1744 = vector.broadcast %gt3A_1743 : f32 to vector<16xf32>
    %gt3A_1745 = arith.cmpf ogt, %get3A_1707, %gt3A_1744 : vector<16xf32>
    %jit3A_1746 = arith.constant 0.000000e+00 : f32
    %broadcast_in_dim3A_1747 = vector.broadcast %jit3A_1746 : f32 to vector<16xf32>
    %select_n3A_1748 = arith.select %gt3A_1745, %mul3A_1742, %broadcast_in_dim3A_1747 : vector<16xi1>, vector<16xf32>
    %swap3A_1749 = arith.constant 528 : index
    %swap3A_1750 = tpu.vector_load %arg17[%swap3A_1749] {strides = array<i32>} : memref<640xf32, #tpu.memory_space<vmem>>, vector<16xf32>,
    %swap3A_1751 = vector.shape_cast %swap3A_1750 : vector<16xf32> to vector<16xf32>
    %swap3A_1752 = vector.shape_cast %select_n3A_1748 : vector<16xf32> to vector<16xf32>
    tpu.vector_store %arg17[%swap3A_1749], %swap3A_1752 {strides = array<i32>} : memref<640xf32, #tpu.memory_space<vmem>>, vector<16xf32>,
    %get3A_1753 = arith.constant 544 : index
    %get3A_1754 = tpu.vector_load %arg17[%get3A_1753] {strides = array<i32>} : memref<640xf32, #tpu.memory_space<vmem>>, vector<16xf32>,
    %get3A_1755 = vector.shape_cast %get3A_1754 : vector<16xf32> to vector<16xf32>
    %bitcast_convert_type3A_1756 = tpu.bitcast %get3A_1755 : vector<16xf32> -> vector<16xi32>
    %shift_right_arithmetic3A_1757 = arith.constant 1 : i32
    %shift_right_arithmetic3A_1758 = vector.broadcast %shift_right_arithmetic3A_1757 : i32 to vector<16xi32>
    %shift_right_arithmetic3A_1759 = arith.shrsi %bitcast_convert_type3A_1756, %shift_right_arithmetic3A_1758 : vector<16xi32>
    %sub3A_1760 = arith.constant 1597463007 : i32
    %sub3A_1761 = vector.broadcast %sub3A_1760 : i32 to vector<16xi32>
    %sub3A_1762 = arith.subi %sub3A_1761, %shift_right_arithmetic3A_1759 : vector<16xi32>
    %bitcast_convert_type3A_1763 = tpu.bitcast %sub3A_1762 : vector<16xi32> -> vector<16xf32>
    %mul3A_1764 = arith.constant 5.000000e-01 : f32
    %mul3A_1765 = vector.broadcast %mul3A_1764 : f32 to vector<16xf32>
    %mul3A_1766 = arith.mulf %mul3A_1765, %get3A_1755 : vector<16xf32>
    %mul3A_1767 = arith.mulf %mul3A_1766, %bitcast_convert_type3A_1763 : vector<16xf32>
    %mul3A_1768 = arith.mulf %mul3A_1767, %bitcast_convert_type3A_1763 : vector<16xf32>
    %sub3A_1769 = arith.constant 1.500000e+00 : f32
    %sub3A_1770 = vector.broadcast %sub3A_1769 : f32 to vector<16xf32>
    %sub3A_1771 = arith.subf %sub3A_1770, %mul3A_1768 : vector<16xf32>
    %mul3A_1772 = arith.mulf %bitcast_convert_type3A_1763, %sub3A_1771 : vector<16xf32>
    %mul3A_1773 = arith.constant 5.000000e-01 : f32
    %mul3A_1774 = vector.broadcast %mul3A_1773 : f32 to vector<16xf32>
    %mul3A_1775 = arith.mulf %mul3A_1774, %get3A_1755 : vector<16xf32>
    %mul3A_1776 = arith.mulf %mul3A_1775, %mul3A_1772 : vector<16xf32>
    %mul3A_1777 = arith.mulf %mul3A_1776, %mul3A_1772 : vector<16xf32>
    %sub3A_1778 = arith.constant 1.500000e+00 : f32
    %sub3A_1779 = vector.broadcast %sub3A_1778 : f32 to vector<16xf32>
    %sub3A_1780 = arith.subf %sub3A_1779, %mul3A_1777 : vector<16xf32>
    %mul3A_1781 = arith.mulf %mul3A_1772, %sub3A_1780 : vector<16xf32>
    %mul3A_1782 = arith.constant 5.000000e-01 : f32
    %mul3A_1783 = vector.broadcast %mul3A_1782 : f32 to vector<16xf32>
    %mul3A_1784 = arith.mulf %mul3A_1783, %get3A_1755 : vector<16xf32>
    %mul3A_1785 = arith.mulf %mul3A_1784, %mul3A_1781 : vector<16xf32>
    %mul3A_1786 = arith.mulf %mul3A_1785, %mul3A_1781 : vector<16xf32>
    %sub3A_1787 = arith.constant 1.500000e+00 : f32
    %sub3A_1788 = vector.broadcast %sub3A_1787 : f32 to vector<16xf32>
    %sub3A_1789 = arith.subf %sub3A_1788, %mul3A_1786 : vector<16xf32>
    %mul3A_1790 = arith.mulf %mul3A_1781, %sub3A_1789 : vector<16xf32>
    %gt3A_1791 = arith.constant 5.000000e-01 : f32
    %gt3A_1792 = vector.broadcast %gt3A_1791 : f32 to vector<16xf32>
    %gt3A_1793 = arith.cmpf ogt, %get3A_1755, %gt3A_1792 : vector<16xf32>
    %jit3A_1794 = arith.constant 0.000000e+00 : f32
    %broadcast_in_dim3A_1795 = vector.broadcast %jit3A_1794 : f32 to vector<16xf32>
    %select_n3A_1796 = arith.select %gt3A_1793, %mul3A_1790, %broadcast_in_dim3A_1795 : vector<16xi1>, vector<16xf32>
    %swap3A_1797 = arith.constant 544 : index
    %swap3A_1798 = tpu.vector_load %arg17[%swap3A_1797] {strides = array<i32>} : memref<640xf32, #tpu.memory_space<vmem>>, vector<16xf32>,
    %swap3A_1799 = vector.shape_cast %swap3A_1798 : vector<16xf32> to vector<16xf32>
    %swap3A_1800 = vector.shape_cast %select_n3A_1796 : vector<16xf32> to vector<16xf32>
    tpu.vector_store %arg17[%swap3A_1797], %swap3A_1800 {strides = array<i32>} : memref<640xf32, #tpu.memory_space<vmem>>, vector<16xf32>,
    %get3A_1801 = arith.constant 560 : index
    %get3A_1802 = tpu.vector_load %arg17[%get3A_1801] {strides = array<i32>} : memref<640xf32, #tpu.memory_space<vmem>>, vector<16xf32>,
    %get3A_1803 = vector.shape_cast %get3A_1802 : vector<16xf32> to vector<16xf32>
    %bitcast_convert_type3A_1804 = tpu.bitcast %get3A_1803 : vector<16xf32> -> vector<16xi32>
    %shift_right_arithmetic3A_1805 = arith.constant 1 : i32
    %shift_right_arithmetic3A_1806 = vector.broadcast %shift_right_arithmetic3A_1805 : i32 to vector<16xi32>
    %shift_right_arithmetic3A_1807 = arith.shrsi %bitcast_convert_type3A_1804, %shift_right_arithmetic3A_1806 : vector<16xi32>
    %sub3A_1808 = arith.constant 1597463007 : i32
    %sub3A_1809 = vector.broadcast %sub3A_1808 : i32 to vector<16xi32>
    %sub3A_1810 = arith.subi %sub3A_1809, %shift_right_arithmetic3A_1807 : vector<16xi32>
    %bitcast_convert_type3A_1811 = tpu.bitcast %sub3A_1810 : vector<16xi32> -> vector<16xf32>
    %mul3A_1812 = arith.constant 5.000000e-01 : f32
    %mul3A_1813 = vector.broadcast %mul3A_1812 : f32 to vector<16xf32>
    %mul3A_1814 = arith.mulf %mul3A_1813, %get3A_1803 : vector<16xf32>
    %mul3A_1815 = arith.mulf %mul3A_1814, %bitcast_convert_type3A_1811 : vector<16xf32>
    %mul3A_1816 = arith.mulf %mul3A_1815, %bitcast_convert_type3A_1811 : vector<16xf32>
    %sub3A_1817 = arith.constant 1.500000e+00 : f32
    %sub3A_1818 = vector.broadcast %sub3A_1817 : f32 to vector<16xf32>
    %sub3A_1819 = arith.subf %sub3A_1818, %mul3A_1816 : vector<16xf32>
    %mul3A_1820 = arith.mulf %bitcast_convert_type3A_1811, %sub3A_1819 : vector<16xf32>
    %mul3A_1821 = arith.constant 5.000000e-01 : f32
    %mul3A_1822 = vector.broadcast %mul3A_1821 : f32 to vector<16xf32>
    %mul3A_1823 = arith.mulf %mul3A_1822, %get3A_1803 : vector<16xf32>
    %mul3A_1824 = arith.mulf %mul3A_1823, %mul3A_1820 : vector<16xf32>
    %mul3A_1825 = arith.mulf %mul3A_1824, %mul3A_1820 : vector<16xf32>
    %sub3A_1826 = arith.constant 1.500000e+00 : f32
    %sub3A_1827 = vector.broadcast %sub3A_1826 : f32 to vector<16xf32>
    %sub3A_1828 = arith.subf %sub3A_1827, %mul3A_1825 : vector<16xf32>
    %mul3A_1829 = arith.mulf %mul3A_1820, %sub3A_1828 : vector<16xf32>
    %mul3A_1830 = arith.constant 5.000000e-01 : f32
    %mul3A_1831 = vector.broadcast %mul3A_1830 : f32 to vector<16xf32>
    %mul3A_1832 = arith.mulf %mul3A_1831, %get3A_1803 : vector<16xf32>
    %mul3A_1833 = arith.mulf %mul3A_1832, %mul3A_1829 : vector<16xf32>
    %mul3A_1834 = arith.mulf %mul3A_1833, %mul3A_1829 : vector<16xf32>
    %sub3A_1835 = arith.constant 1.500000e+00 : f32
    %sub3A_1836 = vector.broadcast %sub3A_1835 : f32 to vector<16xf32>
    %sub3A_1837 = arith.subf %sub3A_1836, %mul3A_1834 : vector<16xf32>
    %mul3A_1838 = arith.mulf %mul3A_1829, %sub3A_1837 : vector<16xf32>
    %gt3A_1839 = arith.constant 5.000000e-01 : f32
    %gt3A_1840 = vector.broadcast %gt3A_1839 : f32 to vector<16xf32>
    %gt3A_1841 = arith.cmpf ogt, %get3A_1803, %gt3A_1840 : vector<16xf32>
    %jit3A_1842 = arith.constant 0.000000e+00 : f32
    %broadcast_in_dim3A_1843 = vector.broadcast %jit3A_1842 : f32 to vector<16xf32>
    %select_n3A_1844 = arith.select %gt3A_1841, %mul3A_1838, %broadcast_in_dim3A_1843 : vector<16xi1>, vector<16xf32>
    %swap3A_1845 = arith.constant 560 : index
    %swap3A_1846 = tpu.vector_load %arg17[%swap3A_1845] {strides = array<i32>} : memref<640xf32, #tpu.memory_space<vmem>>, vector<16xf32>,
    %swap3A_1847 = vector.shape_cast %swap3A_1846 : vector<16xf32> to vector<16xf32>
    %swap3A_1848 = vector.shape_cast %select_n3A_1844 : vector<16xf32> to vector<16xf32>
    tpu.vector_store %arg17[%swap3A_1845], %swap3A_1848 {strides = array<i32>} : memref<640xf32, #tpu.memory_space<vmem>>, vector<16xf32>,
    %get3A_1849 = arith.constant 576 : index
    %get3A_1850 = tpu.vector_load %arg17[%get3A_1849] {strides = array<i32>} : memref<640xf32, #tpu.memory_space<vmem>>, vector<16xf32>,
    %get3A_1851 = vector.shape_cast %get3A_1850 : vector<16xf32> to vector<16xf32>
    %bitcast_convert_type3A_1852 = tpu.bitcast %get3A_1851 : vector<16xf32> -> vector<16xi32>
    %shift_right_arithmetic3A_1853 = arith.constant 1 : i32
    %shift_right_arithmetic3A_1854 = vector.broadcast %shift_right_arithmetic3A_1853 : i32 to vector<16xi32>
    %shift_right_arithmetic3A_1855 = arith.shrsi %bitcast_convert_type3A_1852, %shift_right_arithmetic3A_1854 : vector<16xi32>
    %sub3A_1856 = arith.constant 1597463007 : i32
    %sub3A_1857 = vector.broadcast %sub3A_1856 : i32 to vector<16xi32>
    %sub3A_1858 = arith.subi %sub3A_1857, %shift_right_arithmetic3A_1855 : vector<16xi32>
    %bitcast_convert_type3A_1859 = tpu.bitcast %sub3A_1858 : vector<16xi32> -> vector<16xf32>
    %mul3A_1860 = arith.constant 5.000000e-01 : f32
    %mul3A_1861 = vector.broadcast %mul3A_1860 : f32 to vector<16xf32>
    %mul3A_1862 = arith.mulf %mul3A_1861, %get3A_1851 : vector<16xf32>
    %mul3A_1863 = arith.mulf %mul3A_1862, %bitcast_convert_type3A_1859 : vector<16xf32>
    %mul3A_1864 = arith.mulf %mul3A_1863, %bitcast_convert_type3A_1859 : vector<16xf32>
    %sub3A_1865 = arith.constant 1.500000e+00 : f32
    %sub3A_1866 = vector.broadcast %sub3A_1865 : f32 to vector<16xf32>
    %sub3A_1867 = arith.subf %sub3A_1866, %mul3A_1864 : vector<16xf32>
    %mul3A_1868 = arith.mulf %bitcast_convert_type3A_1859, %sub3A_1867 : vector<16xf32>
    %mul3A_1869 = arith.constant 5.000000e-01 : f32
    %mul3A_1870 = vector.broadcast %mul3A_1869 : f32 to vector<16xf32>
    %mul3A_1871 = arith.mulf %mul3A_1870, %get3A_1851 : vector<16xf32>
    %mul3A_1872 = arith.mulf %mul3A_1871, %mul3A_1868 : vector<16xf32>
    %mul3A_1873 = arith.mulf %mul3A_1872, %mul3A_1868 : vector<16xf32>
    %sub3A_1874 = arith.constant 1.500000e+00 : f32
    %sub3A_1875 = vector.broadcast %sub3A_1874 : f32 to vector<16xf32>
    %sub3A_1876 = arith.subf %sub3A_1875, %mul3A_1873 : vector<16xf32>
    %mul3A_1877 = arith.mulf %mul3A_1868, %sub3A_1876 : vector<16xf32>
    %mul3A_1878 = arith.constant 5.000000e-01 : f32
    %mul3A_1879 = vector.broadcast %mul3A_1878 : f32 to vector<16xf32>
    %mul3A_1880 = arith.mulf %mul3A_1879, %get3A_1851 : vector<16xf32>
    %mul3A_1881 = arith.mulf %mul3A_1880, %mul3A_1877 : vector<16xf32>
    %mul3A_1882 = arith.mulf %mul3A_1881, %mul3A_1877 : vector<16xf32>
    %sub3A_1883 = arith.constant 1.500000e+00 : f32
    %sub3A_1884 = vector.broadcast %sub3A_1883 : f32 to vector<16xf32>
    %sub3A_1885 = arith.subf %sub3A_1884, %mul3A_1882 : vector<16xf32>
    %mul3A_1886 = arith.mulf %mul3A_1877, %sub3A_1885 : vector<16xf32>
    %gt3A_1887 = arith.constant 5.000000e-01 : f32
    %gt3A_1888 = vector.broadcast %gt3A_1887 : f32 to vector<16xf32>
    %gt3A_1889 = arith.cmpf ogt, %get3A_1851, %gt3A_1888 : vector<16xf32>
    %jit3A_1890 = arith.constant 0.000000e+00 : f32
    %broadcast_in_dim3A_1891 = vector.broadcast %jit3A_1890 : f32 to vector<16xf32>
    %select_n3A_1892 = arith.select %gt3A_1889, %mul3A_1886, %broadcast_in_dim3A_1891 : vector<16xi1>, vector<16xf32>
    %swap3A_1893 = arith.constant 576 : index
    %swap3A_1894 = tpu.vector_load %arg17[%swap3A_1893] {strides = array<i32>} : memref<640xf32, #tpu.memory_space<vmem>>, vector<16xf32>,
    %swap3A_1895 = vector.shape_cast %swap3A_1894 : vector<16xf32> to vector<16xf32>
    %swap3A_1896 = vector.shape_cast %select_n3A_1892 : vector<16xf32> to vector<16xf32>
    tpu.vector_store %arg17[%swap3A_1893], %swap3A_1896 {strides = array<i32>} : memref<640xf32, #tpu.memory_space<vmem>>, vector<16xf32>,
    %get3A_1897 = arith.constant 592 : index
    %get3A_1898 = tpu.vector_load %arg17[%get3A_1897] {strides = array<i32>} : memref<640xf32, #tpu.memory_space<vmem>>, vector<16xf32>,
    %get3A_1899 = vector.shape_cast %get3A_1898 : vector<16xf32> to vector<16xf32>
    %bitcast_convert_type3A_1900 = tpu.bitcast %get3A_1899 : vector<16xf32> -> vector<16xi32>
    %shift_right_arithmetic3A_1901 = arith.constant 1 : i32
    %shift_right_arithmetic3A_1902 = vector.broadcast %shift_right_arithmetic3A_1901 : i32 to vector<16xi32>
    %shift_right_arithmetic3A_1903 = arith.shrsi %bitcast_convert_type3A_1900, %shift_right_arithmetic3A_1902 : vector<16xi32>
    %sub3A_1904 = arith.constant 1597463007 : i32
    %sub3A_1905 = vector.broadcast %sub3A_1904 : i32 to vector<16xi32>
    %sub3A_1906 = arith.subi %sub3A_1905, %shift_right_arithmetic3A_1903 : vector<16xi32>
    %bitcast_convert_type3A_1907 = tpu.bitcast %sub3A_1906 : vector<16xi32> -> vector<16xf32>
    %mul3A_1908 = arith.constant 5.000000e-01 : f32
    %mul3A_1909 = vector.broadcast %mul3A_1908 : f32 to vector<16xf32>
    %mul3A_1910 = arith.mulf %mul3A_1909, %get3A_1899 : vector<16xf32>
    %mul3A_1911 = arith.mulf %mul3A_1910, %bitcast_convert_type3A_1907 : vector<16xf32>
    %mul3A_1912 = arith.mulf %mul3A_1911, %bitcast_convert_type3A_1907 : vector<16xf32>
    %sub3A_1913 = arith.constant 1.500000e+00 : f32
    %sub3A_1914 = vector.broadcast %sub3A_1913 : f32 to vector<16xf32>
    %sub3A_1915 = arith.subf %sub3A_1914, %mul3A_1912 : vector<16xf32>
    %mul3A_1916 = arith.mulf %bitcast_convert_type3A_1907, %sub3A_1915 : vector<16xf32>
    %mul3A_1917 = arith.constant 5.000000e-01 : f32
    %mul3A_1918 = vector.broadcast %mul3A_1917 : f32 to vector<16xf32>
    %mul3A_1919 = arith.mulf %mul3A_1918, %get3A_1899 : vector<16xf32>
    %mul3A_1920 = arith.mulf %mul3A_1919, %mul3A_1916 : vector<16xf32>
    %mul3A_1921 = arith.mulf %mul3A_1920, %mul3A_1916 : vector<16xf32>
    %sub3A_1922 = arith.constant 1.500000e+00 : f32
    %sub3A_1923 = vector.broadcast %sub3A_1922 : f32 to vector<16xf32>
    %sub3A_1924 = arith.subf %sub3A_1923, %mul3A_1921 : vector<16xf32>
    %mul3A_1925 = arith.mulf %mul3A_1916, %sub3A_1924 : vector<16xf32>
    %mul3A_1926 = arith.constant 5.000000e-01 : f32
    %mul3A_1927 = vector.broadcast %mul3A_1926 : f32 to vector<16xf32>
    %mul3A_1928 = arith.mulf %mul3A_1927, %get3A_1899 : vector<16xf32>
    %mul3A_1929 = arith.mulf %mul3A_1928, %mul3A_1925 : vector<16xf32>
    %mul3A_1930 = arith.mulf %mul3A_1929, %mul3A_1925 : vector<16xf32>
    %sub3A_1931 = arith.constant 1.500000e+00 : f32
    %sub3A_1932 = vector.broadcast %sub3A_1931 : f32 to vector<16xf32>
    %sub3A_1933 = arith.subf %sub3A_1932, %mul3A_1930 : vector<16xf32>
    %mul3A_1934 = arith.mulf %mul3A_1925, %sub3A_1933 : vector<16xf32>
    %gt3A_1935 = arith.constant 5.000000e-01 : f32
    %gt3A_1936 = vector.broadcast %gt3A_1935 : f32 to vector<16xf32>
    %gt3A_1937 = arith.cmpf ogt, %get3A_1899, %gt3A_1936 : vector<16xf32>
    %jit3A_1938 = arith.constant 0.000000e+00 : f32
    %broadcast_in_dim3A_1939 = vector.broadcast %jit3A_1938 : f32 to vector<16xf32>
    %select_n3A_1940 = arith.select %gt3A_1937, %mul3A_1934, %broadcast_in_dim3A_1939 : vector<16xi1>, vector<16xf32>
    %swap3A_1941 = arith.constant 592 : index
    %swap3A_1942 = tpu.vector_load %arg17[%swap3A_1941] {strides = array<i32>} : memref<640xf32, #tpu.memory_space<vmem>>, vector<16xf32>,
    %swap3A_1943 = vector.shape_cast %swap3A_1942 : vector<16xf32> to vector<16xf32>
    %swap3A_1944 = vector.shape_cast %select_n3A_1940 : vector<16xf32> to vector<16xf32>
    tpu.vector_store %arg17[%swap3A_1941], %swap3A_1944 {strides = array<i32>} : memref<640xf32, #tpu.memory_space<vmem>>, vector<16xf32>,
    %get3A_1945 = arith.constant 608 : index
    %get3A_1946 = tpu.vector_load %arg17[%get3A_1945] {strides = array<i32>} : memref<640xf32, #tpu.memory_space<vmem>>, vector<16xf32>,
    %get3A_1947 = vector.shape_cast %get3A_1946 : vector<16xf32> to vector<16xf32>
    %bitcast_convert_type3A_1948 = tpu.bitcast %get3A_1947 : vector<16xf32> -> vector<16xi32>
    %shift_right_arithmetic3A_1949 = arith.constant 1 : i32
    %shift_right_arithmetic3A_1950 = vector.broadcast %shift_right_arithmetic3A_1949 : i32 to vector<16xi32>
    %shift_right_arithmetic3A_1951 = arith.shrsi %bitcast_convert_type3A_1948, %shift_right_arithmetic3A_1950 : vector<16xi32>
    %sub3A_1952 = arith.constant 1597463007 : i32
    %sub3A_1953 = vector.broadcast %sub3A_1952 : i32 to vector<16xi32>
    %sub3A_1954 = arith.subi %sub3A_1953, %shift_right_arithmetic3A_1951 : vector<16xi32>
    %bitcast_convert_type3A_1955 = tpu.bitcast %sub3A_1954 : vector<16xi32> -> vector<16xf32>
    %mul3A_1956 = arith.constant 5.000000e-01 : f32
    %mul3A_1957 = vector.broadcast %mul3A_1956 : f32 to vector<16xf32>
    %mul3A_1958 = arith.mulf %mul3A_1957, %get3A_1947 : vector<16xf32>
    %mul3A_1959 = arith.mulf %mul3A_1958, %bitcast_convert_type3A_1955 : vector<16xf32>
    %mul3A_1960 = arith.mulf %mul3A_1959, %bitcast_convert_type3A_1955 : vector<16xf32>
    %sub3A_1961 = arith.constant 1.500000e+00 : f32
    %sub3A_1962 = vector.broadcast %sub3A_1961 : f32 to vector<16xf32>
    %sub3A_1963 = arith.subf %sub3A_1962, %mul3A_1960 : vector<16xf32>
    %mul3A_1964 = arith.mulf %bitcast_convert_type3A_1955, %sub3A_1963 : vector<16xf32>
    %mul3A_1965 = arith.constant 5.000000e-01 : f32
    %mul3A_1966 = vector.broadcast %mul3A_1965 : f32 to vector<16xf32>
    %mul3A_1967 = arith.mulf %mul3A_1966, %get3A_1947 : vector<16xf32>
    %mul3A_1968 = arith.mulf %mul3A_1967, %mul3A_1964 : vector<16xf32>
    %mul3A_1969 = arith.mulf %mul3A_1968, %mul3A_1964 : vector<16xf32>
    %sub3A_1970 = arith.constant 1.500000e+00 : f32
    %sub3A_1971 = vector.broadcast %sub3A_1970 : f32 to vector<16xf32>
    %sub3A_1972 = arith.subf %sub3A_1971, %mul3A_1969 : vector<16xf32>
    %mul3A_1973 = arith.mulf %mul3A_1964, %sub3A_1972 : vector<16xf32>
    %mul3A_1974 = arith.constant 5.000000e-01 : f32
    %mul3A_1975 = vector.broadcast %mul3A_1974 : f32 to vector<16xf32>
    %mul3A_1976 = arith.mulf %mul3A_1975, %get3A_1947 : vector<16xf32>
    %mul3A_1977 = arith.mulf %mul3A_1976, %mul3A_1973 : vector<16xf32>
    %mul3A_1978 = arith.mulf %mul3A_1977, %mul3A_1973 : vector<16xf32>
    %sub3A_1979 = arith.constant 1.500000e+00 : f32
    %sub3A_1980 = vector.broadcast %sub3A_1979 : f32 to vector<16xf32>
    %sub3A_1981 = arith.subf %sub3A_1980, %mul3A_1978 : vector<16xf32>
    %mul3A_1982 = arith.mulf %mul3A_1973, %sub3A_1981 : vector<16xf32>
    %gt3A_1983 = arith.constant 5.000000e-01 : f32
    %gt3A_1984 = vector.broadcast %gt3A_1983 : f32 to vector<16xf32>
    %gt3A_1985 = arith.cmpf ogt, %get3A_1947, %gt3A_1984 : vector<16xf32>
    %jit3A_1986 = arith.constant 0.000000e+00 : f32
    %broadcast_in_dim3A_1987 = vector.broadcast %jit3A_1986 : f32 to vector<16xf32>
    %select_n3A_1988 = arith.select %gt3A_1985, %mul3A_1982, %broadcast_in_dim3A_1987 : vector<16xi1>, vector<16xf32>
    %swap3A_1989 = arith.constant 608 : index
    %swap3A_1990 = tpu.vector_load %arg17[%swap3A_1989] {strides = array<i32>} : memref<640xf32, #tpu.memory_space<vmem>>, vector<16xf32>,
    %swap3A_1991 = vector.shape_cast %swap3A_1990 : vector<16xf32> to vector<16xf32>
    %swap3A_1992 = vector.shape_cast %select_n3A_1988 : vector<16xf32> to vector<16xf32>
    tpu.vector_store %arg17[%swap3A_1989], %swap3A_1992 {strides = array<i32>} : memref<640xf32, #tpu.memory_space<vmem>>, vector<16xf32>,
    %get3A_1993 = arith.constant 624 : index
    %get3A_1994 = tpu.vector_load %arg17[%get3A_1993] {strides = array<i32>} : memref<640xf32, #tpu.memory_space<vmem>>, vector<16xf32>,
    %get3A_1995 = vector.shape_cast %get3A_1994 : vector<16xf32> to vector<16xf32>
    %bitcast_convert_type3A_1996 = tpu.bitcast %get3A_1995 : vector<16xf32> -> vector<16xi32>
    %shift_right_arithmetic3A_1997 = arith.constant 1 : i32
    %shift_right_arithmetic3A_1998 = vector.broadcast %shift_right_arithmetic3A_1997 : i32 to vector<16xi32>
    %shift_right_arithmetic3A_1999 = arith.shrsi %bitcast_convert_type3A_1996, %shift_right_arithmetic3A_1998 : vector<16xi32>
    %sub3A_2000 = arith.constant 1597463007 : i32
    %sub3A_2001 = vector.broadcast %sub3A_2000 : i32 to vector<16xi32>
    %sub3A_2002 = arith.subi %sub3A_2001, %shift_right_arithmetic3A_1999 : vector<16xi32>
    %bitcast_convert_type3A_2003 = tpu.bitcast %sub3A_2002 : vector<16xi32> -> vector<16xf32>
    %mul3A_2004 = arith.constant 5.000000e-01 : f32
    %mul3A_2005 = vector.broadcast %mul3A_2004 : f32 to vector<16xf32>
    %mul3A_2006 = arith.mulf %mul3A_2005, %get3A_1995 : vector<16xf32>
    %mul3A_2007 = arith.mulf %mul3A_2006, %bitcast_convert_type3A_2003 : vector<16xf32>
    %mul3A_2008 = arith.mulf %mul3A_2007, %bitcast_convert_type3A_2003 : vector<16xf32>
    %sub3A_2009 = arith.constant 1.500000e+00 : f32
    %sub3A_2010 = vector.broadcast %sub3A_2009 : f32 to vector<16xf32>
    %sub3A_2011 = arith.subf %sub3A_2010, %mul3A_2008 : vector<16xf32>
    %mul3A_2012 = arith.mulf %bitcast_convert_type3A_2003, %sub3A_2011 : vector<16xf32>
    %mul3A_2013 = arith.constant 5.000000e-01 : f32
    %mul3A_2014 = vector.broadcast %mul3A_2013 : f32 to vector<16xf32>
    %mul3A_2015 = arith.mulf %mul3A_2014, %get3A_1995 : vector<16xf32>
    %mul3A_2016 = arith.mulf %mul3A_2015, %mul3A_2012 : vector<16xf32>
    %mul3A_2017 = arith.mulf %mul3A_2016, %mul3A_2012 : vector<16xf32>
    %sub3A_2018 = arith.constant 1.500000e+00 : f32
    %sub3A_2019 = vector.broadcast %sub3A_2018 : f32 to vector<16xf32>
    %sub3A_2020 = arith.subf %sub3A_2019, %mul3A_2017 : vector<16xf32>
    %mul3A_2021 = arith.mulf %mul3A_2012, %sub3A_2020 : vector<16xf32>
    %mul3A_2022 = arith.constant 5.000000e-01 : f32
    %mul3A_2023 = vector.broadcast %mul3A_2022 : f32 to vector<16xf32>
    %mul3A_2024 = arith.mulf %mul3A_2023, %get3A_1995 : vector<16xf32>
    %mul3A_2025 = arith.mulf %mul3A_2024, %mul3A_2021 : vector<16xf32>
    %mul3A_2026 = arith.mulf %mul3A_2025, %mul3A_2021 : vector<16xf32>
    %sub3A_2027 = arith.constant 1.500000e+00 : f32
    %sub3A_2028 = vector.broadcast %sub3A_2027 : f32 to vector<16xf32>
    %sub3A_2029 = arith.subf %sub3A_2028, %mul3A_2026 : vector<16xf32>
    %mul3A_2030 = arith.mulf %mul3A_2021, %sub3A_2029 : vector<16xf32>
    %gt3A_2031 = arith.constant 5.000000e-01 : f32
    %gt3A_2032 = vector.broadcast %gt3A_2031 : f32 to vector<16xf32>
    %gt3A_2033 = arith.cmpf ogt, %get3A_1995, %gt3A_2032 : vector<16xf32>
    %jit3A_2034 = arith.constant 0.000000e+00 : f32
    %broadcast_in_dim3A_2035 = vector.broadcast %jit3A_2034 : f32 to vector<16xf32>
    %select_n3A_2036 = arith.select %gt3A_2033, %mul3A_2030, %broadcast_in_dim3A_2035 : vector<16xi1>, vector<16xf32>
    %swap3A_2037 = arith.constant 624 : index
    %swap3A_2038 = tpu.vector_load %arg17[%swap3A_2037] {strides = array<i32>} : memref<640xf32, #tpu.memory_space<vmem>>, vector<16xf32>,
    %swap3A_2039 = vector.shape_cast %swap3A_2038 : vector<16xf32> to vector<16xf32>
    %swap3A_2040 = vector.shape_cast %select_n3A_2036 : vector<16xf32> to vector<16xf32>
    tpu.vector_store %arg17[%swap3A_2037], %swap3A_2040 {strides = array<i32>} : memref<640xf32, #tpu.memory_space<vmem>>, vector<16xf32>,
    %eq3A_2041 = arith.constant 0 : i32
    %eq3A_2042 = arith.cmpi eq, %arg0, %eq3A_2041 : i32
    %convert_element_type3A_2043 = arith.extui %eq3A_2042 : i1 to i32
    %cond3A_2044 = arith.constant 0 : i32
    %cond3A_2045 = arith.cmpi ne, %convert_element_type3A_2043, %cond3A_2044 : i32
    scf.if %cond3A_2045 {
      "tpu.region"() ({
        %run_scoped3A = tpu.sem_alloc : memref<!tpu.dma_semaphore, #tpu.memory_space<semaphore_mem>>
        %dma_start3A_2051 = tpu.memref_slice %arg5[%multiple_of3A] : memref<10240xf32, #tpu.memory_space<hbm>> -> memref<640xf32, #tpu.memory_space<hbm>>
        %dma_start3A_2052 = tpu.memref_slice %arg5[%multiple_of3A] : memref<10240xf32, #tpu.memory_space<hbm>> -> memref<640xf32, #tpu.memory_space<hbm>>
        tpu.enqueue_dma source(%arg17 : memref<640xf32, #tpu.memory_space<vmem>>) target(%dma_start3A_2052 : memref<640xf32, #tpu.memory_space<hbm>>) target_semaphore(%run_scoped3A : memref<!tpu.dma_semaphore, #tpu.memory_space<semaphore_mem>>)
        %dma_wait3A_2053 = tpu.memref_slice %arg5[%multiple_of3A] : memref<10240xf32, #tpu.memory_space<hbm>> -> memref<640xf32, #tpu.memory_space<hbm>>
        %dma_wait3A_2054 = tpu.memref_slice %arg5[%multiple_of3A] : memref<10240xf32, #tpu.memory_space<hbm>> -> memref<640xf32, #tpu.memory_space<hbm>>
        tpu.wait_dma2 semaphore(%run_scoped3A : memref<!tpu.dma_semaphore, #tpu.memory_space<semaphore_mem>>) src(%arg17 : memref<640xf32, #tpu.memory_space<vmem>>) dst(%dma_wait3A_2054 : memref<640xf32, #tpu.memory_space<hbm>>)
        tpu.yield
      }) : () -> ()
    } else {
    }
    %eq3A_2046 = arith.constant 1 : i32
    %eq3A_2047 = arith.cmpi eq, %arg0, %eq3A_2046 : i32
    %convert_element_type3A_2048 = arith.extui %eq3A_2047 : i1 to i32
    %cond3A_2049 = arith.constant 0 : i32
    %cond3A_2050 = arith.cmpi ne, %convert_element_type3A_2048, %cond3A_2049 : i32
    scf.if %cond3A_2050 {
      "tpu.region"() ({
        %run_scoped3A = tpu.sem_alloc : memref<!tpu.dma_semaphore, #tpu.memory_space<semaphore_mem>>
        %dma_start3A_2051 = tpu.memref_slice %arg6[%multiple_of3A] : memref<10240xf32, #tpu.memory_space<hbm>> -> memref<640xf32, #tpu.memory_space<hbm>>
        %dma_start3A_2052 = tpu.memref_slice %arg6[%multiple_of3A] : memref<10240xf32, #tpu.memory_space<hbm>> -> memref<640xf32, #tpu.memory_space<hbm>>
        tpu.enqueue_dma source(%arg17 : memref<640xf32, #tpu.memory_space<vmem>>) target(%dma_start3A_2052 : memref<640xf32, #tpu.memory_space<hbm>>) target_semaphore(%run_scoped3A : memref<!tpu.dma_semaphore, #tpu.memory_space<semaphore_mem>>)
        %dma_wait3A_2053 = tpu.memref_slice %arg6[%multiple_of3A] : memref<10240xf32, #tpu.memory_space<hbm>> -> memref<640xf32, #tpu.memory_space<hbm>>
        %dma_wait3A_2054 = tpu.memref_slice %arg6[%multiple_of3A] : memref<10240xf32, #tpu.memory_space<hbm>> -> memref<640xf32, #tpu.memory_space<hbm>>
        tpu.wait_dma2 semaphore(%run_scoped3A : memref<!tpu.dma_semaphore, #tpu.memory_space<semaphore_mem>>) src(%arg17 : memref<640xf32, #tpu.memory_space<vmem>>) dst(%dma_wait3A_2054 : memref<640xf32, #tpu.memory_space<hbm>>)
        tpu.yield
      }) : () -> ()
    } else {
    }
    return
  }
}

#map = affine_map<(d0, d1) -> (0, 0)>
#map1 = affine_map<(d0, d1) -> (0, 0, 0, 0, 0)>
#map2 = affine_map<(d0, d1) -> (0, 0, 0)>
module attributes {stable_mosaic.version = 14 : i64} {
  func.func @_edge_scatter(%arg0: i32, %arg1: i32, %arg2: memref<10240x128xf32, #tpu.memory_space<hbm>>, %arg3: memref<2x32x2x320x32xi32, #tpu.memory_space<hbm>>, %arg4: memref<10112x128xf32, #tpu.memory_space<hbm>>, %arg5: memref<2x10112x128xf32, #tpu.memory_space<hbm>>, %arg6: memref<5120x128xf32, #tpu.memory_space<vmem_shared>>, %arg7: memref<10112x128xf32, #tpu.memory_space<vmem_shared>>, %arg8: memref<4x32xi32, #tpu.memory_space<vmem>>, %arg9: memref<4x32xi32, #tpu.memory_space<vmem>>, %arg10: memref<32x128xf32, #tpu.memory_space<vmem>>, %arg11: memref<32x128xf32, #tpu.memory_space<vmem>>, %arg12: memref<!tpu.dma_semaphore, #tpu.memory_space<semaphore_mem>>, %arg13: memref<!tpu.dma_semaphore, #tpu.memory_space<semaphore_mem>>, %arg14: memref<!tpu.dma_semaphore, #tpu.memory_space<semaphore_mem>>, %arg15: memref<!tpu.dma_semaphore, #tpu.memory_space<semaphore_mem>>, %arg16: memref<!tpu.dma_semaphore, #tpu.memory_space<semaphore_mem>>, %arg17: memref<!tpu.dma_semaphore, #tpu.memory_space<semaphore_mem>>) attributes {dimension_semantics = [#tpu.dimension_semantics<core_parallel>, #tpu.dimension_semantics<subcore_parallel>], iteration_bounds = array<i64: 2, 16>, scalar_prefetch = 0 : i64, scratch_operands = 12 : i64, tpu.core_type = #tpu.core_type<sc_vector_subcore>, window_params = [{transform_indices = #map}, {transform_indices = #map1}, {transform_indices = #map}, {transform_indices = #map2}]} {
    %mul3A = arith.constant 632 : i32
    %mul3A_0 = arith.muli %arg1, %mul3A : i32
    %multiple_of3A = tpu.assume_multiple %mul3A_0, 8 : i32
    %mul3A_1 = arith.constant 320 : i32
    %mul3A_2 = arith.muli %arg1, %mul3A_1 : i32
    %multiple_of3A_3 = tpu.assume_multiple %mul3A_2, 8 : i32
    "tpu.region"() ({
      %run_scoped3A_143 = tpu.sem_alloc : memref<!tpu.dma_semaphore, #tpu.memory_space<semaphore_mem>>
      %dma_start3A_144 = arith.constant 0 : i32
      %dma_start3A_145 = tpu.memref_slice %arg7[%multiple_of3A, %dma_start3A_144] : memref<10112x128xf32, #tpu.memory_space<vmem_shared>> -> memref<632x128xf32, #tpu.memory_space<vmem_shared>>
      %dma_start3A_146 = arith.constant 0 : i32
      %dma_start3A_147 = tpu.memref_slice %arg4[%multiple_of3A, %dma_start3A_146] : memref<10112x128xf32, #tpu.memory_space<hbm>> -> memref<632x128xf32, #tpu.memory_space<hbm>>
      tpu.enqueue_dma source(%dma_start3A_147 : memref<632x128xf32, #tpu.memory_space<hbm>>) target(%dma_start3A_145 : memref<632x128xf32, #tpu.memory_space<vmem_shared>>) target_semaphore(%run_scoped3A_143 : memref<!tpu.dma_semaphore, #tpu.memory_space<semaphore_mem>>)
      %dma_wait3A_148 = arith.constant 0 : i32
      %dma_wait3A_149 = tpu.memref_slice %arg7[%multiple_of3A, %dma_wait3A_148] : memref<10112x128xf32, #tpu.memory_space<vmem_shared>> -> memref<632x128xf32, #tpu.memory_space<vmem_shared>>
      %dma_wait3A_150 = arith.constant 0 : i32
      %dma_wait3A_151 = tpu.memref_slice %arg4[%multiple_of3A, %dma_wait3A_150] : memref<10112x128xf32, #tpu.memory_space<hbm>> -> memref<632x128xf32, #tpu.memory_space<hbm>>
      tpu.wait_dma2 semaphore(%run_scoped3A_143 : memref<!tpu.dma_semaphore, #tpu.memory_space<semaphore_mem>>) src(%dma_wait3A_151 : memref<632x128xf32, #tpu.memory_space<hbm>>) dst(%dma_wait3A_149 : memref<632x128xf32, #tpu.memory_space<vmem_shared>>)
      tpu.yield
    }) : () -> ()
    %mul3A_4 = arith.constant 5120 : i32
    %mul3A_5 = arith.muli %arg0, %mul3A_4 : i32
    %add3A = arith.addi %mul3A_5, %multiple_of3A_3 : i32
    "tpu.region"() ({
      %run_scoped3A_143 = tpu.sem_alloc : memref<!tpu.dma_semaphore, #tpu.memory_space<semaphore_mem>>
      %dma_start3A_144 = arith.constant 0 : i32
      %dma_start3A_145 = tpu.memref_slice %arg6[%multiple_of3A_3, %dma_start3A_144] : memref<5120x128xf32, #tpu.memory_space<vmem_shared>> -> memref<320x128xf32, #tpu.memory_space<vmem_shared>>
      %dma_start3A_146 = arith.constant 0 : i32
      %dma_start3A_147 = tpu.memref_slice %arg2[%add3A, %dma_start3A_146] : memref<10240x128xf32, #tpu.memory_space<hbm>> -> memref<320x128xf32, #tpu.memory_space<hbm>>
      tpu.enqueue_dma source(%dma_start3A_147 : memref<320x128xf32, #tpu.memory_space<hbm>>) target(%dma_start3A_145 : memref<320x128xf32, #tpu.memory_space<vmem_shared>>) target_semaphore(%run_scoped3A_143 : memref<!tpu.dma_semaphore, #tpu.memory_space<semaphore_mem>>)
      %dma_wait3A_148 = arith.constant 0 : i32
      %dma_wait3A_149 = tpu.memref_slice %arg6[%multiple_of3A_3, %dma_wait3A_148] : memref<5120x128xf32, #tpu.memory_space<vmem_shared>> -> memref<320x128xf32, #tpu.memory_space<vmem_shared>>
      %dma_wait3A_150 = arith.constant 0 : i32
      %dma_wait3A_151 = tpu.memref_slice %arg2[%add3A, %dma_wait3A_150] : memref<10240x128xf32, #tpu.memory_space<hbm>> -> memref<320x128xf32, #tpu.memory_space<hbm>>
      tpu.wait_dma2 semaphore(%run_scoped3A_143 : memref<!tpu.dma_semaphore, #tpu.memory_space<semaphore_mem>>) src(%dma_wait3A_151 : memref<320x128xf32, #tpu.memory_space<hbm>>) dst(%dma_wait3A_149 : memref<320x128xf32, #tpu.memory_space<vmem_shared>>)
      tpu.yield
    }) : () -> ()
    %barrier3A = arith.constant 0 : index
    tpu.barrier barrier_id(%barrier3A)
    %mul3A_6 = arith.constant 2 : i32
    %mul3A_7 = arith.muli %mul3A_6, %arg1 : i32
    %add3A_8 = arith.constant 0 : i32
    %add3A_9 = arith.addi %mul3A_7, %add3A_8 : i32
    %run_scoped3A = arith.constant 0 : i32
    "tpu.region"() ({
      %run_scoped3A_143 = tpu.sem_alloc : memref<!tpu.dma_semaphore, #tpu.memory_space<semaphore_mem>>
      %dma_start3A_144 = arith.constant 0 : i32
      %dma_start3A_145 = arith.constant 0 : i32
      %dma_start3A_146 = tpu.memref_slice %arg8[%dma_start3A_144, %dma_start3A_145] : memref<4x32xi32, #tpu.memory_space<vmem>> -> memref<2x32xi32, #tpu.memory_space<vmem>>
      %dma_start3A_147 = arith.constant 0 : i32
      %dma_start3A_148 = arith.constant 0 : i32
      %dma_start3A_149 = tpu.memref_slice %arg3[%arg0, %add3A_9, %run_scoped3A, %dma_start3A_147, %dma_start3A_148] : memref<2x32x2x320x32xi32, #tpu.memory_space<hbm>> -> memref<1x1x1x320x32xi32, #tpu.memory_space<hbm>>
      %dma_start3A_150 = tpu.memref_squeeze %dma_start3A_149 : memref<1x1x1x320x32xi32, #tpu.memory_space<hbm>> -> memref<320x32xi32, #tpu.memory_space<hbm>>
      %dma_start3A_151 = arith.constant 0 : i32
      %dma_start3A_152 = arith.constant 0 : i32
      %dma_start3A_153 = tpu.memref_slice %dma_start3A_150[%dma_start3A_151, %dma_start3A_152] : memref<320x32xi32, #tpu.memory_space<hbm>> -> memref<2x32xi32, #tpu.memory_space<hbm>>
      %dma_start3A_154 = arith.constant 0 : i32
      %dma_start3A_155 = arith.constant 0 : i32
      %dma_start3A_156 = tpu.memref_slice %arg8[%dma_start3A_154, %dma_start3A_155] : memref<4x32xi32, #tpu.memory_space<vmem>> -> memref<2x32xi32, #tpu.memory_space<vmem>>
      %dma_start3A_157 = arith.constant 0 : i32
      %dma_start3A_158 = arith.constant 0 : i32
      %dma_start3A_159 = tpu.memref_slice %arg3[%arg0, %add3A_9, %run_scoped3A, %dma_start3A_157, %dma_start3A_158] : memref<2x32x2x320x32xi32, #tpu.memory_space<hbm>> -> memref<1x1x1x320x32xi32, #tpu.memory_space<hbm>>
      %dma_start3A_160 = tpu.memref_squeeze %dma_start3A_159 : memref<1x1x1x320x32xi32, #tpu.memory_space<hbm>> -> memref<320x32xi32, #tpu.memory_space<hbm>>
      %dma_start3A_161 = arith.constant 0 : i32
      %dma_start3A_162 = arith.constant 0 : i32
      %dma_start3A_163 = tpu.memref_slice %dma_start3A_160[%dma_start3A_161, %dma_start3A_162] : memref<320x32xi32, #tpu.memory_space<hbm>> -> memref<2x32xi32, #tpu.memory_space<hbm>>
      tpu.enqueue_dma source(%dma_start3A_163 : memref<2x32xi32, #tpu.memory_space<hbm>>) target(%dma_start3A_156 : memref<2x32xi32, #tpu.memory_space<vmem>>) target_semaphore(%run_scoped3A_143 : memref<!tpu.dma_semaphore, #tpu.memory_space<semaphore_mem>>)
      %dma_wait3A_164 = arith.constant 0 : i32
      %dma_wait3A_165 = arith.constant 0 : i32
      %dma_wait3A_166 = tpu.memref_slice %arg8[%dma_wait3A_164, %dma_wait3A_165] : memref<4x32xi32, #tpu.memory_space<vmem>> -> memref<2x32xi32, #tpu.memory_space<vmem>>
      %dma_wait3A_167 = arith.constant 0 : i32
      %dma_wait3A_168 = arith.constant 0 : i32
      %dma_wait3A_169 = tpu.memref_slice %arg3[%arg0, %add3A_9, %run_scoped3A, %dma_wait3A_167, %dma_wait3A_168] : memref<2x32x2x320x32xi32, #tpu.memory_space<hbm>> -> memref<1x1x1x320x32xi32, #tpu.memory_space<hbm>>
      %dma_wait3A_170 = tpu.memref_squeeze %dma_wait3A_169 : memref<1x1x1x320x32xi32, #tpu.memory_space<hbm>> -> memref<320x32xi32, #tpu.memory_space<hbm>>
      %dma_wait3A_171 = arith.constant 0 : i32
      %dma_wait3A_172 = arith.constant 0 : i32
      %dma_wait3A_173 = tpu.memref_slice %dma_wait3A_170[%dma_wait3A_171, %dma_wait3A_172] : memref<320x32xi32, #tpu.memory_space<hbm>> -> memref<2x32xi32, #tpu.memory_space<hbm>>
      %dma_wait3A_174 = arith.constant 0 : i32
      %dma_wait3A_175 = arith.constant 0 : i32
      %dma_wait3A_176 = tpu.memref_slice %arg8[%dma_wait3A_174, %dma_wait3A_175] : memref<4x32xi32, #tpu.memory_space<vmem>> -> memref<2x32xi32, #tpu.memory_space<vmem>>
      %dma_wait3A_177 = arith.constant 0 : i32
      %dma_wait3A_178 = arith.constant 0 : i32
      %dma_wait3A_179 = tpu.memref_slice %arg3[%arg0, %add3A_9, %run_scoped3A, %dma_wait3A_177, %dma_wait3A_178] : memref<2x32x2x320x32xi32, #tpu.memory_space<hbm>> -> memref<1x1x1x320x32xi32, #tpu.memory_space<hbm>>
      %dma_wait3A_180 = tpu.memref_squeeze %dma_wait3A_179 : memref<1x1x1x320x32xi32, #tpu.memory_space<hbm>> -> memref<320x32xi32, #tpu.memory_space<hbm>>
      %dma_wait3A_181 = arith.constant 0 : i32
      %dma_wait3A_182 = arith.constant 0 : i32
      %dma_wait3A_183 = tpu.memref_slice %dma_wait3A_180[%dma_wait3A_181, %dma_wait3A_182] : memref<320x32xi32, #tpu.memory_space<hbm>> -> memref<2x32xi32, #tpu.memory_space<hbm>>
      tpu.wait_dma2 semaphore(%run_scoped3A_143 : memref<!tpu.dma_semaphore, #tpu.memory_space<semaphore_mem>>) src(%dma_wait3A_183 : memref<2x32xi32, #tpu.memory_space<hbm>>) dst(%dma_wait3A_176 : memref<2x32xi32, #tpu.memory_space<vmem>>)
      tpu.yield
    }) : () -> ()
    %run_scoped3A_10 = arith.constant 1 : i32
    "tpu.region"() ({
      %run_scoped3A_143 = tpu.sem_alloc : memref<!tpu.dma_semaphore, #tpu.memory_space<semaphore_mem>>
      %dma_start3A_144 = arith.constant 0 : i32
      %dma_start3A_145 = arith.constant 0 : i32
      %dma_start3A_146 = tpu.memref_slice %arg9[%dma_start3A_144, %dma_start3A_145] : memref<4x32xi32, #tpu.memory_space<vmem>> -> memref<2x32xi32, #tpu.memory_space<vmem>>
      %dma_start3A_147 = arith.constant 0 : i32
      %dma_start3A_148 = arith.constant 0 : i32
      %dma_start3A_149 = tpu.memref_slice %arg3[%arg0, %add3A_9, %run_scoped3A_10, %dma_start3A_147, %dma_start3A_148] : memref<2x32x2x320x32xi32, #tpu.memory_space<hbm>> -> memref<1x1x1x320x32xi32, #tpu.memory_space<hbm>>
      %dma_start3A_150 = tpu.memref_squeeze %dma_start3A_149 : memref<1x1x1x320x32xi32, #tpu.memory_space<hbm>> -> memref<320x32xi32, #tpu.memory_space<hbm>>
      %dma_start3A_151 = arith.constant 0 : i32
      %dma_start3A_152 = arith.constant 0 : i32
      %dma_start3A_153 = tpu.memref_slice %dma_start3A_150[%dma_start3A_151, %dma_start3A_152] : memref<320x32xi32, #tpu.memory_space<hbm>> -> memref<2x32xi32, #tpu.memory_space<hbm>>
      %dma_start3A_154 = arith.constant 0 : i32
      %dma_start3A_155 = arith.constant 0 : i32
      %dma_start3A_156 = tpu.memref_slice %arg9[%dma_start3A_154, %dma_start3A_155] : memref<4x32xi32, #tpu.memory_space<vmem>> -> memref<2x32xi32, #tpu.memory_space<vmem>>
      %dma_start3A_157 = arith.constant 0 : i32
      %dma_start3A_158 = arith.constant 0 : i32
      %dma_start3A_159 = tpu.memref_slice %arg3[%arg0, %add3A_9, %run_scoped3A_10, %dma_start3A_157, %dma_start3A_158] : memref<2x32x2x320x32xi32, #tpu.memory_space<hbm>> -> memref<1x1x1x320x32xi32, #tpu.memory_space<hbm>>
      %dma_start3A_160 = tpu.memref_squeeze %dma_start3A_159 : memref<1x1x1x320x32xi32, #tpu.memory_space<hbm>> -> memref<320x32xi32, #tpu.memory_space<hbm>>
      %dma_start3A_161 = arith.constant 0 : i32
      %dma_start3A_162 = arith.constant 0 : i32
      %dma_start3A_163 = tpu.memref_slice %dma_start3A_160[%dma_start3A_161, %dma_start3A_162] : memref<320x32xi32, #tpu.memory_space<hbm>> -> memref<2x32xi32, #tpu.memory_space<hbm>>
      tpu.enqueue_dma source(%dma_start3A_163 : memref<2x32xi32, #tpu.memory_space<hbm>>) target(%dma_start3A_156 : memref<2x32xi32, #tpu.memory_space<vmem>>) target_semaphore(%run_scoped3A_143 : memref<!tpu.dma_semaphore, #tpu.memory_space<semaphore_mem>>)
      %dma_wait3A_164 = arith.constant 0 : i32
      %dma_wait3A_165 = arith.constant 0 : i32
      %dma_wait3A_166 = tpu.memref_slice %arg9[%dma_wait3A_164, %dma_wait3A_165] : memref<4x32xi32, #tpu.memory_space<vmem>> -> memref<2x32xi32, #tpu.memory_space<vmem>>
      %dma_wait3A_167 = arith.constant 0 : i32
      %dma_wait3A_168 = arith.constant 0 : i32
      %dma_wait3A_169 = tpu.memref_slice %arg3[%arg0, %add3A_9, %run_scoped3A_10, %dma_wait3A_167, %dma_wait3A_168] : memref<2x32x2x320x32xi32, #tpu.memory_space<hbm>> -> memref<1x1x1x320x32xi32, #tpu.memory_space<hbm>>
      %dma_wait3A_170 = tpu.memref_squeeze %dma_wait3A_169 : memref<1x1x1x320x32xi32, #tpu.memory_space<hbm>> -> memref<320x32xi32, #tpu.memory_space<hbm>>
      %dma_wait3A_171 = arith.constant 0 : i32
      %dma_wait3A_172 = arith.constant 0 : i32
      %dma_wait3A_173 = tpu.memref_slice %dma_wait3A_170[%dma_wait3A_171, %dma_wait3A_172] : memref<320x32xi32, #tpu.memory_space<hbm>> -> memref<2x32xi32, #tpu.memory_space<hbm>>
      %dma_wait3A_174 = arith.constant 0 : i32
      %dma_wait3A_175 = arith.constant 0 : i32
      %dma_wait3A_176 = tpu.memref_slice %arg9[%dma_wait3A_174, %dma_wait3A_175] : memref<4x32xi32, #tpu.memory_space<vmem>> -> memref<2x32xi32, #tpu.memory_space<vmem>>
      %dma_wait3A_177 = arith.constant 0 : i32
      %dma_wait3A_178 = arith.constant 0 : i32
      %dma_wait3A_179 = tpu.memref_slice %arg3[%arg0, %add3A_9, %run_scoped3A_10, %dma_wait3A_177, %dma_wait3A_178] : memref<2x32x2x320x32xi32, #tpu.memory_space<hbm>> -> memref<1x1x1x320x32xi32, #tpu.memory_space<hbm>>
      %dma_wait3A_180 = tpu.memref_squeeze %dma_wait3A_179 : memref<1x1x1x320x32xi32, #tpu.memory_space<hbm>> -> memref<320x32xi32, #tpu.memory_space<hbm>>
      %dma_wait3A_181 = arith.constant 0 : i32
      %dma_wait3A_182 = arith.constant 0 : i32
      %dma_wait3A_183 = tpu.memref_slice %dma_wait3A_180[%dma_wait3A_181, %dma_wait3A_182] : memref<320x32xi32, #tpu.memory_space<hbm>> -> memref<2x32xi32, #tpu.memory_space<hbm>>
      tpu.wait_dma2 semaphore(%run_scoped3A_143 : memref<!tpu.dma_semaphore, #tpu.memory_space<semaphore_mem>>) src(%dma_wait3A_183 : memref<2x32xi32, #tpu.memory_space<hbm>>) dst(%dma_wait3A_176 : memref<2x32xi32, #tpu.memory_space<vmem>>)
      tpu.yield
    }) : () -> ()
    %dma_start3A = arith.constant 0 : i32
    %dma_start3A_11 = arith.constant 0 : i32
    %dma_start3A_12 = tpu.memref_slice %arg8[%dma_start3A, %dma_start3A_11] : memref<4x32xi32, #tpu.memory_space<vmem>> -> memref<1x32xi32, #tpu.memory_space<vmem>>
    %dma_start3A_13 = tpu.memref_squeeze %dma_start3A_12 : memref<1x32xi32, #tpu.memory_space<vmem>> -> memref<32xi32, #tpu.memory_space<vmem>>
    %dma_start3A_14 = arith.constant 0 : i32
    %dma_start3A_15 = arith.constant 0 : i32
    %dma_start3A_16 = tpu.memref_slice %arg6[%dma_start3A_14, %dma_start3A_15] : memref<5120x128xf32, #tpu.memory_space<vmem_shared>> -> memref<5120x128xf32, #tpu.memory_space<vmem_shared>>
    tpu.enqueue_indirect_dma source(%dma_start3A_16 : memref<5120x128xf32, #tpu.memory_space<vmem_shared>>) target(%arg10 : memref<32x128xf32, #tpu.memory_space<vmem>>) offsets(%dma_start3A_13 : memref<32xi32, #tpu.memory_space<vmem>>) semaphore(%arg12 : memref<!tpu.dma_semaphore, #tpu.memory_space<semaphore_mem>>)
    %dma_start3A_17 = arith.constant 1 : i32
    %dma_start3A_18 = arith.constant 0 : i32
    %dma_start3A_19 = tpu.memref_slice %arg8[%dma_start3A_17, %dma_start3A_18] : memref<4x32xi32, #tpu.memory_space<vmem>> -> memref<1x32xi32, #tpu.memory_space<vmem>>
    %dma_start3A_20 = tpu.memref_squeeze %dma_start3A_19 : memref<1x32xi32, #tpu.memory_space<vmem>> -> memref<32xi32, #tpu.memory_space<vmem>>
    %dma_start3A_21 = arith.constant 0 : i32
    %dma_start3A_22 = arith.constant 0 : i32
    %dma_start3A_23 = tpu.memref_slice %arg6[%dma_start3A_21, %dma_start3A_22] : memref<5120x128xf32, #tpu.memory_space<vmem_shared>> -> memref<5120x128xf32, #tpu.memory_space<vmem_shared>>
    tpu.enqueue_indirect_dma source(%dma_start3A_23 : memref<5120x128xf32, #tpu.memory_space<vmem_shared>>) target(%arg11 : memref<32x128xf32, #tpu.memory_space<vmem>>) offsets(%dma_start3A_20 : memref<32xi32, #tpu.memory_space<vmem>>) semaphore(%arg13 : memref<!tpu.dma_semaphore, #tpu.memory_space<semaphore_mem>>)
    %scan3A = arith.constant 0 : i32
    %scan3A_24 = arith.constant 0 : i32
    %scan3A_25 = arith.constant 1 : i32
    %scan3A_26 = arith.constant 0 : i32
    %scan3A_27 = arith.constant 159 : i32
    %scan3A_28 = arith.addi %scan3A_26, %scan3A_27 : i32
    %scan3A_29 = arith.constant 1 : i32
    scf.for %scan3A_143 = %scan3A_26 to %scan3A_28 step %scan3A_29  : i32 {
      %rem3A = arith.constant 2 : i32
      %rem3A_144 = arith.remsi %scan3A_143, %rem3A : i32
      %add3A_145 = arith.constant 1 : i32
      %add3A_146 = arith.addi %scan3A_143, %add3A_145 : i32
      %sub3A = arith.constant 1 : i32
      %sub3A_147 = arith.subi %sub3A, %rem3A_144 : i32
      %mul3A_148 = arith.constant 2 : i32
      %mul3A_149 = arith.muli %add3A_146, %mul3A_148 : i32
      %mul3A_150 = arith.constant 2 : i32
      %mul3A_151 = arith.muli %sub3A_147, %mul3A_150 : i32
      %dma_start3A_152 = arith.constant 0 : i32
      %dma_start3A_153 = tpu.memref_slice %arg8[%mul3A_151, %dma_start3A_152] : memref<4x32xi32, #tpu.memory_space<vmem>> -> memref<2x32xi32, #tpu.memory_space<vmem>>
      %dma_start3A_154 = arith.constant 0 : i32
      %dma_start3A_155 = arith.constant 0 : i32
      %dma_start3A_156 = tpu.memref_slice %arg3[%arg0, %add3A_9, %scan3A_24, %dma_start3A_154, %dma_start3A_155] : memref<2x32x2x320x32xi32, #tpu.memory_space<hbm>> -> memref<1x1x1x320x32xi32, #tpu.memory_space<hbm>>
      %dma_start3A_157 = tpu.memref_squeeze %dma_start3A_156 : memref<1x1x1x320x32xi32, #tpu.memory_space<hbm>> -> memref<320x32xi32, #tpu.memory_space<hbm>>
      %dma_start3A_158 = arith.constant 0 : i32
      %dma_start3A_159 = tpu.memref_slice %dma_start3A_157[%mul3A_149, %dma_start3A_158] : memref<320x32xi32, #tpu.memory_space<hbm>> -> memref<2x32xi32, #tpu.memory_space<hbm>>
      %dma_start3A_160 = arith.constant 0 : i32
      %dma_start3A_161 = tpu.memref_slice %arg8[%mul3A_151, %dma_start3A_160] : memref<4x32xi32, #tpu.memory_space<vmem>> -> memref<2x32xi32, #tpu.memory_space<vmem>>
      %dma_start3A_162 = arith.constant 0 : i32
      %dma_start3A_163 = arith.constant 0 : i32
      %dma_start3A_164 = tpu.memref_slice %arg3[%arg0, %add3A_9, %scan3A_24, %dma_start3A_162, %dma_start3A_163] : memref<2x32x2x320x32xi32, #tpu.memory_space<hbm>> -> memref<1x1x1x320x32xi32, #tpu.memory_space<hbm>>
      %dma_start3A_165 = tpu.memref_squeeze %dma_start3A_164 : memref<1x1x1x320x32xi32, #tpu.memory_space<hbm>> -> memref<320x32xi32, #tpu.memory_space<hbm>>
      %dma_start3A_166 = arith.constant 0 : i32
      %dma_start3A_167 = tpu.memref_slice %dma_start3A_165[%mul3A_149, %dma_start3A_166] : memref<320x32xi32, #tpu.memory_space<hbm>> -> memref<2x32xi32, #tpu.memory_space<hbm>>
      tpu.enqueue_dma source(%dma_start3A_167 : memref<2x32xi32, #tpu.memory_space<hbm>>) target(%dma_start3A_161 : memref<2x32xi32, #tpu.memory_space<vmem>>) target_semaphore(%arg16 : memref<!tpu.dma_semaphore, #tpu.memory_space<semaphore_mem>>)
      %mul3A_168 = arith.constant 2 : i32
      %mul3A_169 = arith.muli %add3A_146, %mul3A_168 : i32
      %mul3A_170 = arith.constant 2 : i32
      %mul3A_171 = arith.muli %sub3A_147, %mul3A_170 : i32
      %dma_start3A_172 = arith.constant 0 : i32
      %dma_start3A_173 = tpu.memref_slice %arg9[%mul3A_171, %dma_start3A_172] : memref<4x32xi32, #tpu.memory_space<vmem>> -> memref<2x32xi32, #tpu.memory_space<vmem>>
      %dma_start3A_174 = arith.constant 0 : i32
      %dma_start3A_175 = arith.constant 0 : i32
      %dma_start3A_176 = tpu.memref_slice %arg3[%arg0, %add3A_9, %scan3A_25, %dma_start3A_174, %dma_start3A_175] : memref<2x32x2x320x32xi32, #tpu.memory_space<hbm>> -> memref<1x1x1x320x32xi32, #tpu.memory_space<hbm>>
      %dma_start3A_177 = tpu.memref_squeeze %dma_start3A_176 : memref<1x1x1x320x32xi32, #tpu.memory_space<hbm>> -> memref<320x32xi32, #tpu.memory_space<hbm>>
      %dma_start3A_178 = arith.constant 0 : i32
      %dma_start3A_179 = tpu.memref_slice %dma_start3A_177[%mul3A_169, %dma_start3A_178] : memref<320x32xi32, #tpu.memory_space<hbm>> -> memref<2x32xi32, #tpu.memory_space<hbm>>
      %dma_start3A_180 = arith.constant 0 : i32
      %dma_start3A_181 = tpu.memref_slice %arg9[%mul3A_171, %dma_start3A_180] : memref<4x32xi32, #tpu.memory_space<vmem>> -> memref<2x32xi32, #tpu.memory_space<vmem>>
      %dma_start3A_182 = arith.constant 0 : i32
      %dma_start3A_183 = arith.constant 0 : i32
      %dma_start3A_184 = tpu.memref_slice %arg3[%arg0, %add3A_9, %scan3A_25, %dma_start3A_182, %dma_start3A_183] : memref<2x32x2x320x32xi32, #tpu.memory_space<hbm>> -> memref<1x1x1x320x32xi32, #tpu.memory_space<hbm>>
      %dma_start3A_185 = tpu.memref_squeeze %dma_start3A_184 : memref<1x1x1x320x32xi32, #tpu.memory_space<hbm>> -> memref<320x32xi32, #tpu.memory_space<hbm>>
      %dma_start3A_186 = arith.constant 0 : i32
      %dma_start3A_187 = tpu.memref_slice %dma_start3A_185[%mul3A_169, %dma_start3A_186] : memref<320x32xi32, #tpu.memory_space<hbm>> -> memref<2x32xi32, #tpu.memory_space<hbm>>
      tpu.enqueue_dma source(%dma_start3A_187 : memref<2x32xi32, #tpu.memory_space<hbm>>) target(%dma_start3A_181 : memref<2x32xi32, #tpu.memory_space<vmem>>) target_semaphore(%arg17 : memref<!tpu.dma_semaphore, #tpu.memory_space<semaphore_mem>>)
      %dma_wait3A_188 = arith.constant 0 : i32
      %dma_wait3A_189 = arith.constant 0 : i32
      %dma_wait3A_190 = tpu.memref_slice %arg8[%dma_wait3A_188, %dma_wait3A_189] : memref<4x32xi32, #tpu.memory_space<vmem>> -> memref<1x32xi32, #tpu.memory_space<vmem>>
      %dma_wait3A_191 = tpu.memref_squeeze %dma_wait3A_190 : memref<1x32xi32, #tpu.memory_space<vmem>> -> memref<32xi32, #tpu.memory_space<vmem>>
      %dma_wait3A_192 = arith.constant 0 : i32
      %dma_wait3A_193 = arith.constant 0 : i32
      %dma_wait3A_194 = tpu.memref_slice %arg6[%dma_wait3A_192, %dma_wait3A_193] : memref<5120x128xf32, #tpu.memory_space<vmem_shared>> -> memref<5120x128xf32, #tpu.memory_space<vmem_shared>>
      tpu.wait_indirect_dma semaphore(%arg12 : memref<!tpu.dma_semaphore, #tpu.memory_space<semaphore_mem>>) src(%dma_wait3A_194 : memref<5120x128xf32, #tpu.memory_space<vmem_shared>>) dst(%arg10 : memref<32x128xf32, #tpu.memory_space<vmem>>)
      %mul3A_195 = arith.constant 2 : i32
      %mul3A_196 = arith.muli %rem3A_144, %mul3A_195 : i32
      %add3A_197 = arith.constant 0 : i32
      %add3A_198 = arith.addi %mul3A_196, %add3A_197 : i32
      %dma_start3A_199 = arith.constant 0 : i32
      %dma_start3A_200 = tpu.memref_slice %arg9[%add3A_198, %dma_start3A_199] : memref<4x32xi32, #tpu.memory_space<vmem>> -> memref<1x32xi32, #tpu.memory_space<vmem>>
      %dma_start3A_201 = tpu.memref_squeeze %dma_start3A_200 : memref<1x32xi32, #tpu.memory_space<vmem>> -> memref<32xi32, #tpu.memory_space<vmem>>
      %dma_start3A_202 = arith.constant 0 : i32
      %dma_start3A_203 = arith.constant 0 : i32
      %dma_start3A_204 = tpu.memref_slice %arg7[%dma_start3A_202, %dma_start3A_203] : memref<10112x128xf32, #tpu.memory_space<vmem_shared>> -> memref<10112x128xf32, #tpu.memory_space<vmem_shared>>
      tpu.enqueue_indirect_dma source(%arg10 : memref<32x128xf32, #tpu.memory_space<vmem>>) target(%dma_start3A_204 : memref<10112x128xf32, #tpu.memory_space<vmem_shared>>) offsets(%dma_start3A_201 : memref<32xi32, #tpu.memory_space<vmem>>) semaphore(%arg14 : memref<!tpu.dma_semaphore, #tpu.memory_space<semaphore_mem>>) {add = true}
      %dma_wait3A_205 = arith.constant 0 : i32
      %dma_wait3A_206 = arith.constant 0 : i32
      %dma_wait3A_207 = tpu.memref_slice %arg8[%dma_wait3A_205, %dma_wait3A_206] : memref<4x32xi32, #tpu.memory_space<vmem>> -> memref<1x32xi32, #tpu.memory_space<vmem>>
      %dma_wait3A_208 = tpu.memref_squeeze %dma_wait3A_207 : memref<1x32xi32, #tpu.memory_space<vmem>> -> memref<32xi32, #tpu.memory_space<vmem>>
      %dma_wait3A_209 = arith.constant 0 : i32
      %dma_wait3A_210 = arith.constant 0 : i32
      %dma_wait3A_211 = tpu.memref_slice %arg6[%dma_wait3A_209, %dma_wait3A_210] : memref<5120x128xf32, #tpu.memory_space<vmem_shared>> -> memref<5120x128xf32, #tpu.memory_space<vmem_shared>>
      tpu.wait_indirect_dma semaphore(%arg13 : memref<!tpu.dma_semaphore, #tpu.memory_space<semaphore_mem>>) src(%dma_wait3A_211 : memref<5120x128xf32, #tpu.memory_space<vmem_shared>>) dst(%arg11 : memref<32x128xf32, #tpu.memory_space<vmem>>)
      %mul3A_212 = arith.constant 2 : i32
      %mul3A_213 = arith.muli %rem3A_144, %mul3A_212 : i32
      %add3A_214 = arith.constant 1 : i32
      %add3A_215 = arith.addi %mul3A_213, %add3A_214 : i32
      %dma_start3A_216 = arith.constant 0 : i32
      %dma_start3A_217 = tpu.memref_slice %arg9[%add3A_215, %dma_start3A_216] : memref<4x32xi32, #tpu.memory_space<vmem>> -> memref<1x32xi32, #tpu.memory_space<vmem>>
      %dma_start3A_218 = tpu.memref_squeeze %dma_start3A_217 : memref<1x32xi32, #tpu.memory_space<vmem>> -> memref<32xi32, #tpu.memory_space<vmem>>
      %dma_start3A_219 = arith.constant 0 : i32
      %dma_start3A_220 = arith.constant 0 : i32
      %dma_start3A_221 = tpu.memref_slice %arg7[%dma_start3A_219, %dma_start3A_220] : memref<10112x128xf32, #tpu.memory_space<vmem_shared>> -> memref<10112x128xf32, #tpu.memory_space<vmem_shared>>
      tpu.enqueue_indirect_dma source(%arg11 : memref<32x128xf32, #tpu.memory_space<vmem>>) target(%dma_start3A_221 : memref<10112x128xf32, #tpu.memory_space<vmem_shared>>) offsets(%dma_start3A_218 : memref<32xi32, #tpu.memory_space<vmem>>) semaphore(%arg15 : memref<!tpu.dma_semaphore, #tpu.memory_space<semaphore_mem>>) {add = true}
      %dma_wait3A_222 = arith.constant 0 : i32
      %dma_wait3A_223 = arith.constant 0 : i32
      %dma_wait3A_224 = tpu.memref_slice %arg8[%dma_wait3A_222, %dma_wait3A_223] : memref<4x32xi32, #tpu.memory_space<vmem>> -> memref<2x32xi32, #tpu.memory_space<vmem>>
      %dma_wait3A_225 = arith.constant 0 : i32
      %dma_wait3A_226 = arith.constant 0 : i32
      %dma_wait3A_227 = tpu.memref_slice %arg3[%arg0, %add3A_9, %scan3A_24, %dma_wait3A_225, %dma_wait3A_226] : memref<2x32x2x320x32xi32, #tpu.memory_space<hbm>> -> memref<1x1x1x320x32xi32, #tpu.memory_space<hbm>>
      %dma_wait3A_228 = tpu.memref_squeeze %dma_wait3A_227 : memref<1x1x1x320x32xi32, #tpu.memory_space<hbm>> -> memref<320x32xi32, #tpu.memory_space<hbm>>
      %dma_wait3A_229 = arith.constant 0 : i32
      %dma_wait3A_230 = arith.constant 0 : i32
      %dma_wait3A_231 = tpu.memref_slice %dma_wait3A_228[%dma_wait3A_229, %dma_wait3A_230] : memref<320x32xi32, #tpu.memory_space<hbm>> -> memref<2x32xi32, #tpu.memory_space<hbm>>
      %dma_wait3A_232 = arith.constant 0 : i32
      %dma_wait3A_233 = arith.constant 0 : i32
      %dma_wait3A_234 = tpu.memref_slice %arg8[%dma_wait3A_232, %dma_wait3A_233] : memref<4x32xi32, #tpu.memory_space<vmem>> -> memref<2x32xi32, #tpu.memory_space<vmem>>
      %dma_wait3A_235 = arith.constant 0 : i32
      %dma_wait3A_236 = arith.constant 0 : i32
      %dma_wait3A_237 = tpu.memref_slice %arg3[%arg0, %add3A_9, %scan3A_24, %dma_wait3A_235, %dma_wait3A_236] : memref<2x32x2x320x32xi32, #tpu.memory_space<hbm>> -> memref<1x1x1x320x32xi32, #tpu.memory_space<hbm>>
      %dma_wait3A_238 = tpu.memref_squeeze %dma_wait3A_237 : memref<1x1x1x320x32xi32, #tpu.memory_space<hbm>> -> memref<320x32xi32, #tpu.memory_space<hbm>>
      %dma_wait3A_239 = arith.constant 0 : i32
      %dma_wait3A_240 = arith.constant 0 : i32
      %dma_wait3A_241 = tpu.memref_slice %dma_wait3A_238[%dma_wait3A_239, %dma_wait3A_240] : memref<320x32xi32, #tpu.memory_space<hbm>> -> memref<2x32xi32, #tpu.memory_space<hbm>>
      tpu.wait_dma2 semaphore(%arg16 : memref<!tpu.dma_semaphore, #tpu.memory_space<semaphore_mem>>) src(%dma_wait3A_241 : memref<2x32xi32, #tpu.memory_space<hbm>>) dst(%dma_wait3A_234 : memref<2x32xi32, #tpu.memory_space<vmem>>)
      %dma_wait3A_242 = arith.constant 0 : i32
      %dma_wait3A_243 = arith.constant 0 : i32
      %dma_wait3A_244 = tpu.memref_slice %arg9[%dma_wait3A_242, %dma_wait3A_243] : memref<4x32xi32, #tpu.memory_space<vmem>> -> memref<2x32xi32, #tpu.memory_space<vmem>>
      %dma_wait3A_245 = arith.constant 0 : i32
      %dma_wait3A_246 = arith.constant 0 : i32
      %dma_wait3A_247 = tpu.memref_slice %arg3[%arg0, %add3A_9, %scan3A_25, %dma_wait3A_245, %dma_wait3A_246] : memref<2x32x2x320x32xi32, #tpu.memory_space<hbm>> -> memref<1x1x1x320x32xi32, #tpu.memory_space<hbm>>
      %dma_wait3A_248 = tpu.memref_squeeze %dma_wait3A_247 : memref<1x1x1x320x32xi32, #tpu.memory_space<hbm>> -> memref<320x32xi32, #tpu.memory_space<hbm>>
      %dma_wait3A_249 = arith.constant 0 : i32
      %dma_wait3A_250 = arith.constant 0 : i32
      %dma_wait3A_251 = tpu.memref_slice %dma_wait3A_248[%dma_wait3A_249, %dma_wait3A_250] : memref<320x32xi32, #tpu.memory_space<hbm>> -> memref<2x32xi32, #tpu.memory_space<hbm>>
      %dma_wait3A_252 = arith.constant 0 : i32
      %dma_wait3A_253 = arith.constant 0 : i32
      %dma_wait3A_254 = tpu.memref_slice %arg9[%dma_wait3A_252, %dma_wait3A_253] : memref<4x32xi32, #tpu.memory_space<vmem>> -> memref<2x32xi32, #tpu.memory_space<vmem>>
      %dma_wait3A_255 = arith.constant 0 : i32
      %dma_wait3A_256 = arith.constant 0 : i32
      %dma_wait3A_257 = tpu.memref_slice %arg3[%arg0, %add3A_9, %scan3A_25, %dma_wait3A_255, %dma_wait3A_256] : memref<2x32x2x320x32xi32, #tpu.memory_space<hbm>> -> memref<1x1x1x320x32xi32, #tpu.memory_space<hbm>>
      %dma_wait3A_258 = tpu.memref_squeeze %dma_wait3A_257 : memref<1x1x1x320x32xi32, #tpu.memory_space<hbm>> -> memref<320x32xi32, #tpu.memory_space<hbm>>
      %dma_wait3A_259 = arith.constant 0 : i32
      %dma_wait3A_260 = arith.constant 0 : i32
      %dma_wait3A_261 = tpu.memref_slice %dma_wait3A_258[%dma_wait3A_259, %dma_wait3A_260] : memref<320x32xi32, #tpu.memory_space<hbm>> -> memref<2x32xi32, #tpu.memory_space<hbm>>
      tpu.wait_dma2 semaphore(%arg17 : memref<!tpu.dma_semaphore, #tpu.memory_space<semaphore_mem>>) src(%dma_wait3A_261 : memref<2x32xi32, #tpu.memory_space<hbm>>) dst(%dma_wait3A_254 : memref<2x32xi32, #tpu.memory_space<vmem>>)
      %dma_wait3A_262 = arith.constant 0 : i32
      %dma_wait3A_263 = arith.constant 0 : i32
      %dma_wait3A_264 = tpu.memref_slice %arg9[%dma_wait3A_262, %dma_wait3A_263] : memref<4x32xi32, #tpu.memory_space<vmem>> -> memref<1x32xi32, #tpu.memory_space<vmem>>
      %dma_wait3A_265 = tpu.memref_squeeze %dma_wait3A_264 : memref<1x32xi32, #tpu.memory_space<vmem>> -> memref<32xi32, #tpu.memory_space<vmem>>
      %dma_wait3A_266 = arith.constant 0 : i32
      %dma_wait3A_267 = arith.constant 0 : i32
      %dma_wait3A_268 = tpu.memref_slice %arg7[%dma_wait3A_266, %dma_wait3A_267] : memref<10112x128xf32, #tpu.memory_space<vmem_shared>> -> memref<10112x128xf32, #tpu.memory_space<vmem_shared>>
      tpu.wait_indirect_dma semaphore(%arg14 : memref<!tpu.dma_semaphore, #tpu.memory_space<semaphore_mem>>) src(%arg10 : memref<32x128xf32, #tpu.memory_space<vmem>>) dst(%dma_wait3A_268 : memref<10112x128xf32, #tpu.memory_space<vmem_shared>>)
      %sub3A_269 = arith.constant 1 : i32
      %sub3A_270 = arith.subi %sub3A_269, %rem3A_144 : i32
      %mul3A_271 = arith.constant 2 : i32
      %mul3A_272 = arith.muli %sub3A_270, %mul3A_271 : i32
      %add3A_273 = arith.constant 0 : i32
      %add3A_274 = arith.addi %mul3A_272, %add3A_273 : i32
      %dma_start3A_275 = arith.constant 0 : i32
      %dma_start3A_276 = tpu.memref_slice %arg8[%add3A_274, %dma_start3A_275] : memref<4x32xi32, #tpu.memory_space<vmem>> -> memref<1x32xi32, #tpu.memory_space<vmem>>
      %dma_start3A_277 = tpu.memref_squeeze %dma_start3A_276 : memref<1x32xi32, #tpu.memory_space<vmem>> -> memref<32xi32, #tpu.memory_space<vmem>>
      %dma_start3A_278 = arith.constant 0 : i32
      %dma_start3A_279 = arith.constant 0 : i32
      %dma_start3A_280 = tpu.memref_slice %arg6[%dma_start3A_278, %dma_start3A_279] : memref<5120x128xf32, #tpu.memory_space<vmem_shared>> -> memref<5120x128xf32, #tpu.memory_space<vmem_shared>>
      tpu.enqueue_indirect_dma source(%dma_start3A_280 : memref<5120x128xf32, #tpu.memory_space<vmem_shared>>) target(%arg10 : memref<32x128xf32, #tpu.memory_space<vmem>>) offsets(%dma_start3A_277 : memref<32xi32, #tpu.memory_space<vmem>>) semaphore(%arg12 : memref<!tpu.dma_semaphore, #tpu.memory_space<semaphore_mem>>)
      %dma_wait3A_281 = arith.constant 0 : i32
      %dma_wait3A_282 = arith.constant 0 : i32
      %dma_wait3A_283 = tpu.memref_slice %arg9[%dma_wait3A_281, %dma_wait3A_282] : memref<4x32xi32, #tpu.memory_space<vmem>> -> memref<1x32xi32, #tpu.memory_space<vmem>>
      %dma_wait3A_284 = tpu.memref_squeeze %dma_wait3A_283 : memref<1x32xi32, #tpu.memory_space<vmem>> -> memref<32xi32, #tpu.memory_space<vmem>>
      %dma_wait3A_285 = arith.constant 0 : i32
      %dma_wait3A_286 = arith.constant 0 : i32
      %dma_wait3A_287 = tpu.memref_slice %arg7[%dma_wait3A_285, %dma_wait3A_286] : memref<10112x128xf32, #tpu.memory_space<vmem_shared>> -> memref<10112x128xf32, #tpu.memory_space<vmem_shared>>
      tpu.wait_indirect_dma semaphore(%arg15 : memref<!tpu.dma_semaphore, #tpu.memory_space<semaphore_mem>>) src(%arg11 : memref<32x128xf32, #tpu.memory_space<vmem>>) dst(%dma_wait3A_287 : memref<10112x128xf32, #tpu.memory_space<vmem_shared>>)
      %sub3A_288 = arith.constant 1 : i32
      %sub3A_289 = arith.subi %sub3A_288, %rem3A_144 : i32
      %mul3A_290 = arith.constant 2 : i32
      %mul3A_291 = arith.muli %sub3A_289, %mul3A_290 : i32
      %add3A_292 = arith.constant 1 : i32
      %add3A_293 = arith.addi %mul3A_291, %add3A_292 : i32
      %dma_start3A_294 = arith.constant 0 : i32
      %dma_start3A_295 = tpu.memref_slice %arg8[%add3A_293, %dma_start3A_294] : memref<4x32xi32, #tpu.memory_space<vmem>> -> memref<1x32xi32, #tpu.memory_space<vmem>>
      %dma_start3A_296 = tpu.memref_squeeze %dma_start3A_295 : memref<1x32xi32, #tpu.memory_space<vmem>> -> memref<32xi32, #tpu.memory_space<vmem>>
      %dma_start3A_297 = arith.constant 0 : i32
      %dma_start3A_298 = arith.constant 0 : i32
      %dma_start3A_299 = tpu.memref_slice %arg6[%dma_start3A_297, %dma_start3A_298] : memref<5120x128xf32, #tpu.memory_space<vmem_shared>> -> memref<5120x128xf32, #tpu.memory_space<vmem_shared>>
      tpu.enqueue_indirect_dma source(%dma_start3A_299 : memref<5120x128xf32, #tpu.memory_space<vmem_shared>>) target(%arg11 : memref<32x128xf32, #tpu.memory_space<vmem>>) offsets(%dma_start3A_296 : memref<32xi32, #tpu.memory_space<vmem>>) semaphore(%arg13 : memref<!tpu.dma_semaphore, #tpu.memory_space<semaphore_mem>>)
    }
    %scan3A_30 = arith.constant 159 : i32
    %dma_wait3A = arith.constant 0 : i32
    %dma_wait3A_31 = arith.constant 0 : i32
    %dma_wait3A_32 = tpu.memref_slice %arg8[%dma_wait3A, %dma_wait3A_31] : memref<4x32xi32, #tpu.memory_space<vmem>> -> memref<1x32xi32, #tpu.memory_space<vmem>>
    %dma_wait3A_33 = tpu.memref_squeeze %dma_wait3A_32 : memref<1x32xi32, #tpu.memory_space<vmem>> -> memref<32xi32, #tpu.memory_space<vmem>>
    %dma_wait3A_34 = arith.constant 0 : i32
    %dma_wait3A_35 = arith.constant 0 : i32
    %dma_wait3A_36 = tpu.memref_slice %arg6[%dma_wait3A_34, %dma_wait3A_35] : memref<5120x128xf32, #tpu.memory_space<vmem_shared>> -> memref<5120x128xf32, #tpu.memory_space<vmem_shared>>
    tpu.wait_indirect_dma semaphore(%arg12 : memref<!tpu.dma_semaphore, #tpu.memory_space<semaphore_mem>>) src(%dma_wait3A_36 : memref<5120x128xf32, #tpu.memory_space<vmem_shared>>) dst(%arg10 : memref<32x128xf32, #tpu.memory_space<vmem>>)
    %dma_start3A_37 = arith.constant 2 : i32
    %dma_start3A_38 = arith.constant 0 : i32
    %dma_start3A_39 = tpu.memref_slice %arg9[%dma_start3A_37, %dma_start3A_38] : memref<4x32xi32, #tpu.memory_space<vmem>> -> memref<1x32xi32, #tpu.memory_space<vmem>>
    %dma_start3A_40 = tpu.memref_squeeze %dma_start3A_39 : memref<1x32xi32, #tpu.memory_space<vmem>> -> memref<32xi32, #tpu.memory_space<vmem>>
    %dma_start3A_41 = arith.constant 0 : i32
    %dma_start3A_42 = arith.constant 0 : i32
    %dma_start3A_43 = tpu.memref_slice %arg7[%dma_start3A_41, %dma_start3A_42] : memref<10112x128xf32, #tpu.memory_space<vmem_shared>> -> memref<10112x128xf32, #tpu.memory_space<vmem_shared>>
    tpu.enqueue_indirect_dma source(%arg10 : memref<32x128xf32, #tpu.memory_space<vmem>>) target(%dma_start3A_43 : memref<10112x128xf32, #tpu.memory_space<vmem_shared>>) offsets(%dma_start3A_40 : memref<32xi32, #tpu.memory_space<vmem>>) semaphore(%arg14 : memref<!tpu.dma_semaphore, #tpu.memory_space<semaphore_mem>>) {add = true}
    %dma_wait3A_44 = arith.constant 0 : i32
    %dma_wait3A_45 = arith.constant 0 : i32
    %dma_wait3A_46 = tpu.memref_slice %arg8[%dma_wait3A_44, %dma_wait3A_45] : memref<4x32xi32, #tpu.memory_space<vmem>> -> memref<1x32xi32, #tpu.memory_space<vmem>>
    %dma_wait3A_47 = tpu.memref_squeeze %dma_wait3A_46 : memref<1x32xi32, #tpu.memory_space<vmem>> -> memref<32xi32, #tpu.memory_space<vmem>>
    %dma_wait3A_48 = arith.constant 0 : i32
    %dma_wait3A_49 = arith.constant 0 : i32
    %dma_wait3A_50 = tpu.memref_slice %arg6[%dma_wait3A_48, %dma_wait3A_49] : memref<5120x128xf32, #tpu.memory_space<vmem_shared>> -> memref<5120x128xf32, #tpu.memory_space<vmem_shared>>
    tpu.wait_indirect_dma semaphore(%arg13 : memref<!tpu.dma_semaphore, #tpu.memory_space<semaphore_mem>>) src(%dma_wait3A_50 : memref<5120x128xf32, #tpu.memory_space<vmem_shared>>) dst(%arg11 : memref<32x128xf32, #tpu.memory_space<vmem>>)
    %dma_start3A_51 = arith.constant 3 : i32
    %dma_start3A_52 = arith.constant 0 : i32
    %dma_start3A_53 = tpu.memref_slice %arg9[%dma_start3A_51, %dma_start3A_52] : memref<4x32xi32, #tpu.memory_space<vmem>> -> memref<1x32xi32, #tpu.memory_space<vmem>>
    %dma_start3A_54 = tpu.memref_squeeze %dma_start3A_53 : memref<1x32xi32, #tpu.memory_space<vmem>> -> memref<32xi32, #tpu.memory_space<vmem>>
    %dma_start3A_55 = arith.constant 0 : i32
    %dma_start3A_56 = arith.constant 0 : i32
    %dma_start3A_57 = tpu.memref_slice %arg7[%dma_start3A_55, %dma_start3A_56] : memref<10112x128xf32, #tpu.memory_space<vmem_shared>> -> memref<10112x128xf32, #tpu.memory_space<vmem_shared>>
    tpu.enqueue_indirect_dma source(%arg11 : memref<32x128xf32, #tpu.memory_space<vmem>>) target(%dma_start3A_57 : memref<10112x128xf32, #tpu.memory_space<vmem_shared>>) offsets(%dma_start3A_54 : memref<32xi32, #tpu.memory_space<vmem>>) semaphore(%arg15 : memref<!tpu.dma_semaphore, #tpu.memory_space<semaphore_mem>>) {add = true}
    %dma_wait3A_58 = arith.constant 0 : i32
    %dma_wait3A_59 = arith.constant 0 : i32
    %dma_wait3A_60 = tpu.memref_slice %arg9[%dma_wait3A_58, %dma_wait3A_59] : memref<4x32xi32, #tpu.memory_space<vmem>> -> memref<1x32xi32, #tpu.memory_space<vmem>>
    %dma_wait3A_61 = tpu.memref_squeeze %dma_wait3A_60 : memref<1x32xi32, #tpu.memory_space<vmem>> -> memref<32xi32, #tpu.memory_space<vmem>>
    %dma_wait3A_62 = arith.constant 0 : i32
    %dma_wait3A_63 = arith.constant 0 : i32
    %dma_wait3A_64 = tpu.memref_slice %arg7[%dma_wait3A_62, %dma_wait3A_63] : memref<10112x128xf32, #tpu.memory_space<vmem_shared>> -> memref<10112x128xf32, #tpu.memory_space<vmem_shared>>
    tpu.wait_indirect_dma semaphore(%arg14 : memref<!tpu.dma_semaphore, #tpu.memory_space<semaphore_mem>>) src(%arg10 : memref<32x128xf32, #tpu.memory_space<vmem>>) dst(%dma_wait3A_64 : memref<10112x128xf32, #tpu.memory_space<vmem_shared>>)
    %dma_wait3A_65 = arith.constant 0 : i32
    %dma_wait3A_66 = arith.constant 0 : i32
    %dma_wait3A_67 = tpu.memref_slice %arg9[%dma_wait3A_65, %dma_wait3A_66] : memref<4x32xi32, #tpu.memory_space<vmem>> -> memref<1x32xi32, #tpu.memory_space<vmem>>
    %dma_wait3A_68 = tpu.memref_squeeze %dma_wait3A_67 : memref<1x32xi32, #tpu.memory_space<vmem>> -> memref<32xi32, #tpu.memory_space<vmem>>
    %dma_wait3A_69 = arith.constant 0 : i32
    %dma_wait3A_70 = arith.constant 0 : i32
    %dma_wait3A_71 = tpu.memref_slice %arg7[%dma_wait3A_69, %dma_wait3A_70] : memref<10112x128xf32, #tpu.memory_space<vmem_shared>> -> memref<10112x128xf32, #tpu.memory_space<vmem_shared>>
    tpu.wait_indirect_dma semaphore(%arg15 : memref<!tpu.dma_semaphore, #tpu.memory_space<semaphore_mem>>) src(%arg11 : memref<32x128xf32, #tpu.memory_space<vmem>>) dst(%dma_wait3A_71 : memref<10112x128xf32, #tpu.memory_space<vmem_shared>>)
    %mul3A_72 = arith.constant 2 : i32
    %mul3A_73 = arith.muli %mul3A_72, %arg1 : i32
    %add3A_74 = arith.constant 1 : i32
    %add3A_75 = arith.addi %mul3A_73, %add3A_74 : i32
    %run_scoped3A_76 = arith.constant 0 : i32
    "tpu.region"() ({
      %run_scoped3A_143 = tpu.sem_alloc : memref<!tpu.dma_semaphore, #tpu.memory_space<semaphore_mem>>
      %dma_start3A_144 = arith.constant 0 : i32
      %dma_start3A_145 = arith.constant 0 : i32
      %dma_start3A_146 = tpu.memref_slice %arg8[%dma_start3A_144, %dma_start3A_145] : memref<4x32xi32, #tpu.memory_space<vmem>> -> memref<2x32xi32, #tpu.memory_space<vmem>>
      %dma_start3A_147 = arith.constant 0 : i32
      %dma_start3A_148 = arith.constant 0 : i32
      %dma_start3A_149 = tpu.memref_slice %arg3[%arg0, %add3A_75, %run_scoped3A_76, %dma_start3A_147, %dma_start3A_148] : memref<2x32x2x320x32xi32, #tpu.memory_space<hbm>> -> memref<1x1x1x320x32xi32, #tpu.memory_space<hbm>>
      %dma_start3A_150 = tpu.memref_squeeze %dma_start3A_149 : memref<1x1x1x320x32xi32, #tpu.memory_space<hbm>> -> memref<320x32xi32, #tpu.memory_space<hbm>>
      %dma_start3A_151 = arith.constant 0 : i32
      %dma_start3A_152 = arith.constant 0 : i32
      %dma_start3A_153 = tpu.memref_slice %dma_start3A_150[%dma_start3A_151, %dma_start3A_152] : memref<320x32xi32, #tpu.memory_space<hbm>> -> memref<2x32xi32, #tpu.memory_space<hbm>>
      %dma_start3A_154 = arith.constant 0 : i32
      %dma_start3A_155 = arith.constant 0 : i32
      %dma_start3A_156 = tpu.memref_slice %arg8[%dma_start3A_154, %dma_start3A_155] : memref<4x32xi32, #tpu.memory_space<vmem>> -> memref<2x32xi32, #tpu.memory_space<vmem>>
      %dma_start3A_157 = arith.constant 0 : i32
      %dma_start3A_158 = arith.constant 0 : i32
      %dma_start3A_159 = tpu.memref_slice %arg3[%arg0, %add3A_75, %run_scoped3A_76, %dma_start3A_157, %dma_start3A_158] : memref<2x32x2x320x32xi32, #tpu.memory_space<hbm>> -> memref<1x1x1x320x32xi32, #tpu.memory_space<hbm>>
      %dma_start3A_160 = tpu.memref_squeeze %dma_start3A_159 : memref<1x1x1x320x32xi32, #tpu.memory_space<hbm>> -> memref<320x32xi32, #tpu.memory_space<hbm>>
      %dma_start3A_161 = arith.constant 0 : i32
      %dma_start3A_162 = arith.constant 0 : i32
      %dma_start3A_163 = tpu.memref_slice %dma_start3A_160[%dma_start3A_161, %dma_start3A_162] : memref<320x32xi32, #tpu.memory_space<hbm>> -> memref<2x32xi32, #tpu.memory_space<hbm>>
      tpu.enqueue_dma source(%dma_start3A_163 : memref<2x32xi32, #tpu.memory_space<hbm>>) target(%dma_start3A_156 : memref<2x32xi32, #tpu.memory_space<vmem>>) target_semaphore(%run_scoped3A_143 : memref<!tpu.dma_semaphore, #tpu.memory_space<semaphore_mem>>)
      %dma_wait3A_164 = arith.constant 0 : i32
      %dma_wait3A_165 = arith.constant 0 : i32
      %dma_wait3A_166 = tpu.memref_slice %arg8[%dma_wait3A_164, %dma_wait3A_165] : memref<4x32xi32, #tpu.memory_space<vmem>> -> memref<2x32xi32, #tpu.memory_space<vmem>>
      %dma_wait3A_167 = arith.constant 0 : i32
      %dma_wait3A_168 = arith.constant 0 : i32
      %dma_wait3A_169 = tpu.memref_slice %arg3[%arg0, %add3A_75, %run_scoped3A_76, %dma_wait3A_167, %dma_wait3A_168] : memref<2x32x2x320x32xi32, #tpu.memory_space<hbm>> -> memref<1x1x1x320x32xi32, #tpu.memory_space<hbm>>
      %dma_wait3A_170 = tpu.memref_squeeze %dma_wait3A_169 : memref<1x1x1x320x32xi32, #tpu.memory_space<hbm>> -> memref<320x32xi32, #tpu.memory_space<hbm>>
      %dma_wait3A_171 = arith.constant 0 : i32
      %dma_wait3A_172 = arith.constant 0 : i32
      %dma_wait3A_173 = tpu.memref_slice %dma_wait3A_170[%dma_wait3A_171, %dma_wait3A_172] : memref<320x32xi32, #tpu.memory_space<hbm>> -> memref<2x32xi32, #tpu.memory_space<hbm>>
      %dma_wait3A_174 = arith.constant 0 : i32
      %dma_wait3A_175 = arith.constant 0 : i32
      %dma_wait3A_176 = tpu.memref_slice %arg8[%dma_wait3A_174, %dma_wait3A_175] : memref<4x32xi32, #tpu.memory_space<vmem>> -> memref<2x32xi32, #tpu.memory_space<vmem>>
      %dma_wait3A_177 = arith.constant 0 : i32
      %dma_wait3A_178 = arith.constant 0 : i32
      %dma_wait3A_179 = tpu.memref_slice %arg3[%arg0, %add3A_75, %run_scoped3A_76, %dma_wait3A_177, %dma_wait3A_178] : memref<2x32x2x320x32xi32, #tpu.memory_space<hbm>> -> memref<1x1x1x320x32xi32, #tpu.memory_space<hbm>>
      %dma_wait3A_180 = tpu.memref_squeeze %dma_wait3A_179 : memref<1x1x1x320x32xi32, #tpu.memory_space<hbm>> -> memref<320x32xi32, #tpu.memory_space<hbm>>
      %dma_wait3A_181 = arith.constant 0 : i32
      %dma_wait3A_182 = arith.constant 0 : i32
      %dma_wait3A_183 = tpu.memref_slice %dma_wait3A_180[%dma_wait3A_181, %dma_wait3A_182] : memref<320x32xi32, #tpu.memory_space<hbm>> -> memref<2x32xi32, #tpu.memory_space<hbm>>
      tpu.wait_dma2 semaphore(%run_scoped3A_143 : memref<!tpu.dma_semaphore, #tpu.memory_space<semaphore_mem>>) src(%dma_wait3A_183 : memref<2x32xi32, #tpu.memory_space<hbm>>) dst(%dma_wait3A_176 : memref<2x32xi32, #tpu.memory_space<vmem>>)
      tpu.yield
    }) : () -> ()
    %run_scoped3A_77 = arith.constant 1 : i32
    "tpu.region"() ({
      %run_scoped3A_143 = tpu.sem_alloc : memref<!tpu.dma_semaphore, #tpu.memory_space<semaphore_mem>>
      %dma_start3A_144 = arith.constant 0 : i32
      %dma_start3A_145 = arith.constant 0 : i32
      %dma_start3A_146 = tpu.memref_slice %arg9[%dma_start3A_144, %dma_start3A_145] : memref<4x32xi32, #tpu.memory_space<vmem>> -> memref<2x32xi32, #tpu.memory_space<vmem>>
      %dma_start3A_147 = arith.constant 0 : i32
      %dma_start3A_148 = arith.constant 0 : i32
      %dma_start3A_149 = tpu.memref_slice %arg3[%arg0, %add3A_75, %run_scoped3A_77, %dma_start3A_147, %dma_start3A_148] : memref<2x32x2x320x32xi32, #tpu.memory_space<hbm>> -> memref<1x1x1x320x32xi32, #tpu.memory_space<hbm>>
      %dma_start3A_150 = tpu.memref_squeeze %dma_start3A_149 : memref<1x1x1x320x32xi32, #tpu.memory_space<hbm>> -> memref<320x32xi32, #tpu.memory_space<hbm>>
      %dma_start3A_151 = arith.constant 0 : i32
      %dma_start3A_152 = arith.constant 0 : i32
      %dma_start3A_153 = tpu.memref_slice %dma_start3A_150[%dma_start3A_151, %dma_start3A_152] : memref<320x32xi32, #tpu.memory_space<hbm>> -> memref<2x32xi32, #tpu.memory_space<hbm>>
      %dma_start3A_154 = arith.constant 0 : i32
      %dma_start3A_155 = arith.constant 0 : i32
      %dma_start3A_156 = tpu.memref_slice %arg9[%dma_start3A_154, %dma_start3A_155] : memref<4x32xi32, #tpu.memory_space<vmem>> -> memref<2x32xi32, #tpu.memory_space<vmem>>
      %dma_start3A_157 = arith.constant 0 : i32
      %dma_start3A_158 = arith.constant 0 : i32
      %dma_start3A_159 = tpu.memref_slice %arg3[%arg0, %add3A_75, %run_scoped3A_77, %dma_start3A_157, %dma_start3A_158] : memref<2x32x2x320x32xi32, #tpu.memory_space<hbm>> -> memref<1x1x1x320x32xi32, #tpu.memory_space<hbm>>
      %dma_start3A_160 = tpu.memref_squeeze %dma_start3A_159 : memref<1x1x1x320x32xi32, #tpu.memory_space<hbm>> -> memref<320x32xi32, #tpu.memory_space<hbm>>
      %dma_start3A_161 = arith.constant 0 : i32
      %dma_start3A_162 = arith.constant 0 : i32
      %dma_start3A_163 = tpu.memref_slice %dma_start3A_160[%dma_start3A_161, %dma_start3A_162] : memref<320x32xi32, #tpu.memory_space<hbm>> -> memref<2x32xi32, #tpu.memory_space<hbm>>
      tpu.enqueue_dma source(%dma_start3A_163 : memref<2x32xi32, #tpu.memory_space<hbm>>) target(%dma_start3A_156 : memref<2x32xi32, #tpu.memory_space<vmem>>) target_semaphore(%run_scoped3A_143 : memref<!tpu.dma_semaphore, #tpu.memory_space<semaphore_mem>>)
      %dma_wait3A_164 = arith.constant 0 : i32
      %dma_wait3A_165 = arith.constant 0 : i32
      %dma_wait3A_166 = tpu.memref_slice %arg9[%dma_wait3A_164, %dma_wait3A_165] : memref<4x32xi32, #tpu.memory_space<vmem>> -> memref<2x32xi32, #tpu.memory_space<vmem>>
      %dma_wait3A_167 = arith.constant 0 : i32
      %dma_wait3A_168 = arith.constant 0 : i32
      %dma_wait3A_169 = tpu.memref_slice %arg3[%arg0, %add3A_75, %run_scoped3A_77, %dma_wait3A_167, %dma_wait3A_168] : memref<2x32x2x320x32xi32, #tpu.memory_space<hbm>> -> memref<1x1x1x320x32xi32, #tpu.memory_space<hbm>>
      %dma_wait3A_170 = tpu.memref_squeeze %dma_wait3A_169 : memref<1x1x1x320x32xi32, #tpu.memory_space<hbm>> -> memref<320x32xi32, #tpu.memory_space<hbm>>
      %dma_wait3A_171 = arith.constant 0 : i32
      %dma_wait3A_172 = arith.constant 0 : i32
      %dma_wait3A_173 = tpu.memref_slice %dma_wait3A_170[%dma_wait3A_171, %dma_wait3A_172] : memref<320x32xi32, #tpu.memory_space<hbm>> -> memref<2x32xi32, #tpu.memory_space<hbm>>
      %dma_wait3A_174 = arith.constant 0 : i32
      %dma_wait3A_175 = arith.constant 0 : i32
      %dma_wait3A_176 = tpu.memref_slice %arg9[%dma_wait3A_174, %dma_wait3A_175] : memref<4x32xi32, #tpu.memory_space<vmem>> -> memref<2x32xi32, #tpu.memory_space<vmem>>
      %dma_wait3A_177 = arith.constant 0 : i32
      %dma_wait3A_178 = arith.constant 0 : i32
      %dma_wait3A_179 = tpu.memref_slice %arg3[%arg0, %add3A_75, %run_scoped3A_77, %dma_wait3A_177, %dma_wait3A_178] : memref<2x32x2x320x32xi32, #tpu.memory_space<hbm>> -> memref<1x1x1x320x32xi32, #tpu.memory_space<hbm>>
      %dma_wait3A_180 = tpu.memref_squeeze %dma_wait3A_179 : memref<1x1x1x320x32xi32, #tpu.memory_space<hbm>> -> memref<320x32xi32, #tpu.memory_space<hbm>>
      %dma_wait3A_181 = arith.constant 0 : i32
      %dma_wait3A_182 = arith.constant 0 : i32
      %dma_wait3A_183 = tpu.memref_slice %dma_wait3A_180[%dma_wait3A_181, %dma_wait3A_182] : memref<320x32xi32, #tpu.memory_space<hbm>> -> memref<2x32xi32, #tpu.memory_space<hbm>>
      tpu.wait_dma2 semaphore(%run_scoped3A_143 : memref<!tpu.dma_semaphore, #tpu.memory_space<semaphore_mem>>) src(%dma_wait3A_183 : memref<2x32xi32, #tpu.memory_space<hbm>>) dst(%dma_wait3A_176 : memref<2x32xi32, #tpu.memory_space<vmem>>)
      tpu.yield
    }) : () -> ()
    %dma_start3A_78 = arith.constant 0 : i32
    %dma_start3A_79 = arith.constant 0 : i32
    %dma_start3A_80 = tpu.memref_slice %arg8[%dma_start3A_78, %dma_start3A_79] : memref<4x32xi32, #tpu.memory_space<vmem>> -> memref<1x32xi32, #tpu.memory_space<vmem>>
    %dma_start3A_81 = tpu.memref_squeeze %dma_start3A_80 : memref<1x32xi32, #tpu.memory_space<vmem>> -> memref<32xi32, #tpu.memory_space<vmem>>
    %dma_start3A_82 = arith.constant 0 : i32
    %dma_start3A_83 = arith.constant 0 : i32
    %dma_start3A_84 = tpu.memref_slice %arg6[%dma_start3A_82, %dma_start3A_83] : memref<5120x128xf32, #tpu.memory_space<vmem_shared>> -> memref<5120x128xf32, #tpu.memory_space<vmem_shared>>
    tpu.enqueue_indirect_dma source(%dma_start3A_84 : memref<5120x128xf32, #tpu.memory_space<vmem_shared>>) target(%arg10 : memref<32x128xf32, #tpu.memory_space<vmem>>) offsets(%dma_start3A_81 : memref<32xi32, #tpu.memory_space<vmem>>) semaphore(%arg12 : memref<!tpu.dma_semaphore, #tpu.memory_space<semaphore_mem>>)
    %dma_start3A_85 = arith.constant 1 : i32
    %dma_start3A_86 = arith.constant 0 : i32
    %dma_start3A_87 = tpu.memref_slice %arg8[%dma_start3A_85, %dma_start3A_86] : memref<4x32xi32, #tpu.memory_space<vmem>> -> memref<1x32xi32, #tpu.memory_space<vmem>>
    %dma_start3A_88 = tpu.memref_squeeze %dma_start3A_87 : memref<1x32xi32, #tpu.memory_space<vmem>> -> memref<32xi32, #tpu.memory_space<vmem>>
    %dma_start3A_89 = arith.constant 0 : i32
    %dma_start3A_90 = arith.constant 0 : i32
    %dma_start3A_91 = tpu.memref_slice %arg6[%dma_start3A_89, %dma_start3A_90] : memref<5120x128xf32, #tpu.memory_space<vmem_shared>> -> memref<5120x128xf32, #tpu.memory_space<vmem_shared>>
    tpu.enqueue_indirect_dma source(%dma_start3A_91 : memref<5120x128xf32, #tpu.memory_space<vmem_shared>>) target(%arg11 : memref<32x128xf32, #tpu.memory_space<vmem>>) offsets(%dma_start3A_88 : memref<32xi32, #tpu.memory_space<vmem>>) semaphore(%arg13 : memref<!tpu.dma_semaphore, #tpu.memory_space<semaphore_mem>>)
    %scan3A_92 = arith.constant 0 : i32
    %scan3A_93 = arith.constant 0 : i32
    %scan3A_94 = arith.constant 1 : i32
    %scan3A_95 = arith.constant 0 : i32
    %scan3A_96 = arith.constant 159 : i32
    %scan3A_97 = arith.addi %scan3A_95, %scan3A_96 : i32
    %scan3A_98 = arith.constant 1 : i32
    scf.for %scan3A_143 = %scan3A_95 to %scan3A_97 step %scan3A_98  : i32 {
      %rem3A = arith.constant 2 : i32
      %rem3A_144 = arith.remsi %scan3A_143, %rem3A : i32
      %add3A_145 = arith.constant 1 : i32
      %add3A_146 = arith.addi %scan3A_143, %add3A_145 : i32
      %sub3A = arith.constant 1 : i32
      %sub3A_147 = arith.subi %sub3A, %rem3A_144 : i32
      %mul3A_148 = arith.constant 2 : i32
      %mul3A_149 = arith.muli %add3A_146, %mul3A_148 : i32
      %mul3A_150 = arith.constant 2 : i32
      %mul3A_151 = arith.muli %sub3A_147, %mul3A_150 : i32
      %dma_start3A_152 = arith.constant 0 : i32
      %dma_start3A_153 = tpu.memref_slice %arg8[%mul3A_151, %dma_start3A_152] : memref<4x32xi32, #tpu.memory_space<vmem>> -> memref<2x32xi32, #tpu.memory_space<vmem>>
      %dma_start3A_154 = arith.constant 0 : i32
      %dma_start3A_155 = arith.constant 0 : i32
      %dma_start3A_156 = tpu.memref_slice %arg3[%arg0, %add3A_75, %scan3A_93, %dma_start3A_154, %dma_start3A_155] : memref<2x32x2x320x32xi32, #tpu.memory_space<hbm>> -> memref<1x1x1x320x32xi32, #tpu.memory_space<hbm>>
      %dma_start3A_157 = tpu.memref_squeeze %dma_start3A_156 : memref<1x1x1x320x32xi32, #tpu.memory_space<hbm>> -> memref<320x32xi32, #tpu.memory_space<hbm>>
      %dma_start3A_158 = arith.constant 0 : i32
      %dma_start3A_159 = tpu.memref_slice %dma_start3A_157[%mul3A_149, %dma_start3A_158] : memref<320x32xi32, #tpu.memory_space<hbm>> -> memref<2x32xi32, #tpu.memory_space<hbm>>
      %dma_start3A_160 = arith.constant 0 : i32
      %dma_start3A_161 = tpu.memref_slice %arg8[%mul3A_151, %dma_start3A_160] : memref<4x32xi32, #tpu.memory_space<vmem>> -> memref<2x32xi32, #tpu.memory_space<vmem>>
      %dma_start3A_162 = arith.constant 0 : i32
      %dma_start3A_163 = arith.constant 0 : i32
      %dma_start3A_164 = tpu.memref_slice %arg3[%arg0, %add3A_75, %scan3A_93, %dma_start3A_162, %dma_start3A_163] : memref<2x32x2x320x32xi32, #tpu.memory_space<hbm>> -> memref<1x1x1x320x32xi32, #tpu.memory_space<hbm>>
      %dma_start3A_165 = tpu.memref_squeeze %dma_start3A_164 : memref<1x1x1x320x32xi32, #tpu.memory_space<hbm>> -> memref<320x32xi32, #tpu.memory_space<hbm>>
      %dma_start3A_166 = arith.constant 0 : i32
      %dma_start3A_167 = tpu.memref_slice %dma_start3A_165[%mul3A_149, %dma_start3A_166] : memref<320x32xi32, #tpu.memory_space<hbm>> -> memref<2x32xi32, #tpu.memory_space<hbm>>
      tpu.enqueue_dma source(%dma_start3A_167 : memref<2x32xi32, #tpu.memory_space<hbm>>) target(%dma_start3A_161 : memref<2x32xi32, #tpu.memory_space<vmem>>) target_semaphore(%arg16 : memref<!tpu.dma_semaphore, #tpu.memory_space<semaphore_mem>>)
      %mul3A_168 = arith.constant 2 : i32
      %mul3A_169 = arith.muli %add3A_146, %mul3A_168 : i32
      %mul3A_170 = arith.constant 2 : i32
      %mul3A_171 = arith.muli %sub3A_147, %mul3A_170 : i32
      %dma_start3A_172 = arith.constant 0 : i32
      %dma_start3A_173 = tpu.memref_slice %arg9[%mul3A_171, %dma_start3A_172] : memref<4x32xi32, #tpu.memory_space<vmem>> -> memref<2x32xi32, #tpu.memory_space<vmem>>
      %dma_start3A_174 = arith.constant 0 : i32
      %dma_start3A_175 = arith.constant 0 : i32
      %dma_start3A_176 = tpu.memref_slice %arg3[%arg0, %add3A_75, %scan3A_94, %dma_start3A_174, %dma_start3A_175] : memref<2x32x2x320x32xi32, #tpu.memory_space<hbm>> -> memref<1x1x1x320x32xi32, #tpu.memory_space<hbm>>
      %dma_start3A_177 = tpu.memref_squeeze %dma_start3A_176 : memref<1x1x1x320x32xi32, #tpu.memory_space<hbm>> -> memref<320x32xi32, #tpu.memory_space<hbm>>
      %dma_start3A_178 = arith.constant 0 : i32
      %dma_start3A_179 = tpu.memref_slice %dma_start3A_177[%mul3A_169, %dma_start3A_178] : memref<320x32xi32, #tpu.memory_space<hbm>> -> memref<2x32xi32, #tpu.memory_space<hbm>>
      %dma_start3A_180 = arith.constant 0 : i32
      %dma_start3A_181 = tpu.memref_slice %arg9[%mul3A_171, %dma_start3A_180] : memref<4x32xi32, #tpu.memory_space<vmem>> -> memref<2x32xi32, #tpu.memory_space<vmem>>
      %dma_start3A_182 = arith.constant 0 : i32
      %dma_start3A_183 = arith.constant 0 : i32
      %dma_start3A_184 = tpu.memref_slice %arg3[%arg0, %add3A_75, %scan3A_94, %dma_start3A_182, %dma_start3A_183] : memref<2x32x2x320x32xi32, #tpu.memory_space<hbm>> -> memref<1x1x1x320x32xi32, #tpu.memory_space<hbm>>
      %dma_start3A_185 = tpu.memref_squeeze %dma_start3A_184 : memref<1x1x1x320x32xi32, #tpu.memory_space<hbm>> -> memref<320x32xi32, #tpu.memory_space<hbm>>
      %dma_start3A_186 = arith.constant 0 : i32
      %dma_start3A_187 = tpu.memref_slice %dma_start3A_185[%mul3A_169, %dma_start3A_186] : memref<320x32xi32, #tpu.memory_space<hbm>> -> memref<2x32xi32, #tpu.memory_space<hbm>>
      tpu.enqueue_dma source(%dma_start3A_187 : memref<2x32xi32, #tpu.memory_space<hbm>>) target(%dma_start3A_181 : memref<2x32xi32, #tpu.memory_space<vmem>>) target_semaphore(%arg17 : memref<!tpu.dma_semaphore, #tpu.memory_space<semaphore_mem>>)
      %dma_wait3A_188 = arith.constant 0 : i32
      %dma_wait3A_189 = arith.constant 0 : i32
      %dma_wait3A_190 = tpu.memref_slice %arg8[%dma_wait3A_188, %dma_wait3A_189] : memref<4x32xi32, #tpu.memory_space<vmem>> -> memref<1x32xi32, #tpu.memory_space<vmem>>
      %dma_wait3A_191 = tpu.memref_squeeze %dma_wait3A_190 : memref<1x32xi32, #tpu.memory_space<vmem>> -> memref<32xi32, #tpu.memory_space<vmem>>
      %dma_wait3A_192 = arith.constant 0 : i32
      %dma_wait3A_193 = arith.constant 0 : i32
      %dma_wait3A_194 = tpu.memref_slice %arg6[%dma_wait3A_192, %dma_wait3A_193] : memref<5120x128xf32, #tpu.memory_space<vmem_shared>> -> memref<5120x128xf32, #tpu.memory_space<vmem_shared>>
      tpu.wait_indirect_dma semaphore(%arg12 : memref<!tpu.dma_semaphore, #tpu.memory_space<semaphore_mem>>) src(%dma_wait3A_194 : memref<5120x128xf32, #tpu.memory_space<vmem_shared>>) dst(%arg10 : memref<32x128xf32, #tpu.memory_space<vmem>>)
      %mul3A_195 = arith.constant 2 : i32
      %mul3A_196 = arith.muli %rem3A_144, %mul3A_195 : i32
      %add3A_197 = arith.constant 0 : i32
      %add3A_198 = arith.addi %mul3A_196, %add3A_197 : i32
      %dma_start3A_199 = arith.constant 0 : i32
      %dma_start3A_200 = tpu.memref_slice %arg9[%add3A_198, %dma_start3A_199] : memref<4x32xi32, #tpu.memory_space<vmem>> -> memref<1x32xi32, #tpu.memory_space<vmem>>
      %dma_start3A_201 = tpu.memref_squeeze %dma_start3A_200 : memref<1x32xi32, #tpu.memory_space<vmem>> -> memref<32xi32, #tpu.memory_space<vmem>>
      %dma_start3A_202 = arith.constant 0 : i32
      %dma_start3A_203 = arith.constant 0 : i32
      %dma_start3A_204 = tpu.memref_slice %arg7[%dma_start3A_202, %dma_start3A_203] : memref<10112x128xf32, #tpu.memory_space<vmem_shared>> -> memref<10112x128xf32, #tpu.memory_space<vmem_shared>>
      tpu.enqueue_indirect_dma source(%arg10 : memref<32x128xf32, #tpu.memory_space<vmem>>) target(%dma_start3A_204 : memref<10112x128xf32, #tpu.memory_space<vmem_shared>>) offsets(%dma_start3A_201 : memref<32xi32, #tpu.memory_space<vmem>>) semaphore(%arg14 : memref<!tpu.dma_semaphore, #tpu.memory_space<semaphore_mem>>) {add = true}
      %dma_wait3A_205 = arith.constant 0 : i32
      %dma_wait3A_206 = arith.constant 0 : i32
      %dma_wait3A_207 = tpu.memref_slice %arg8[%dma_wait3A_205, %dma_wait3A_206] : memref<4x32xi32, #tpu.memory_space<vmem>> -> memref<1x32xi32, #tpu.memory_space<vmem>>
      %dma_wait3A_208 = tpu.memref_squeeze %dma_wait3A_207 : memref<1x32xi32, #tpu.memory_space<vmem>> -> memref<32xi32, #tpu.memory_space<vmem>>
      %dma_wait3A_209 = arith.constant 0 : i32
      %dma_wait3A_210 = arith.constant 0 : i32
      %dma_wait3A_211 = tpu.memref_slice %arg6[%dma_wait3A_209, %dma_wait3A_210] : memref<5120x128xf32, #tpu.memory_space<vmem_shared>> -> memref<5120x128xf32, #tpu.memory_space<vmem_shared>>
      tpu.wait_indirect_dma semaphore(%arg13 : memref<!tpu.dma_semaphore, #tpu.memory_space<semaphore_mem>>) src(%dma_wait3A_211 : memref<5120x128xf32, #tpu.memory_space<vmem_shared>>) dst(%arg11 : memref<32x128xf32, #tpu.memory_space<vmem>>)
      %mul3A_212 = arith.constant 2 : i32
      %mul3A_213 = arith.muli %rem3A_144, %mul3A_212 : i32
      %add3A_214 = arith.constant 1 : i32
      %add3A_215 = arith.addi %mul3A_213, %add3A_214 : i32
      %dma_start3A_216 = arith.constant 0 : i32
      %dma_start3A_217 = tpu.memref_slice %arg9[%add3A_215, %dma_start3A_216] : memref<4x32xi32, #tpu.memory_space<vmem>> -> memref<1x32xi32, #tpu.memory_space<vmem>>
      %dma_start3A_218 = tpu.memref_squeeze %dma_start3A_217 : memref<1x32xi32, #tpu.memory_space<vmem>> -> memref<32xi32, #tpu.memory_space<vmem>>
      %dma_start3A_219 = arith.constant 0 : i32
      %dma_start3A_220 = arith.constant 0 : i32
      %dma_start3A_221 = tpu.memref_slice %arg7[%dma_start3A_219, %dma_start3A_220] : memref<10112x128xf32, #tpu.memory_space<vmem_shared>> -> memref<10112x128xf32, #tpu.memory_space<vmem_shared>>
      tpu.enqueue_indirect_dma source(%arg11 : memref<32x128xf32, #tpu.memory_space<vmem>>) target(%dma_start3A_221 : memref<10112x128xf32, #tpu.memory_space<vmem_shared>>) offsets(%dma_start3A_218 : memref<32xi32, #tpu.memory_space<vmem>>) semaphore(%arg15 : memref<!tpu.dma_semaphore, #tpu.memory_space<semaphore_mem>>) {add = true}
      %dma_wait3A_222 = arith.constant 0 : i32
      %dma_wait3A_223 = arith.constant 0 : i32
      %dma_wait3A_224 = tpu.memref_slice %arg8[%dma_wait3A_222, %dma_wait3A_223] : memref<4x32xi32, #tpu.memory_space<vmem>> -> memref<2x32xi32, #tpu.memory_space<vmem>>
      %dma_wait3A_225 = arith.constant 0 : i32
      %dma_wait3A_226 = arith.constant 0 : i32
      %dma_wait3A_227 = tpu.memref_slice %arg3[%arg0, %add3A_75, %scan3A_93, %dma_wait3A_225, %dma_wait3A_226] : memref<2x32x2x320x32xi32, #tpu.memory_space<hbm>> -> memref<1x1x1x320x32xi32, #tpu.memory_space<hbm>>
      %dma_wait3A_228 = tpu.memref_squeeze %dma_wait3A_227 : memref<1x1x1x320x32xi32, #tpu.memory_space<hbm>> -> memref<320x32xi32, #tpu.memory_space<hbm>>
      %dma_wait3A_229 = arith.constant 0 : i32
      %dma_wait3A_230 = arith.constant 0 : i32
      %dma_wait3A_231 = tpu.memref_slice %dma_wait3A_228[%dma_wait3A_229, %dma_wait3A_230] : memref<320x32xi32, #tpu.memory_space<hbm>> -> memref<2x32xi32, #tpu.memory_space<hbm>>
      %dma_wait3A_232 = arith.constant 0 : i32
      %dma_wait3A_233 = arith.constant 0 : i32
      %dma_wait3A_234 = tpu.memref_slice %arg8[%dma_wait3A_232, %dma_wait3A_233] : memref<4x32xi32, #tpu.memory_space<vmem>> -> memref<2x32xi32, #tpu.memory_space<vmem>>
      %dma_wait3A_235 = arith.constant 0 : i32
      %dma_wait3A_236 = arith.constant 0 : i32
      %dma_wait3A_237 = tpu.memref_slice %arg3[%arg0, %add3A_75, %scan3A_93, %dma_wait3A_235, %dma_wait3A_236] : memref<2x32x2x320x32xi32, #tpu.memory_space<hbm>> -> memref<1x1x1x320x32xi32, #tpu.memory_space<hbm>>
      %dma_wait3A_238 = tpu.memref_squeeze %dma_wait3A_237 : memref<1x1x1x320x32xi32, #tpu.memory_space<hbm>> -> memref<320x32xi32, #tpu.memory_space<hbm>>
      %dma_wait3A_239 = arith.constant 0 : i32
      %dma_wait3A_240 = arith.constant 0 : i32
      %dma_wait3A_241 = tpu.memref_slice %dma_wait3A_238[%dma_wait3A_239, %dma_wait3A_240] : memref<320x32xi32, #tpu.memory_space<hbm>> -> memref<2x32xi32, #tpu.memory_space<hbm>>
      tpu.wait_dma2 semaphore(%arg16 : memref<!tpu.dma_semaphore, #tpu.memory_space<semaphore_mem>>) src(%dma_wait3A_241 : memref<2x32xi32, #tpu.memory_space<hbm>>) dst(%dma_wait3A_234 : memref<2x32xi32, #tpu.memory_space<vmem>>)
      %dma_wait3A_242 = arith.constant 0 : i32
      %dma_wait3A_243 = arith.constant 0 : i32
      %dma_wait3A_244 = tpu.memref_slice %arg9[%dma_wait3A_242, %dma_wait3A_243] : memref<4x32xi32, #tpu.memory_space<vmem>> -> memref<2x32xi32, #tpu.memory_space<vmem>>
      %dma_wait3A_245 = arith.constant 0 : i32
      %dma_wait3A_246 = arith.constant 0 : i32
      %dma_wait3A_247 = tpu.memref_slice %arg3[%arg0, %add3A_75, %scan3A_94, %dma_wait3A_245, %dma_wait3A_246] : memref<2x32x2x320x32xi32, #tpu.memory_space<hbm>> -> memref<1x1x1x320x32xi32, #tpu.memory_space<hbm>>
      %dma_wait3A_248 = tpu.memref_squeeze %dma_wait3A_247 : memref<1x1x1x320x32xi32, #tpu.memory_space<hbm>> -> memref<320x32xi32, #tpu.memory_space<hbm>>
      %dma_wait3A_249 = arith.constant 0 : i32
      %dma_wait3A_250 = arith.constant 0 : i32
      %dma_wait3A_251 = tpu.memref_slice %dma_wait3A_248[%dma_wait3A_249, %dma_wait3A_250] : memref<320x32xi32, #tpu.memory_space<hbm>> -> memref<2x32xi32, #tpu.memory_space<hbm>>
      %dma_wait3A_252 = arith.constant 0 : i32
      %dma_wait3A_253 = arith.constant 0 : i32
      %dma_wait3A_254 = tpu.memref_slice %arg9[%dma_wait3A_252, %dma_wait3A_253] : memref<4x32xi32, #tpu.memory_space<vmem>> -> memref<2x32xi32, #tpu.memory_space<vmem>>
      %dma_wait3A_255 = arith.constant 0 : i32
      %dma_wait3A_256 = arith.constant 0 : i32
      %dma_wait3A_257 = tpu.memref_slice %arg3[%arg0, %add3A_75, %scan3A_94, %dma_wait3A_255, %dma_wait3A_256] : memref<2x32x2x320x32xi32, #tpu.memory_space<hbm>> -> memref<1x1x1x320x32xi32, #tpu.memory_space<hbm>>
      %dma_wait3A_258 = tpu.memref_squeeze %dma_wait3A_257 : memref<1x1x1x320x32xi32, #tpu.memory_space<hbm>> -> memref<320x32xi32, #tpu.memory_space<hbm>>
      %dma_wait3A_259 = arith.constant 0 : i32
      %dma_wait3A_260 = arith.constant 0 : i32
      %dma_wait3A_261 = tpu.memref_slice %dma_wait3A_258[%dma_wait3A_259, %dma_wait3A_260] : memref<320x32xi32, #tpu.memory_space<hbm>> -> memref<2x32xi32, #tpu.memory_space<hbm>>
      tpu.wait_dma2 semaphore(%arg17 : memref<!tpu.dma_semaphore, #tpu.memory_space<semaphore_mem>>) src(%dma_wait3A_261 : memref<2x32xi32, #tpu.memory_space<hbm>>) dst(%dma_wait3A_254 : memref<2x32xi32, #tpu.memory_space<vmem>>)
      %dma_wait3A_262 = arith.constant 0 : i32
      %dma_wait3A_263 = arith.constant 0 : i32
      %dma_wait3A_264 = tpu.memref_slice %arg9[%dma_wait3A_262, %dma_wait3A_263] : memref<4x32xi32, #tpu.memory_space<vmem>> -> memref<1x32xi32, #tpu.memory_space<vmem>>
      %dma_wait3A_265 = tpu.memref_squeeze %dma_wait3A_264 : memref<1x32xi32, #tpu.memory_space<vmem>> -> memref<32xi32, #tpu.memory_space<vmem>>
      %dma_wait3A_266 = arith.constant 0 : i32
      %dma_wait3A_267 = arith.constant 0 : i32
      %dma_wait3A_268 = tpu.memref_slice %arg7[%dma_wait3A_266, %dma_wait3A_267] : memref<10112x128xf32, #tpu.memory_space<vmem_shared>> -> memref<10112x128xf32, #tpu.memory_space<vmem_shared>>
      tpu.wait_indirect_dma semaphore(%arg14 : memref<!tpu.dma_semaphore, #tpu.memory_space<semaphore_mem>>) src(%arg10 : memref<32x128xf32, #tpu.memory_space<vmem>>) dst(%dma_wait3A_268 : memref<10112x128xf32, #tpu.memory_space<vmem_shared>>)
      %sub3A_269 = arith.constant 1 : i32
      %sub3A_270 = arith.subi %sub3A_269, %rem3A_144 : i32
      %mul3A_271 = arith.constant 2 : i32
      %mul3A_272 = arith.muli %sub3A_270, %mul3A_271 : i32
      %add3A_273 = arith.constant 0 : i32
      %add3A_274 = arith.addi %mul3A_272, %add3A_273 : i32
      %dma_start3A_275 = arith.constant 0 : i32
      %dma_start3A_276 = tpu.memref_slice %arg8[%add3A_274, %dma_start3A_275] : memref<4x32xi32, #tpu.memory_space<vmem>> -> memref<1x32xi32, #tpu.memory_space<vmem>>
      %dma_start3A_277 = tpu.memref_squeeze %dma_start3A_276 : memref<1x32xi32, #tpu.memory_space<vmem>> -> memref<32xi32, #tpu.memory_space<vmem>>
      %dma_start3A_278 = arith.constant 0 : i32
      %dma_start3A_279 = arith.constant 0 : i32
      %dma_start3A_280 = tpu.memref_slice %arg6[%dma_start3A_278, %dma_start3A_279] : memref<5120x128xf32, #tpu.memory_space<vmem_shared>> -> memref<5120x128xf32, #tpu.memory_space<vmem_shared>>
      tpu.enqueue_indirect_dma source(%dma_start3A_280 : memref<5120x128xf32, #tpu.memory_space<vmem_shared>>) target(%arg10 : memref<32x128xf32, #tpu.memory_space<vmem>>) offsets(%dma_start3A_277 : memref<32xi32, #tpu.memory_space<vmem>>) semaphore(%arg12 : memref<!tpu.dma_semaphore, #tpu.memory_space<semaphore_mem>>)
      %dma_wait3A_281 = arith.constant 0 : i32
      %dma_wait3A_282 = arith.constant 0 : i32
      %dma_wait3A_283 = tpu.memref_slice %arg9[%dma_wait3A_281, %dma_wait3A_282] : memref<4x32xi32, #tpu.memory_space<vmem>> -> memref<1x32xi32, #tpu.memory_space<vmem>>
      %dma_wait3A_284 = tpu.memref_squeeze %dma_wait3A_283 : memref<1x32xi32, #tpu.memory_space<vmem>> -> memref<32xi32, #tpu.memory_space<vmem>>
      %dma_wait3A_285 = arith.constant 0 : i32
      %dma_wait3A_286 = arith.constant 0 : i32
      %dma_wait3A_287 = tpu.memref_slice %arg7[%dma_wait3A_285, %dma_wait3A_286] : memref<10112x128xf32, #tpu.memory_space<vmem_shared>> -> memref<10112x128xf32, #tpu.memory_space<vmem_shared>>
      tpu.wait_indirect_dma semaphore(%arg15 : memref<!tpu.dma_semaphore, #tpu.memory_space<semaphore_mem>>) src(%arg11 : memref<32x128xf32, #tpu.memory_space<vmem>>) dst(%dma_wait3A_287 : memref<10112x128xf32, #tpu.memory_space<vmem_shared>>)
      %sub3A_288 = arith.constant 1 : i32
      %sub3A_289 = arith.subi %sub3A_288, %rem3A_144 : i32
      %mul3A_290 = arith.constant 2 : i32
      %mul3A_291 = arith.muli %sub3A_289, %mul3A_290 : i32
      %add3A_292 = arith.constant 1 : i32
      %add3A_293 = arith.addi %mul3A_291, %add3A_292 : i32
      %dma_start3A_294 = arith.constant 0 : i32
      %dma_start3A_295 = tpu.memref_slice %arg8[%add3A_293, %dma_start3A_294] : memref<4x32xi32, #tpu.memory_space<vmem>> -> memref<1x32xi32, #tpu.memory_space<vmem>>
      %dma_start3A_296 = tpu.memref_squeeze %dma_start3A_295 : memref<1x32xi32, #tpu.memory_space<vmem>> -> memref<32xi32, #tpu.memory_space<vmem>>
      %dma_start3A_297 = arith.constant 0 : i32
      %dma_start3A_298 = arith.constant 0 : i32
      %dma_start3A_299 = tpu.memref_slice %arg6[%dma_start3A_297, %dma_start3A_298] : memref<5120x128xf32, #tpu.memory_space<vmem_shared>> -> memref<5120x128xf32, #tpu.memory_space<vmem_shared>>
      tpu.enqueue_indirect_dma source(%dma_start3A_299 : memref<5120x128xf32, #tpu.memory_space<vmem_shared>>) target(%arg11 : memref<32x128xf32, #tpu.memory_space<vmem>>) offsets(%dma_start3A_296 : memref<32xi32, #tpu.memory_space<vmem>>) semaphore(%arg13 : memref<!tpu.dma_semaphore, #tpu.memory_space<semaphore_mem>>)
    }
    %scan3A_99 = arith.constant 159 : i32
    %dma_wait3A_100 = arith.constant 0 : i32
    %dma_wait3A_101 = arith.constant 0 : i32
    %dma_wait3A_102 = tpu.memref_slice %arg8[%dma_wait3A_100, %dma_wait3A_101] : memref<4x32xi32, #tpu.memory_space<vmem>> -> memref<1x32xi32, #tpu.memory_space<vmem>>
    %dma_wait3A_103 = tpu.memref_squeeze %dma_wait3A_102 : memref<1x32xi32, #tpu.memory_space<vmem>> -> memref<32xi32, #tpu.memory_space<vmem>>
    %dma_wait3A_104 = arith.constant 0 : i32
    %dma_wait3A_105 = arith.constant 0 : i32
    %dma_wait3A_106 = tpu.memref_slice %arg6[%dma_wait3A_104, %dma_wait3A_105] : memref<5120x128xf32, #tpu.memory_space<vmem_shared>> -> memref<5120x128xf32, #tpu.memory_space<vmem_shared>>
    tpu.wait_indirect_dma semaphore(%arg12 : memref<!tpu.dma_semaphore, #tpu.memory_space<semaphore_mem>>) src(%dma_wait3A_106 : memref<5120x128xf32, #tpu.memory_space<vmem_shared>>) dst(%arg10 : memref<32x128xf32, #tpu.memory_space<vmem>>)
    %dma_start3A_107 = arith.constant 2 : i32
    %dma_start3A_108 = arith.constant 0 : i32
    %dma_start3A_109 = tpu.memref_slice %arg9[%dma_start3A_107, %dma_start3A_108] : memref<4x32xi32, #tpu.memory_space<vmem>> -> memref<1x32xi32, #tpu.memory_space<vmem>>
    %dma_start3A_110 = tpu.memref_squeeze %dma_start3A_109 : memref<1x32xi32, #tpu.memory_space<vmem>> -> memref<32xi32, #tpu.memory_space<vmem>>
    %dma_start3A_111 = arith.constant 0 : i32
    %dma_start3A_112 = arith.constant 0 : i32
    %dma_start3A_113 = tpu.memref_slice %arg7[%dma_start3A_111, %dma_start3A_112] : memref<10112x128xf32, #tpu.memory_space<vmem_shared>> -> memref<10112x128xf32, #tpu.memory_space<vmem_shared>>
    tpu.enqueue_indirect_dma source(%arg10 : memref<32x128xf32, #tpu.memory_space<vmem>>) target(%dma_start3A_113 : memref<10112x128xf32, #tpu.memory_space<vmem_shared>>) offsets(%dma_start3A_110 : memref<32xi32, #tpu.memory_space<vmem>>) semaphore(%arg14 : memref<!tpu.dma_semaphore, #tpu.memory_space<semaphore_mem>>) {add = true}
    %dma_wait3A_114 = arith.constant 0 : i32
    %dma_wait3A_115 = arith.constant 0 : i32
    %dma_wait3A_116 = tpu.memref_slice %arg8[%dma_wait3A_114, %dma_wait3A_115] : memref<4x32xi32, #tpu.memory_space<vmem>> -> memref<1x32xi32, #tpu.memory_space<vmem>>
    %dma_wait3A_117 = tpu.memref_squeeze %dma_wait3A_116 : memref<1x32xi32, #tpu.memory_space<vmem>> -> memref<32xi32, #tpu.memory_space<vmem>>
    %dma_wait3A_118 = arith.constant 0 : i32
    %dma_wait3A_119 = arith.constant 0 : i32
    %dma_wait3A_120 = tpu.memref_slice %arg6[%dma_wait3A_118, %dma_wait3A_119] : memref<5120x128xf32, #tpu.memory_space<vmem_shared>> -> memref<5120x128xf32, #tpu.memory_space<vmem_shared>>
    tpu.wait_indirect_dma semaphore(%arg13 : memref<!tpu.dma_semaphore, #tpu.memory_space<semaphore_mem>>) src(%dma_wait3A_120 : memref<5120x128xf32, #tpu.memory_space<vmem_shared>>) dst(%arg11 : memref<32x128xf32, #tpu.memory_space<vmem>>)
    %dma_start3A_121 = arith.constant 3 : i32
    %dma_start3A_122 = arith.constant 0 : i32
    %dma_start3A_123 = tpu.memref_slice %arg9[%dma_start3A_121, %dma_start3A_122] : memref<4x32xi32, #tpu.memory_space<vmem>> -> memref<1x32xi32, #tpu.memory_space<vmem>>
    %dma_start3A_124 = tpu.memref_squeeze %dma_start3A_123 : memref<1x32xi32, #tpu.memory_space<vmem>> -> memref<32xi32, #tpu.memory_space<vmem>>
    %dma_start3A_125 = arith.constant 0 : i32
    %dma_start3A_126 = arith.constant 0 : i32
    %dma_start3A_127 = tpu.memref_slice %arg7[%dma_start3A_125, %dma_start3A_126] : memref<10112x128xf32, #tpu.memory_space<vmem_shared>> -> memref<10112x128xf32, #tpu.memory_space<vmem_shared>>
    tpu.enqueue_indirect_dma source(%arg11 : memref<32x128xf32, #tpu.memory_space<vmem>>) target(%dma_start3A_127 : memref<10112x128xf32, #tpu.memory_space<vmem_shared>>) offsets(%dma_start3A_124 : memref<32xi32, #tpu.memory_space<vmem>>) semaphore(%arg15 : memref<!tpu.dma_semaphore, #tpu.memory_space<semaphore_mem>>) {add = true}
    %dma_wait3A_128 = arith.constant 0 : i32
    %dma_wait3A_129 = arith.constant 0 : i32
    %dma_wait3A_130 = tpu.memref_slice %arg9[%dma_wait3A_128, %dma_wait3A_129] : memref<4x32xi32, #tpu.memory_space<vmem>> -> memref<1x32xi32, #tpu.memory_space<vmem>>
    %dma_wait3A_131 = tpu.memref_squeeze %dma_wait3A_130 : memref<1x32xi32, #tpu.memory_space<vmem>> -> memref<32xi32, #tpu.memory_space<vmem>>
    %dma_wait3A_132 = arith.constant 0 : i32
    %dma_wait3A_133 = arith.constant 0 : i32
    %dma_wait3A_134 = tpu.memref_slice %arg7[%dma_wait3A_132, %dma_wait3A_133] : memref<10112x128xf32, #tpu.memory_space<vmem_shared>> -> memref<10112x128xf32, #tpu.memory_space<vmem_shared>>
    tpu.wait_indirect_dma semaphore(%arg14 : memref<!tpu.dma_semaphore, #tpu.memory_space<semaphore_mem>>) src(%arg10 : memref<32x128xf32, #tpu.memory_space<vmem>>) dst(%dma_wait3A_134 : memref<10112x128xf32, #tpu.memory_space<vmem_shared>>)
    %dma_wait3A_135 = arith.constant 0 : i32
    %dma_wait3A_136 = arith.constant 0 : i32
    %dma_wait3A_137 = tpu.memref_slice %arg9[%dma_wait3A_135, %dma_wait3A_136] : memref<4x32xi32, #tpu.memory_space<vmem>> -> memref<1x32xi32, #tpu.memory_space<vmem>>
    %dma_wait3A_138 = tpu.memref_squeeze %dma_wait3A_137 : memref<1x32xi32, #tpu.memory_space<vmem>> -> memref<32xi32, #tpu.memory_space<vmem>>
    %dma_wait3A_139 = arith.constant 0 : i32
    %dma_wait3A_140 = arith.constant 0 : i32
    %dma_wait3A_141 = tpu.memref_slice %arg7[%dma_wait3A_139, %dma_wait3A_140] : memref<10112x128xf32, #tpu.memory_space<vmem_shared>> -> memref<10112x128xf32, #tpu.memory_space<vmem_shared>>
    tpu.wait_indirect_dma semaphore(%arg15 : memref<!tpu.dma_semaphore, #tpu.memory_space<semaphore_mem>>) src(%arg11 : memref<32x128xf32, #tpu.memory_space<vmem>>) dst(%dma_wait3A_141 : memref<10112x128xf32, #tpu.memory_space<vmem_shared>>)
    %barrier3A_142 = arith.constant 0 : index
    tpu.barrier barrier_id(%barrier3A_142)
    "tpu.region"() ({
      %run_scoped3A_143 = tpu.sem_alloc : memref<!tpu.dma_semaphore, #tpu.memory_space<semaphore_mem>>
      %dma_start3A_144 = arith.constant 0 : i32
      %dma_start3A_145 = tpu.memref_slice %arg5[%arg0, %multiple_of3A, %dma_start3A_144] : memref<2x10112x128xf32, #tpu.memory_space<hbm>> -> memref<1x632x128xf32, #tpu.memory_space<hbm>>
      %dma_start3A_146 = tpu.memref_squeeze %dma_start3A_145 : memref<1x632x128xf32, #tpu.memory_space<hbm>> -> memref<632x128xf32, #tpu.memory_space<hbm>>
      %dma_start3A_147 = arith.constant 0 : i32
      %dma_start3A_148 = tpu.memref_slice %arg7[%multiple_of3A, %dma_start3A_147] : memref<10112x128xf32, #tpu.memory_space<vmem_shared>> -> memref<632x128xf32, #tpu.memory_space<vmem_shared>>
      tpu.enqueue_dma source(%dma_start3A_148 : memref<632x128xf32, #tpu.memory_space<vmem_shared>>) target(%dma_start3A_146 : memref<632x128xf32, #tpu.memory_space<hbm>>) target_semaphore(%run_scoped3A_143 : memref<!tpu.dma_semaphore, #tpu.memory_space<semaphore_mem>>)
      %dma_wait3A_149 = arith.constant 0 : i32
      %dma_wait3A_150 = tpu.memref_slice %arg5[%arg0, %multiple_of3A, %dma_wait3A_149] : memref<2x10112x128xf32, #tpu.memory_space<hbm>> -> memref<1x632x128xf32, #tpu.memory_space<hbm>>
      %dma_wait3A_151 = tpu.memref_squeeze %dma_wait3A_150 : memref<1x632x128xf32, #tpu.memory_space<hbm>> -> memref<632x128xf32, #tpu.memory_space<hbm>>
      %dma_wait3A_152 = arith.constant 0 : i32
      %dma_wait3A_153 = tpu.memref_slice %arg7[%multiple_of3A, %dma_wait3A_152] : memref<10112x128xf32, #tpu.memory_space<vmem_shared>> -> memref<632x128xf32, #tpu.memory_space<vmem_shared>>
      tpu.wait_dma2 semaphore(%run_scoped3A_143 : memref<!tpu.dma_semaphore, #tpu.memory_space<semaphore_mem>>) src(%dma_wait3A_153 : memref<632x128xf32, #tpu.memory_space<vmem_shared>>) dst(%dma_wait3A_151 : memref<632x128xf32, #tpu.memory_space<hbm>>)
      tpu.yield
    }) : () -> ()
    return
  }
}

#map = affine_map<(d0, d1) -> (0, 0)>
#map1 = affine_map<(d0, d1) -> (0, 0, 0, 0, 0)>
#map2 = affine_map<(d0, d1) -> (0, 0, 0)>
module attributes {stable_mosaic.version = 14 : i64} {
  func.func @_edge_scatter(%arg0: i32, %arg1: i32, %arg2: memref<10240x128xf32, #tpu.memory_space<hbm>>, %arg3: memref<2x32x2x320x32xi32, #tpu.memory_space<hbm>>, %arg4: memref<10112x128xf32, #tpu.memory_space<hbm>>, %arg5: memref<2x10112x128xf32, #tpu.memory_space<hbm>>, %arg6: memref<5120x128xf32, #tpu.memory_space<vmem_shared>>, %arg7: memref<10112x128xf32, #tpu.memory_space<vmem_shared>>, %arg8: memref<4x32xi32, #tpu.memory_space<vmem>>, %arg9: memref<4x32xi32, #tpu.memory_space<vmem>>, %arg10: memref<32x128xf32, #tpu.memory_space<vmem>>, %arg11: memref<32x128xf32, #tpu.memory_space<vmem>>, %arg12: memref<!tpu.dma_semaphore, #tpu.memory_space<semaphore_mem>>, %arg13: memref<!tpu.dma_semaphore, #tpu.memory_space<semaphore_mem>>, %arg14: memref<!tpu.dma_semaphore, #tpu.memory_space<semaphore_mem>>, %arg15: memref<!tpu.dma_semaphore, #tpu.memory_space<semaphore_mem>>, %arg16: memref<!tpu.dma_semaphore, #tpu.memory_space<semaphore_mem>>, %arg17: memref<!tpu.dma_semaphore, #tpu.memory_space<semaphore_mem>>) attributes {dimension_semantics = [#tpu.dimension_semantics<core_parallel>, #tpu.dimension_semantics<subcore_parallel>], iteration_bounds = array<i64: 2, 16>, scalar_prefetch = 0 : i64, scratch_operands = 12 : i64, tpu.core_type = #tpu.core_type<sc_vector_subcore>, window_params = [{transform_indices = #map}, {transform_indices = #map1}, {transform_indices = #map}, {transform_indices = #map2}]} {
    %mul3A = arith.constant 632 : i32
    %mul3A_0 = arith.muli %arg1, %mul3A : i32
    %multiple_of3A = tpu.assume_multiple %mul3A_0, 8 : i32
    %mul3A_1 = arith.constant 320 : i32
    %mul3A_2 = arith.muli %arg1, %mul3A_1 : i32
    %multiple_of3A_3 = tpu.assume_multiple %mul3A_2, 8 : i32
    "tpu.region"() ({
      %run_scoped3A_143 = tpu.sem_alloc : memref<!tpu.dma_semaphore, #tpu.memory_space<semaphore_mem>>
      %dma_start3A_144 = arith.constant 0 : i32
      %dma_start3A_145 = tpu.memref_slice %arg7[%multiple_of3A, %dma_start3A_144] : memref<10112x128xf32, #tpu.memory_space<vmem_shared>> -> memref<632x128xf32, #tpu.memory_space<vmem_shared>>
      %dma_start3A_146 = arith.constant 0 : i32
      %dma_start3A_147 = tpu.memref_slice %arg4[%multiple_of3A, %dma_start3A_146] : memref<10112x128xf32, #tpu.memory_space<hbm>> -> memref<632x128xf32, #tpu.memory_space<hbm>>
      tpu.enqueue_dma source(%dma_start3A_147 : memref<632x128xf32, #tpu.memory_space<hbm>>) target(%dma_start3A_145 : memref<632x128xf32, #tpu.memory_space<vmem_shared>>) target_semaphore(%run_scoped3A_143 : memref<!tpu.dma_semaphore, #tpu.memory_space<semaphore_mem>>)
      %dma_wait3A_148 = arith.constant 0 : i32
      %dma_wait3A_149 = tpu.memref_slice %arg7[%multiple_of3A, %dma_wait3A_148] : memref<10112x128xf32, #tpu.memory_space<vmem_shared>> -> memref<632x128xf32, #tpu.memory_space<vmem_shared>>
      %dma_wait3A_150 = arith.constant 0 : i32
      %dma_wait3A_151 = tpu.memref_slice %arg4[%multiple_of3A, %dma_wait3A_150] : memref<10112x128xf32, #tpu.memory_space<hbm>> -> memref<632x128xf32, #tpu.memory_space<hbm>>
      tpu.wait_dma2 semaphore(%run_scoped3A_143 : memref<!tpu.dma_semaphore, #tpu.memory_space<semaphore_mem>>) src(%dma_wait3A_151 : memref<632x128xf32, #tpu.memory_space<hbm>>) dst(%dma_wait3A_149 : memref<632x128xf32, #tpu.memory_space<vmem_shared>>)
      tpu.yield
    }) : () -> ()
    %mul3A_4 = arith.constant 5120 : i32
    %mul3A_5 = arith.muli %arg0, %mul3A_4 : i32
    %add3A = arith.addi %mul3A_5, %multiple_of3A_3 : i32
    "tpu.region"() ({
      %run_scoped3A_143 = tpu.sem_alloc : memref<!tpu.dma_semaphore, #tpu.memory_space<semaphore_mem>>
      %dma_start3A_144 = arith.constant 0 : i32
      %dma_start3A_145 = tpu.memref_slice %arg6[%multiple_of3A_3, %dma_start3A_144] : memref<5120x128xf32, #tpu.memory_space<vmem_shared>> -> memref<320x128xf32, #tpu.memory_space<vmem_shared>>
      %dma_start3A_146 = arith.constant 0 : i32
      %dma_start3A_147 = tpu.memref_slice %arg2[%add3A, %dma_start3A_146] : memref<10240x128xf32, #tpu.memory_space<hbm>> -> memref<320x128xf32, #tpu.memory_space<hbm>>
      tpu.enqueue_dma source(%dma_start3A_147 : memref<320x128xf32, #tpu.memory_space<hbm>>) target(%dma_start3A_145 : memref<320x128xf32, #tpu.memory_space<vmem_shared>>) target_semaphore(%run_scoped3A_143 : memref<!tpu.dma_semaphore, #tpu.memory_space<semaphore_mem>>)
      %dma_wait3A_148 = arith.constant 0 : i32
      %dma_wait3A_149 = tpu.memref_slice %arg6[%multiple_of3A_3, %dma_wait3A_148] : memref<5120x128xf32, #tpu.memory_space<vmem_shared>> -> memref<320x128xf32, #tpu.memory_space<vmem_shared>>
      %dma_wait3A_150 = arith.constant 0 : i32
      %dma_wait3A_151 = tpu.memref_slice %arg2[%add3A, %dma_wait3A_150] : memref<10240x128xf32, #tpu.memory_space<hbm>> -> memref<320x128xf32, #tpu.memory_space<hbm>>
      tpu.wait_dma2 semaphore(%run_scoped3A_143 : memref<!tpu.dma_semaphore, #tpu.memory_space<semaphore_mem>>) src(%dma_wait3A_151 : memref<320x128xf32, #tpu.memory_space<hbm>>) dst(%dma_wait3A_149 : memref<320x128xf32, #tpu.memory_space<vmem_shared>>)
      tpu.yield
    }) : () -> ()
    %barrier3A = arith.constant 0 : index
    tpu.barrier barrier_id(%barrier3A)
    %mul3A_6 = arith.constant 2 : i32
    %mul3A_7 = arith.muli %mul3A_6, %arg1 : i32
    %add3A_8 = arith.constant 0 : i32
    %add3A_9 = arith.addi %mul3A_7, %add3A_8 : i32
    %run_scoped3A = arith.constant 0 : i32
    "tpu.region"() ({
      %run_scoped3A_143 = tpu.sem_alloc : memref<!tpu.dma_semaphore, #tpu.memory_space<semaphore_mem>>
      %dma_start3A_144 = arith.constant 0 : i32
      %dma_start3A_145 = arith.constant 0 : i32
      %dma_start3A_146 = tpu.memref_slice %arg8[%dma_start3A_144, %dma_start3A_145] : memref<4x32xi32, #tpu.memory_space<vmem>> -> memref<2x32xi32, #tpu.memory_space<vmem>>
      %dma_start3A_147 = arith.constant 0 : i32
      %dma_start3A_148 = arith.constant 0 : i32
      %dma_start3A_149 = tpu.memref_slice %arg3[%arg0, %add3A_9, %run_scoped3A, %dma_start3A_147, %dma_start3A_148] : memref<2x32x2x320x32xi32, #tpu.memory_space<hbm>> -> memref<1x1x1x320x32xi32, #tpu.memory_space<hbm>>
      %dma_start3A_150 = tpu.memref_squeeze %dma_start3A_149 : memref<1x1x1x320x32xi32, #tpu.memory_space<hbm>> -> memref<320x32xi32, #tpu.memory_space<hbm>>
      %dma_start3A_151 = arith.constant 0 : i32
      %dma_start3A_152 = arith.constant 0 : i32
      %dma_start3A_153 = tpu.memref_slice %dma_start3A_150[%dma_start3A_151, %dma_start3A_152] : memref<320x32xi32, #tpu.memory_space<hbm>> -> memref<2x32xi32, #tpu.memory_space<hbm>>
      %dma_start3A_154 = arith.constant 0 : i32
      %dma_start3A_155 = arith.constant 0 : i32
      %dma_start3A_156 = tpu.memref_slice %arg8[%dma_start3A_154, %dma_start3A_155] : memref<4x32xi32, #tpu.memory_space<vmem>> -> memref<2x32xi32, #tpu.memory_space<vmem>>
      %dma_start3A_157 = arith.constant 0 : i32
      %dma_start3A_158 = arith.constant 0 : i32
      %dma_start3A_159 = tpu.memref_slice %arg3[%arg0, %add3A_9, %run_scoped3A, %dma_start3A_157, %dma_start3A_158] : memref<2x32x2x320x32xi32, #tpu.memory_space<hbm>> -> memref<1x1x1x320x32xi32, #tpu.memory_space<hbm>>
      %dma_start3A_160 = tpu.memref_squeeze %dma_start3A_159 : memref<1x1x1x320x32xi32, #tpu.memory_space<hbm>> -> memref<320x32xi32, #tpu.memory_space<hbm>>
      %dma_start3A_161 = arith.constant 0 : i32
      %dma_start3A_162 = arith.constant 0 : i32
      %dma_start3A_163 = tpu.memref_slice %dma_start3A_160[%dma_start3A_161, %dma_start3A_162] : memref<320x32xi32, #tpu.memory_space<hbm>> -> memref<2x32xi32, #tpu.memory_space<hbm>>
      tpu.enqueue_dma source(%dma_start3A_163 : memref<2x32xi32, #tpu.memory_space<hbm>>) target(%dma_start3A_156 : memref<2x32xi32, #tpu.memory_space<vmem>>) target_semaphore(%run_scoped3A_143 : memref<!tpu.dma_semaphore, #tpu.memory_space<semaphore_mem>>)
      %dma_wait3A_164 = arith.constant 0 : i32
      %dma_wait3A_165 = arith.constant 0 : i32
      %dma_wait3A_166 = tpu.memref_slice %arg8[%dma_wait3A_164, %dma_wait3A_165] : memref<4x32xi32, #tpu.memory_space<vmem>> -> memref<2x32xi32, #tpu.memory_space<vmem>>
      %dma_wait3A_167 = arith.constant 0 : i32
      %dma_wait3A_168 = arith.constant 0 : i32
      %dma_wait3A_169 = tpu.memref_slice %arg3[%arg0, %add3A_9, %run_scoped3A, %dma_wait3A_167, %dma_wait3A_168] : memref<2x32x2x320x32xi32, #tpu.memory_space<hbm>> -> memref<1x1x1x320x32xi32, #tpu.memory_space<hbm>>
      %dma_wait3A_170 = tpu.memref_squeeze %dma_wait3A_169 : memref<1x1x1x320x32xi32, #tpu.memory_space<hbm>> -> memref<320x32xi32, #tpu.memory_space<hbm>>
      %dma_wait3A_171 = arith.constant 0 : i32
      %dma_wait3A_172 = arith.constant 0 : i32
      %dma_wait3A_173 = tpu.memref_slice %dma_wait3A_170[%dma_wait3A_171, %dma_wait3A_172] : memref<320x32xi32, #tpu.memory_space<hbm>> -> memref<2x32xi32, #tpu.memory_space<hbm>>
      %dma_wait3A_174 = arith.constant 0 : i32
      %dma_wait3A_175 = arith.constant 0 : i32
      %dma_wait3A_176 = tpu.memref_slice %arg8[%dma_wait3A_174, %dma_wait3A_175] : memref<4x32xi32, #tpu.memory_space<vmem>> -> memref<2x32xi32, #tpu.memory_space<vmem>>
      %dma_wait3A_177 = arith.constant 0 : i32
      %dma_wait3A_178 = arith.constant 0 : i32
      %dma_wait3A_179 = tpu.memref_slice %arg3[%arg0, %add3A_9, %run_scoped3A, %dma_wait3A_177, %dma_wait3A_178] : memref<2x32x2x320x32xi32, #tpu.memory_space<hbm>> -> memref<1x1x1x320x32xi32, #tpu.memory_space<hbm>>
      %dma_wait3A_180 = tpu.memref_squeeze %dma_wait3A_179 : memref<1x1x1x320x32xi32, #tpu.memory_space<hbm>> -> memref<320x32xi32, #tpu.memory_space<hbm>>
      %dma_wait3A_181 = arith.constant 0 : i32
      %dma_wait3A_182 = arith.constant 0 : i32
      %dma_wait3A_183 = tpu.memref_slice %dma_wait3A_180[%dma_wait3A_181, %dma_wait3A_182] : memref<320x32xi32, #tpu.memory_space<hbm>> -> memref<2x32xi32, #tpu.memory_space<hbm>>
      tpu.wait_dma2 semaphore(%run_scoped3A_143 : memref<!tpu.dma_semaphore, #tpu.memory_space<semaphore_mem>>) src(%dma_wait3A_183 : memref<2x32xi32, #tpu.memory_space<hbm>>) dst(%dma_wait3A_176 : memref<2x32xi32, #tpu.memory_space<vmem>>)
      tpu.yield
    }) : () -> ()
    %run_scoped3A_10 = arith.constant 1 : i32
    "tpu.region"() ({
      %run_scoped3A_143 = tpu.sem_alloc : memref<!tpu.dma_semaphore, #tpu.memory_space<semaphore_mem>>
      %dma_start3A_144 = arith.constant 0 : i32
      %dma_start3A_145 = arith.constant 0 : i32
      %dma_start3A_146 = tpu.memref_slice %arg9[%dma_start3A_144, %dma_start3A_145] : memref<4x32xi32, #tpu.memory_space<vmem>> -> memref<2x32xi32, #tpu.memory_space<vmem>>
      %dma_start3A_147 = arith.constant 0 : i32
      %dma_start3A_148 = arith.constant 0 : i32
      %dma_start3A_149 = tpu.memref_slice %arg3[%arg0, %add3A_9, %run_scoped3A_10, %dma_start3A_147, %dma_start3A_148] : memref<2x32x2x320x32xi32, #tpu.memory_space<hbm>> -> memref<1x1x1x320x32xi32, #tpu.memory_space<hbm>>
      %dma_start3A_150 = tpu.memref_squeeze %dma_start3A_149 : memref<1x1x1x320x32xi32, #tpu.memory_space<hbm>> -> memref<320x32xi32, #tpu.memory_space<hbm>>
      %dma_start3A_151 = arith.constant 0 : i32
      %dma_start3A_152 = arith.constant 0 : i32
      %dma_start3A_153 = tpu.memref_slice %dma_start3A_150[%dma_start3A_151, %dma_start3A_152] : memref<320x32xi32, #tpu.memory_space<hbm>> -> memref<2x32xi32, #tpu.memory_space<hbm>>
      %dma_start3A_154 = arith.constant 0 : i32
      %dma_start3A_155 = arith.constant 0 : i32
      %dma_start3A_156 = tpu.memref_slice %arg9[%dma_start3A_154, %dma_start3A_155] : memref<4x32xi32, #tpu.memory_space<vmem>> -> memref<2x32xi32, #tpu.memory_space<vmem>>
      %dma_start3A_157 = arith.constant 0 : i32
      %dma_start3A_158 = arith.constant 0 : i32
      %dma_start3A_159 = tpu.memref_slice %arg3[%arg0, %add3A_9, %run_scoped3A_10, %dma_start3A_157, %dma_start3A_158] : memref<2x32x2x320x32xi32, #tpu.memory_space<hbm>> -> memref<1x1x1x320x32xi32, #tpu.memory_space<hbm>>
      %dma_start3A_160 = tpu.memref_squeeze %dma_start3A_159 : memref<1x1x1x320x32xi32, #tpu.memory_space<hbm>> -> memref<320x32xi32, #tpu.memory_space<hbm>>
      %dma_start3A_161 = arith.constant 0 : i32
      %dma_start3A_162 = arith.constant 0 : i32
      %dma_start3A_163 = tpu.memref_slice %dma_start3A_160[%dma_start3A_161, %dma_start3A_162] : memref<320x32xi32, #tpu.memory_space<hbm>> -> memref<2x32xi32, #tpu.memory_space<hbm>>
      tpu.enqueue_dma source(%dma_start3A_163 : memref<2x32xi32, #tpu.memory_space<hbm>>) target(%dma_start3A_156 : memref<2x32xi32, #tpu.memory_space<vmem>>) target_semaphore(%run_scoped3A_143 : memref<!tpu.dma_semaphore, #tpu.memory_space<semaphore_mem>>)
      %dma_wait3A_164 = arith.constant 0 : i32
      %dma_wait3A_165 = arith.constant 0 : i32
      %dma_wait3A_166 = tpu.memref_slice %arg9[%dma_wait3A_164, %dma_wait3A_165] : memref<4x32xi32, #tpu.memory_space<vmem>> -> memref<2x32xi32, #tpu.memory_space<vmem>>
      %dma_wait3A_167 = arith.constant 0 : i32
      %dma_wait3A_168 = arith.constant 0 : i32
      %dma_wait3A_169 = tpu.memref_slice %arg3[%arg0, %add3A_9, %run_scoped3A_10, %dma_wait3A_167, %dma_wait3A_168] : memref<2x32x2x320x32xi32, #tpu.memory_space<hbm>> -> memref<1x1x1x320x32xi32, #tpu.memory_space<hbm>>
      %dma_wait3A_170 = tpu.memref_squeeze %dma_wait3A_169 : memref<1x1x1x320x32xi32, #tpu.memory_space<hbm>> -> memref<320x32xi32, #tpu.memory_space<hbm>>
      %dma_wait3A_171 = arith.constant 0 : i32
      %dma_wait3A_172 = arith.constant 0 : i32
      %dma_wait3A_173 = tpu.memref_slice %dma_wait3A_170[%dma_wait3A_171, %dma_wait3A_172] : memref<320x32xi32, #tpu.memory_space<hbm>> -> memref<2x32xi32, #tpu.memory_space<hbm>>
      %dma_wait3A_174 = arith.constant 0 : i32
      %dma_wait3A_175 = arith.constant 0 : i32
      %dma_wait3A_176 = tpu.memref_slice %arg9[%dma_wait3A_174, %dma_wait3A_175] : memref<4x32xi32, #tpu.memory_space<vmem>> -> memref<2x32xi32, #tpu.memory_space<vmem>>
      %dma_wait3A_177 = arith.constant 0 : i32
      %dma_wait3A_178 = arith.constant 0 : i32
      %dma_wait3A_179 = tpu.memref_slice %arg3[%arg0, %add3A_9, %run_scoped3A_10, %dma_wait3A_177, %dma_wait3A_178] : memref<2x32x2x320x32xi32, #tpu.memory_space<hbm>> -> memref<1x1x1x320x32xi32, #tpu.memory_space<hbm>>
      %dma_wait3A_180 = tpu.memref_squeeze %dma_wait3A_179 : memref<1x1x1x320x32xi32, #tpu.memory_space<hbm>> -> memref<320x32xi32, #tpu.memory_space<hbm>>
      %dma_wait3A_181 = arith.constant 0 : i32
      %dma_wait3A_182 = arith.constant 0 : i32
      %dma_wait3A_183 = tpu.memref_slice %dma_wait3A_180[%dma_wait3A_181, %dma_wait3A_182] : memref<320x32xi32, #tpu.memory_space<hbm>> -> memref<2x32xi32, #tpu.memory_space<hbm>>
      tpu.wait_dma2 semaphore(%run_scoped3A_143 : memref<!tpu.dma_semaphore, #tpu.memory_space<semaphore_mem>>) src(%dma_wait3A_183 : memref<2x32xi32, #tpu.memory_space<hbm>>) dst(%dma_wait3A_176 : memref<2x32xi32, #tpu.memory_space<vmem>>)
      tpu.yield
    }) : () -> ()
    %dma_start3A = arith.constant 0 : i32
    %dma_start3A_11 = arith.constant 0 : i32
    %dma_start3A_12 = tpu.memref_slice %arg8[%dma_start3A, %dma_start3A_11] : memref<4x32xi32, #tpu.memory_space<vmem>> -> memref<1x32xi32, #tpu.memory_space<vmem>>
    %dma_start3A_13 = tpu.memref_squeeze %dma_start3A_12 : memref<1x32xi32, #tpu.memory_space<vmem>> -> memref<32xi32, #tpu.memory_space<vmem>>
    %dma_start3A_14 = arith.constant 0 : i32
    %dma_start3A_15 = arith.constant 0 : i32
    %dma_start3A_16 = tpu.memref_slice %arg6[%dma_start3A_14, %dma_start3A_15] : memref<5120x128xf32, #tpu.memory_space<vmem_shared>> -> memref<5120x128xf32, #tpu.memory_space<vmem_shared>>
    tpu.enqueue_indirect_dma source(%dma_start3A_16 : memref<5120x128xf32, #tpu.memory_space<vmem_shared>>) target(%arg10 : memref<32x128xf32, #tpu.memory_space<vmem>>) offsets(%dma_start3A_13 : memref<32xi32, #tpu.memory_space<vmem>>) semaphore(%arg12 : memref<!tpu.dma_semaphore, #tpu.memory_space<semaphore_mem>>)
    %dma_start3A_17 = arith.constant 1 : i32
    %dma_start3A_18 = arith.constant 0 : i32
    %dma_start3A_19 = tpu.memref_slice %arg8[%dma_start3A_17, %dma_start3A_18] : memref<4x32xi32, #tpu.memory_space<vmem>> -> memref<1x32xi32, #tpu.memory_space<vmem>>
    %dma_start3A_20 = tpu.memref_squeeze %dma_start3A_19 : memref<1x32xi32, #tpu.memory_space<vmem>> -> memref<32xi32, #tpu.memory_space<vmem>>
    %dma_start3A_21 = arith.constant 0 : i32
    %dma_start3A_22 = arith.constant 0 : i32
    %dma_start3A_23 = tpu.memref_slice %arg6[%dma_start3A_21, %dma_start3A_22] : memref<5120x128xf32, #tpu.memory_space<vmem_shared>> -> memref<5120x128xf32, #tpu.memory_space<vmem_shared>>
    tpu.enqueue_indirect_dma source(%dma_start3A_23 : memref<5120x128xf32, #tpu.memory_space<vmem_shared>>) target(%arg11 : memref<32x128xf32, #tpu.memory_space<vmem>>) offsets(%dma_start3A_20 : memref<32xi32, #tpu.memory_space<vmem>>) semaphore(%arg13 : memref<!tpu.dma_semaphore, #tpu.memory_space<semaphore_mem>>)
    %scan3A = arith.constant 0 : i32
    %scan3A_24 = arith.constant 0 : i32
    %scan3A_25 = arith.constant 1 : i32
    %scan3A_26 = arith.constant 0 : i32
    %scan3A_27 = arith.constant 159 : i32
    %scan3A_28 = arith.addi %scan3A_26, %scan3A_27 : i32
    %scan3A_29 = arith.constant 1 : i32
    scf.for %scan3A_143 = %scan3A_26 to %scan3A_28 step %scan3A_29  : i32 {
      %rem3A = arith.constant 2 : i32
      %rem3A_144 = arith.remsi %scan3A_143, %rem3A : i32
      %add3A_145 = arith.constant 1 : i32
      %add3A_146 = arith.addi %scan3A_143, %add3A_145 : i32
      %sub3A = arith.constant 1 : i32
      %sub3A_147 = arith.subi %sub3A, %rem3A_144 : i32
      %mul3A_148 = arith.constant 2 : i32
      %mul3A_149 = arith.muli %add3A_146, %mul3A_148 : i32
      %mul3A_150 = arith.constant 2 : i32
      %mul3A_151 = arith.muli %sub3A_147, %mul3A_150 : i32
      %dma_start3A_152 = arith.constant 0 : i32
      %dma_start3A_153 = tpu.memref_slice %arg8[%mul3A_151, %dma_start3A_152] : memref<4x32xi32, #tpu.memory_space<vmem>> -> memref<2x32xi32, #tpu.memory_space<vmem>>
      %dma_start3A_154 = arith.constant 0 : i32
      %dma_start3A_155 = arith.constant 0 : i32
      %dma_start3A_156 = tpu.memref_slice %arg3[%arg0, %add3A_9, %scan3A_24, %dma_start3A_154, %dma_start3A_155] : memref<2x32x2x320x32xi32, #tpu.memory_space<hbm>> -> memref<1x1x1x320x32xi32, #tpu.memory_space<hbm>>
      %dma_start3A_157 = tpu.memref_squeeze %dma_start3A_156 : memref<1x1x1x320x32xi32, #tpu.memory_space<hbm>> -> memref<320x32xi32, #tpu.memory_space<hbm>>
      %dma_start3A_158 = arith.constant 0 : i32
      %dma_start3A_159 = tpu.memref_slice %dma_start3A_157[%mul3A_149, %dma_start3A_158] : memref<320x32xi32, #tpu.memory_space<hbm>> -> memref<2x32xi32, #tpu.memory_space<hbm>>
      %dma_start3A_160 = arith.constant 0 : i32
      %dma_start3A_161 = tpu.memref_slice %arg8[%mul3A_151, %dma_start3A_160] : memref<4x32xi32, #tpu.memory_space<vmem>> -> memref<2x32xi32, #tpu.memory_space<vmem>>
      %dma_start3A_162 = arith.constant 0 : i32
      %dma_start3A_163 = arith.constant 0 : i32
      %dma_start3A_164 = tpu.memref_slice %arg3[%arg0, %add3A_9, %scan3A_24, %dma_start3A_162, %dma_start3A_163] : memref<2x32x2x320x32xi32, #tpu.memory_space<hbm>> -> memref<1x1x1x320x32xi32, #tpu.memory_space<hbm>>
      %dma_start3A_165 = tpu.memref_squeeze %dma_start3A_164 : memref<1x1x1x320x32xi32, #tpu.memory_space<hbm>> -> memref<320x32xi32, #tpu.memory_space<hbm>>
      %dma_start3A_166 = arith.constant 0 : i32
      %dma_start3A_167 = tpu.memref_slice %dma_start3A_165[%mul3A_149, %dma_start3A_166] : memref<320x32xi32, #tpu.memory_space<hbm>> -> memref<2x32xi32, #tpu.memory_space<hbm>>
      tpu.enqueue_dma source(%dma_start3A_167 : memref<2x32xi32, #tpu.memory_space<hbm>>) target(%dma_start3A_161 : memref<2x32xi32, #tpu.memory_space<vmem>>) target_semaphore(%arg16 : memref<!tpu.dma_semaphore, #tpu.memory_space<semaphore_mem>>)
      %mul3A_168 = arith.constant 2 : i32
      %mul3A_169 = arith.muli %add3A_146, %mul3A_168 : i32
      %mul3A_170 = arith.constant 2 : i32
      %mul3A_171 = arith.muli %sub3A_147, %mul3A_170 : i32
      %dma_start3A_172 = arith.constant 0 : i32
      %dma_start3A_173 = tpu.memref_slice %arg9[%mul3A_171, %dma_start3A_172] : memref<4x32xi32, #tpu.memory_space<vmem>> -> memref<2x32xi32, #tpu.memory_space<vmem>>
      %dma_start3A_174 = arith.constant 0 : i32
      %dma_start3A_175 = arith.constant 0 : i32
      %dma_start3A_176 = tpu.memref_slice %arg3[%arg0, %add3A_9, %scan3A_25, %dma_start3A_174, %dma_start3A_175] : memref<2x32x2x320x32xi32, #tpu.memory_space<hbm>> -> memref<1x1x1x320x32xi32, #tpu.memory_space<hbm>>
      %dma_start3A_177 = tpu.memref_squeeze %dma_start3A_176 : memref<1x1x1x320x32xi32, #tpu.memory_space<hbm>> -> memref<320x32xi32, #tpu.memory_space<hbm>>
      %dma_start3A_178 = arith.constant 0 : i32
      %dma_start3A_179 = tpu.memref_slice %dma_start3A_177[%mul3A_169, %dma_start3A_178] : memref<320x32xi32, #tpu.memory_space<hbm>> -> memref<2x32xi32, #tpu.memory_space<hbm>>
      %dma_start3A_180 = arith.constant 0 : i32
      %dma_start3A_181 = tpu.memref_slice %arg9[%mul3A_171, %dma_start3A_180] : memref<4x32xi32, #tpu.memory_space<vmem>> -> memref<2x32xi32, #tpu.memory_space<vmem>>
      %dma_start3A_182 = arith.constant 0 : i32
      %dma_start3A_183 = arith.constant 0 : i32
      %dma_start3A_184 = tpu.memref_slice %arg3[%arg0, %add3A_9, %scan3A_25, %dma_start3A_182, %dma_start3A_183] : memref<2x32x2x320x32xi32, #tpu.memory_space<hbm>> -> memref<1x1x1x320x32xi32, #tpu.memory_space<hbm>>
      %dma_start3A_185 = tpu.memref_squeeze %dma_start3A_184 : memref<1x1x1x320x32xi32, #tpu.memory_space<hbm>> -> memref<320x32xi32, #tpu.memory_space<hbm>>
      %dma_start3A_186 = arith.constant 0 : i32
      %dma_start3A_187 = tpu.memref_slice %dma_start3A_185[%mul3A_169, %dma_start3A_186] : memref<320x32xi32, #tpu.memory_space<hbm>> -> memref<2x32xi32, #tpu.memory_space<hbm>>
      tpu.enqueue_dma source(%dma_start3A_187 : memref<2x32xi32, #tpu.memory_space<hbm>>) target(%dma_start3A_181 : memref<2x32xi32, #tpu.memory_space<vmem>>) target_semaphore(%arg17 : memref<!tpu.dma_semaphore, #tpu.memory_space<semaphore_mem>>)
      %dma_wait3A_188 = arith.constant 0 : i32
      %dma_wait3A_189 = arith.constant 0 : i32
      %dma_wait3A_190 = tpu.memref_slice %arg8[%dma_wait3A_188, %dma_wait3A_189] : memref<4x32xi32, #tpu.memory_space<vmem>> -> memref<1x32xi32, #tpu.memory_space<vmem>>
      %dma_wait3A_191 = tpu.memref_squeeze %dma_wait3A_190 : memref<1x32xi32, #tpu.memory_space<vmem>> -> memref<32xi32, #tpu.memory_space<vmem>>
      %dma_wait3A_192 = arith.constant 0 : i32
      %dma_wait3A_193 = arith.constant 0 : i32
      %dma_wait3A_194 = tpu.memref_slice %arg6[%dma_wait3A_192, %dma_wait3A_193] : memref<5120x128xf32, #tpu.memory_space<vmem_shared>> -> memref<5120x128xf32, #tpu.memory_space<vmem_shared>>
      tpu.wait_indirect_dma semaphore(%arg12 : memref<!tpu.dma_semaphore, #tpu.memory_space<semaphore_mem>>) src(%dma_wait3A_194 : memref<5120x128xf32, #tpu.memory_space<vmem_shared>>) dst(%arg10 : memref<32x128xf32, #tpu.memory_space<vmem>>)
      %mul3A_195 = arith.constant 2 : i32
      %mul3A_196 = arith.muli %rem3A_144, %mul3A_195 : i32
      %add3A_197 = arith.constant 0 : i32
      %add3A_198 = arith.addi %mul3A_196, %add3A_197 : i32
      %dma_start3A_199 = arith.constant 0 : i32
      %dma_start3A_200 = tpu.memref_slice %arg9[%add3A_198, %dma_start3A_199] : memref<4x32xi32, #tpu.memory_space<vmem>> -> memref<1x32xi32, #tpu.memory_space<vmem>>
      %dma_start3A_201 = tpu.memref_squeeze %dma_start3A_200 : memref<1x32xi32, #tpu.memory_space<vmem>> -> memref<32xi32, #tpu.memory_space<vmem>>
      %dma_start3A_202 = arith.constant 0 : i32
      %dma_start3A_203 = arith.constant 0 : i32
      %dma_start3A_204 = tpu.memref_slice %arg7[%dma_start3A_202, %dma_start3A_203] : memref<10112x128xf32, #tpu.memory_space<vmem_shared>> -> memref<10112x128xf32, #tpu.memory_space<vmem_shared>>
      tpu.enqueue_indirect_dma source(%arg10 : memref<32x128xf32, #tpu.memory_space<vmem>>) target(%dma_start3A_204 : memref<10112x128xf32, #tpu.memory_space<vmem_shared>>) offsets(%dma_start3A_201 : memref<32xi32, #tpu.memory_space<vmem>>) semaphore(%arg14 : memref<!tpu.dma_semaphore, #tpu.memory_space<semaphore_mem>>) {add = true}
      %dma_wait3A_205 = arith.constant 0 : i32
      %dma_wait3A_206 = arith.constant 0 : i32
      %dma_wait3A_207 = tpu.memref_slice %arg8[%dma_wait3A_205, %dma_wait3A_206] : memref<4x32xi32, #tpu.memory_space<vmem>> -> memref<1x32xi32, #tpu.memory_space<vmem>>
      %dma_wait3A_208 = tpu.memref_squeeze %dma_wait3A_207 : memref<1x32xi32, #tpu.memory_space<vmem>> -> memref<32xi32, #tpu.memory_space<vmem>>
      %dma_wait3A_209 = arith.constant 0 : i32
      %dma_wait3A_210 = arith.constant 0 : i32
      %dma_wait3A_211 = tpu.memref_slice %arg6[%dma_wait3A_209, %dma_wait3A_210] : memref<5120x128xf32, #tpu.memory_space<vmem_shared>> -> memref<5120x128xf32, #tpu.memory_space<vmem_shared>>
      tpu.wait_indirect_dma semaphore(%arg13 : memref<!tpu.dma_semaphore, #tpu.memory_space<semaphore_mem>>) src(%dma_wait3A_211 : memref<5120x128xf32, #tpu.memory_space<vmem_shared>>) dst(%arg11 : memref<32x128xf32, #tpu.memory_space<vmem>>)
      %mul3A_212 = arith.constant 2 : i32
      %mul3A_213 = arith.muli %rem3A_144, %mul3A_212 : i32
      %add3A_214 = arith.constant 1 : i32
      %add3A_215 = arith.addi %mul3A_213, %add3A_214 : i32
      %dma_start3A_216 = arith.constant 0 : i32
      %dma_start3A_217 = tpu.memref_slice %arg9[%add3A_215, %dma_start3A_216] : memref<4x32xi32, #tpu.memory_space<vmem>> -> memref<1x32xi32, #tpu.memory_space<vmem>>
      %dma_start3A_218 = tpu.memref_squeeze %dma_start3A_217 : memref<1x32xi32, #tpu.memory_space<vmem>> -> memref<32xi32, #tpu.memory_space<vmem>>
      %dma_start3A_219 = arith.constant 0 : i32
      %dma_start3A_220 = arith.constant 0 : i32
      %dma_start3A_221 = tpu.memref_slice %arg7[%dma_start3A_219, %dma_start3A_220] : memref<10112x128xf32, #tpu.memory_space<vmem_shared>> -> memref<10112x128xf32, #tpu.memory_space<vmem_shared>>
      tpu.enqueue_indirect_dma source(%arg11 : memref<32x128xf32, #tpu.memory_space<vmem>>) target(%dma_start3A_221 : memref<10112x128xf32, #tpu.memory_space<vmem_shared>>) offsets(%dma_start3A_218 : memref<32xi32, #tpu.memory_space<vmem>>) semaphore(%arg15 : memref<!tpu.dma_semaphore, #tpu.memory_space<semaphore_mem>>) {add = true}
      %dma_wait3A_222 = arith.constant 0 : i32
      %dma_wait3A_223 = arith.constant 0 : i32
      %dma_wait3A_224 = tpu.memref_slice %arg8[%dma_wait3A_222, %dma_wait3A_223] : memref<4x32xi32, #tpu.memory_space<vmem>> -> memref<2x32xi32, #tpu.memory_space<vmem>>
      %dma_wait3A_225 = arith.constant 0 : i32
      %dma_wait3A_226 = arith.constant 0 : i32
      %dma_wait3A_227 = tpu.memref_slice %arg3[%arg0, %add3A_9, %scan3A_24, %dma_wait3A_225, %dma_wait3A_226] : memref<2x32x2x320x32xi32, #tpu.memory_space<hbm>> -> memref<1x1x1x320x32xi32, #tpu.memory_space<hbm>>
      %dma_wait3A_228 = tpu.memref_squeeze %dma_wait3A_227 : memref<1x1x1x320x32xi32, #tpu.memory_space<hbm>> -> memref<320x32xi32, #tpu.memory_space<hbm>>
      %dma_wait3A_229 = arith.constant 0 : i32
      %dma_wait3A_230 = arith.constant 0 : i32
      %dma_wait3A_231 = tpu.memref_slice %dma_wait3A_228[%dma_wait3A_229, %dma_wait3A_230] : memref<320x32xi32, #tpu.memory_space<hbm>> -> memref<2x32xi32, #tpu.memory_space<hbm>>
      %dma_wait3A_232 = arith.constant 0 : i32
      %dma_wait3A_233 = arith.constant 0 : i32
      %dma_wait3A_234 = tpu.memref_slice %arg8[%dma_wait3A_232, %dma_wait3A_233] : memref<4x32xi32, #tpu.memory_space<vmem>> -> memref<2x32xi32, #tpu.memory_space<vmem>>
      %dma_wait3A_235 = arith.constant 0 : i32
      %dma_wait3A_236 = arith.constant 0 : i32
      %dma_wait3A_237 = tpu.memref_slice %arg3[%arg0, %add3A_9, %scan3A_24, %dma_wait3A_235, %dma_wait3A_236] : memref<2x32x2x320x32xi32, #tpu.memory_space<hbm>> -> memref<1x1x1x320x32xi32, #tpu.memory_space<hbm>>
      %dma_wait3A_238 = tpu.memref_squeeze %dma_wait3A_237 : memref<1x1x1x320x32xi32, #tpu.memory_space<hbm>> -> memref<320x32xi32, #tpu.memory_space<hbm>>
      %dma_wait3A_239 = arith.constant 0 : i32
      %dma_wait3A_240 = arith.constant 0 : i32
      %dma_wait3A_241 = tpu.memref_slice %dma_wait3A_238[%dma_wait3A_239, %dma_wait3A_240] : memref<320x32xi32, #tpu.memory_space<hbm>> -> memref<2x32xi32, #tpu.memory_space<hbm>>
      tpu.wait_dma2 semaphore(%arg16 : memref<!tpu.dma_semaphore, #tpu.memory_space<semaphore_mem>>) src(%dma_wait3A_241 : memref<2x32xi32, #tpu.memory_space<hbm>>) dst(%dma_wait3A_234 : memref<2x32xi32, #tpu.memory_space<vmem>>)
      %dma_wait3A_242 = arith.constant 0 : i32
      %dma_wait3A_243 = arith.constant 0 : i32
      %dma_wait3A_244 = tpu.memref_slice %arg9[%dma_wait3A_242, %dma_wait3A_243] : memref<4x32xi32, #tpu.memory_space<vmem>> -> memref<2x32xi32, #tpu.memory_space<vmem>>
      %dma_wait3A_245 = arith.constant 0 : i32
      %dma_wait3A_246 = arith.constant 0 : i32
      %dma_wait3A_247 = tpu.memref_slice %arg3[%arg0, %add3A_9, %scan3A_25, %dma_wait3A_245, %dma_wait3A_246] : memref<2x32x2x320x32xi32, #tpu.memory_space<hbm>> -> memref<1x1x1x320x32xi32, #tpu.memory_space<hbm>>
      %dma_wait3A_248 = tpu.memref_squeeze %dma_wait3A_247 : memref<1x1x1x320x32xi32, #tpu.memory_space<hbm>> -> memref<320x32xi32, #tpu.memory_space<hbm>>
      %dma_wait3A_249 = arith.constant 0 : i32
      %dma_wait3A_250 = arith.constant 0 : i32
      %dma_wait3A_251 = tpu.memref_slice %dma_wait3A_248[%dma_wait3A_249, %dma_wait3A_250] : memref<320x32xi32, #tpu.memory_space<hbm>> -> memref<2x32xi32, #tpu.memory_space<hbm>>
      %dma_wait3A_252 = arith.constant 0 : i32
      %dma_wait3A_253 = arith.constant 0 : i32
      %dma_wait3A_254 = tpu.memref_slice %arg9[%dma_wait3A_252, %dma_wait3A_253] : memref<4x32xi32, #tpu.memory_space<vmem>> -> memref<2x32xi32, #tpu.memory_space<vmem>>
      %dma_wait3A_255 = arith.constant 0 : i32
      %dma_wait3A_256 = arith.constant 0 : i32
      %dma_wait3A_257 = tpu.memref_slice %arg3[%arg0, %add3A_9, %scan3A_25, %dma_wait3A_255, %dma_wait3A_256] : memref<2x32x2x320x32xi32, #tpu.memory_space<hbm>> -> memref<1x1x1x320x32xi32, #tpu.memory_space<hbm>>
      %dma_wait3A_258 = tpu.memref_squeeze %dma_wait3A_257 : memref<1x1x1x320x32xi32, #tpu.memory_space<hbm>> -> memref<320x32xi32, #tpu.memory_space<hbm>>
      %dma_wait3A_259 = arith.constant 0 : i32
      %dma_wait3A_260 = arith.constant 0 : i32
      %dma_wait3A_261 = tpu.memref_slice %dma_wait3A_258[%dma_wait3A_259, %dma_wait3A_260] : memref<320x32xi32, #tpu.memory_space<hbm>> -> memref<2x32xi32, #tpu.memory_space<hbm>>
      tpu.wait_dma2 semaphore(%arg17 : memref<!tpu.dma_semaphore, #tpu.memory_space<semaphore_mem>>) src(%dma_wait3A_261 : memref<2x32xi32, #tpu.memory_space<hbm>>) dst(%dma_wait3A_254 : memref<2x32xi32, #tpu.memory_space<vmem>>)
      %dma_wait3A_262 = arith.constant 0 : i32
      %dma_wait3A_263 = arith.constant 0 : i32
      %dma_wait3A_264 = tpu.memref_slice %arg9[%dma_wait3A_262, %dma_wait3A_263] : memref<4x32xi32, #tpu.memory_space<vmem>> -> memref<1x32xi32, #tpu.memory_space<vmem>>
      %dma_wait3A_265 = tpu.memref_squeeze %dma_wait3A_264 : memref<1x32xi32, #tpu.memory_space<vmem>> -> memref<32xi32, #tpu.memory_space<vmem>>
      %dma_wait3A_266 = arith.constant 0 : i32
      %dma_wait3A_267 = arith.constant 0 : i32
      %dma_wait3A_268 = tpu.memref_slice %arg7[%dma_wait3A_266, %dma_wait3A_267] : memref<10112x128xf32, #tpu.memory_space<vmem_shared>> -> memref<10112x128xf32, #tpu.memory_space<vmem_shared>>
      tpu.wait_indirect_dma semaphore(%arg14 : memref<!tpu.dma_semaphore, #tpu.memory_space<semaphore_mem>>) src(%arg10 : memref<32x128xf32, #tpu.memory_space<vmem>>) dst(%dma_wait3A_268 : memref<10112x128xf32, #tpu.memory_space<vmem_shared>>)
      %sub3A_269 = arith.constant 1 : i32
      %sub3A_270 = arith.subi %sub3A_269, %rem3A_144 : i32
      %mul3A_271 = arith.constant 2 : i32
      %mul3A_272 = arith.muli %sub3A_270, %mul3A_271 : i32
      %add3A_273 = arith.constant 0 : i32
      %add3A_274 = arith.addi %mul3A_272, %add3A_273 : i32
      %dma_start3A_275 = arith.constant 0 : i32
      %dma_start3A_276 = tpu.memref_slice %arg8[%add3A_274, %dma_start3A_275] : memref<4x32xi32, #tpu.memory_space<vmem>> -> memref<1x32xi32, #tpu.memory_space<vmem>>
      %dma_start3A_277 = tpu.memref_squeeze %dma_start3A_276 : memref<1x32xi32, #tpu.memory_space<vmem>> -> memref<32xi32, #tpu.memory_space<vmem>>
      %dma_start3A_278 = arith.constant 0 : i32
      %dma_start3A_279 = arith.constant 0 : i32
      %dma_start3A_280 = tpu.memref_slice %arg6[%dma_start3A_278, %dma_start3A_279] : memref<5120x128xf32, #tpu.memory_space<vmem_shared>> -> memref<5120x128xf32, #tpu.memory_space<vmem_shared>>
      tpu.enqueue_indirect_dma source(%dma_start3A_280 : memref<5120x128xf32, #tpu.memory_space<vmem_shared>>) target(%arg10 : memref<32x128xf32, #tpu.memory_space<vmem>>) offsets(%dma_start3A_277 : memref<32xi32, #tpu.memory_space<vmem>>) semaphore(%arg12 : memref<!tpu.dma_semaphore, #tpu.memory_space<semaphore_mem>>)
      %dma_wait3A_281 = arith.constant 0 : i32
      %dma_wait3A_282 = arith.constant 0 : i32
      %dma_wait3A_283 = tpu.memref_slice %arg9[%dma_wait3A_281, %dma_wait3A_282] : memref<4x32xi32, #tpu.memory_space<vmem>> -> memref<1x32xi32, #tpu.memory_space<vmem>>
      %dma_wait3A_284 = tpu.memref_squeeze %dma_wait3A_283 : memref<1x32xi32, #tpu.memory_space<vmem>> -> memref<32xi32, #tpu.memory_space<vmem>>
      %dma_wait3A_285 = arith.constant 0 : i32
      %dma_wait3A_286 = arith.constant 0 : i32
      %dma_wait3A_287 = tpu.memref_slice %arg7[%dma_wait3A_285, %dma_wait3A_286] : memref<10112x128xf32, #tpu.memory_space<vmem_shared>> -> memref<10112x128xf32, #tpu.memory_space<vmem_shared>>
      tpu.wait_indirect_dma semaphore(%arg15 : memref<!tpu.dma_semaphore, #tpu.memory_space<semaphore_mem>>) src(%arg11 : memref<32x128xf32, #tpu.memory_space<vmem>>) dst(%dma_wait3A_287 : memref<10112x128xf32, #tpu.memory_space<vmem_shared>>)
      %sub3A_288 = arith.constant 1 : i32
      %sub3A_289 = arith.subi %sub3A_288, %rem3A_144 : i32
      %mul3A_290 = arith.constant 2 : i32
      %mul3A_291 = arith.muli %sub3A_289, %mul3A_290 : i32
      %add3A_292 = arith.constant 1 : i32
      %add3A_293 = arith.addi %mul3A_291, %add3A_292 : i32
      %dma_start3A_294 = arith.constant 0 : i32
      %dma_start3A_295 = tpu.memref_slice %arg8[%add3A_293, %dma_start3A_294] : memref<4x32xi32, #tpu.memory_space<vmem>> -> memref<1x32xi32, #tpu.memory_space<vmem>>
      %dma_start3A_296 = tpu.memref_squeeze %dma_start3A_295 : memref<1x32xi32, #tpu.memory_space<vmem>> -> memref<32xi32, #tpu.memory_space<vmem>>
      %dma_start3A_297 = arith.constant 0 : i32
      %dma_start3A_298 = arith.constant 0 : i32
      %dma_start3A_299 = tpu.memref_slice %arg6[%dma_start3A_297, %dma_start3A_298] : memref<5120x128xf32, #tpu.memory_space<vmem_shared>> -> memref<5120x128xf32, #tpu.memory_space<vmem_shared>>
      tpu.enqueue_indirect_dma source(%dma_start3A_299 : memref<5120x128xf32, #tpu.memory_space<vmem_shared>>) target(%arg11 : memref<32x128xf32, #tpu.memory_space<vmem>>) offsets(%dma_start3A_296 : memref<32xi32, #tpu.memory_space<vmem>>) semaphore(%arg13 : memref<!tpu.dma_semaphore, #tpu.memory_space<semaphore_mem>>)
    }
    %scan3A_30 = arith.constant 159 : i32
    %dma_wait3A = arith.constant 0 : i32
    %dma_wait3A_31 = arith.constant 0 : i32
    %dma_wait3A_32 = tpu.memref_slice %arg8[%dma_wait3A, %dma_wait3A_31] : memref<4x32xi32, #tpu.memory_space<vmem>> -> memref<1x32xi32, #tpu.memory_space<vmem>>
    %dma_wait3A_33 = tpu.memref_squeeze %dma_wait3A_32 : memref<1x32xi32, #tpu.memory_space<vmem>> -> memref<32xi32, #tpu.memory_space<vmem>>
    %dma_wait3A_34 = arith.constant 0 : i32
    %dma_wait3A_35 = arith.constant 0 : i32
    %dma_wait3A_36 = tpu.memref_slice %arg6[%dma_wait3A_34, %dma_wait3A_35] : memref<5120x128xf32, #tpu.memory_space<vmem_shared>> -> memref<5120x128xf32, #tpu.memory_space<vmem_shared>>
    tpu.wait_indirect_dma semaphore(%arg12 : memref<!tpu.dma_semaphore, #tpu.memory_space<semaphore_mem>>) src(%dma_wait3A_36 : memref<5120x128xf32, #tpu.memory_space<vmem_shared>>) dst(%arg10 : memref<32x128xf32, #tpu.memory_space<vmem>>)
    %dma_start3A_37 = arith.constant 2 : i32
    %dma_start3A_38 = arith.constant 0 : i32
    %dma_start3A_39 = tpu.memref_slice %arg9[%dma_start3A_37, %dma_start3A_38] : memref<4x32xi32, #tpu.memory_space<vmem>> -> memref<1x32xi32, #tpu.memory_space<vmem>>
    %dma_start3A_40 = tpu.memref_squeeze %dma_start3A_39 : memref<1x32xi32, #tpu.memory_space<vmem>> -> memref<32xi32, #tpu.memory_space<vmem>>
    %dma_start3A_41 = arith.constant 0 : i32
    %dma_start3A_42 = arith.constant 0 : i32
    %dma_start3A_43 = tpu.memref_slice %arg7[%dma_start3A_41, %dma_start3A_42] : memref<10112x128xf32, #tpu.memory_space<vmem_shared>> -> memref<10112x128xf32, #tpu.memory_space<vmem_shared>>
    tpu.enqueue_indirect_dma source(%arg10 : memref<32x128xf32, #tpu.memory_space<vmem>>) target(%dma_start3A_43 : memref<10112x128xf32, #tpu.memory_space<vmem_shared>>) offsets(%dma_start3A_40 : memref<32xi32, #tpu.memory_space<vmem>>) semaphore(%arg14 : memref<!tpu.dma_semaphore, #tpu.memory_space<semaphore_mem>>) {add = true}
    %dma_wait3A_44 = arith.constant 0 : i32
    %dma_wait3A_45 = arith.constant 0 : i32
    %dma_wait3A_46 = tpu.memref_slice %arg8[%dma_wait3A_44, %dma_wait3A_45] : memref<4x32xi32, #tpu.memory_space<vmem>> -> memref<1x32xi32, #tpu.memory_space<vmem>>
    %dma_wait3A_47 = tpu.memref_squeeze %dma_wait3A_46 : memref<1x32xi32, #tpu.memory_space<vmem>> -> memref<32xi32, #tpu.memory_space<vmem>>
    %dma_wait3A_48 = arith.constant 0 : i32
    %dma_wait3A_49 = arith.constant 0 : i32
    %dma_wait3A_50 = tpu.memref_slice %arg6[%dma_wait3A_48, %dma_wait3A_49] : memref<5120x128xf32, #tpu.memory_space<vmem_shared>> -> memref<5120x128xf32, #tpu.memory_space<vmem_shared>>
    tpu.wait_indirect_dma semaphore(%arg13 : memref<!tpu.dma_semaphore, #tpu.memory_space<semaphore_mem>>) src(%dma_wait3A_50 : memref<5120x128xf32, #tpu.memory_space<vmem_shared>>) dst(%arg11 : memref<32x128xf32, #tpu.memory_space<vmem>>)
    %dma_start3A_51 = arith.constant 3 : i32
    %dma_start3A_52 = arith.constant 0 : i32
    %dma_start3A_53 = tpu.memref_slice %arg9[%dma_start3A_51, %dma_start3A_52] : memref<4x32xi32, #tpu.memory_space<vmem>> -> memref<1x32xi32, #tpu.memory_space<vmem>>
    %dma_start3A_54 = tpu.memref_squeeze %dma_start3A_53 : memref<1x32xi32, #tpu.memory_space<vmem>> -> memref<32xi32, #tpu.memory_space<vmem>>
    %dma_start3A_55 = arith.constant 0 : i32
    %dma_start3A_56 = arith.constant 0 : i32
    %dma_start3A_57 = tpu.memref_slice %arg7[%dma_start3A_55, %dma_start3A_56] : memref<10112x128xf32, #tpu.memory_space<vmem_shared>> -> memref<10112x128xf32, #tpu.memory_space<vmem_shared>>
    tpu.enqueue_indirect_dma source(%arg11 : memref<32x128xf32, #tpu.memory_space<vmem>>) target(%dma_start3A_57 : memref<10112x128xf32, #tpu.memory_space<vmem_shared>>) offsets(%dma_start3A_54 : memref<32xi32, #tpu.memory_space<vmem>>) semaphore(%arg15 : memref<!tpu.dma_semaphore, #tpu.memory_space<semaphore_mem>>) {add = true}
    %dma_wait3A_58 = arith.constant 0 : i32
    %dma_wait3A_59 = arith.constant 0 : i32
    %dma_wait3A_60 = tpu.memref_slice %arg9[%dma_wait3A_58, %dma_wait3A_59] : memref<4x32xi32, #tpu.memory_space<vmem>> -> memref<1x32xi32, #tpu.memory_space<vmem>>
    %dma_wait3A_61 = tpu.memref_squeeze %dma_wait3A_60 : memref<1x32xi32, #tpu.memory_space<vmem>> -> memref<32xi32, #tpu.memory_space<vmem>>
    %dma_wait3A_62 = arith.constant 0 : i32
    %dma_wait3A_63 = arith.constant 0 : i32
    %dma_wait3A_64 = tpu.memref_slice %arg7[%dma_wait3A_62, %dma_wait3A_63] : memref<10112x128xf32, #tpu.memory_space<vmem_shared>> -> memref<10112x128xf32, #tpu.memory_space<vmem_shared>>
    tpu.wait_indirect_dma semaphore(%arg14 : memref<!tpu.dma_semaphore, #tpu.memory_space<semaphore_mem>>) src(%arg10 : memref<32x128xf32, #tpu.memory_space<vmem>>) dst(%dma_wait3A_64 : memref<10112x128xf32, #tpu.memory_space<vmem_shared>>)
    %dma_wait3A_65 = arith.constant 0 : i32
    %dma_wait3A_66 = arith.constant 0 : i32
    %dma_wait3A_67 = tpu.memref_slice %arg9[%dma_wait3A_65, %dma_wait3A_66] : memref<4x32xi32, #tpu.memory_space<vmem>> -> memref<1x32xi32, #tpu.memory_space<vmem>>
    %dma_wait3A_68 = tpu.memref_squeeze %dma_wait3A_67 : memref<1x32xi32, #tpu.memory_space<vmem>> -> memref<32xi32, #tpu.memory_space<vmem>>
    %dma_wait3A_69 = arith.constant 0 : i32
    %dma_wait3A_70 = arith.constant 0 : i32
    %dma_wait3A_71 = tpu.memref_slice %arg7[%dma_wait3A_69, %dma_wait3A_70] : memref<10112x128xf32, #tpu.memory_space<vmem_shared>> -> memref<10112x128xf32, #tpu.memory_space<vmem_shared>>
    tpu.wait_indirect_dma semaphore(%arg15 : memref<!tpu.dma_semaphore, #tpu.memory_space<semaphore_mem>>) src(%arg11 : memref<32x128xf32, #tpu.memory_space<vmem>>) dst(%dma_wait3A_71 : memref<10112x128xf32, #tpu.memory_space<vmem_shared>>)
    %mul3A_72 = arith.constant 2 : i32
    %mul3A_73 = arith.muli %mul3A_72, %arg1 : i32
    %add3A_74 = arith.constant 1 : i32
    %add3A_75 = arith.addi %mul3A_73, %add3A_74 : i32
    %run_scoped3A_76 = arith.constant 0 : i32
    "tpu.region"() ({
      %run_scoped3A_143 = tpu.sem_alloc : memref<!tpu.dma_semaphore, #tpu.memory_space<semaphore_mem>>
      %dma_start3A_144 = arith.constant 0 : i32
      %dma_start3A_145 = arith.constant 0 : i32
      %dma_start3A_146 = tpu.memref_slice %arg8[%dma_start3A_144, %dma_start3A_145] : memref<4x32xi32, #tpu.memory_space<vmem>> -> memref<2x32xi32, #tpu.memory_space<vmem>>
      %dma_start3A_147 = arith.constant 0 : i32
      %dma_start3A_148 = arith.constant 0 : i32
      %dma_start3A_149 = tpu.memref_slice %arg3[%arg0, %add3A_75, %run_scoped3A_76, %dma_start3A_147, %dma_start3A_148] : memref<2x32x2x320x32xi32, #tpu.memory_space<hbm>> -> memref<1x1x1x320x32xi32, #tpu.memory_space<hbm>>
      %dma_start3A_150 = tpu.memref_squeeze %dma_start3A_149 : memref<1x1x1x320x32xi32, #tpu.memory_space<hbm>> -> memref<320x32xi32, #tpu.memory_space<hbm>>
      %dma_start3A_151 = arith.constant 0 : i32
      %dma_start3A_152 = arith.constant 0 : i32
      %dma_start3A_153 = tpu.memref_slice %dma_start3A_150[%dma_start3A_151, %dma_start3A_152] : memref<320x32xi32, #tpu.memory_space<hbm>> -> memref<2x32xi32, #tpu.memory_space<hbm>>
      %dma_start3A_154 = arith.constant 0 : i32
      %dma_start3A_155 = arith.constant 0 : i32
      %dma_start3A_156 = tpu.memref_slice %arg8[%dma_start3A_154, %dma_start3A_155] : memref<4x32xi32, #tpu.memory_space<vmem>> -> memref<2x32xi32, #tpu.memory_space<vmem>>
      %dma_start3A_157 = arith.constant 0 : i32
      %dma_start3A_158 = arith.constant 0 : i32
      %dma_start3A_159 = tpu.memref_slice %arg3[%arg0, %add3A_75, %run_scoped3A_76, %dma_start3A_157, %dma_start3A_158] : memref<2x32x2x320x32xi32, #tpu.memory_space<hbm>> -> memref<1x1x1x320x32xi32, #tpu.memory_space<hbm>>
      %dma_start3A_160 = tpu.memref_squeeze %dma_start3A_159 : memref<1x1x1x320x32xi32, #tpu.memory_space<hbm>> -> memref<320x32xi32, #tpu.memory_space<hbm>>
      %dma_start3A_161 = arith.constant 0 : i32
      %dma_start3A_162 = arith.constant 0 : i32
      %dma_start3A_163 = tpu.memref_slice %dma_start3A_160[%dma_start3A_161, %dma_start3A_162] : memref<320x32xi32, #tpu.memory_space<hbm>> -> memref<2x32xi32, #tpu.memory_space<hbm>>
      tpu.enqueue_dma source(%dma_start3A_163 : memref<2x32xi32, #tpu.memory_space<hbm>>) target(%dma_start3A_156 : memref<2x32xi32, #tpu.memory_space<vmem>>) target_semaphore(%run_scoped3A_143 : memref<!tpu.dma_semaphore, #tpu.memory_space<semaphore_mem>>)
      %dma_wait3A_164 = arith.constant 0 : i32
      %dma_wait3A_165 = arith.constant 0 : i32
      %dma_wait3A_166 = tpu.memref_slice %arg8[%dma_wait3A_164, %dma_wait3A_165] : memref<4x32xi32, #tpu.memory_space<vmem>> -> memref<2x32xi32, #tpu.memory_space<vmem>>
      %dma_wait3A_167 = arith.constant 0 : i32
      %dma_wait3A_168 = arith.constant 0 : i32
      %dma_wait3A_169 = tpu.memref_slice %arg3[%arg0, %add3A_75, %run_scoped3A_76, %dma_wait3A_167, %dma_wait3A_168] : memref<2x32x2x320x32xi32, #tpu.memory_space<hbm>> -> memref<1x1x1x320x32xi32, #tpu.memory_space<hbm>>
      %dma_wait3A_170 = tpu.memref_squeeze %dma_wait3A_169 : memref<1x1x1x320x32xi32, #tpu.memory_space<hbm>> -> memref<320x32xi32, #tpu.memory_space<hbm>>
      %dma_wait3A_171 = arith.constant 0 : i32
      %dma_wait3A_172 = arith.constant 0 : i32
      %dma_wait3A_173 = tpu.memref_slice %dma_wait3A_170[%dma_wait3A_171, %dma_wait3A_172] : memref<320x32xi32, #tpu.memory_space<hbm>> -> memref<2x32xi32, #tpu.memory_space<hbm>>
      %dma_wait3A_174 = arith.constant 0 : i32
      %dma_wait3A_175 = arith.constant 0 : i32
      %dma_wait3A_176 = tpu.memref_slice %arg8[%dma_wait3A_174, %dma_wait3A_175] : memref<4x32xi32, #tpu.memory_space<vmem>> -> memref<2x32xi32, #tpu.memory_space<vmem>>
      %dma_wait3A_177 = arith.constant 0 : i32
      %dma_wait3A_178 = arith.constant 0 : i32
      %dma_wait3A_179 = tpu.memref_slice %arg3[%arg0, %add3A_75, %run_scoped3A_76, %dma_wait3A_177, %dma_wait3A_178] : memref<2x32x2x320x32xi32, #tpu.memory_space<hbm>> -> memref<1x1x1x320x32xi32, #tpu.memory_space<hbm>>
      %dma_wait3A_180 = tpu.memref_squeeze %dma_wait3A_179 : memref<1x1x1x320x32xi32, #tpu.memory_space<hbm>> -> memref<320x32xi32, #tpu.memory_space<hbm>>
      %dma_wait3A_181 = arith.constant 0 : i32
      %dma_wait3A_182 = arith.constant 0 : i32
      %dma_wait3A_183 = tpu.memref_slice %dma_wait3A_180[%dma_wait3A_181, %dma_wait3A_182] : memref<320x32xi32, #tpu.memory_space<hbm>> -> memref<2x32xi32, #tpu.memory_space<hbm>>
      tpu.wait_dma2 semaphore(%run_scoped3A_143 : memref<!tpu.dma_semaphore, #tpu.memory_space<semaphore_mem>>) src(%dma_wait3A_183 : memref<2x32xi32, #tpu.memory_space<hbm>>) dst(%dma_wait3A_176 : memref<2x32xi32, #tpu.memory_space<vmem>>)
      tpu.yield
    }) : () -> ()
    %run_scoped3A_77 = arith.constant 1 : i32
    "tpu.region"() ({
      %run_scoped3A_143 = tpu.sem_alloc : memref<!tpu.dma_semaphore, #tpu.memory_space<semaphore_mem>>
      %dma_start3A_144 = arith.constant 0 : i32
      %dma_start3A_145 = arith.constant 0 : i32
      %dma_start3A_146 = tpu.memref_slice %arg9[%dma_start3A_144, %dma_start3A_145] : memref<4x32xi32, #tpu.memory_space<vmem>> -> memref<2x32xi32, #tpu.memory_space<vmem>>
      %dma_start3A_147 = arith.constant 0 : i32
      %dma_start3A_148 = arith.constant 0 : i32
      %dma_start3A_149 = tpu.memref_slice %arg3[%arg0, %add3A_75, %run_scoped3A_77, %dma_start3A_147, %dma_start3A_148] : memref<2x32x2x320x32xi32, #tpu.memory_space<hbm>> -> memref<1x1x1x320x32xi32, #tpu.memory_space<hbm>>
      %dma_start3A_150 = tpu.memref_squeeze %dma_start3A_149 : memref<1x1x1x320x32xi32, #tpu.memory_space<hbm>> -> memref<320x32xi32, #tpu.memory_space<hbm>>
      %dma_start3A_151 = arith.constant 0 : i32
      %dma_start3A_152 = arith.constant 0 : i32
      %dma_start3A_153 = tpu.memref_slice %dma_start3A_150[%dma_start3A_151, %dma_start3A_152] : memref<320x32xi32, #tpu.memory_space<hbm>> -> memref<2x32xi32, #tpu.memory_space<hbm>>
      %dma_start3A_154 = arith.constant 0 : i32
      %dma_start3A_155 = arith.constant 0 : i32
      %dma_start3A_156 = tpu.memref_slice %arg9[%dma_start3A_154, %dma_start3A_155] : memref<4x32xi32, #tpu.memory_space<vmem>> -> memref<2x32xi32, #tpu.memory_space<vmem>>
      %dma_start3A_157 = arith.constant 0 : i32
      %dma_start3A_158 = arith.constant 0 : i32
      %dma_start3A_159 = tpu.memref_slice %arg3[%arg0, %add3A_75, %run_scoped3A_77, %dma_start3A_157, %dma_start3A_158] : memref<2x32x2x320x32xi32, #tpu.memory_space<hbm>> -> memref<1x1x1x320x32xi32, #tpu.memory_space<hbm>>
      %dma_start3A_160 = tpu.memref_squeeze %dma_start3A_159 : memref<1x1x1x320x32xi32, #tpu.memory_space<hbm>> -> memref<320x32xi32, #tpu.memory_space<hbm>>
      %dma_start3A_161 = arith.constant 0 : i32
      %dma_start3A_162 = arith.constant 0 : i32
      %dma_start3A_163 = tpu.memref_slice %dma_start3A_160[%dma_start3A_161, %dma_start3A_162] : memref<320x32xi32, #tpu.memory_space<hbm>> -> memref<2x32xi32, #tpu.memory_space<hbm>>
      tpu.enqueue_dma source(%dma_start3A_163 : memref<2x32xi32, #tpu.memory_space<hbm>>) target(%dma_start3A_156 : memref<2x32xi32, #tpu.memory_space<vmem>>) target_semaphore(%run_scoped3A_143 : memref<!tpu.dma_semaphore, #tpu.memory_space<semaphore_mem>>)
      %dma_wait3A_164 = arith.constant 0 : i32
      %dma_wait3A_165 = arith.constant 0 : i32
      %dma_wait3A_166 = tpu.memref_slice %arg9[%dma_wait3A_164, %dma_wait3A_165] : memref<4x32xi32, #tpu.memory_space<vmem>> -> memref<2x32xi32, #tpu.memory_space<vmem>>
      %dma_wait3A_167 = arith.constant 0 : i32
      %dma_wait3A_168 = arith.constant 0 : i32
      %dma_wait3A_169 = tpu.memref_slice %arg3[%arg0, %add3A_75, %run_scoped3A_77, %dma_wait3A_167, %dma_wait3A_168] : memref<2x32x2x320x32xi32, #tpu.memory_space<hbm>> -> memref<1x1x1x320x32xi32, #tpu.memory_space<hbm>>
      %dma_wait3A_170 = tpu.memref_squeeze %dma_wait3A_169 : memref<1x1x1x320x32xi32, #tpu.memory_space<hbm>> -> memref<320x32xi32, #tpu.memory_space<hbm>>
      %dma_wait3A_171 = arith.constant 0 : i32
      %dma_wait3A_172 = arith.constant 0 : i32
      %dma_wait3A_173 = tpu.memref_slice %dma_wait3A_170[%dma_wait3A_171, %dma_wait3A_172] : memref<320x32xi32, #tpu.memory_space<hbm>> -> memref<2x32xi32, #tpu.memory_space<hbm>>
      %dma_wait3A_174 = arith.constant 0 : i32
      %dma_wait3A_175 = arith.constant 0 : i32
      %dma_wait3A_176 = tpu.memref_slice %arg9[%dma_wait3A_174, %dma_wait3A_175] : memref<4x32xi32, #tpu.memory_space<vmem>> -> memref<2x32xi32, #tpu.memory_space<vmem>>
      %dma_wait3A_177 = arith.constant 0 : i32
      %dma_wait3A_178 = arith.constant 0 : i32
      %dma_wait3A_179 = tpu.memref_slice %arg3[%arg0, %add3A_75, %run_scoped3A_77, %dma_wait3A_177, %dma_wait3A_178] : memref<2x32x2x320x32xi32, #tpu.memory_space<hbm>> -> memref<1x1x1x320x32xi32, #tpu.memory_space<hbm>>
      %dma_wait3A_180 = tpu.memref_squeeze %dma_wait3A_179 : memref<1x1x1x320x32xi32, #tpu.memory_space<hbm>> -> memref<320x32xi32, #tpu.memory_space<hbm>>
      %dma_wait3A_181 = arith.constant 0 : i32
      %dma_wait3A_182 = arith.constant 0 : i32
      %dma_wait3A_183 = tpu.memref_slice %dma_wait3A_180[%dma_wait3A_181, %dma_wait3A_182] : memref<320x32xi32, #tpu.memory_space<hbm>> -> memref<2x32xi32, #tpu.memory_space<hbm>>
      tpu.wait_dma2 semaphore(%run_scoped3A_143 : memref<!tpu.dma_semaphore, #tpu.memory_space<semaphore_mem>>) src(%dma_wait3A_183 : memref<2x32xi32, #tpu.memory_space<hbm>>) dst(%dma_wait3A_176 : memref<2x32xi32, #tpu.memory_space<vmem>>)
      tpu.yield
    }) : () -> ()
    %dma_start3A_78 = arith.constant 0 : i32
    %dma_start3A_79 = arith.constant 0 : i32
    %dma_start3A_80 = tpu.memref_slice %arg8[%dma_start3A_78, %dma_start3A_79] : memref<4x32xi32, #tpu.memory_space<vmem>> -> memref<1x32xi32, #tpu.memory_space<vmem>>
    %dma_start3A_81 = tpu.memref_squeeze %dma_start3A_80 : memref<1x32xi32, #tpu.memory_space<vmem>> -> memref<32xi32, #tpu.memory_space<vmem>>
    %dma_start3A_82 = arith.constant 0 : i32
    %dma_start3A_83 = arith.constant 0 : i32
    %dma_start3A_84 = tpu.memref_slice %arg6[%dma_start3A_82, %dma_start3A_83] : memref<5120x128xf32, #tpu.memory_space<vmem_shared>> -> memref<5120x128xf32, #tpu.memory_space<vmem_shared>>
    tpu.enqueue_indirect_dma source(%dma_start3A_84 : memref<5120x128xf32, #tpu.memory_space<vmem_shared>>) target(%arg10 : memref<32x128xf32, #tpu.memory_space<vmem>>) offsets(%dma_start3A_81 : memref<32xi32, #tpu.memory_space<vmem>>) semaphore(%arg12 : memref<!tpu.dma_semaphore, #tpu.memory_space<semaphore_mem>>)
    %dma_start3A_85 = arith.constant 1 : i32
    %dma_start3A_86 = arith.constant 0 : i32
    %dma_start3A_87 = tpu.memref_slice %arg8[%dma_start3A_85, %dma_start3A_86] : memref<4x32xi32, #tpu.memory_space<vmem>> -> memref<1x32xi32, #tpu.memory_space<vmem>>
    %dma_start3A_88 = tpu.memref_squeeze %dma_start3A_87 : memref<1x32xi32, #tpu.memory_space<vmem>> -> memref<32xi32, #tpu.memory_space<vmem>>
    %dma_start3A_89 = arith.constant 0 : i32
    %dma_start3A_90 = arith.constant 0 : i32
    %dma_start3A_91 = tpu.memref_slice %arg6[%dma_start3A_89, %dma_start3A_90] : memref<5120x128xf32, #tpu.memory_space<vmem_shared>> -> memref<5120x128xf32, #tpu.memory_space<vmem_shared>>
    tpu.enqueue_indirect_dma source(%dma_start3A_91 : memref<5120x128xf32, #tpu.memory_space<vmem_shared>>) target(%arg11 : memref<32x128xf32, #tpu.memory_space<vmem>>) offsets(%dma_start3A_88 : memref<32xi32, #tpu.memory_space<vmem>>) semaphore(%arg13 : memref<!tpu.dma_semaphore, #tpu.memory_space<semaphore_mem>>)
    %scan3A_92 = arith.constant 0 : i32
    %scan3A_93 = arith.constant 0 : i32
    %scan3A_94 = arith.constant 1 : i32
    %scan3A_95 = arith.constant 0 : i32
    %scan3A_96 = arith.constant 159 : i32
    %scan3A_97 = arith.addi %scan3A_95, %scan3A_96 : i32
    %scan3A_98 = arith.constant 1 : i32
    scf.for %scan3A_143 = %scan3A_95 to %scan3A_97 step %scan3A_98  : i32 {
      %rem3A = arith.constant 2 : i32
      %rem3A_144 = arith.remsi %scan3A_143, %rem3A : i32
      %add3A_145 = arith.constant 1 : i32
      %add3A_146 = arith.addi %scan3A_143, %add3A_145 : i32
      %sub3A = arith.constant 1 : i32
      %sub3A_147 = arith.subi %sub3A, %rem3A_144 : i32
      %mul3A_148 = arith.constant 2 : i32
      %mul3A_149 = arith.muli %add3A_146, %mul3A_148 : i32
      %mul3A_150 = arith.constant 2 : i32
      %mul3A_151 = arith.muli %sub3A_147, %mul3A_150 : i32
      %dma_start3A_152 = arith.constant 0 : i32
      %dma_start3A_153 = tpu.memref_slice %arg8[%mul3A_151, %dma_start3A_152] : memref<4x32xi32, #tpu.memory_space<vmem>> -> memref<2x32xi32, #tpu.memory_space<vmem>>
      %dma_start3A_154 = arith.constant 0 : i32
      %dma_start3A_155 = arith.constant 0 : i32
      %dma_start3A_156 = tpu.memref_slice %arg3[%arg0, %add3A_75, %scan3A_93, %dma_start3A_154, %dma_start3A_155] : memref<2x32x2x320x32xi32, #tpu.memory_space<hbm>> -> memref<1x1x1x320x32xi32, #tpu.memory_space<hbm>>
      %dma_start3A_157 = tpu.memref_squeeze %dma_start3A_156 : memref<1x1x1x320x32xi32, #tpu.memory_space<hbm>> -> memref<320x32xi32, #tpu.memory_space<hbm>>
      %dma_start3A_158 = arith.constant 0 : i32
      %dma_start3A_159 = tpu.memref_slice %dma_start3A_157[%mul3A_149, %dma_start3A_158] : memref<320x32xi32, #tpu.memory_space<hbm>> -> memref<2x32xi32, #tpu.memory_space<hbm>>
      %dma_start3A_160 = arith.constant 0 : i32
      %dma_start3A_161 = tpu.memref_slice %arg8[%mul3A_151, %dma_start3A_160] : memref<4x32xi32, #tpu.memory_space<vmem>> -> memref<2x32xi32, #tpu.memory_space<vmem>>
      %dma_start3A_162 = arith.constant 0 : i32
      %dma_start3A_163 = arith.constant 0 : i32
      %dma_start3A_164 = tpu.memref_slice %arg3[%arg0, %add3A_75, %scan3A_93, %dma_start3A_162, %dma_start3A_163] : memref<2x32x2x320x32xi32, #tpu.memory_space<hbm>> -> memref<1x1x1x320x32xi32, #tpu.memory_space<hbm>>
      %dma_start3A_165 = tpu.memref_squeeze %dma_start3A_164 : memref<1x1x1x320x32xi32, #tpu.memory_space<hbm>> -> memref<320x32xi32, #tpu.memory_space<hbm>>
      %dma_start3A_166 = arith.constant 0 : i32
      %dma_start3A_167 = tpu.memref_slice %dma_start3A_165[%mul3A_149, %dma_start3A_166] : memref<320x32xi32, #tpu.memory_space<hbm>> -> memref<2x32xi32, #tpu.memory_space<hbm>>
      tpu.enqueue_dma source(%dma_start3A_167 : memref<2x32xi32, #tpu.memory_space<hbm>>) target(%dma_start3A_161 : memref<2x32xi32, #tpu.memory_space<vmem>>) target_semaphore(%arg16 : memref<!tpu.dma_semaphore, #tpu.memory_space<semaphore_mem>>)
      %mul3A_168 = arith.constant 2 : i32
      %mul3A_169 = arith.muli %add3A_146, %mul3A_168 : i32
      %mul3A_170 = arith.constant 2 : i32
      %mul3A_171 = arith.muli %sub3A_147, %mul3A_170 : i32
      %dma_start3A_172 = arith.constant 0 : i32
      %dma_start3A_173 = tpu.memref_slice %arg9[%mul3A_171, %dma_start3A_172] : memref<4x32xi32, #tpu.memory_space<vmem>> -> memref<2x32xi32, #tpu.memory_space<vmem>>
      %dma_start3A_174 = arith.constant 0 : i32
      %dma_start3A_175 = arith.constant 0 : i32
      %dma_start3A_176 = tpu.memref_slice %arg3[%arg0, %add3A_75, %scan3A_94, %dma_start3A_174, %dma_start3A_175] : memref<2x32x2x320x32xi32, #tpu.memory_space<hbm>> -> memref<1x1x1x320x32xi32, #tpu.memory_space<hbm>>
      %dma_start3A_177 = tpu.memref_squeeze %dma_start3A_176 : memref<1x1x1x320x32xi32, #tpu.memory_space<hbm>> -> memref<320x32xi32, #tpu.memory_space<hbm>>
      %dma_start3A_178 = arith.constant 0 : i32
      %dma_start3A_179 = tpu.memref_slice %dma_start3A_177[%mul3A_169, %dma_start3A_178] : memref<320x32xi32, #tpu.memory_space<hbm>> -> memref<2x32xi32, #tpu.memory_space<hbm>>
      %dma_start3A_180 = arith.constant 0 : i32
      %dma_start3A_181 = tpu.memref_slice %arg9[%mul3A_171, %dma_start3A_180] : memref<4x32xi32, #tpu.memory_space<vmem>> -> memref<2x32xi32, #tpu.memory_space<vmem>>
      %dma_start3A_182 = arith.constant 0 : i32
      %dma_start3A_183 = arith.constant 0 : i32
      %dma_start3A_184 = tpu.memref_slice %arg3[%arg0, %add3A_75, %scan3A_94, %dma_start3A_182, %dma_start3A_183] : memref<2x32x2x320x32xi32, #tpu.memory_space<hbm>> -> memref<1x1x1x320x32xi32, #tpu.memory_space<hbm>>
      %dma_start3A_185 = tpu.memref_squeeze %dma_start3A_184 : memref<1x1x1x320x32xi32, #tpu.memory_space<hbm>> -> memref<320x32xi32, #tpu.memory_space<hbm>>
      %dma_start3A_186 = arith.constant 0 : i32
      %dma_start3A_187 = tpu.memref_slice %dma_start3A_185[%mul3A_169, %dma_start3A_186] : memref<320x32xi32, #tpu.memory_space<hbm>> -> memref<2x32xi32, #tpu.memory_space<hbm>>
      tpu.enqueue_dma source(%dma_start3A_187 : memref<2x32xi32, #tpu.memory_space<hbm>>) target(%dma_start3A_181 : memref<2x32xi32, #tpu.memory_space<vmem>>) target_semaphore(%arg17 : memref<!tpu.dma_semaphore, #tpu.memory_space<semaphore_mem>>)
      %dma_wait3A_188 = arith.constant 0 : i32
      %dma_wait3A_189 = arith.constant 0 : i32
      %dma_wait3A_190 = tpu.memref_slice %arg8[%dma_wait3A_188, %dma_wait3A_189] : memref<4x32xi32, #tpu.memory_space<vmem>> -> memref<1x32xi32, #tpu.memory_space<vmem>>
      %dma_wait3A_191 = tpu.memref_squeeze %dma_wait3A_190 : memref<1x32xi32, #tpu.memory_space<vmem>> -> memref<32xi32, #tpu.memory_space<vmem>>
      %dma_wait3A_192 = arith.constant 0 : i32
      %dma_wait3A_193 = arith.constant 0 : i32
      %dma_wait3A_194 = tpu.memref_slice %arg6[%dma_wait3A_192, %dma_wait3A_193] : memref<5120x128xf32, #tpu.memory_space<vmem_shared>> -> memref<5120x128xf32, #tpu.memory_space<vmem_shared>>
      tpu.wait_indirect_dma semaphore(%arg12 : memref<!tpu.dma_semaphore, #tpu.memory_space<semaphore_mem>>) src(%dma_wait3A_194 : memref<5120x128xf32, #tpu.memory_space<vmem_shared>>) dst(%arg10 : memref<32x128xf32, #tpu.memory_space<vmem>>)
      %mul3A_195 = arith.constant 2 : i32
      %mul3A_196 = arith.muli %rem3A_144, %mul3A_195 : i32
      %add3A_197 = arith.constant 0 : i32
      %add3A_198 = arith.addi %mul3A_196, %add3A_197 : i32
      %dma_start3A_199 = arith.constant 0 : i32
      %dma_start3A_200 = tpu.memref_slice %arg9[%add3A_198, %dma_start3A_199] : memref<4x32xi32, #tpu.memory_space<vmem>> -> memref<1x32xi32, #tpu.memory_space<vmem>>
      %dma_start3A_201 = tpu.memref_squeeze %dma_start3A_200 : memref<1x32xi32, #tpu.memory_space<vmem>> -> memref<32xi32, #tpu.memory_space<vmem>>
      %dma_start3A_202 = arith.constant 0 : i32
      %dma_start3A_203 = arith.constant 0 : i32
      %dma_start3A_204 = tpu.memref_slice %arg7[%dma_start3A_202, %dma_start3A_203] : memref<10112x128xf32, #tpu.memory_space<vmem_shared>> -> memref<10112x128xf32, #tpu.memory_space<vmem_shared>>
      tpu.enqueue_indirect_dma source(%arg10 : memref<32x128xf32, #tpu.memory_space<vmem>>) target(%dma_start3A_204 : memref<10112x128xf32, #tpu.memory_space<vmem_shared>>) offsets(%dma_start3A_201 : memref<32xi32, #tpu.memory_space<vmem>>) semaphore(%arg14 : memref<!tpu.dma_semaphore, #tpu.memory_space<semaphore_mem>>) {add = true}
      %dma_wait3A_205 = arith.constant 0 : i32
      %dma_wait3A_206 = arith.constant 0 : i32
      %dma_wait3A_207 = tpu.memref_slice %arg8[%dma_wait3A_205, %dma_wait3A_206] : memref<4x32xi32, #tpu.memory_space<vmem>> -> memref<1x32xi32, #tpu.memory_space<vmem>>
      %dma_wait3A_208 = tpu.memref_squeeze %dma_wait3A_207 : memref<1x32xi32, #tpu.memory_space<vmem>> -> memref<32xi32, #tpu.memory_space<vmem>>
      %dma_wait3A_209 = arith.constant 0 : i32
      %dma_wait3A_210 = arith.constant 0 : i32
      %dma_wait3A_211 = tpu.memref_slice %arg6[%dma_wait3A_209, %dma_wait3A_210] : memref<5120x128xf32, #tpu.memory_space<vmem_shared>> -> memref<5120x128xf32, #tpu.memory_space<vmem_shared>>
      tpu.wait_indirect_dma semaphore(%arg13 : memref<!tpu.dma_semaphore, #tpu.memory_space<semaphore_mem>>) src(%dma_wait3A_211 : memref<5120x128xf32, #tpu.memory_space<vmem_shared>>) dst(%arg11 : memref<32x128xf32, #tpu.memory_space<vmem>>)
      %mul3A_212 = arith.constant 2 : i32
      %mul3A_213 = arith.muli %rem3A_144, %mul3A_212 : i32
      %add3A_214 = arith.constant 1 : i32
      %add3A_215 = arith.addi %mul3A_213, %add3A_214 : i32
      %dma_start3A_216 = arith.constant 0 : i32
      %dma_start3A_217 = tpu.memref_slice %arg9[%add3A_215, %dma_start3A_216] : memref<4x32xi32, #tpu.memory_space<vmem>> -> memref<1x32xi32, #tpu.memory_space<vmem>>
      %dma_start3A_218 = tpu.memref_squeeze %dma_start3A_217 : memref<1x32xi32, #tpu.memory_space<vmem>> -> memref<32xi32, #tpu.memory_space<vmem>>
      %dma_start3A_219 = arith.constant 0 : i32
      %dma_start3A_220 = arith.constant 0 : i32
      %dma_start3A_221 = tpu.memref_slice %arg7[%dma_start3A_219, %dma_start3A_220] : memref<10112x128xf32, #tpu.memory_space<vmem_shared>> -> memref<10112x128xf32, #tpu.memory_space<vmem_shared>>
      tpu.enqueue_indirect_dma source(%arg11 : memref<32x128xf32, #tpu.memory_space<vmem>>) target(%dma_start3A_221 : memref<10112x128xf32, #tpu.memory_space<vmem_shared>>) offsets(%dma_start3A_218 : memref<32xi32, #tpu.memory_space<vmem>>) semaphore(%arg15 : memref<!tpu.dma_semaphore, #tpu.memory_space<semaphore_mem>>) {add = true}
      %dma_wait3A_222 = arith.constant 0 : i32
      %dma_wait3A_223 = arith.constant 0 : i32
      %dma_wait3A_224 = tpu.memref_slice %arg8[%dma_wait3A_222, %dma_wait3A_223] : memref<4x32xi32, #tpu.memory_space<vmem>> -> memref<2x32xi32, #tpu.memory_space<vmem>>
      %dma_wait3A_225 = arith.constant 0 : i32
      %dma_wait3A_226 = arith.constant 0 : i32
      %dma_wait3A_227 = tpu.memref_slice %arg3[%arg0, %add3A_75, %scan3A_93, %dma_wait3A_225, %dma_wait3A_226] : memref<2x32x2x320x32xi32, #tpu.memory_space<hbm>> -> memref<1x1x1x320x32xi32, #tpu.memory_space<hbm>>
      %dma_wait3A_228 = tpu.memref_squeeze %dma_wait3A_227 : memref<1x1x1x320x32xi32, #tpu.memory_space<hbm>> -> memref<320x32xi32, #tpu.memory_space<hbm>>
      %dma_wait3A_229 = arith.constant 0 : i32
      %dma_wait3A_230 = arith.constant 0 : i32
      %dma_wait3A_231 = tpu.memref_slice %dma_wait3A_228[%dma_wait3A_229, %dma_wait3A_230] : memref<320x32xi32, #tpu.memory_space<hbm>> -> memref<2x32xi32, #tpu.memory_space<hbm>>
      %dma_wait3A_232 = arith.constant 0 : i32
      %dma_wait3A_233 = arith.constant 0 : i32
      %dma_wait3A_234 = tpu.memref_slice %arg8[%dma_wait3A_232, %dma_wait3A_233] : memref<4x32xi32, #tpu.memory_space<vmem>> -> memref<2x32xi32, #tpu.memory_space<vmem>>
      %dma_wait3A_235 = arith.constant 0 : i32
      %dma_wait3A_236 = arith.constant 0 : i32
      %dma_wait3A_237 = tpu.memref_slice %arg3[%arg0, %add3A_75, %scan3A_93, %dma_wait3A_235, %dma_wait3A_236] : memref<2x32x2x320x32xi32, #tpu.memory_space<hbm>> -> memref<1x1x1x320x32xi32, #tpu.memory_space<hbm>>
      %dma_wait3A_238 = tpu.memref_squeeze %dma_wait3A_237 : memref<1x1x1x320x32xi32, #tpu.memory_space<hbm>> -> memref<320x32xi32, #tpu.memory_space<hbm>>
      %dma_wait3A_239 = arith.constant 0 : i32
      %dma_wait3A_240 = arith.constant 0 : i32
      %dma_wait3A_241 = tpu.memref_slice %dma_wait3A_238[%dma_wait3A_239, %dma_wait3A_240] : memref<320x32xi32, #tpu.memory_space<hbm>> -> memref<2x32xi32, #tpu.memory_space<hbm>>
      tpu.wait_dma2 semaphore(%arg16 : memref<!tpu.dma_semaphore, #tpu.memory_space<semaphore_mem>>) src(%dma_wait3A_241 : memref<2x32xi32, #tpu.memory_space<hbm>>) dst(%dma_wait3A_234 : memref<2x32xi32, #tpu.memory_space<vmem>>)
      %dma_wait3A_242 = arith.constant 0 : i32
      %dma_wait3A_243 = arith.constant 0 : i32
      %dma_wait3A_244 = tpu.memref_slice %arg9[%dma_wait3A_242, %dma_wait3A_243] : memref<4x32xi32, #tpu.memory_space<vmem>> -> memref<2x32xi32, #tpu.memory_space<vmem>>
      %dma_wait3A_245 = arith.constant 0 : i32
      %dma_wait3A_246 = arith.constant 0 : i32
      %dma_wait3A_247 = tpu.memref_slice %arg3[%arg0, %add3A_75, %scan3A_94, %dma_wait3A_245, %dma_wait3A_246] : memref<2x32x2x320x32xi32, #tpu.memory_space<hbm>> -> memref<1x1x1x320x32xi32, #tpu.memory_space<hbm>>
      %dma_wait3A_248 = tpu.memref_squeeze %dma_wait3A_247 : memref<1x1x1x320x32xi32, #tpu.memory_space<hbm>> -> memref<320x32xi32, #tpu.memory_space<hbm>>
      %dma_wait3A_249 = arith.constant 0 : i32
      %dma_wait3A_250 = arith.constant 0 : i32
      %dma_wait3A_251 = tpu.memref_slice %dma_wait3A_248[%dma_wait3A_249, %dma_wait3A_250] : memref<320x32xi32, #tpu.memory_space<hbm>> -> memref<2x32xi32, #tpu.memory_space<hbm>>
      %dma_wait3A_252 = arith.constant 0 : i32
      %dma_wait3A_253 = arith.constant 0 : i32
      %dma_wait3A_254 = tpu.memref_slice %arg9[%dma_wait3A_252, %dma_wait3A_253] : memref<4x32xi32, #tpu.memory_space<vmem>> -> memref<2x32xi32, #tpu.memory_space<vmem>>
      %dma_wait3A_255 = arith.constant 0 : i32
      %dma_wait3A_256 = arith.constant 0 : i32
      %dma_wait3A_257 = tpu.memref_slice %arg3[%arg0, %add3A_75, %scan3A_94, %dma_wait3A_255, %dma_wait3A_256] : memref<2x32x2x320x32xi32, #tpu.memory_space<hbm>> -> memref<1x1x1x320x32xi32, #tpu.memory_space<hbm>>
      %dma_wait3A_258 = tpu.memref_squeeze %dma_wait3A_257 : memref<1x1x1x320x32xi32, #tpu.memory_space<hbm>> -> memref<320x32xi32, #tpu.memory_space<hbm>>
      %dma_wait3A_259 = arith.constant 0 : i32
      %dma_wait3A_260 = arith.constant 0 : i32
      %dma_wait3A_261 = tpu.memref_slice %dma_wait3A_258[%dma_wait3A_259, %dma_wait3A_260] : memref<320x32xi32, #tpu.memory_space<hbm>> -> memref<2x32xi32, #tpu.memory_space<hbm>>
      tpu.wait_dma2 semaphore(%arg17 : memref<!tpu.dma_semaphore, #tpu.memory_space<semaphore_mem>>) src(%dma_wait3A_261 : memref<2x32xi32, #tpu.memory_space<hbm>>) dst(%dma_wait3A_254 : memref<2x32xi32, #tpu.memory_space<vmem>>)
      %dma_wait3A_262 = arith.constant 0 : i32
      %dma_wait3A_263 = arith.constant 0 : i32
      %dma_wait3A_264 = tpu.memref_slice %arg9[%dma_wait3A_262, %dma_wait3A_263] : memref<4x32xi32, #tpu.memory_space<vmem>> -> memref<1x32xi32, #tpu.memory_space<vmem>>
      %dma_wait3A_265 = tpu.memref_squeeze %dma_wait3A_264 : memref<1x32xi32, #tpu.memory_space<vmem>> -> memref<32xi32, #tpu.memory_space<vmem>>
      %dma_wait3A_266 = arith.constant 0 : i32
      %dma_wait3A_267 = arith.constant 0 : i32
      %dma_wait3A_268 = tpu.memref_slice %arg7[%dma_wait3A_266, %dma_wait3A_267] : memref<10112x128xf32, #tpu.memory_space<vmem_shared>> -> memref<10112x128xf32, #tpu.memory_space<vmem_shared>>
      tpu.wait_indirect_dma semaphore(%arg14 : memref<!tpu.dma_semaphore, #tpu.memory_space<semaphore_mem>>) src(%arg10 : memref<32x128xf32, #tpu.memory_space<vmem>>) dst(%dma_wait3A_268 : memref<10112x128xf32, #tpu.memory_space<vmem_shared>>)
      %sub3A_269 = arith.constant 1 : i32
      %sub3A_270 = arith.subi %sub3A_269, %rem3A_144 : i32
      %mul3A_271 = arith.constant 2 : i32
      %mul3A_272 = arith.muli %sub3A_270, %mul3A_271 : i32
      %add3A_273 = arith.constant 0 : i32
      %add3A_274 = arith.addi %mul3A_272, %add3A_273 : i32
      %dma_start3A_275 = arith.constant 0 : i32
      %dma_start3A_276 = tpu.memref_slice %arg8[%add3A_274, %dma_start3A_275] : memref<4x32xi32, #tpu.memory_space<vmem>> -> memref<1x32xi32, #tpu.memory_space<vmem>>
      %dma_start3A_277 = tpu.memref_squeeze %dma_start3A_276 : memref<1x32xi32, #tpu.memory_space<vmem>> -> memref<32xi32, #tpu.memory_space<vmem>>
      %dma_start3A_278 = arith.constant 0 : i32
      %dma_start3A_279 = arith.constant 0 : i32
      %dma_start3A_280 = tpu.memref_slice %arg6[%dma_start3A_278, %dma_start3A_279] : memref<5120x128xf32, #tpu.memory_space<vmem_shared>> -> memref<5120x128xf32, #tpu.memory_space<vmem_shared>>
      tpu.enqueue_indirect_dma source(%dma_start3A_280 : memref<5120x128xf32, #tpu.memory_space<vmem_shared>>) target(%arg10 : memref<32x128xf32, #tpu.memory_space<vmem>>) offsets(%dma_start3A_277 : memref<32xi32, #tpu.memory_space<vmem>>) semaphore(%arg12 : memref<!tpu.dma_semaphore, #tpu.memory_space<semaphore_mem>>)
      %dma_wait3A_281 = arith.constant 0 : i32
      %dma_wait3A_282 = arith.constant 0 : i32
      %dma_wait3A_283 = tpu.memref_slice %arg9[%dma_wait3A_281, %dma_wait3A_282] : memref<4x32xi32, #tpu.memory_space<vmem>> -> memref<1x32xi32, #tpu.memory_space<vmem>>
      %dma_wait3A_284 = tpu.memref_squeeze %dma_wait3A_283 : memref<1x32xi32, #tpu.memory_space<vmem>> -> memref<32xi32, #tpu.memory_space<vmem>>
      %dma_wait3A_285 = arith.constant 0 : i32
      %dma_wait3A_286 = arith.constant 0 : i32
      %dma_wait3A_287 = tpu.memref_slice %arg7[%dma_wait3A_285, %dma_wait3A_286] : memref<10112x128xf32, #tpu.memory_space<vmem_shared>> -> memref<10112x128xf32, #tpu.memory_space<vmem_shared>>
      tpu.wait_indirect_dma semaphore(%arg15 : memref<!tpu.dma_semaphore, #tpu.memory_space<semaphore_mem>>) src(%arg11 : memref<32x128xf32, #tpu.memory_space<vmem>>) dst(%dma_wait3A_287 : memref<10112x128xf32, #tpu.memory_space<vmem_shared>>)
      %sub3A_288 = arith.constant 1 : i32
      %sub3A_289 = arith.subi %sub3A_288, %rem3A_144 : i32
      %mul3A_290 = arith.constant 2 : i32
      %mul3A_291 = arith.muli %sub3A_289, %mul3A_290 : i32
      %add3A_292 = arith.constant 1 : i32
      %add3A_293 = arith.addi %mul3A_291, %add3A_292 : i32
      %dma_start3A_294 = arith.constant 0 : i32
      %dma_start3A_295 = tpu.memref_slice %arg8[%add3A_293, %dma_start3A_294] : memref<4x32xi32, #tpu.memory_space<vmem>> -> memref<1x32xi32, #tpu.memory_space<vmem>>
      %dma_start3A_296 = tpu.memref_squeeze %dma_start3A_295 : memref<1x32xi32, #tpu.memory_space<vmem>> -> memref<32xi32, #tpu.memory_space<vmem>>
      %dma_start3A_297 = arith.constant 0 : i32
      %dma_start3A_298 = arith.constant 0 : i32
      %dma_start3A_299 = tpu.memref_slice %arg6[%dma_start3A_297, %dma_start3A_298] : memref<5120x128xf32, #tpu.memory_space<vmem_shared>> -> memref<5120x128xf32, #tpu.memory_space<vmem_shared>>
      tpu.enqueue_indirect_dma source(%dma_start3A_299 : memref<5120x128xf32, #tpu.memory_space<vmem_shared>>) target(%arg11 : memref<32x128xf32, #tpu.memory_space<vmem>>) offsets(%dma_start3A_296 : memref<32xi32, #tpu.memory_space<vmem>>) semaphore(%arg13 : memref<!tpu.dma_semaphore, #tpu.memory_space<semaphore_mem>>)
    }
    %scan3A_99 = arith.constant 159 : i32
    %dma_wait3A_100 = arith.constant 0 : i32
    %dma_wait3A_101 = arith.constant 0 : i32
    %dma_wait3A_102 = tpu.memref_slice %arg8[%dma_wait3A_100, %dma_wait3A_101] : memref<4x32xi32, #tpu.memory_space<vmem>> -> memref<1x32xi32, #tpu.memory_space<vmem>>
    %dma_wait3A_103 = tpu.memref_squeeze %dma_wait3A_102 : memref<1x32xi32, #tpu.memory_space<vmem>> -> memref<32xi32, #tpu.memory_space<vmem>>
    %dma_wait3A_104 = arith.constant 0 : i32
    %dma_wait3A_105 = arith.constant 0 : i32
    %dma_wait3A_106 = tpu.memref_slice %arg6[%dma_wait3A_104, %dma_wait3A_105] : memref<5120x128xf32, #tpu.memory_space<vmem_shared>> -> memref<5120x128xf32, #tpu.memory_space<vmem_shared>>
    tpu.wait_indirect_dma semaphore(%arg12 : memref<!tpu.dma_semaphore, #tpu.memory_space<semaphore_mem>>) src(%dma_wait3A_106 : memref<5120x128xf32, #tpu.memory_space<vmem_shared>>) dst(%arg10 : memref<32x128xf32, #tpu.memory_space<vmem>>)
    %dma_start3A_107 = arith.constant 2 : i32
    %dma_start3A_108 = arith.constant 0 : i32
    %dma_start3A_109 = tpu.memref_slice %arg9[%dma_start3A_107, %dma_start3A_108] : memref<4x32xi32, #tpu.memory_space<vmem>> -> memref<1x32xi32, #tpu.memory_space<vmem>>
    %dma_start3A_110 = tpu.memref_squeeze %dma_start3A_109 : memref<1x32xi32, #tpu.memory_space<vmem>> -> memref<32xi32, #tpu.memory_space<vmem>>
    %dma_start3A_111 = arith.constant 0 : i32
    %dma_start3A_112 = arith.constant 0 : i32
    %dma_start3A_113 = tpu.memref_slice %arg7[%dma_start3A_111, %dma_start3A_112] : memref<10112x128xf32, #tpu.memory_space<vmem_shared>> -> memref<10112x128xf32, #tpu.memory_space<vmem_shared>>
    tpu.enqueue_indirect_dma source(%arg10 : memref<32x128xf32, #tpu.memory_space<vmem>>) target(%dma_start3A_113 : memref<10112x128xf32, #tpu.memory_space<vmem_shared>>) offsets(%dma_start3A_110 : memref<32xi32, #tpu.memory_space<vmem>>) semaphore(%arg14 : memref<!tpu.dma_semaphore, #tpu.memory_space<semaphore_mem>>) {add = true}
    %dma_wait3A_114 = arith.constant 0 : i32
    %dma_wait3A_115 = arith.constant 0 : i32
    %dma_wait3A_116 = tpu.memref_slice %arg8[%dma_wait3A_114, %dma_wait3A_115] : memref<4x32xi32, #tpu.memory_space<vmem>> -> memref<1x32xi32, #tpu.memory_space<vmem>>
    %dma_wait3A_117 = tpu.memref_squeeze %dma_wait3A_116 : memref<1x32xi32, #tpu.memory_space<vmem>> -> memref<32xi32, #tpu.memory_space<vmem>>
    %dma_wait3A_118 = arith.constant 0 : i32
    %dma_wait3A_119 = arith.constant 0 : i32
    %dma_wait3A_120 = tpu.memref_slice %arg6[%dma_wait3A_118, %dma_wait3A_119] : memref<5120x128xf32, #tpu.memory_space<vmem_shared>> -> memref<5120x128xf32, #tpu.memory_space<vmem_shared>>
    tpu.wait_indirect_dma semaphore(%arg13 : memref<!tpu.dma_semaphore, #tpu.memory_space<semaphore_mem>>) src(%dma_wait3A_120 : memref<5120x128xf32, #tpu.memory_space<vmem_shared>>) dst(%arg11 : memref<32x128xf32, #tpu.memory_space<vmem>>)
    %dma_start3A_121 = arith.constant 3 : i32
    %dma_start3A_122 = arith.constant 0 : i32
    %dma_start3A_123 = tpu.memref_slice %arg9[%dma_start3A_121, %dma_start3A_122] : memref<4x32xi32, #tpu.memory_space<vmem>> -> memref<1x32xi32, #tpu.memory_space<vmem>>
    %dma_start3A_124 = tpu.memref_squeeze %dma_start3A_123 : memref<1x32xi32, #tpu.memory_space<vmem>> -> memref<32xi32, #tpu.memory_space<vmem>>
    %dma_start3A_125 = arith.constant 0 : i32
    %dma_start3A_126 = arith.constant 0 : i32
    %dma_start3A_127 = tpu.memref_slice %arg7[%dma_start3A_125, %dma_start3A_126] : memref<10112x128xf32, #tpu.memory_space<vmem_shared>> -> memref<10112x128xf32, #tpu.memory_space<vmem_shared>>
    tpu.enqueue_indirect_dma source(%arg11 : memref<32x128xf32, #tpu.memory_space<vmem>>) target(%dma_start3A_127 : memref<10112x128xf32, #tpu.memory_space<vmem_shared>>) offsets(%dma_start3A_124 : memref<32xi32, #tpu.memory_space<vmem>>) semaphore(%arg15 : memref<!tpu.dma_semaphore, #tpu.memory_space<semaphore_mem>>) {add = true}
    %dma_wait3A_128 = arith.constant 0 : i32
    %dma_wait3A_129 = arith.constant 0 : i32
    %dma_wait3A_130 = tpu.memref_slice %arg9[%dma_wait3A_128, %dma_wait3A_129] : memref<4x32xi32, #tpu.memory_space<vmem>> -> memref<1x32xi32, #tpu.memory_space<vmem>>
    %dma_wait3A_131 = tpu.memref_squeeze %dma_wait3A_130 : memref<1x32xi32, #tpu.memory_space<vmem>> -> memref<32xi32, #tpu.memory_space<vmem>>
    %dma_wait3A_132 = arith.constant 0 : i32
    %dma_wait3A_133 = arith.constant 0 : i32
    %dma_wait3A_134 = tpu.memref_slice %arg7[%dma_wait3A_132, %dma_wait3A_133] : memref<10112x128xf32, #tpu.memory_space<vmem_shared>> -> memref<10112x128xf32, #tpu.memory_space<vmem_shared>>
    tpu.wait_indirect_dma semaphore(%arg14 : memref<!tpu.dma_semaphore, #tpu.memory_space<semaphore_mem>>) src(%arg10 : memref<32x128xf32, #tpu.memory_space<vmem>>) dst(%dma_wait3A_134 : memref<10112x128xf32, #tpu.memory_space<vmem_shared>>)
    %dma_wait3A_135 = arith.constant 0 : i32
    %dma_wait3A_136 = arith.constant 0 : i32
    %dma_wait3A_137 = tpu.memref_slice %arg9[%dma_wait3A_135, %dma_wait3A_136] : memref<4x32xi32, #tpu.memory_space<vmem>> -> memref<1x32xi32, #tpu.memory_space<vmem>>
    %dma_wait3A_138 = tpu.memref_squeeze %dma_wait3A_137 : memref<1x32xi32, #tpu.memory_space<vmem>> -> memref<32xi32, #tpu.memory_space<vmem>>
    %dma_wait3A_139 = arith.constant 0 : i32
    %dma_wait3A_140 = arith.constant 0 : i32
    %dma_wait3A_141 = tpu.memref_slice %arg7[%dma_wait3A_139, %dma_wait3A_140] : memref<10112x128xf32, #tpu.memory_space<vmem_shared>> -> memref<10112x128xf32, #tpu.memory_space<vmem_shared>>
    tpu.wait_indirect_dma semaphore(%arg15 : memref<!tpu.dma_semaphore, #tpu.memory_space<semaphore_mem>>) src(%arg11 : memref<32x128xf32, #tpu.memory_space<vmem>>) dst(%dma_wait3A_141 : memref<10112x128xf32, #tpu.memory_space<vmem_shared>>)
    %barrier3A_142 = arith.constant 0 : index
    tpu.barrier barrier_id(%barrier3A_142)
    "tpu.region"() ({
      %run_scoped3A_143 = tpu.sem_alloc : memref<!tpu.dma_semaphore, #tpu.memory_space<semaphore_mem>>
      %dma_start3A_144 = arith.constant 0 : i32
      %dma_start3A_145 = tpu.memref_slice %arg5[%arg0, %multiple_of3A, %dma_start3A_144] : memref<2x10112x128xf32, #tpu.memory_space<hbm>> -> memref<1x632x128xf32, #tpu.memory_space<hbm>>
      %dma_start3A_146 = tpu.memref_squeeze %dma_start3A_145 : memref<1x632x128xf32, #tpu.memory_space<hbm>> -> memref<632x128xf32, #tpu.memory_space<hbm>>
      %dma_start3A_147 = arith.constant 0 : i32
      %dma_start3A_148 = tpu.memref_slice %arg7[%multiple_of3A, %dma_start3A_147] : memref<10112x128xf32, #tpu.memory_space<vmem_shared>> -> memref<632x128xf32, #tpu.memory_space<vmem_shared>>
      tpu.enqueue_dma source(%dma_start3A_148 : memref<632x128xf32, #tpu.memory_space<vmem_shared>>) target(%dma_start3A_146 : memref<632x128xf32, #tpu.memory_space<hbm>>) target_semaphore(%run_scoped3A_143 : memref<!tpu.dma_semaphore, #tpu.memory_space<semaphore_mem>>)
      %dma_wait3A_149 = arith.constant 0 : i32
      %dma_wait3A_150 = tpu.memref_slice %arg5[%arg0, %multiple_of3A, %dma_wait3A_149] : memref<2x10112x128xf32, #tpu.memory_space<hbm>> -> memref<1x632x128xf32, #tpu.memory_space<hbm>>
      %dma_wait3A_151 = tpu.memref_squeeze %dma_wait3A_150 : memref<1x632x128xf32, #tpu.memory_space<hbm>> -> memref<632x128xf32, #tpu.memory_space<hbm>>
      %dma_wait3A_152 = arith.constant 0 : i32
      %dma_wait3A_153 = tpu.memref_slice %arg7[%multiple_of3A, %dma_wait3A_152] : memref<10112x128xf32, #tpu.memory_space<vmem_shared>> -> memref<632x128xf32, #tpu.memory_space<vmem_shared>>
      tpu.wait_dma2 semaphore(%run_scoped3A_143 : memref<!tpu.dma_semaphore, #tpu.memory_space<semaphore_mem>>) src(%dma_wait3A_153 : memref<632x128xf32, #tpu.memory_space<vmem_shared>>) dst(%dma_wait3A_151 : memref<632x128xf32, #tpu.memory_space<hbm>>)
      tpu.yield
    }) : () -> ()
    return
  }
}

module attributes {stable_mosaic.version = 14 : i64} {
  func.func @_mm_body(%arg0: i32, %arg1: memref<640x128xf32, #tpu.memory_space<vmem>>, %arg2: memref<640x1xf32, #tpu.memory_space<vmem>>, %arg3: memref<128x128xf32, #tpu.memory_space<vmem>>, %arg4: memref<640x128xf32, #tpu.memory_space<vmem>>) attributes {dimension_semantics = [#tpu.dimension_semantics<arbitrary>], iteration_bounds = array<i64: 16>, scalar_prefetch = 0 : i64, scratch_operands = 0 : i64, tpu.core_type = #tpu.core_type<tc>, window_params = [{transform_indices = @transform_0, window_bounds = array<i64: 640, 128>}, {transform_indices = @transform_1, window_bounds = array<i64: 640, 1>}, {pipeline_mode = #tpu.pipeline_mode<synchronous>, transform_indices = @transform_2, window_bounds = array<i64: 128, 128>}, {transform_indices = @transform_3, window_bounds = array<i64: 640, 128>}]} {
    %get3A = arith.constant 0 : index
    %get3A_0 = arith.constant 0 : index
    %get3A_1 = vector.load %arg1[%get3A, %get3A_0] : memref<640x128xf32, #tpu.memory_space<vmem>>, vector<640x128xf32>
    %get3A_2 = arith.constant 0 : index
    %get3A_3 = arith.constant 0 : index
    %get3A_4 = vector.load %arg2[%get3A_2, %get3A_3] : memref<640x1xf32, #tpu.memory_space<vmem>>, vector<640x1xf32>
    %mul3A = vector.broadcast %get3A_4 : vector<640x1xf32> to vector<640x128xf32>
    %mul3A_5 = arith.mulf %get3A_1, %mul3A : vector<640x128xf32>
    %get3A_6 = arith.constant 0 : index
    %get3A_7 = arith.constant 0 : index
    %get3A_8 = vector.load %arg3[%get3A_6, %get3A_7] : memref<128x128xf32, #tpu.memory_space<vmem>>, vector<128x128xf32>
    %dot_general3A = arith.constant dense<0.000000e+00> : vector<640x128xf32>
    %dot_general3A_9 = tpu.matmul %mul3A_5, %get3A_8, %dot_general3A {dimension_numbers = #tpu.dot_dimension_numbers<[1], [0], [0], [1], [0, 0, 1, 1], [], []>, precision = #tpu.contract_precision<fp32>, transpose_lhs_hint = false} : vector<640x128xf32>, vector<128x128xf32>, vector<640x128xf32> -> vector<640x128xf32>
    %swap3A = arith.constant 0 : index
    %swap3A_10 = arith.constant 0 : index
    %swap3A_11 = vector.load %arg4[%swap3A, %swap3A_10] : memref<640x128xf32, #tpu.memory_space<vmem>>, vector<640x128xf32>
    tpu.vector_store %arg4[%swap3A, %swap3A_10], %dot_general3A_9 {strides = array<i32>} : memref<640x128xf32, #tpu.memory_space<vmem>>, vector<640x128xf32>,
    return
  }
  func.func @transform_0(%arg0: i32) -> (i32, i32) {
    %c0_i32 = arith.constant 0 : i32
    %c0_i32_0 = arith.constant 0 : i32
    return %arg0, %c0_i32 : i32, i32
  }
  func.func @transform_1(%arg0: i32) -> (i32, i32) {
    %c0_i32 = arith.constant 0 : i32
    %c0_i32_0 = arith.constant 0 : i32
    return %arg0, %c0_i32 : i32, i32
  }
  func.func @transform_2(%arg0: i32) -> (i32, i32) {
    %c0_i32 = arith.constant 0 : i32
    %c0_i32_0 = arith.constant 0 : i32
    %c0_i32_1 = arith.constant 0 : i32
    return %c0_i32, %c0_i32_0 : i32, i32
  }
  func.func @transform_3(%arg0: i32) -> (i32, i32) {
    %c0_i32 = arith.constant 0 : i32
    %c0_i32_0 = arith.constant 0 : i32
    return %arg0, %c0_i32 : i32, i32
  }
}

module attributes {stable_mosaic.version = 14 : i64} {
  func.func @_mid_body(%arg0: i32, %arg1: memref<2x632x128xf32, #tpu.memory_space<vmem>>, %arg2: memref<632x1xf32, #tpu.memory_space<vmem>>, %arg3: memref<632x1xf32, #tpu.memory_space<vmem>>, %arg4: memref<1x128xf32, #tpu.memory_space<vmem>>, %arg5: memref<128x128xf32, #tpu.memory_space<vmem>>, %arg6: memref<632x128xf32, #tpu.memory_space<vmem>>) attributes {dimension_semantics = [#tpu.dimension_semantics<arbitrary>], iteration_bounds = array<i64: 16>, scalar_prefetch = 0 : i64, scratch_operands = 0 : i64, tpu.core_type = #tpu.core_type<tc>, window_params = [{transform_indices = @transform_0, window_bounds = array<i64: 2, 632, 128>}, {transform_indices = @transform_1, window_bounds = array<i64: 632, 1>}, {transform_indices = @transform_2, window_bounds = array<i64: 632, 1>}, {pipeline_mode = #tpu.pipeline_mode<synchronous>, transform_indices = @transform_3, window_bounds = array<i64: 1, 128>}, {pipeline_mode = #tpu.pipeline_mode<synchronous>, transform_indices = @transform_4, window_bounds = array<i64: 128, 128>}, {transform_indices = @transform_5, window_bounds = array<i64: 632, 128>}]} {
    %get3A = arith.constant 0 : index
    %get3A_0 = arith.constant 0 : index
    %get3A_1 = arith.constant 0 : index
    %get3A_2 = vector.load %arg1[%get3A, %get3A_0, %get3A_1] : memref<2x632x128xf32, #tpu.memory_space<vmem>>, vector<1x632x128xf32>
    %get3A_3 = vector.shape_cast %get3A_2 : vector<1x632x128xf32> to vector<632x128xf32>
    %get3A_4 = arith.constant 1 : index
    %get3A_5 = arith.constant 0 : index
    %get3A_6 = arith.constant 0 : index
    %get3A_7 = vector.load %arg1[%get3A_4, %get3A_5, %get3A_6] : memref<2x632x128xf32, #tpu.memory_space<vmem>>, vector<1x632x128xf32>
    %get3A_8 = vector.shape_cast %get3A_7 : vector<1x632x128xf32> to vector<632x128xf32>
    %add3A = arith.addf %get3A_3, %get3A_8 : vector<632x128xf32>
    %get3A_9 = arith.constant 0 : index
    %get3A_10 = arith.constant 0 : index
    %get3A_11 = vector.load %arg2[%get3A_9, %get3A_10] : memref<632x1xf32, #tpu.memory_space<vmem>>, vector<632x1xf32>
    %mul3A = vector.broadcast %get3A_11 : vector<632x1xf32> to vector<632x128xf32>
    %mul3A_12 = arith.mulf %add3A, %mul3A : vector<632x128xf32>
    %get3A_13 = arith.constant 0 : index
    %get3A_14 = arith.constant 0 : index
    %get3A_15 = vector.load %arg4[%get3A_13, %get3A_14] : memref<1x128xf32, #tpu.memory_space<vmem>>, vector<1x128xf32>
    %add3A_16 = vector.broadcast %get3A_15 : vector<1x128xf32> to vector<632x128xf32>
    %add3A_17 = arith.addf %mul3A_12, %add3A_16 : vector<632x128xf32>
    %max3A = arith.constant 0.000000e+00 : f32
    %max3A_18 = vector.broadcast %max3A : f32 to vector<632x128xf32>
    %max3A_19 = arith.maximumf %add3A_17, %max3A_18 : vector<632x128xf32>
    %get3A_20 = arith.constant 0 : index
    %get3A_21 = arith.constant 0 : index
    %get3A_22 = vector.load %arg3[%get3A_20, %get3A_21] : memref<632x1xf32, #tpu.memory_space<vmem>>, vector<632x1xf32>
    %mul3A_23 = vector.broadcast %get3A_22 : vector<632x1xf32> to vector<632x128xf32>
    %mul3A_24 = arith.mulf %max3A_19, %mul3A_23 : vector<632x128xf32>
    %get3A_25 = arith.constant 0 : index
    %get3A_26 = arith.constant 0 : index
    %get3A_27 = vector.load %arg5[%get3A_25, %get3A_26] : memref<128x128xf32, #tpu.memory_space<vmem>>, vector<128x128xf32>
    %dot_general3A = arith.constant dense<0.000000e+00> : vector<632x128xf32>
    %dot_general3A_28 = tpu.matmul %mul3A_24, %get3A_27, %dot_general3A {dimension_numbers = #tpu.dot_dimension_numbers<[1], [0], [0], [1], [0, 0, 1, 1], [], []>, precision = #tpu.contract_precision<fp32>, transpose_lhs_hint = false} : vector<632x128xf32>, vector<128x128xf32>, vector<632x128xf32> -> vector<632x128xf32>
    %swap3A = arith.constant 0 : index
    %swap3A_29 = arith.constant 0 : index
    %swap3A_30 = vector.load %arg6[%swap3A, %swap3A_29] : memref<632x128xf32, #tpu.memory_space<vmem>>, vector<632x128xf32>
    tpu.vector_store %arg6[%swap3A, %swap3A_29], %dot_general3A_28 {strides = array<i32>} : memref<632x128xf32, #tpu.memory_space<vmem>>, vector<632x128xf32>,
    return
  }
  func.func @transform_0(%arg0: i32) -> (i32, i32, i32) {
    %c0_i32 = arith.constant 0 : i32
    %c0_i32_0 = arith.constant 0 : i32
    %c0_i32_1 = arith.constant 0 : i32
    return %c0_i32, %arg0, %c0_i32_0 : i32, i32, i32
  }
  func.func @transform_1(%arg0: i32) -> (i32, i32) {
    %c0_i32 = arith.constant 0 : i32
    %c0_i32_0 = arith.constant 0 : i32
    return %arg0, %c0_i32 : i32, i32
  }
  func.func @transform_2(%arg0: i32) -> (i32, i32) {
    %c0_i32 = arith.constant 0 : i32
    %c0_i32_0 = arith.constant 0 : i32
    return %arg0, %c0_i32 : i32, i32
  }
  func.func @transform_3(%arg0: i32) -> (i32, i32) {
    %c0_i32 = arith.constant 0 : i32
    %c0_i32_0 = arith.constant 0 : i32
    %c0_i32_1 = arith.constant 0 : i32
    return %c0_i32, %c0_i32_0 : i32, i32
  }
  func.func @transform_4(%arg0: i32) -> (i32, i32) {
    %c0_i32 = arith.constant 0 : i32
    %c0_i32_0 = arith.constant 0 : i32
    %c0_i32_1 = arith.constant 0 : i32
    return %c0_i32, %c0_i32_0 : i32, i32
  }
  func.func @transform_5(%arg0: i32) -> (i32, i32) {
    %c0_i32 = arith.constant 0 : i32
    %c0_i32_0 = arith.constant 0 : i32
    return %arg0, %c0_i32 : i32, i32
  }
}

module attributes {stable_mosaic.version = 14 : i64} {
  func.func @_fin_body(%arg0: i32, %arg1: memref<2x632x128xf32, #tpu.memory_space<vmem>>, %arg2: memref<632x1xf32, #tpu.memory_space<vmem>>, %arg3: memref<1x128xf32, #tpu.memory_space<vmem>>, %arg4: memref<632x128xf32, #tpu.memory_space<vmem>>) attributes {dimension_semantics = [#tpu.dimension_semantics<arbitrary>], iteration_bounds = array<i64: 16>, scalar_prefetch = 0 : i64, scratch_operands = 0 : i64, tpu.core_type = #tpu.core_type<tc>, window_params = [{transform_indices = @transform_0, window_bounds = array<i64: 2, 632, 128>}, {transform_indices = @transform_1, window_bounds = array<i64: 632, 1>}, {pipeline_mode = #tpu.pipeline_mode<synchronous>, transform_indices = @transform_2, window_bounds = array<i64: 1, 128>}, {transform_indices = @transform_3, window_bounds = array<i64: 632, 128>}]} {
    %get3A = arith.constant 0 : index
    %get3A_0 = arith.constant 0 : index
    %get3A_1 = arith.constant 0 : index
    %get3A_2 = vector.load %arg1[%get3A, %get3A_0, %get3A_1] : memref<2x632x128xf32, #tpu.memory_space<vmem>>, vector<1x632x128xf32>
    %get3A_3 = vector.shape_cast %get3A_2 : vector<1x632x128xf32> to vector<632x128xf32>
    %get3A_4 = arith.constant 1 : index
    %get3A_5 = arith.constant 0 : index
    %get3A_6 = arith.constant 0 : index
    %get3A_7 = vector.load %arg1[%get3A_4, %get3A_5, %get3A_6] : memref<2x632x128xf32, #tpu.memory_space<vmem>>, vector<1x632x128xf32>
    %get3A_8 = vector.shape_cast %get3A_7 : vector<1x632x128xf32> to vector<632x128xf32>
    %add3A = arith.addf %get3A_3, %get3A_8 : vector<632x128xf32>
    %get3A_9 = arith.constant 0 : index
    %get3A_10 = arith.constant 0 : index
    %get3A_11 = vector.load %arg2[%get3A_9, %get3A_10] : memref<632x1xf32, #tpu.memory_space<vmem>>, vector<632x1xf32>
    %mul3A = vector.broadcast %get3A_11 : vector<632x1xf32> to vector<632x128xf32>
    %mul3A_12 = arith.mulf %add3A, %mul3A : vector<632x128xf32>
    %get3A_13 = arith.constant 0 : index
    %get3A_14 = arith.constant 0 : index
    %get3A_15 = vector.load %arg3[%get3A_13, %get3A_14] : memref<1x128xf32, #tpu.memory_space<vmem>>, vector<1x128xf32>
    %add3A_16 = vector.broadcast %get3A_15 : vector<1x128xf32> to vector<632x128xf32>
    %add3A_17 = arith.addf %mul3A_12, %add3A_16 : vector<632x128xf32>
    %max3A = arith.constant 0.000000e+00 : f32
    %max3A_18 = vector.broadcast %max3A : f32 to vector<632x128xf32>
    %max3A_19 = arith.maximumf %add3A_17, %max3A_18 : vector<632x128xf32>
    %swap3A = arith.constant 0 : index
    %swap3A_20 = arith.constant 0 : index
    %swap3A_21 = vector.load %arg4[%swap3A, %swap3A_20] : memref<632x128xf32, #tpu.memory_space<vmem>>, vector<632x128xf32>
    tpu.vector_store %arg4[%swap3A, %swap3A_20], %max3A_19 {strides = array<i32>} : memref<632x128xf32, #tpu.memory_space<vmem>>, vector<632x128xf32>,
    return
  }
  func.func @transform_0(%arg0: i32) -> (i32, i32, i32) {
    %c0_i32 = arith.constant 0 : i32
    %c0_i32_0 = arith.constant 0 : i32
    %c0_i32_1 = arith.constant 0 : i32
    return %c0_i32, %arg0, %c0_i32_0 : i32, i32, i32
  }
  func.func @transform_1(%arg0: i32) -> (i32, i32) {
    %c0_i32 = arith.constant 0 : i32
    %c0_i32_0 = arith.constant 0 : i32
    return %arg0, %c0_i32 : i32, i32
  }
  func.func @transform_2(%arg0: i32) -> (i32, i32) {
    %c0_i32 = arith.constant 0 : i32
    %c0_i32_0 = arith.constant 0 : i32
    %c0_i32_1 = arith.constant 0 : i32
    return %c0_i32, %c0_i32_0 : i32, i32
  }
  func.func @transform_3(%arg0: i32) -> (i32, i32) {
    %c0_i32 = arith.constant 0 : i32
    %c0_i32_0 = arith.constant 0 : i32
    return %arg0, %c0_i32 : i32, i32
  }
}

</mosaic_0001>

<sc_bundles>
// kernel: kernel.11.cloned.1.call-start
scs
__scs_entry_jumppad:
0x0: {  	(pc) =	sbr.rel $0x88, $3  }
0x1: {  	(tag) =	ssettag $0x0;
	lr =	simm.s32 $0x1  }
0x2: {  	[smem:$0x3F9B] =	sst lr;
	_ =	strace $0xD0000000  }
0x3: {  	_ = 	snop  }
0x4: {  	_ = 	snop  }
0x5: {  	_ = 	snop  }
0x6: {  	_ = 	snop  }
0x7: {  	_ = 	snop  }
__scs_overlays_trampoline_lowered:
0x8: {  	[smem:$0x3FAA] =	sst s0  }
0x9: {  	[smem:$0x3FAB] =	sst s1  }
0xa: {  	[smem:$0x3FAC] =	sst s2  }
0xb: {  	[smem:$0x3FAD] =	sst s3  }
0xc: {  	[smem:$0x3FAE] =	sst s4  }
0xd: {  	[smem:$0x3FAF] =	sst s5  }
0xe: {  	[smem:$0x3FB0] =	sst s6  }
0xf: {  	[smem:$0x3FB1] =	sst s7  }
0x10: {  	[smem:$0x3FB2] =	sst s8  }
0x11: {  	[smem:$0x3FB3] =	sst s9;
	s0 =	simm.s32 @!p0 $0x0  }
0x12: {  	s1 =	sld [smem:$0x3F99];
	s0 =	simm.s32 @p0 $0x1  }
0x13: {  	[smem:$0x3FB4] =	sst s0;
	s0 =	simm.s32 @!p1 $0x0  }
0x14: {  	s2 =	sld [smem:$0x3F98];
	s0 =	simm.s32 @p1 $0x1  }
0x15: {  	[smem:$0x3FB5] =	sst s0;
	s0 =	simm.s32 @!p2 $0x0  }
0x16: {  	s3 =	sld [smem:$0x3FDB];
	s0 =	simm.s32 @p2 $0x1  }
0x17: {  	s4 =	simm.s32 $0x1BF5;
	[smem:$0x3FB7] =	sst s0  }
0x18: {  	s0 =	sld [smem:$0x3F9A];
	_ =	swait.ge [sflag:s4], $0x0  }
0x19: {  	s7 =	sld [smem:$0x3F9B]  }
0x1a: {  	s8 =	sadd.s32 $0xFFFFE003, lr  }
0x1b: {  	s9 =	sadd.s32 $0xFFFFFEF7, lr;
	s5 =	simm.s32 $0xFFFFFFFF;
	p2 =	slt.u32 s8, $0xFFFFF086  }
0x1c: {  	p1 =	slt.u32 s9, $0xF7A;
	s5 =	simm.s32 @!p2 $0x0  }
0x1d: {  	s5 =	simm.s32 @p1 $0x1;
	p0 =	seq.s32 s7, s2  }
0x1e: {  	s7 =	smul.u32 @!p0 $0xF7A, s2;
	p2 =	seq.s32 @!p0 s5, $0x0  }
0x1f: {  	s9 =	smul.u32 $0xF7A, s1;
	s8 =	simm.s32 @!p0 $0x1BF5;
	p2 =	por !p2, p0  }
0x20: {  	[sflag:s8] =	ssyncset.s32 @!p0 $0xFFFFF086;
	s6 =	sadd.s32 @!p0 s3, s7;
	s7 =	simm.s32 @!p0 $0x108  }
0x21: {  	s3 =	sadd.s32 s3, s9;
	s6 =	sadd.s32 @!p0 $0x88, s6;
	s7 =	simm.s32 @p2 $0x1082  }
0x22: {  	[simem:s7], [sflag:s8] =	dma.local @!p0 [hbm:s6], $0xF7A  }
0x23: {  	s9 =	sor.u32 $0xD0000000, s2;
	s6 =	simm.s32 $0x108;
	_ =	swait.ge @!p0 [sflag:s8], $0x0  }
0x24: {  	s3 =	sadd.s32 $0x88, s3;
	s6 =	simm.s32 @!p1 $0x1082;
	[sflag:s4] =	ssyncset.s32 $0xFFFFF086  }
0x25: {  	[simem:s6], [sflag:s4] =	dma.local [hbm:s3], $0xF7A  }
0x26: {  	[smem:$0x3F9B] =	sst s1;
	(tag) =	ssettag s2;
	_ =	strace s9  }
0x27: {  	s1 =	sld [smem:$0x3FAB]  }
0x28: {  	s2 =	sld [smem:$0x3FAC]  }
0x29: {  	s4 =	sld [smem:$0x3FAE]  }
0x2a: {  	p0 =	seq.s32 s5, $0x0;
	s5 =	sld [smem:$0x3FAF]  }
0x2b: {  	s6 =	sld [smem:$0x3FB0]  }
0x2c: {  	s7 =	sld [smem:$0x3FB1]  }
0x2d: {  	s3 =	simm.s32 $0x108;
	s8 =	sld [smem:$0x3FB2]  }
0x2e: {  	s3 =	simm.s32 @!p0 $0x1082;
	s9 =	sld [smem:$0x3FB3]  }
0x2f: {  	lr =	sadd.s32 s0, s3;
	s0 =	sld [smem:$0x3FAA]  }
0x30: {  	s3 =	sld [smem:$0x3FAD]  }
0x31: {  	[smem:$0x3FB6] =	sst s10  }
0x32: {  	s10 =	sld [smem:$0x3FB4];
	_ =	sdelay $0x3  }
0x33: {  	p0 =	seq.s32 s10, $0x1;
	s10 =	sld [smem:$0x3FB6];
	_ =	sdelay $0x3  }
0x34: {  	[smem:$0x3FB6] =	sst s10  }
0x35: {  	s10 =	sld [smem:$0x3FB5];
	_ =	sdelay $0x3  }
0x36: {  	p1 =	seq.s32 s10, $0x1;
	s10 =	sld [smem:$0x3FB6];
	_ =	sdelay $0x3  }
0x37: {  	[smem:$0x3FB6] =	sst s10  }
0x38: {  	s10 =	sld [smem:$0x3FB7]  }
0x39: {  	_ = 	snop;
	(pc) =	sbr.ind lr, $3  }
0x3a: {  	_ = 	snop  }
0x3b: {  	_ = 	snop  }
0x3c: {  	p2 =	seq.s32 s10, $0x1;
	s10 =	sld [smem:$0x3FB6]  }
0x3d: {  	_ =	shalt  }
0x3e: {  	_ =	shalt  }
0x3f: {  	_ =	shalt  }
0x40: {  	_ =	shalt  }
0x41: {  	_ =	shalt  }
0x42: {  	_ =	shalt  }
0x43: {  	_ =	shalt  }
0x44: {  	_ =	shalt  }
0x45: {  	_ =	shalt  }
0x46: {  	_ =	shalt  }
0x47: {  	_ =	shalt  }
0x48: {  	_ =	shalt  }
0x49: {  	_ =	shalt  }
0x4a: {  	_ =	shalt  }
0x4b: {  	_ =	shalt  }
0x4c: {  	_ =	shalt  }
0x4d: {  	_ =	shalt  }
0x4e: {  	_ =	shalt  }
0x4f: {  	_ =	shalt  }
0x50: {  	_ =	shalt  }
0x51: {  	_ =	shalt  }
0x52: {  	_ =	shalt  }
0x53: {  	_ =	shalt  }
0x54: {  	_ =	shalt  }
0x55: {  	_ =	shalt  }
0x56: {  	_ =	shalt  }
0x57: {  	_ =	shalt  }
0x58: {  	_ =	shalt  }
0x59: {  	_ =	shalt  }
0x5a: {  	_ =	shalt  }
0x5b: {  	_ =	shalt  }
0x5c: {  	_ =	shalt  }
0x5d: {  	_ =	shalt  }
0x5e: {  	_ =	shalt  }
0x5f: {  	_ =	shalt  }
0x60: {  	_ =	shalt  }
0x61: {  	_ =	shalt  }
0x62: {  	_ =	shalt  }
0x63: {  	_ =	shalt  }
0x64: {  	_ =	shalt  }
0x65: {  	_ =	shalt  }
0x66: {  	_ =	shalt  }
0x67: {  	_ =	shalt  }
0x68: {  	_ =	shalt  }
0x69: {  	_ =	shalt  }
0x6a: {  	_ =	shalt  }
0x6b: {  	_ =	shalt  }
0x6c: {  	_ =	shalt  }
0x6d: {  	_ =	shalt  }
0x6e: {  	_ =	shalt  }
0x6f: {  	_ =	shalt  }
0x70: {  	_ =	shalt  }
0x71: {  	_ =	shalt  }
0x72: {  	_ =	shalt  }
0x73: {  	_ =	shalt  }
0x74: {  	_ =	shalt  }
0x75: {  	_ =	shalt  }
0x76: {  	_ =	shalt  }
0x77: {  	_ =	shalt  }
0x78: {  	_ =	shalt  }
0x79: {  	_ =	shalt  }
0x7a: {  	_ =	shalt  }
0x7b: {  	_ =	shalt  }
0x7c: {  	_ =	shalt  }
0x7d: {  	_ =	shalt  }
0x7e: {  	_ =	shalt  }
0x7f: {  	_ =	shalt  }
0x80: {  	_ =	shalt  }
0x81: {  	_ =	shalt  }
0x82: {  	_ =	shalt  }
0x83: {  	_ =	shalt  }
0x84: {  	_ =	shalt  }
0x85: {  	_ =	shalt  }
0x86: {  	_ =	shalt  }
0x87: {  	_ =	shalt  }
.Lfunc_end0:
.L_simem_size_0:
called_computation.1_lowered:
.L_overlay_start_0:
0x88: {  	s2 =	sld [smem:$0x3FD9]  }
0x89: {  	s3 =	sld [smem:$0x3FFE];
	_ =	sdelay $0x1  }
0x8a: {  	s1 =	srdreg.scid  }
0x8b: {  	s0 =	sand.u32 $0x1, s1  }
0x8c: {  	s16 =	sshll.u32 s0, $0xA;
	s2 =	sadd.s32 s3, s2  }
0x8d: {  	s2 =	sadd.s32 s2, s16  }
0x8e: {  	[smem:$0x3FC2] =	sst s2  }
0x8f: {  	_ = 	snop  }
0x90: {  	(tm) =	ssettm $0x1  }
0x91: {  	s17 =	sld [smem:$0x3FFB];
	_ =	sdelay $0x3  }
0x92: {  	_ =	strace s17  }
0x93: {  	s2 =	sld [smem:$0x3FFC];
	_ =	sdelay $0x3  }
0x94: {  	_ =	strace s2  }
0x95: {  	s2 =	sld [smem:$0x3FFD];
	_ =	sdelay $0x3  }
0x96: {  	_ =	strace s2  }
0x97: {  	_ =	strace $0x8FFFFFFF  }
0x98: {  	s18 =	sld [smem:$0x3FDB];
	_ =	sdelay $0x1  }
0x99: {  	s19 =	simm.s32 $_scs_section_size  }
0x9a: {  	s4 =	simm.s32 $_size__tile_overlayer_lowered;
	s5 =	simm.s32 $_tile_overlayer_lowered  }
0x9b: {  	s22 =	simm.s32 $0x1BFF;
	s21 =	sshll.u32 s5, $0x1;
	s2 =	sadd.s32 s19, s18  }
0x9c: {  	s6 =	simm.s32 $0x0;
	s20 =	sshll.u32 s4, $0x1;
	s4 =	sadd.s32 s21, s2  }
0x9d: {  	[timem:s6], [sflag:s22] =	dma.local [hbm:s4], s20  }
0x9e: {  	_ =	swait.ge [sflag:s22], s20  }
0x9f: {  	s3 =	ssub.s32 $0x0, s20;
	[sflag:s22] =	ssyncset.done $0x0  }
0xa0: {  	[sflag:s22] =	ssyncadd.s32 s3;
	_ =	sdelay $0x1  }
0xa1: {  	s23 =	simm.s32 $0x1B8B  }
0xa2: {  	_ =	swait.ge [sflag:s23], $0x1  }
0xa3: {  	[sflag:s23] =	ssyncset.done $0x0  }
0xa4: {  	s25 =	simm.s32 $0x1B8E;
	s24 =	sld [smem:$0x3FFE];
	[sflag:s23] =	ssyncadd.s32 $0xFFFFFFFF  }
0xa5: {  	s26 =	simm.s32 $execute0_lowered;
	[smem:$0x3FD2] =	sst s25  }
0xa6: {  	s4 =	sshll.u32 s26, $0x1;
	_ =	strace $0x80000049;
	[dreg:$0x1] =	wrdreg $0xFFFFFFFF  }
0xa7: {  	s28 =	simm.s32 $_size_execute0_lowered;
	s2 =	sadd.s32 s2, s4;
	[dreg:$0x0] =	wrdreg $0x0  }
0xa8: {  	s4 =	sshll.u32 s28, $0x1;
	[dreg:$0x2] =	wrdreg s2  }
0xa9: {  	[dreg:$0x3] =	wrdreg s4  }
0xaa: {  	[dreg:$0x4] =	wrdreg $0xC0  }
0xab: {  	_ =	task [dreg:s6], $0x5FFFF  }
0xac: {  	[dreg:$0x1] =	wrdreg $0xFFFFFFFF  }
0xad: {  	[dreg:$0x0] =	wrdreg $0x60  }
0xae: {  	[dreg:$0x2] =	wrdreg s24  }
0xaf: {  	[dreg:$0x3] =	wrdreg $0x0  }
0xb0: {  	[dreg:$0x4] =	wrdreg $0xA0000  }
0xb1: {  	[dreg:$0x5] =	wrdreg $0x9  }
0xb2: {  	_ =	task.clear_ibuf [dreg:s6], $0x6FFFF;
	_ =	strace $0x90000049  }
0xb3: {  	s29 =	simm.s32 $0x9;
	_ =	strace $0x8000004B  }
0xb4: {  	_ =	swait.ge [sflag:s29], $0x1  }
0xb5: {  	[sflag:s29] =	ssyncadd.s32 $0xFFFFFFFF  }
0xb6: {  	_ =	strace $0x9000004B  }
0xb7: {  	_ =	sfence  }
0xb8: {  	s30 =	sld [smem:$0x0];
	_ =	sdelay $0x2  }
0xb9: {  	s31 =	sshll.u32 s1, $0xD;
	s1 =	sshrl.u32 s1, $0x2  }
0xba: {  	s3 =	sand.u32 $0x4000, s31;
	s1 =	sadd.s32 s1, s30  }
0xbb: {  	s0 =	sor.u32 s3, s0;
	s1 =	sshll.u32 s1, $0x11  }
0xbc: {  	s0 =	sor.u32 s1, s0  }
0xbd: {  	s0 =	sadd.s32 $0x8F2B, s0  }
0xbe: {  	[sflag:s0] =	ssyncadd.remote.s32 $0x1  }
0xbf: {  	_ =	sfence.sel $0xFFFF  }
0xc0: {  	[dreg:$0x0] =	wrdreg $0xFFFFFFFF;
	(pc) =	sbr.abs _section_cstart, $3  }
0xc1: {  	[dreg:$0x1] =	wrdreg $0xFFFFFFFF  }
0xc2: {  	_ =	task.clear_ibuf [dreg:s6], $0x2FFFF;
	_ =	strace $0x9FFFFFFF  }
0xc3: {  	(tm) =	ssettm $0x7FFFFFFF  }
tec
execute0_lowered:
.L_overlay_start_1:
0x0: {  	(tag) =	ssettag $0x1  }
0x1: {  	s1 =	rddreg [dreg:$0x0]  }
0x2: {  	s0 =	srdreg.scid;
	s2 =	rddreg [dreg:$0x1]  }
0x3: {  	s10 =	stileid.u32;
	s3 =	rddreg [dreg:$0x2]  }
0x4: {  	s4 =	simm.s32 $0x0;
	s15 =	simm.s32 $0x7;
	s7 =	smul.u32 $0x28000, s10  }
0x5: {  	s17 =	simm.s32 $0x1DC00;
	s19 =	simm.s32 $0x20;
	s8 =	smul.u32 $0x1400, s10  }
0x6: {  	s20 =	simm.s32 $0x1E000;
	s28 =	simm.s32 $0x6;
	s9 =	smul.u32 $0x13C00, s10  }
0x7: {  	s29 =	simm.s32 $0x3;
	s0 =	sand.u32 $0x1, s0;
	s23 =	smul.u32 $0x4F000, s10  }
0x8: {  	s30 =	simm.s32 $0x4;
	s31 =	simm.s32 $0x1DF00;
	s5 =	smul.u32 $0x14000, s0  }
0x9: {  	[smem:$0x7FF] =	sst s4;
	s25 =	sshll.u32 s10, $0x6;
	s6 =	smul.u32 $0x280000, s0  }
0xa: {  	s21 =	smul.u32 $0x13C000, s0;
	_ =	strace $0x8000004A;
	s0 =	ssub.s32 $0x2, s0  }
0xb: {  	s22 =	sshrl.u32 s9, $0x3;
	s24 =	sshrl.u32 s0, $0x1;
	s6 =	sadd.s32 s7, s6  }
0xc: {  	s5 =	sadd.s32 s8, s5;
	s8 =	sadd.s32 s9, s21;
	s9 =	sshrl.u32 s23, $0x2  }
0xd: {  	s0 =	ssub.s32 s0, s24;
	s7 =	sshrl.u32 s7, $0x2;
	s24 =	simm.s32 $0x1  }
0xe: {  	s6 =	sshrl.u32 s6, $0x3;
	s5 =	sadd.s32 s5, s1;
	s8 =	sshrl.u32 s8, $0x3  }
0xf: {  	s12 =	sadd.s32 s9, s3;
	s7 =	sadd.s32 s7, s2;
	s0 =	smax.u32 s0, $0x1  }
0x10: {  	s11 =	sadd.s32 s6, s1;
	s6 =	sadd.s32 s22, s1;
	s1 =	sadd.s32 s8, s1  }
0x11: {  	s5 =	sadd.s32 $0x2200, s5;
	[dreg:$0x7] =	wrdreg s0;
	s14 =	sshrl.u32 s12, $0x3  }
0x12: {  	s26 =	sshrl.u32 s7, $0x3;
	s22 =	simm.s32 $0x1F000;
	s0 =	simm.s32 $0x0  }
0x13: {  	s6 =	sadd.s32 $0xDF400, s6;
	[dreg:$0x5] =	wrdreg s5;
	s8 =	sadd.s32 $0x3F400, s11  }
0x14: {  	s9 =	sadd.s32 $0x40800, s11;
	s10 =	sadd.s32 $0x41C00, s11;
	[dreg:$0x8] =	wrdreg s26  }
0x15: {  	s11 =	sadd.s32 $0x43000, s11;
	s1 =	sadd.s32 $0x106C00, s1;
	[dreg:$0x4] =	wrdreg s6  }
0x16: {  	s26 =	simm.s32 $0x5;
	s6 =	sor.u32 $0x1C07, s25;
	[dreg:$0x6] =	wrdreg s1  }
0x17: {  	s23 =	sadd.s32 $0x20, s8;
	s25 =	simm.s32 $0x2;
	s1 =	simm.s32 $0x1DF80  }
.LBB2_1:
0x18: {  	s5 =	rddreg [dreg:$0x4]  }
0x19: {  	[spmem:s14], [sflag:s6] =	dma.local [hbm:s5], $0x2780  }
0x1a: {  	_ =	swait.ge [sflag:s15], $0x2780  }
0x1b: {  	[sflag:s15] =	ssyncset.done $0x0;
	s16 =	rddreg [dreg:$0x5]  }
0x1c: {  	s7 =	rddreg [dreg:$0x8];
	[sflag:s15] =	ssyncadd.s32 $0xFFFFD880  }
0x1d: {  	[spmem:s7], [sflag:s6] =	dma.local [hbm:s16], $0x1400  }
0x1e: {  	_ =	swait.ge [sflag:s15], $0x1400  }
0x1f: {  	[sflag:s15] =	ssyncset.done $0x0  }
0x20: {  	[sflag:s15] =	ssyncadd.s32 $0xFFFFEC00  }
0x21: {  	[bflag:$0x0] =	sbarrier.arrive $0xFFFF  }
0x22: {  	[tilespmem:s17], [sflag:$0x7] =	stream.linear.gather [hbm4b:s8+s4], $0x100, $0x38;
	v63 =	vld [tilespmem:$0x0]  }
0x23: {  	_ =	swait.ge [sflag:s15], $0x100  }
0x24: {  	[sflag:s15] =	ssyncset.done $0x0  }
0x25: {  	s18 =	simm.s32 $0x1DE00;
	[sflag:s15] =	ssyncadd.s32 $0xFFFFFF00  }
0x26: {  	[tilespmem:s18], [sflag:$0x7] =	stream.linear.gather [hbm4b:s9+s4], $0x100, $0x38;
	v63 =	vld [tilespmem:$0x0]  }
0x27: {  	_ =	swait.ge [sflag:s15], $0x100  }
0x28: {  	[sflag:s15] =	ssyncset.done $0x0  }
0x29: {  	s7 =	simm.s32 $0x0;
	[sflag:s15] =	ssyncadd.s32 $0xFFFFFF00  }
0x2a: {  	[tilespmem:s20], [sflag:$0x1] =	stream.indirect.gather [spmem:s2], $0x80, s17, s19, $0xb8;
	v63 =	vld [tilespmem:$0x0]  }
0x2b: {  	s21 =	simm.s32 $0x1DC80;
	s18 =	sand.u32 $0x100, s7  }
0x2c: {  	[tilespmem:s22], [sflag:$0x2] =	stream.indirect.gather [spmem:s2], $0x80, s21, s19, $0xb8;
	v63 =	vld [tilespmem:$0x0]  }
0x2d: {  	s5 =	sxor.u32 $0x1DD00, s18  }
0x2e: {  	[tilespmem:s5], [sflag:$0x5] =	stream.linear.gather [hbm4b:s23+s4], $0x100, $0x38;
	v63 =	vld [tilespmem:$0x0]  }
0x2f: {  	s13 =	sadd.s32 $0x20, s9;
	s12 =	sxor.u32 $0x1DF00, s18  }
0x30: {  	[tilespmem:s12], [sflag:$0x6] =	stream.linear.gather [hbm4b:s13+s4], $0x100, $0x38;
	v63 =	vld [tilespmem:$0x0]  }
0x31: {  	_ =	swait.ge [sflag:s24], $0x1000  }
0x32: {  	[sflag:s24] =	ssyncset.done $0x0  }
0x33: {  	s16 =	sor.u32 $0x1DE00, s18;
	[sflag:s24] =	ssyncadd.s32 $0xFFFFF000  }
0x34: {  	[spmem:s3] =	stream.indirect.scatter.add.f32 [tilespmem:s20], [sflag:$0x3], $0x80, s16, s19, $0xb8;
	v63 =	vld [tilespmem:$0x0]  }
0x35: {  	_ =	swait.ge [sflag:s25], $0x1000  }
0x36: {  	[sflag:s25] =	ssyncset.done $0x0  }
0x37: {  	s21 =	sor.u32 $0x1DE80, s18;
	[sflag:s25] =	ssyncadd.s32 $0xFFFFF000  }
0x38: {  	[spmem:s3] =	stream.indirect.scatter.add.f32 [tilespmem:s22], [sflag:$0x4], $0x80, s21, s19, $0xb8;
	v63 =	vld [tilespmem:$0x0]  }
0x39: {  	_ =	swait.ge [sflag:s26], $0x100  }
0x3a: {  	[sflag:s26] =	ssyncset.done $0x0  }
0x3b: {  	[sflag:s26] =	ssyncadd.s32 $0xFFFFFF00  }
0x3c: {  	_ =	swait.ge [sflag:s28], $0x100  }
0x3d: {  	[sflag:s28] =	ssyncset.done $0x0  }
0x3e: {  	[sflag:s28] =	ssyncadd.s32 $0xFFFFFF00  }
0x3f: {  	_ =	swait.ge [sflag:s29], $0x1000  }
0x40: {  	[sflag:s29] =	ssyncset.done $0x0  }
0x41: {  	s7 =	sadd.s32 $0x20, s23;
	[sflag:s29] =	ssyncadd.s32 $0xFFFFF000  }
0x42: {  	[tilespmem:s20], [sflag:$0x1] =	stream.indirect.gather [spmem:s2], $0x80, s5, s19, $0xb8;
	v63 =	vld [tilespmem:$0x0]  }
0x43: {  	s18 =	sxor.u32 $0x1DD80, s18;
	s12 =	simm.s32 $0x2;
	_ =	swait.ge [sflag:s30], $0x1000  }
0x44: {  	s5 =	sadd.s32 $0x20, s13;
	s13 =	simm.s32 $0x100;
	[sflag:s30] =	ssyncset.done $0x0  }
.LBB2_2:
0x45: {  	s21 =	sand.u32 $0x100, s13  }
0x46: {  	[sflag:s30] =	ssyncadd.s32 $0xFFFFF000;
	s13 =	smov.u32 s12;
	s16 =	sadd.s32 $0x1, s12  }
0x47: {  	[tilespmem:s22], [sflag:$0x2] =	stream.indirect.gather [spmem:s2], $0x80, s18, s19, $0xb8;
	v63 =	vld [tilespmem:$0x0]  }
0x48: {  	p0 =	sne.s32 s12, $0x9E;
	s12 =	sxor.u32 $0x1DD00, s21  }
0x49: {  	[tilespmem:s12], [sflag:$0x5] =	stream.linear.gather [hbm4b:s7+s4], $0x100, $0x38;
	v63 =	vld [tilespmem:$0x0]  }
0x4a: {  	s18 =	sxor.u32 $0x1DF00, s21  }
0x4b: {  	[tilespmem:s18], [sflag:$0x6] =	stream.linear.gather [hbm4b:s5+s4], $0x100, $0x38;
	v63 =	vld [tilespmem:$0x0]  }
0x4c: {  	_ =	swait.ge [sflag:s24], $0x1000  }
0x4d: {  	[sflag:s24] =	ssyncset.done $0x0  }
0x4e: {  	s18 =	sor.u32 $0x1DE00, s21;
	[sflag:s24] =	ssyncadd.s32 $0xFFFFF000  }
0x4f: {  	[spmem:s3] =	stream.indirect.scatter.add.f32 [tilespmem:s20], [sflag:$0x3], $0x80, s18, s19, $0xb8;
	v63 =	vld [tilespmem:$0x0]  }
0x50: {  	_ =	swait.ge [sflag:s25], $0x1000  }
0x51: {  	[sflag:s25] =	ssyncset.done $0x0  }
0x52: {  	s18 =	sor.u32 $0x1DE80, s21;
	[sflag:s25] =	ssyncadd.s32 $0xFFFFF000  }
0x53: {  	[spmem:s3] =	stream.indirect.scatter.add.f32 [tilespmem:s22], [sflag:$0x4], $0x80, s18, s19, $0xb8;
	v63 =	vld [tilespmem:$0x0]  }
0x54: {  	_ =	swait.ge [sflag:s26], $0x100  }
0x55: {  	[sflag:s26] =	ssyncset.done $0x0  }
0x56: {  	[sflag:s26] =	ssyncadd.s32 $0xFFFFFF00  }
0x57: {  	_ =	swait.ge [sflag:s28], $0x100  }
0x58: {  	[sflag:s28] =	ssyncset.done $0x0  }
0x59: {  	[sflag:s28] =	ssyncadd.s32 $0xFFFFFF00  }
0x5a: {  	_ =	swait.ge [sflag:s29], $0x1000  }
.Ltmp0:
0x5b: {  	[sflag:s29] =	ssyncset.done $0x0;
	(pc) =	sbr.rel @p0 .LBB2_2-.Ltmp0, $4  }
0x5c: {  	s13 =	sshll.u32 s13, $0x8;
	[sflag:s29] =	ssyncadd.s32 $0xFFFFF000  }
0x5d: {  	[tilespmem:s20], [sflag:$0x1] =	stream.indirect.gather [spmem:s2], $0x80, s12, s19, $0xb8;
	v63 =	vld [tilespmem:$0x0]  }
0x5e: {  	s7 =	sadd.s32 $0x20, s7;
	s5 =	sadd.s32 $0x20, s5;
	_ =	swait.ge [sflag:s30], $0x1000  }
0x5f: {  	s18 =	sxor.u32 $0x1DD80, s21;
	s12 =	smov.u32 s16;
	[sflag:s30] =	ssyncset.done $0x0  }
0x60: {  	s12 =	sand.u32 $0x100, s13;
	[sflag:s30] =	ssyncadd.s32 $0xFFFFF000  }
0x61: {  	[tilespmem:s22], [sflag:$0x2] =	stream.indirect.gather [spmem:s2], $0x80, s18, s19, $0xb8;
	v63 =	vld [tilespmem:$0x0]  }
0x62: {  	s13 =	sxor.u32 $0x1DD00, s12  }
0x63: {  	[tilespmem:s13], [sflag:$0x5] =	stream.linear.gather [hbm4b:s7+s4], $0x100, $0x38;
	v63 =	vld [tilespmem:$0x0]  }
0x64: {  	s16 =	sxor.u32 $0x1DF00, s12  }
0x65: {  	[tilespmem:s16], [sflag:$0x6] =	stream.linear.gather [hbm4b:s5+s4], $0x100, $0x38;
	v63 =	vld [tilespmem:$0x0]  }
0x66: {  	_ =	swait.ge [sflag:s24], $0x1000  }
0x67: {  	[sflag:s24] =	ssyncset.done $0x0  }
0x68: {  	s18 =	sor.u32 $0x1DE00, s12;
	[sflag:s24] =	ssyncadd.s32 $0xFFFFF000  }
0x69: {  	[spmem:s3] =	stream.indirect.scatter.add.f32 [tilespmem:s20], [sflag:$0x3], $0x80, s18, s19, $0xb8;
	v63 =	vld [tilespmem:$0x0]  }
0x6a: {  	_ =	swait.ge [sflag:s25], $0x1000  }
0x6b: {  	[sflag:s25] =	ssyncset.done $0x0  }
0x6c: {  	s21 =	sor.u32 $0x1DE80, s12;
	[sflag:s25] =	ssyncadd.s32 $0xFFFFF000  }
0x6d: {  	[spmem:s3] =	stream.indirect.scatter.add.f32 [tilespmem:s22], [sflag:$0x4], $0x80, s21, s19, $0xb8;
	v63 =	vld [tilespmem:$0x0]  }
0x6e: {  	_ =	swait.ge [sflag:s26], $0x100  }
0x6f: {  	[sflag:s26] =	ssyncset.done $0x0  }
0x70: {  	[sflag:s26] =	ssyncadd.s32 $0xFFFFFF00  }
0x71: {  	_ =	swait.ge [sflag:s28], $0x100  }
0x72: {  	[sflag:s28] =	ssyncset.done $0x0  }
0x73: {  	[sflag:s28] =	ssyncadd.s32 $0xFFFFFF00  }
0x74: {  	_ =	swait.ge [sflag:s29], $0x1000  }
0x75: {  	[sflag:s29] =	ssyncset.done $0x0  }
0x76: {  	[sflag:s29] =	ssyncadd.s32 $0xFFFFF000  }
0x77: {  	[tilespmem:s20], [sflag:$0x1] =	stream.indirect.gather [spmem:s2], $0x80, s13, s19, $0xb8;
	v63 =	vld [tilespmem:$0x0]  }
0x78: {  	_ =	swait.ge [sflag:s30], $0x1000  }
0x79: {  	[sflag:s30] =	ssyncset.done $0x0  }
0x7a: {  	s7 =	sxor.u32 $0x1DD80, s12;
	[sflag:s30] =	ssyncadd.s32 $0xFFFFF000  }
0x7b: {  	[tilespmem:s22], [sflag:$0x2] =	stream.indirect.gather [spmem:s2], $0x80, s7, s19, $0xb8;
	v63 =	vld [tilespmem:$0x0]  }
0x7c: {  	_ =	swait.ge [sflag:s24], $0x1000  }
0x7d: {  	[sflag:s24] =	ssyncset.done $0x0  }
0x7e: {  	[sflag:s24] =	ssyncadd.s32 $0xFFFFF000  }
0x7f: {  	[spmem:s3] =	stream.indirect.scatter.add.f32 [tilespmem:s20], [sflag:$0x3], $0x80, s31, s19, $0xb8;
	v63 =	vld [tilespmem:$0x0]  }
0x80: {  	_ =	swait.ge [sflag:s25], $0x1000  }
0x81: {  	[sflag:s25] =	ssyncset.done $0x0  }
0x82: {  	[sflag:s25] =	ssyncadd.s32 $0xFFFFF000  }
0x83: {  	[spmem:s3] =	stream.indirect.scatter.add.f32 [tilespmem:s22], [sflag:$0x4], $0x80, s1, s19, $0xb8;
	v63 =	vld [tilespmem:$0x0]  }
0x84: {  	_ =	swait.ge [sflag:s29], $0x1000  }
0x85: {  	[sflag:s29] =	ssyncset.done $0x0  }
0x86: {  	[sflag:s29] =	ssyncadd.s32 $0xFFFFF000  }
0x87: {  	_ =	swait.ge [sflag:s30], $0x1000  }
0x88: {  	[sflag:s30] =	ssyncset.done $0x0  }
0x89: {  	s12 =	simm.s32 $0x0;
	[sflag:s30] =	ssyncadd.s32 $0xFFFFF000  }
0x8a: {  	[tilespmem:s17], [sflag:$0x7] =	stream.linear.gather [hbm4b:s10+s12], $0x100, $0x38;
	v63 =	vld [tilespmem:$0x0]  }
0x8b: {  	_ =	swait.ge [sflag:s15], $0x100  }
0x8c: {  	[sflag:s15] =	ssyncset.done $0x0  }
0x8d: {  	s13 =	simm.s32 $0x1DE00;
	[sflag:s15] =	ssyncadd.s32 $0xFFFFFF00  }
0x8e: {  	[tilespmem:s13], [sflag:$0x7] =	stream.linear.gather [hbm4b:s11+s12], $0x100, $0x38;
	v63 =	vld [tilespmem:$0x0]  }
0x8f: {  	_ =	swait.ge [sflag:s15], $0x100  }
0x90: {  	[sflag:s15] =	ssyncset.done $0x0  }
0x91: {  	[sflag:s15] =	ssyncadd.s32 $0xFFFFFF00  }
0x92: {  	[tilespmem:s20], [sflag:$0x1] =	stream.indirect.gather [spmem:s2], $0x80, s17, s19, $0xb8;
	v63 =	vld [tilespmem:$0x0]  }
0x93: {  	s16 =	simm.s32 $0x1DC80;
	s18 =	simm.s32 $0x0  }
0x94: {  	[tilespmem:s22], [sflag:$0x2] =	stream.indirect.gather [spmem:s2], $0x80, s16, s19, $0xb8;
	v63 =	vld [tilespmem:$0x0]  }
0x95: {  	s16 =	sand.u32 $0x100, s18  }
0x96: {  	s5 =	sadd.s32 $0x20, s10;
	s7 =	sxor.u32 $0x1DD00, s16  }
0x97: {  	[tilespmem:s7], [sflag:$0x5] =	stream.linear.gather [hbm4b:s5+s4], $0x100, $0x38;
	v63 =	vld [tilespmem:$0x0]  }
0x98: {  	s13 =	sadd.s32 $0x20, s11;
	s21 =	sxor.u32 $0x1DF00, s16  }
0x99: {  	[tilespmem:s21], [sflag:$0x6] =	stream.linear.gather [hbm4b:s13+s4], $0x100, $0x38;
	v63 =	vld [tilespmem:$0x0]  }
0x9a: {  	_ =	swait.ge [sflag:s24], $0x1000  }
0x9b: {  	[sflag:s24] =	ssyncset.done $0x0  }
0x9c: {  	s18 =	sor.u32 $0x1DE00, s16;
	[sflag:s24] =	ssyncadd.s32 $0xFFFFF000  }
0x9d: {  	[spmem:s3] =	stream.indirect.scatter.add.f32 [tilespmem:s20], [sflag:$0x3], $0x80, s18, s19, $0xb8;
	v63 =	vld [tilespmem:$0x0]  }
0x9e: {  	_ =	swait.ge [sflag:s25], $0x1000  }
0x9f: {  	[sflag:s25] =	ssyncset.done $0x0  }
0xa0: {  	s21 =	sor.u32 $0x1DE80, s16;
	[sflag:s25] =	ssyncadd.s32 $0xFFFFF000  }
0xa1: {  	[spmem:s3] =	stream.indirect.scatter.add.f32 [tilespmem:s22], [sflag:$0x4], $0x80, s21, s19, $0xb8;
	v63 =	vld [tilespmem:$0x0]  }
0xa2: {  	_ =	swait.ge [sflag:s26], $0x100  }
0xa3: {  	[sflag:s26] =	ssyncset.done $0x0  }
0xa4: {  	[sflag:s26] =	ssyncadd.s32 $0xFFFFFF00  }
0xa5: {  	_ =	swait.ge [sflag:s28], $0x100  }
0xa6: {  	[sflag:s28] =	ssyncset.done $0x0  }
0xa7: {  	[sflag:s28] =	ssyncadd.s32 $0xFFFFFF00  }
0xa8: {  	_ =	swait.ge [sflag:s29], $0x1000  }
0xa9: {  	[sflag:s29] =	ssyncset.done $0x0  }
0xaa: {  	s12 =	simm.s32 $0x2;
	[sflag:s29] =	ssyncadd.s32 $0xFFFFF000  }
0xab: {  	[tilespmem:s20], [sflag:$0x1] =	stream.indirect.gather [spmem:s2], $0x80, s7, s19, $0xb8;
	v63 =	vld [tilespmem:$0x0]  }
0xac: {  	s18 =	sxor.u32 $0x1DD80, s16;
	s7 =	sadd.s32 $0x20, s5;
	_ =	swait.ge [sflag:s30], $0x1000  }
0xad: {  	s5 =	sadd.s32 $0x20, s13;
	s13 =	simm.s32 $0x100;
	[sflag:s30] =	ssyncset.done $0x0  }
.LBB2_4:
0xae: {  	s16 =	sand.u32 $0x100, s13  }
0xaf: {  	[sflag:s30] =	ssyncadd.s32 $0xFFFFF000;
	s13 =	smov.u32 s12;
	s21 =	sadd.s32 $0x1, s12  }
0xb0: {  	[tilespmem:s22], [sflag:$0x2] =	stream.indirect.gather [spmem:s2], $0x80, s18, s19, $0xb8;
	v63 =	vld [tilespmem:$0x0]  }
0xb1: {  	p0 =	sne.s32 s12, $0x9E;
	s12 =	sxor.u32 $0x1DD00, s16  }
0xb2: {  	[tilespmem:s12], [sflag:$0x5] =	stream.linear.gather [hbm4b:s7+s4], $0x100, $0x38;
	v63 =	vld [tilespmem:$0x0]  }
0xb3: {  	s18 =	sxor.u32 $0x1DF00, s16  }
0xb4: {  	[tilespmem:s18], [sflag:$0x6] =	stream.linear.gather [hbm4b:s5+s4], $0x100, $0x38;
	v63 =	vld [tilespmem:$0x0]  }
0xb5: {  	_ =	swait.ge [sflag:s24], $0x1000  }
0xb6: {  	[sflag:s24] =	ssyncset.done $0x0  }
0xb7: {  	s18 =	sor.u32 $0x1DE00, s16;
	[sflag:s24] =	ssyncadd.s32 $0xFFFFF000  }
0xb8: {  	[spmem:s3] =	stream.indirect.scatter.add.f32 [tilespmem:s20], [sflag:$0x3], $0x80, s18, s19, $0xb8;
	v63 =	vld [tilespmem:$0x0]  }
0xb9: {  	_ =	swait.ge [sflag:s25], $0x1000  }
0xba: {  	[sflag:s25] =	ssyncset.done $0x0  }
0xbb: {  	s18 =	sor.u32 $0x1DE80, s16;
	[sflag:s25] =	ssyncadd.s32 $0xFFFFF000  }
0xbc: {  	[spmem:s3] =	stream.indirect.scatter.add.f32 [tilespmem:s22], [sflag:$0x4], $0x80, s18, s19, $0xb8;
	v63 =	vld [tilespmem:$0x0]  }
0xbd: {  	_ =	swait.ge [sflag:s26], $0x100  }
0xbe: {  	[sflag:s26] =	ssyncset.done $0x0  }
0xbf: {  	[sflag:s26] =	ssyncadd.s32 $0xFFFFFF00  }
0xc0: {  	_ =	swait.ge [sflag:s28], $0x100  }
0xc1: {  	[sflag:s28] =	ssyncset.done $0x0  }
0xc2: {  	[sflag:s28] =	ssyncadd.s32 $0xFFFFFF00  }
0xc3: {  	_ =	swait.ge [sflag:s29], $0x1000  }
.Ltmp1:
0xc4: {  	[sflag:s29] =	ssyncset.done $0x0;
	(pc) =	sbr.rel @p0 .LBB2_4-.Ltmp1, $4  }
0xc5: {  	s13 =	sshll.u32 s13, $0x8;
	[sflag:s29] =	ssyncadd.s32 $0xFFFFF000  }
0xc6: {  	[tilespmem:s20], [sflag:$0x1] =	stream.indirect.gather [spmem:s2], $0x80, s12, s19, $0xb8;
	v63 =	vld [tilespmem:$0x0]  }
0xc7: {  	s7 =	sadd.s32 $0x20, s7;
	s5 =	sadd.s32 $0x20, s5;
	_ =	swait.ge [sflag:s30], $0x1000  }
0xc8: {  	s18 =	sxor.u32 $0x1DD80, s16;
	s12 =	smov.u32 s21;
	[sflag:s30] =	ssyncset.done $0x0  }
0xc9: {  	s12 =	sand.u32 $0x100, s13;
	[sflag:s30] =	ssyncadd.s32 $0xFFFFF000  }
0xca: {  	[tilespmem:s22], [sflag:$0x2] =	stream.indirect.gather [spmem:s2], $0x80, s18, s19, $0xb8;
	v63 =	vld [tilespmem:$0x0]  }
0xcb: {  	s13 =	sxor.u32 $0x1DD00, s12  }
0xcc: {  	[tilespmem:s13], [sflag:$0x5] =	stream.linear.gather [hbm4b:s7+s4], $0x100, $0x38;
	v63 =	vld [tilespmem:$0x0]  }
0xcd: {  	s18 =	sxor.u32 $0x1DF00, s12  }
0xce: {  	[tilespmem:s18], [sflag:$0x6] =	stream.linear.gather [hbm4b:s5+s4], $0x100, $0x38;
	v63 =	vld [tilespmem:$0x0]  }
0xcf: {  	_ =	swait.ge [sflag:s24], $0x1000  }
0xd0: {  	[sflag:s24] =	ssyncset.done $0x0  }
0xd1: {  	s21 =	sor.u32 $0x1DE00, s12;
	[sflag:s24] =	ssyncadd.s32 $0xFFFFF000  }
0xd2: {  	[spmem:s3] =	stream.indirect.scatter.add.f32 [tilespmem:s20], [sflag:$0x3], $0x80, s21, s19, $0xb8;
	v63 =	vld [tilespmem:$0x0]  }
0xd3: {  	_ =	swait.ge [sflag:s25], $0x1000  }
0xd4: {  	[sflag:s25] =	ssyncset.done $0x0  }
0xd5: {  	s7 =	sor.u32 $0x1DE80, s12;
	[sflag:s25] =	ssyncadd.s32 $0xFFFFF000  }
0xd6: {  	[spmem:s3] =	stream.indirect.scatter.add.f32 [tilespmem:s22], [sflag:$0x4], $0x80, s7, s19, $0xb8;
	v63 =	vld [tilespmem:$0x0]  }
0xd7: {  	_ =	swait.ge [sflag:s26], $0x100  }
0xd8: {  	[sflag:s26] =	ssyncset.done $0x0  }
0xd9: {  	[sflag:s26] =	ssyncadd.s32 $0xFFFFFF00  }
0xda: {  	_ =	swait.ge [sflag:s28], $0x100  }
0xdb: {  	[sflag:s28] =	ssyncset.done $0x0  }
0xdc: {  	[sflag:s28] =	ssyncadd.s32 $0xFFFFFF00  }
0xdd: {  	_ =	swait.ge [sflag:s29], $0x1000  }
0xde: {  	[sflag:s29] =	ssyncset.done $0x0  }
0xdf: {  	[sflag:s29] =	ssyncadd.s32 $0xFFFFF000  }
0xe0: {  	[tilespmem:s20], [sflag:$0x1] =	stream.indirect.gather [spmem:s2], $0x80, s13, s19, $0xb8;
	v63 =	vld [tilespmem:$0x0]  }
0xe1: {  	_ =	swait.ge [sflag:s30], $0x1000  }
0xe2: {  	[sflag:s30] =	ssyncset.done $0x0  }
0xe3: {  	s16 =	sxor.u32 $0x1DD80, s12;
	[sflag:s30] =	ssyncadd.s32 $0xFFFFF000  }
0xe4: {  	[tilespmem:s22], [sflag:$0x2] =	stream.indirect.gather [spmem:s2], $0x80, s16, s19, $0xb8;
	v63 =	vld [tilespmem:$0x0]  }
0xe5: {  	_ =	swait.ge [sflag:s24], $0x1000  }
0xe6: {  	[sflag:s24] =	ssyncset.done $0x0  }
0xe7: {  	[sflag:s24] =	ssyncadd.s32 $0xFFFFF000  }
0xe8: {  	[spmem:s3] =	stream.indirect.scatter.add.f32 [tilespmem:s20], [sflag:$0x3], $0x80, s31, s19, $0xb8;
	v63 =	vld [tilespmem:$0x0]  }
0xe9: {  	_ =	swait.ge [sflag:s25], $0x1000  }
0xea: {  	[sflag:s25] =	ssyncset.done $0x0  }
0xeb: {  	[sflag:s25] =	ssyncadd.s32 $0xFFFFF000  }
0xec: {  	[spmem:s3] =	stream.indirect.scatter.add.f32 [tilespmem:s22], [sflag:$0x4], $0x80, s1, s19, $0xb8;
	v63 =	vld [tilespmem:$0x0]  }
0xed: {  	_ =	swait.ge [sflag:s29], $0x1000  }
0xee: {  	[sflag:s29] =	ssyncset.done $0x0  }
0xef: {  	[sflag:s29] =	ssyncadd.s32 $0xFFFFF000  }
0xf0: {  	_ =	swait.ge [sflag:s30], $0x1000  }
0xf1: {  	[sflag:s30] =	ssyncset.done $0x0  }
0xf2: {  	[sflag:s30] =	ssyncadd.s32 $0xFFFFF000  }
0xf3: {  	[bflag:$0x0] =	sbarrier.arrive $0xFFFF  }
0xf4: {  	s18 =	rddreg [dreg:$0x6]  }
0xf5: {  	[hbm:s18], [sflag:s6] =	dma.local [spmem:s14], $0x2780  }
0xf6: {  	_ =	swait.ge [sflag:s15], $0x2780  }
0xf7: {  	s0 =	sadd.s32 $0x1, s0;
	s21 =	rddreg [dreg:$0x7]  }
0xf8: {  	p0 =	sne.s32 s0, s21  }
.Ltmp2:
0xf9: {  	_ = 	snop;
	(pc) =	sbr.rel @p0 .LBB2_1-.Ltmp2, $3  }
0xfa: {  	_ =	sdelay $0x1  }
0xfb: {  	[sflag:s15] =	ssyncset.done $0x0  }
0xfc: {  	[sflag:s15] =	ssyncadd.s32 $0xFFFFD880  }
0xfd: {  	_ =	sfence.sel $0x180000  }
0xfe: {  	[bflag:$0x0] =	sbarrier.arrive $0xFFFF  }
0xff: {  	_ =	strace $0x9000004A  }
0x100: {  	s0 =	stileid.u32;
	[bflag:$0x2] =	sbarrier.arrive $0xFFFF  }
0x101: {  	p0 =	sne.s32 s0, $0x0;
	s0 =	rddreg [dreg:$0x3]  }
0x102: {  	s0 =	sadd.s32 @!p0 $0x100000, s0  }
0x103: {  	[sflag:s0] =	ssyncadd.tile.s32 @!p0 $0x1;
	_ =	shalt  }
.Lfunc_end2:
_tile_overlayer_lowered:
.L_overlay_start_2:
0x104: {  	(tag) =	ssettag $0x2  }
0x105: {  	s0 =	rddreg [dreg:$0x0];
	s2 =	stileid.u32  }
0x106: {  	s1 =	rddreg [dreg:$0x1];
	p0 =	sne.s32 s2, $0x0  }
0x107: {  	s3 =	rddreg [dreg:$0x2];
	[bflag:$0x3] =	sbarrier.arrive $0xFFFF;
	s2 =	simm.s32 @!p0 $0x1C07  }
0x108: {  	[timem:s3], [sflag:s2] =	dma.local @!p0 [hbm:s0], s1  }
0x109: {  	s0 =	simm.s32 @!p0 $0x7  }
0x10a: {  	_ =	swait.ge @!p0 [sflag:s0], s1  }
0x10b: {  	s1 =	ssub.s32 @!p0 $0x0, s1;
	[sflag:s0] =	ssyncset.done @!p0 $0x0  }
0x10c: {  	[sflag:s0] =	ssyncadd.s32 @!p0 s1  }
0x10d: {  	[bflag:$0x3] =	sbarrier.arrive $0xFFFF  }
0x10e: {  	_ =	shalt  }

// kernel: kernel.14.cloned.1.call-start
scs
__scs_entry_jumppad:
0x0: {  	(pc) =	sbr.rel $0x88, $3  }
0x1: {  	(tag) =	ssettag $0x0;
	lr =	simm.s32 $0x1  }
0x2: {  	[smem:$0x3F9B] =	sst lr;
	_ =	strace $0xD0000000  }
0x3: {  	_ = 	snop  }
0x4: {  	_ = 	snop  }
0x5: {  	_ = 	snop  }
0x6: {  	_ = 	snop  }
0x7: {  	_ = 	snop  }
__scs_overlays_trampoline_lowered:
0x8: {  	[smem:$0x3FAA] =	sst s0  }
0x9: {  	[smem:$0x3FAB] =	sst s1  }
0xa: {  	[smem:$0x3FAC] =	sst s2  }
0xb: {  	[smem:$0x3FAD] =	sst s3  }
0xc: {  	[smem:$0x3FAE] =	sst s4  }
0xd: {  	[smem:$0x3FAF] =	sst s5  }
0xe: {  	[smem:$0x3FB0] =	sst s6  }
0xf: {  	[smem:$0x3FB1] =	sst s7  }
0x10: {  	[smem:$0x3FB2] =	sst s8  }
0x11: {  	[smem:$0x3FB3] =	sst s9;
	s0 =	simm.s32 @!p0 $0x0  }
0x12: {  	s1 =	sld [smem:$0x3F99];
	s0 =	simm.s32 @p0 $0x1  }
0x13: {  	[smem:$0x3FB4] =	sst s0;
	s0 =	simm.s32 @!p1 $0x0  }
0x14: {  	s2 =	sld [smem:$0x3F98];
	s0 =	simm.s32 @p1 $0x1  }
0x15: {  	[smem:$0x3FB5] =	sst s0;
	s0 =	simm.s32 @!p2 $0x0  }
0x16: {  	s3 =	sld [smem:$0x3FDB];
	s0 =	simm.s32 @p2 $0x1  }
0x17: {  	s4 =	simm.s32 $0x1BF5;
	[smem:$0x3FB7] =	sst s0  }
0x18: {  	s0 =	sld [smem:$0x3F9A];
	_ =	swait.ge [sflag:s4], $0x0  }
0x19: {  	s7 =	sld [smem:$0x3F9B]  }
0x1a: {  	s8 =	sadd.s32 $0xFFFFE003, lr  }
0x1b: {  	s9 =	sadd.s32 $0xFFFFFEF7, lr;
	s5 =	simm.s32 $0xFFFFFFFF;
	p2 =	slt.u32 s8, $0xFFFFF086  }
0x1c: {  	p1 =	slt.u32 s9, $0xF7A;
	s5 =	simm.s32 @!p2 $0x0  }
0x1d: {  	s5 =	simm.s32 @p1 $0x1;
	p0 =	seq.s32 s7, s2  }
0x1e: {  	s7 =	smul.u32 @!p0 $0xF7A, s2;
	p2 =	seq.s32 @!p0 s5, $0x0  }
0x1f: {  	s9 =	smul.u32 $0xF7A, s1;
	s8 =	simm.s32 @!p0 $0x1BF5;
	p2 =	por !p2, p0  }
0x20: {  	[sflag:s8] =	ssyncset.s32 @!p0 $0xFFFFF086;
	s6 =	sadd.s32 @!p0 s3, s7;
	s7 =	simm.s32 @!p0 $0x108  }
0x21: {  	s3 =	sadd.s32 s3, s9;
	s6 =	sadd.s32 @!p0 $0x88, s6;
	s7 =	simm.s32 @p2 $0x1082  }
0x22: {  	[simem:s7], [sflag:s8] =	dma.local @!p0 [hbm:s6], $0xF7A  }
0x23: {  	s9 =	sor.u32 $0xD0000000, s2;
	s6 =	simm.s32 $0x108;
	_ =	swait.ge @!p0 [sflag:s8], $0x0  }
0x24: {  	s3 =	sadd.s32 $0x88, s3;
	s6 =	simm.s32 @!p1 $0x1082;
	[sflag:s4] =	ssyncset.s32 $0xFFFFF086  }
0x25: {  	[simem:s6], [sflag:s4] =	dma.local [hbm:s3], $0xF7A  }
0x26: {  	[smem:$0x3F9B] =	sst s1;
	(tag) =	ssettag s2;
	_ =	strace s9  }
0x27: {  	s1 =	sld [smem:$0x3FAB]  }
0x28: {  	s2 =	sld [smem:$0x3FAC]  }
0x29: {  	s4 =	sld [smem:$0x3FAE]  }
0x2a: {  	p0 =	seq.s32 s5, $0x0;
	s5 =	sld [smem:$0x3FAF]  }
0x2b: {  	s6 =	sld [smem:$0x3FB0]  }
0x2c: {  	s7 =	sld [smem:$0x3FB1]  }
0x2d: {  	s3 =	simm.s32 $0x108;
	s8 =	sld [smem:$0x3FB2]  }
0x2e: {  	s3 =	simm.s32 @!p0 $0x1082;
	s9 =	sld [smem:$0x3FB3]  }
0x2f: {  	lr =	sadd.s32 s0, s3;
	s0 =	sld [smem:$0x3FAA]  }
0x30: {  	s3 =	sld [smem:$0x3FAD]  }
0x31: {  	[smem:$0x3FB6] =	sst s10  }
0x32: {  	s10 =	sld [smem:$0x3FB4];
	_ =	sdelay $0x3  }
0x33: {  	p0 =	seq.s32 s10, $0x1;
	s10 =	sld [smem:$0x3FB6];
	_ =	sdelay $0x3  }
0x34: {  	[smem:$0x3FB6] =	sst s10  }
0x35: {  	s10 =	sld [smem:$0x3FB5];
	_ =	sdelay $0x3  }
0x36: {  	p1 =	seq.s32 s10, $0x1;
	s10 =	sld [smem:$0x3FB6];
	_ =	sdelay $0x3  }
0x37: {  	[smem:$0x3FB6] =	sst s10  }
0x38: {  	s10 =	sld [smem:$0x3FB7]  }
0x39: {  	_ = 	snop;
	(pc) =	sbr.ind lr, $3  }
0x3a: {  	_ = 	snop  }
0x3b: {  	_ = 	snop  }
0x3c: {  	p2 =	seq.s32 s10, $0x1;
	s10 =	sld [smem:$0x3FB6]  }
0x3d: {  	_ =	shalt  }
0x3e: {  	_ =	shalt  }
0x3f: {  	_ =	shalt  }
0x40: {  	_ =	shalt  }
0x41: {  	_ =	shalt  }
0x42: {  	_ =	shalt  }
0x43: {  	_ =	shalt  }
0x44: {  	_ =	shalt  }
0x45: {  	_ =	shalt  }
0x46: {  	_ =	shalt  }
0x47: {  	_ =	shalt  }
0x48: {  	_ =	shalt  }
0x49: {  	_ =	shalt  }
0x4a: {  	_ =	shalt  }
0x4b: {  	_ =	shalt  }
0x4c: {  	_ =	shalt  }
0x4d: {  	_ =	shalt  }
0x4e: {  	_ =	shalt  }
0x4f: {  	_ =	shalt  }
0x50: {  	_ =	shalt  }
0x51: {  	_ =	shalt  }
0x52: {  	_ =	shalt  }
0x53: {  	_ =	shalt  }
0x54: {  	_ =	shalt  }
0x55: {  	_ =	shalt  }
0x56: {  	_ =	shalt  }
0x57: {  	_ =	shalt  }
0x58: {  	_ =	shalt  }
0x59: {  	_ =	shalt  }
0x5a: {  	_ =	shalt  }
0x5b: {  	_ =	shalt  }
0x5c: {  	_ =	shalt  }
0x5d: {  	_ =	shalt  }
0x5e: {  	_ =	shalt  }
0x5f: {  	_ =	shalt  }
0x60: {  	_ =	shalt  }
0x61: {  	_ =	shalt  }
0x62: {  	_ =	shalt  }
0x63: {  	_ =	shalt  }
0x64: {  	_ =	shalt  }
0x65: {  	_ =	shalt  }
0x66: {  	_ =	shalt  }
0x67: {  	_ =	shalt  }
0x68: {  	_ =	shalt  }
0x69: {  	_ =	shalt  }
0x6a: {  	_ =	shalt  }
0x6b: {  	_ =	shalt  }
0x6c: {  	_ =	shalt  }
0x6d: {  	_ =	shalt  }
0x6e: {  	_ =	shalt  }
0x6f: {  	_ =	shalt  }
0x70: {  	_ =	shalt  }
0x71: {  	_ =	shalt  }
0x72: {  	_ =	shalt  }
0x73: {  	_ =	shalt  }
0x74: {  	_ =	shalt  }
0x75: {  	_ =	shalt  }
0x76: {  	_ =	shalt  }
0x77: {  	_ =	shalt  }
0x78: {  	_ =	shalt  }
0x79: {  	_ =	shalt  }
0x7a: {  	_ =	shalt  }
0x7b: {  	_ =	shalt  }
0x7c: {  	_ =	shalt  }
0x7d: {  	_ =	shalt  }
0x7e: {  	_ =	shalt  }
0x7f: {  	_ =	shalt  }
0x80: {  	_ =	shalt  }
0x81: {  	_ =	shalt  }
0x82: {  	_ =	shalt  }
0x83: {  	_ =	shalt  }
0x84: {  	_ =	shalt  }
0x85: {  	_ =	shalt  }
0x86: {  	_ =	shalt  }
0x87: {  	_ =	shalt  }
.Lfunc_end0:
.L_simem_size_0:
called_computation.2_lowered:
.L_overlay_start_0:
0x88: {  	s2 =	sld [smem:$0x3FD9]  }
0x89: {  	s3 =	sld [smem:$0x3FFE];
	_ =	sdelay $0x1  }
0x8a: {  	s1 =	srdreg.scid  }
0x8b: {  	s0 =	sand.u32 $0x1, s1  }
0x8c: {  	s16 =	sshll.u32 s0, $0xA;
	s2 =	sadd.s32 s3, s2  }
0x8d: {  	s2 =	sadd.s32 s2, s16  }
0x8e: {  	[smem:$0x3FC2] =	sst s2  }
0x8f: {  	_ = 	snop  }
0x90: {  	(tm) =	ssettm $0x1  }
0x91: {  	s17 =	sld [smem:$0x3FFB];
	_ =	sdelay $0x3  }
0x92: {  	_ =	strace s17  }
0x93: {  	s2 =	sld [smem:$0x3FFC];
	_ =	sdelay $0x3  }
0x94: {  	_ =	strace s2  }
0x95: {  	s2 =	sld [smem:$0x3FFD];
	_ =	sdelay $0x3  }
0x96: {  	_ =	strace s2  }
0x97: {  	_ =	strace $0x8FFFFFFF  }
0x98: {  	s18 =	sld [smem:$0x3FDB];
	_ =	sdelay $0x1  }
0x99: {  	s19 =	simm.s32 $_scs_section_size  }
0x9a: {  	s4 =	simm.s32 $_size__tile_overlayer_lowered;
	s5 =	simm.s32 $_tile_overlayer_lowered  }
0x9b: {  	s22 =	simm.s32 $0x1BFF;
	s21 =	sshll.u32 s5, $0x1;
	s2 =	sadd.s32 s19, s18  }
0x9c: {  	s6 =	simm.s32 $0x0;
	s20 =	sshll.u32 s4, $0x1;
	s4 =	sadd.s32 s21, s2  }
0x9d: {  	[timem:s6], [sflag:s22] =	dma.local [hbm:s4], s20  }
0x9e: {  	_ =	swait.ge [sflag:s22], s20  }
0x9f: {  	s3 =	ssub.s32 $0x0, s20;
	[sflag:s22] =	ssyncset.done $0x0  }
0xa0: {  	[sflag:s22] =	ssyncadd.s32 s3;
	_ =	sdelay $0x1  }
0xa1: {  	s23 =	simm.s32 $0x1B8B  }
0xa2: {  	_ =	swait.ge [sflag:s23], $0x1  }
0xa3: {  	[sflag:s23] =	ssyncset.done $0x0  }
0xa4: {  	s25 =	simm.s32 $0x1B8E;
	s24 =	sld [smem:$0x3FFE];
	[sflag:s23] =	ssyncadd.s32 $0xFFFFFFFF  }
0xa5: {  	s26 =	simm.s32 $execute0_lowered;
	[smem:$0x3FD2] =	sst s25  }
0xa6: {  	s4 =	sshll.u32 s26, $0x1;
	_ =	strace $0x8000004C;
	[dreg:$0x1] =	wrdreg $0xFFFFFFFF  }
0xa7: {  	s28 =	simm.s32 $_size_execute0_lowered;
	s2 =	sadd.s32 s2, s4;
	[dreg:$0x0] =	wrdreg $0x0  }
0xa8: {  	s4 =	sshll.u32 s28, $0x1;
	[dreg:$0x2] =	wrdreg s2  }
0xa9: {  	[dreg:$0x3] =	wrdreg s4  }
0xaa: {  	[dreg:$0x4] =	wrdreg $0xC0  }
0xab: {  	_ =	task [dreg:s6], $0x5FFFF  }
0xac: {  	[dreg:$0x1] =	wrdreg $0xFFFFFFFF  }
0xad: {  	[dreg:$0x0] =	wrdreg $0x60  }
0xae: {  	[dreg:$0x2] =	wrdreg s24  }
0xaf: {  	[dreg:$0x3] =	wrdreg $0x0  }
0xb0: {  	[dreg:$0x4] =	wrdreg $0xA0000  }
0xb1: {  	[dreg:$0x5] =	wrdreg $0x9  }
0xb2: {  	_ =	task.clear_ibuf [dreg:s6], $0x6FFFF;
	_ =	strace $0x9000004C  }
0xb3: {  	s29 =	simm.s32 $0x9;
	_ =	strace $0x8000004E  }
0xb4: {  	_ =	swait.ge [sflag:s29], $0x1  }
0xb5: {  	[sflag:s29] =	ssyncadd.s32 $0xFFFFFFFF  }
0xb6: {  	_ =	strace $0x9000004E  }
0xb7: {  	_ =	sfence  }
0xb8: {  	s30 =	sld [smem:$0x0];
	_ =	sdelay $0x2  }
0xb9: {  	s31 =	sshll.u32 s1, $0xD;
	s1 =	sshrl.u32 s1, $0x2  }
0xba: {  	s3 =	sand.u32 $0x4000, s31;
	s1 =	sadd.s32 s1, s30  }
0xbb: {  	s0 =	sor.u32 s3, s0;
	s1 =	sshll.u32 s1, $0x11  }
0xbc: {  	s0 =	sor.u32 s1, s0  }
0xbd: {  	s0 =	sadd.s32 $0x8F2B, s0  }
0xbe: {  	[sflag:s0] =	ssyncadd.remote.s32 $0x1  }
0xbf: {  	_ =	sfence.sel $0xFFFF  }
0xc0: {  	[dreg:$0x0] =	wrdreg $0xFFFFFFFF;
	(pc) =	sbr.abs _section_cstart, $3  }
0xc1: {  	[dreg:$0x1] =	wrdreg $0xFFFFFFFF  }
0xc2: {  	_ =	task.clear_ibuf [dreg:s6], $0x2FFFF;
	_ =	strace $0x9FFFFFFF  }
0xc3: {  	(tm) =	ssettm $0x7FFFFFFF  }
tec
execute0_lowered:
.L_overlay_start_1:
0x0: {  	(tag) =	ssettag $0x1  }
0x1: {  	s1 =	rddreg [dreg:$0x0]  }
0x2: {  	s0 =	srdreg.scid;
	s2 =	rddreg [dreg:$0x1]  }
0x3: {  	s10 =	stileid.u32;
	s3 =	rddreg [dreg:$0x2]  }
0x4: {  	s4 =	simm.s32 $0x0;
	s15 =	simm.s32 $0x7;
	s7 =	smul.u32 $0x28000, s10  }
0x5: {  	s17 =	simm.s32 $0x1DC00;
	s19 =	simm.s32 $0x20;
	s8 =	smul.u32 $0x1400, s10  }
0x6: {  	s20 =	simm.s32 $0x1E000;
	s28 =	simm.s32 $0x6;
	s9 =	smul.u32 $0x13C00, s10  }
0x7: {  	s29 =	simm.s32 $0x3;
	s0 =	sand.u32 $0x1, s0;
	s23 =	smul.u32 $0x4F000, s10  }
0x8: {  	s30 =	simm.s32 $0x4;
	s31 =	simm.s32 $0x1DF00;
	s5 =	smul.u32 $0x14000, s0  }
0x9: {  	[smem:$0x7FF] =	sst s4;
	s25 =	sshll.u32 s10, $0x6;
	s6 =	smul.u32 $0x280000, s0  }
0xa: {  	s21 =	smul.u32 $0x13C000, s0;
	_ =	strace $0x8000004D;
	s0 =	ssub.s32 $0x2, s0  }
0xb: {  	s22 =	sshrl.u32 s9, $0x3;
	s24 =	sshrl.u32 s0, $0x1;
	s6 =	sadd.s32 s7, s6  }
0xc: {  	s5 =	sadd.s32 s8, s5;
	s8 =	sadd.s32 s9, s21;
	s9 =	sshrl.u32 s23, $0x2  }
0xd: {  	s0 =	ssub.s32 s0, s24;
	s7 =	sshrl.u32 s7, $0x2;
	s24 =	simm.s32 $0x1  }
0xe: {  	s6 =	sshrl.u32 s6, $0x3;
	s5 =	sadd.s32 s5, s1;
	s8 =	sshrl.u32 s8, $0x3  }
0xf: {  	s12 =	sadd.s32 s9, s3;
	s7 =	sadd.s32 s7, s2;
	s0 =	smax.u32 s0, $0x1  }
0x10: {  	s11 =	sadd.s32 s6, s1;
	s6 =	sadd.s32 s22, s1;
	s1 =	sadd.s32 s8, s1  }
0x11: {  	s5 =	sadd.s32 $0x2200, s5;
	[dreg:$0x7] =	wrdreg s0;
	s14 =	sshrl.u32 s12, $0x3  }
0x12: {  	s26 =	sshrl.u32 s7, $0x3;
	s22 =	simm.s32 $0x1F000;
	s0 =	simm.s32 $0x0  }
0x13: {  	s6 =	sadd.s32 $0xDF400, s6;
	[dreg:$0x5] =	wrdreg s5;
	s8 =	sadd.s32 $0x3F400, s11  }
0x14: {  	s9 =	sadd.s32 $0x40800, s11;
	s10 =	sadd.s32 $0x41C00, s11;
	[dreg:$0x8] =	wrdreg s26  }
0x15: {  	s11 =	sadd.s32 $0x43000, s11;
	s1 =	sadd.s32 $0x106C00, s1;
	[dreg:$0x4] =	wrdreg s6  }
0x16: {  	s26 =	simm.s32 $0x5;
	s6 =	sor.u32 $0x1C07, s25;
	[dreg:$0x6] =	wrdreg s1  }
0x17: {  	s23 =	sadd.s32 $0x20, s8;
	s25 =	simm.s32 $0x2;
	s1 =	simm.s32 $0x1DF80  }
.LBB2_1:
0x18: {  	s5 =	rddreg [dreg:$0x4]  }
0x19: {  	[spmem:s14], [sflag:s6] =	dma.local [hbm:s5], $0x2780  }
0x1a: {  	_ =	swait.ge [sflag:s15], $0x2780  }
0x1b: {  	[sflag:s15] =	ssyncset.done $0x0;
	s16 =	rddreg [dreg:$0x5]  }
0x1c: {  	s7 =	rddreg [dreg:$0x8];
	[sflag:s15] =	ssyncadd.s32 $0xFFFFD880  }
0x1d: {  	[spmem:s7], [sflag:s6] =	dma.local [hbm:s16], $0x1400  }
0x1e: {  	_ =	swait.ge [sflag:s15], $0x1400  }
0x1f: {  	[sflag:s15] =	ssyncset.done $0x0  }
0x20: {  	[sflag:s15] =	ssyncadd.s32 $0xFFFFEC00  }
0x21: {  	[bflag:$0x0] =	sbarrier.arrive $0xFFFF  }
0x22: {  	[tilespmem:s17], [sflag:$0x7] =	stream.linear.gather [hbm4b:s8+s4], $0x100, $0x38;
	v63 =	vld [tilespmem:$0x0]  }
0x23: {  	_ =	swait.ge [sflag:s15], $0x100  }
0x24: {  	[sflag:s15] =	ssyncset.done $0x0  }
0x25: {  	s18 =	simm.s32 $0x1DE00;
	[sflag:s15] =	ssyncadd.s32 $0xFFFFFF00  }
0x26: {  	[tilespmem:s18], [sflag:$0x7] =	stream.linear.gather [hbm4b:s9+s4], $0x100, $0x38;
	v63 =	vld [tilespmem:$0x0]  }
0x27: {  	_ =	swait.ge [sflag:s15], $0x100  }
0x28: {  	[sflag:s15] =	ssyncset.done $0x0  }
0x29: {  	s7 =	simm.s32 $0x0;
	[sflag:s15] =	ssyncadd.s32 $0xFFFFFF00  }
0x2a: {  	[tilespmem:s20], [sflag:$0x1] =	stream.indirect.gather [spmem:s2], $0x80, s17, s19, $0xb8;
	v63 =	vld [tilespmem:$0x0]  }
0x2b: {  	s21 =	simm.s32 $0x1DC80;
	s18 =	sand.u32 $0x100, s7  }
0x2c: {  	[tilespmem:s22], [sflag:$0x2] =	stream.indirect.gather [spmem:s2], $0x80, s21, s19, $0xb8;
	v63 =	vld [tilespmem:$0x0]  }
0x2d: {  	s5 =	sxor.u32 $0x1DD00, s18  }
0x2e: {  	[tilespmem:s5], [sflag:$0x5] =	stream.linear.gather [hbm4b:s23+s4], $0x100, $0x38;
	v63 =	vld [tilespmem:$0x0]  }
0x2f: {  	s13 =	sadd.s32 $0x20, s9;
	s12 =	sxor.u32 $0x1DF00, s18  }
0x30: {  	[tilespmem:s12], [sflag:$0x6] =	stream.linear.gather [hbm4b:s13+s4], $0x100, $0x38;
	v63 =	vld [tilespmem:$0x0]  }
0x31: {  	_ =	swait.ge [sflag:s24], $0x1000  }
0x32: {  	[sflag:s24] =	ssyncset.done $0x0  }
0x33: {  	s16 =	sor.u32 $0x1DE00, s18;
	[sflag:s24] =	ssyncadd.s32 $0xFFFFF000  }
0x34: {  	[spmem:s3] =	stream.indirect.scatter.add.f32 [tilespmem:s20], [sflag:$0x3], $0x80, s16, s19, $0xb8;
	v63 =	vld [tilespmem:$0x0]  }
0x35: {  	_ =	swait.ge [sflag:s25], $0x1000  }
0x36: {  	[sflag:s25] =	ssyncset.done $0x0  }
0x37: {  	s21 =	sor.u32 $0x1DE80, s18;
	[sflag:s25] =	ssyncadd.s32 $0xFFFFF000  }
0x38: {  	[spmem:s3] =	stream.indirect.scatter.add.f32 [tilespmem:s22], [sflag:$0x4], $0x80, s21, s19, $0xb8;
	v63 =	vld [tilespmem:$0x0]  }
0x39: {  	_ =	swait.ge [sflag:s26], $0x100  }
0x3a: {  	[sflag:s26] =	ssyncset.done $0x0  }
0x3b: {  	[sflag:s26] =	ssyncadd.s32 $0xFFFFFF00  }
0x3c: {  	_ =	swait.ge [sflag:s28], $0x100  }
0x3d: {  	[sflag:s28] =	ssyncset.done $0x0  }
0x3e: {  	[sflag:s28] =	ssyncadd.s32 $0xFFFFFF00  }
0x3f: {  	_ =	swait.ge [sflag:s29], $0x1000  }
0x40: {  	[sflag:s29] =	ssyncset.done $0x0  }
0x41: {  	s7 =	sadd.s32 $0x20, s23;
	[sflag:s29] =	ssyncadd.s32 $0xFFFFF000  }
0x42: {  	[tilespmem:s20], [sflag:$0x1] =	stream.indirect.gather [spmem:s2], $0x80, s5, s19, $0xb8;
	v63 =	vld [tilespmem:$0x0]  }
0x43: {  	s18 =	sxor.u32 $0x1DD80, s18;
	s12 =	simm.s32 $0x2;
	_ =	swait.ge [sflag:s30], $0x1000  }
0x44: {  	s5 =	sadd.s32 $0x20, s13;
	s13 =	simm.s32 $0x100;
	[sflag:s30] =	ssyncset.done $0x0  }
.LBB2_2:
0x45: {  	s21 =	sand.u32 $0x100, s13  }
0x46: {  	[sflag:s30] =	ssyncadd.s32 $0xFFFFF000;
	s13 =	smov.u32 s12;
	s16 =	sadd.s32 $0x1, s12  }
0x47: {  	[tilespmem:s22], [sflag:$0x2] =	stream.indirect.gather [spmem:s2], $0x80, s18, s19, $0xb8;
	v63 =	vld [tilespmem:$0x0]  }
0x48: {  	p0 =	sne.s32 s12, $0x9E;
	s12 =	sxor.u32 $0x1DD00, s21  }
0x49: {  	[tilespmem:s12], [sflag:$0x5] =	stream.linear.gather [hbm4b:s7+s4], $0x100, $0x38;
	v63 =	vld [tilespmem:$0x0]  }
0x4a: {  	s18 =	sxor.u32 $0x1DF00, s21  }
0x4b: {  	[tilespmem:s18], [sflag:$0x6] =	stream.linear.gather [hbm4b:s5+s4], $0x100, $0x38;
	v63 =	vld [tilespmem:$0x0]  }
0x4c: {  	_ =	swait.ge [sflag:s24], $0x1000  }
0x4d: {  	[sflag:s24] =	ssyncset.done $0x0  }
0x4e: {  	s18 =	sor.u32 $0x1DE00, s21;
	[sflag:s24] =	ssyncadd.s32 $0xFFFFF000  }
0x4f: {  	[spmem:s3] =	stream.indirect.scatter.add.f32 [tilespmem:s20], [sflag:$0x3], $0x80, s18, s19, $0xb8;
	v63 =	vld [tilespmem:$0x0]  }
0x50: {  	_ =	swait.ge [sflag:s25], $0x1000  }
0x51: {  	[sflag:s25] =	ssyncset.done $0x0  }
0x52: {  	s18 =	sor.u32 $0x1DE80, s21;
	[sflag:s25] =	ssyncadd.s32 $0xFFFFF000  }
0x53: {  	[spmem:s3] =	stream.indirect.scatter.add.f32 [tilespmem:s22], [sflag:$0x4], $0x80, s18, s19, $0xb8;
	v63 =	vld [tilespmem:$0x0]  }
0x54: {  	_ =	swait.ge [sflag:s26], $0x100  }
0x55: {  	[sflag:s26] =	ssyncset.done $0x0  }
0x56: {  	[sflag:s26] =	ssyncadd.s32 $0xFFFFFF00  }
0x57: {  	_ =	swait.ge [sflag:s28], $0x100  }
0x58: {  	[sflag:s28] =	ssyncset.done $0x0  }
0x59: {  	[sflag:s28] =	ssyncadd.s32 $0xFFFFFF00  }
0x5a: {  	_ =	swait.ge [sflag:s29], $0x1000  }
.Ltmp0:
0x5b: {  	[sflag:s29] =	ssyncset.done $0x0;
	(pc) =	sbr.rel @p0 .LBB2_2-.Ltmp0, $4  }
0x5c: {  	s13 =	sshll.u32 s13, $0x8;
	[sflag:s29] =	ssyncadd.s32 $0xFFFFF000  }
0x5d: {  	[tilespmem:s20], [sflag:$0x1] =	stream.indirect.gather [spmem:s2], $0x80, s12, s19, $0xb8;
	v63 =	vld [tilespmem:$0x0]  }
0x5e: {  	s7 =	sadd.s32 $0x20, s7;
	s5 =	sadd.s32 $0x20, s5;
	_ =	swait.ge [sflag:s30], $0x1000  }
0x5f: {  	s18 =	sxor.u32 $0x1DD80, s21;
	s12 =	smov.u32 s16;
	[sflag:s30] =	ssyncset.done $0x0  }
0x60: {  	s12 =	sand.u32 $0x100, s13;
	[sflag:s30] =	ssyncadd.s32 $0xFFFFF000  }
0x61: {  	[tilespmem:s22], [sflag:$0x2] =	stream.indirect.gather [spmem:s2], $0x80, s18, s19, $0xb8;
	v63 =	vld [tilespmem:$0x0]  }
0x62: {  	s13 =	sxor.u32 $0x1DD00, s12  }
0x63: {  	[tilespmem:s13], [sflag:$0x5] =	stream.linear.gather [hbm4b:s7+s4], $0x100, $0x38;
	v63 =	vld [tilespmem:$0x0]  }
0x64: {  	s16 =	sxor.u32 $0x1DF00, s12  }
0x65: {  	[tilespmem:s16], [sflag:$0x6] =	stream.linear.gather [hbm4b:s5+s4], $0x100, $0x38;
	v63 =	vld [tilespmem:$0x0]  }
0x66: {  	_ =	swait.ge [sflag:s24], $0x1000  }
0x67: {  	[sflag:s24] =	ssyncset.done $0x0  }
0x68: {  	s18 =	sor.u32 $0x1DE00, s12;
	[sflag:s24] =	ssyncadd.s32 $0xFFFFF000  }
0x69: {  	[spmem:s3] =	stream.indirect.scatter.add.f32 [tilespmem:s20], [sflag:$0x3], $0x80, s18, s19, $0xb8;
	v63 =	vld [tilespmem:$0x0]  }
0x6a: {  	_ =	swait.ge [sflag:s25], $0x1000  }
0x6b: {  	[sflag:s25] =	ssyncset.done $0x0  }
0x6c: {  	s21 =	sor.u32 $0x1DE80, s12;
	[sflag:s25] =	ssyncadd.s32 $0xFFFFF000  }
0x6d: {  	[spmem:s3] =	stream.indirect.scatter.add.f32 [tilespmem:s22], [sflag:$0x4], $0x80, s21, s19, $0xb8;
	v63 =	vld [tilespmem:$0x0]  }
0x6e: {  	_ =	swait.ge [sflag:s26], $0x100  }
0x6f: {  	[sflag:s26] =	ssyncset.done $0x0  }
0x70: {  	[sflag:s26] =	ssyncadd.s32 $0xFFFFFF00  }
0x71: {  	_ =	swait.ge [sflag:s28], $0x100  }
0x72: {  	[sflag:s28] =	ssyncset.done $0x0  }
0x73: {  	[sflag:s28] =	ssyncadd.s32 $0xFFFFFF00  }
0x74: {  	_ =	swait.ge [sflag:s29], $0x1000  }
0x75: {  	[sflag:s29] =	ssyncset.done $0x0  }
0x76: {  	[sflag:s29] =	ssyncadd.s32 $0xFFFFF000  }
0x77: {  	[tilespmem:s20], [sflag:$0x1] =	stream.indirect.gather [spmem:s2], $0x80, s13, s19, $0xb8;
	v63 =	vld [tilespmem:$0x0]  }
0x78: {  	_ =	swait.ge [sflag:s30], $0x1000  }
0x79: {  	[sflag:s30] =	ssyncset.done $0x0  }
0x7a: {  	s7 =	sxor.u32 $0x1DD80, s12;
	[sflag:s30] =	ssyncadd.s32 $0xFFFFF000  }
0x7b: {  	[tilespmem:s22], [sflag:$0x2] =	stream.indirect.gather [spmem:s2], $0x80, s7, s19, $0xb8;
	v63 =	vld [tilespmem:$0x0]  }
0x7c: {  	_ =	swait.ge [sflag:s24], $0x1000  }
0x7d: {  	[sflag:s24] =	ssyncset.done $0x0  }
0x7e: {  	[sflag:s24] =	ssyncadd.s32 $0xFFFFF000  }
0x7f: {  	[spmem:s3] =	stream.indirect.scatter.add.f32 [tilespmem:s20], [sflag:$0x3], $0x80, s31, s19, $0xb8;
	v63 =	vld [tilespmem:$0x0]  }
0x80: {  	_ =	swait.ge [sflag:s25], $0x1000  }
0x81: {  	[sflag:s25] =	ssyncset.done $0x0  }
0x82: {  	[sflag:s25] =	ssyncadd.s32 $0xFFFFF000  }
0x83: {  	[spmem:s3] =	stream.indirect.scatter.add.f32 [tilespmem:s22], [sflag:$0x4], $0x80, s1, s19, $0xb8;
	v63 =	vld [tilespmem:$0x0]  }
0x84: {  	_ =	swait.ge [sflag:s29], $0x1000  }
0x85: {  	[sflag:s29] =	ssyncset.done $0x0  }
0x86: {  	[sflag:s29] =	ssyncadd.s32 $0xFFFFF000  }
0x87: {  	_ =	swait.ge [sflag:s30], $0x1000  }
0x88: {  	[sflag:s30] =	ssyncset.done $0x0  }
0x89: {  	s12 =	simm.s32 $0x0;
	[sflag:s30] =	ssyncadd.s32 $0xFFFFF000  }
0x8a: {  	[tilespmem:s17], [sflag:$0x7] =	stream.linear.gather [hbm4b:s10+s12], $0x100, $0x38;
	v63 =	vld [tilespmem:$0x0]  }
0x8b: {  	_ =	swait.ge [sflag:s15], $0x100  }
0x8c: {  	[sflag:s15] =	ssyncset.done $0x0  }
0x8d: {  	s13 =	simm.s32 $0x1DE00;
	[sflag:s15] =	ssyncadd.s32 $0xFFFFFF00  }
0x8e: {  	[tilespmem:s13], [sflag:$0x7] =	stream.linear.gather [hbm4b:s11+s12], $0x100, $0x38;
	v63 =	vld [tilespmem:$0x0]  }
0x8f: {  	_ =	swait.ge [sflag:s15], $0x100  }
0x90: {  	[sflag:s15] =	ssyncset.done $0x0  }
0x91: {  	[sflag:s15] =	ssyncadd.s32 $0xFFFFFF00  }
0x92: {  	[tilespmem:s20], [sflag:$0x1] =	stream.indirect.gather [spmem:s2], $0x80, s17, s19, $0xb8;
	v63 =	vld [tilespmem:$0x0]  }
0x93: {  	s16 =	simm.s32 $0x1DC80;
	s18 =	simm.s32 $0x0  }
0x94: {  	[tilespmem:s22], [sflag:$0x2] =	stream.indirect.gather [spmem:s2], $0x80, s16, s19, $0xb8;
	v63 =	vld [tilespmem:$0x0]  }
0x95: {  	s16 =	sand.u32 $0x100, s18  }
0x96: {  	s5 =	sadd.s32 $0x20, s10;
	s7 =	sxor.u32 $0x1DD00, s16  }
0x97: {  	[tilespmem:s7], [sflag:$0x5] =	stream.linear.gather [hbm4b:s5+s4], $0x100, $0x38;
	v63 =	vld [tilespmem:$0x0]  }
0x98: {  	s13 =	sadd.s32 $0x20, s11;
	s21 =	sxor.u32 $0x1DF00, s16  }
0x99: {  	[tilespmem:s21], [sflag:$0x6] =	stream.linear.gather [hbm4b:s13+s4], $0x100, $0x38;
	v63 =	vld [tilespmem:$0x0]  }
0x9a: {  	_ =	swait.ge [sflag:s24], $0x1000  }
0x9b: {  	[sflag:s24] =	ssyncset.done $0x0  }
0x9c: {  	s18 =	sor.u32 $0x1DE00, s16;
	[sflag:s24] =	ssyncadd.s32 $0xFFFFF000  }
0x9d: {  	[spmem:s3] =	stream.indirect.scatter.add.f32 [tilespmem:s20], [sflag:$0x3], $0x80, s18, s19, $0xb8;
	v63 =	vld [tilespmem:$0x0]  }
0x9e: {  	_ =	swait.ge [sflag:s25], $0x1000  }
0x9f: {  	[sflag:s25] =	ssyncset.done $0x0  }
0xa0: {  	s21 =	sor.u32 $0x1DE80, s16;
	[sflag:s25] =	ssyncadd.s32 $0xFFFFF000  }
0xa1: {  	[spmem:s3] =	stream.indirect.scatter.add.f32 [tilespmem:s22], [sflag:$0x4], $0x80, s21, s19, $0xb8;
	v63 =	vld [tilespmem:$0x0]  }
0xa2: {  	_ =	swait.ge [sflag:s26], $0x100  }
0xa3: {  	[sflag:s26] =	ssyncset.done $0x0  }
0xa4: {  	[sflag:s26] =	ssyncadd.s32 $0xFFFFFF00  }
0xa5: {  	_ =	swait.ge [sflag:s28], $0x100  }
0xa6: {  	[sflag:s28] =	ssyncset.done $0x0  }
0xa7: {  	[sflag:s28] =	ssyncadd.s32 $0xFFFFFF00  }
0xa8: {  	_ =	swait.ge [sflag:s29], $0x1000  }
0xa9: {  	[sflag:s29] =	ssyncset.done $0x0  }
0xaa: {  	s12 =	simm.s32 $0x2;
	[sflag:s29] =	ssyncadd.s32 $0xFFFFF000  }
0xab: {  	[tilespmem:s20], [sflag:$0x1] =	stream.indirect.gather [spmem:s2], $0x80, s7, s19, $0xb8;
	v63 =	vld [tilespmem:$0x0]  }
0xac: {  	s18 =	sxor.u32 $0x1DD80, s16;
	s7 =	sadd.s32 $0x20, s5;
	_ =	swait.ge [sflag:s30], $0x1000  }
0xad: {  	s5 =	sadd.s32 $0x20, s13;
	s13 =	simm.s32 $0x100;
	[sflag:s30] =	ssyncset.done $0x0  }
.LBB2_4:
0xae: {  	s16 =	sand.u32 $0x100, s13  }
0xaf: {  	[sflag:s30] =	ssyncadd.s32 $0xFFFFF000;
	s13 =	smov.u32 s12;
	s21 =	sadd.s32 $0x1, s12  }
0xb0: {  	[tilespmem:s22], [sflag:$0x2] =	stream.indirect.gather [spmem:s2], $0x80, s18, s19, $0xb8;
	v63 =	vld [tilespmem:$0x0]  }
0xb1: {  	p0 =	sne.s32 s12, $0x9E;
	s12 =	sxor.u32 $0x1DD00, s16  }
0xb2: {  	[tilespmem:s12], [sflag:$0x5] =	stream.linear.gather [hbm4b:s7+s4], $0x100, $0x38;
	v63 =	vld [tilespmem:$0x0]  }
0xb3: {  	s18 =	sxor.u32 $0x1DF00, s16  }
0xb4: {  	[tilespmem:s18], [sflag:$0x6] =	stream.linear.gather [hbm4b:s5+s4], $0x100, $0x38;
	v63 =	vld [tilespmem:$0x0]  }
0xb5: {  	_ =	swait.ge [sflag:s24], $0x1000  }
0xb6: {  	[sflag:s24] =	ssyncset.done $0x0  }
0xb7: {  	s18 =	sor.u32 $0x1DE00, s16;
	[sflag:s24] =	ssyncadd.s32 $0xFFFFF000  }
0xb8: {  	[spmem:s3] =	stream.indirect.scatter.add.f32 [tilespmem:s20], [sflag:$0x3], $0x80, s18, s19, $0xb8;
	v63 =	vld [tilespmem:$0x0]  }
0xb9: {  	_ =	swait.ge [sflag:s25], $0x1000  }
0xba: {  	[sflag:s25] =	ssyncset.done $0x0  }
0xbb: {  	s18 =	sor.u32 $0x1DE80, s16;
	[sflag:s25] =	ssyncadd.s32 $0xFFFFF000  }
0xbc: {  	[spmem:s3] =	stream.indirect.scatter.add.f32 [tilespmem:s22], [sflag:$0x4], $0x80, s18, s19, $0xb8;
	v63 =	vld [tilespmem:$0x0]  }
0xbd: {  	_ =	swait.ge [sflag:s26], $0x100  }
0xbe: {  	[sflag:s26] =	ssyncset.done $0x0  }
0xbf: {  	[sflag:s26] =	ssyncadd.s32 $0xFFFFFF00  }
0xc0: {  	_ =	swait.ge [sflag:s28], $0x100  }
0xc1: {  	[sflag:s28] =	ssyncset.done $0x0  }
0xc2: {  	[sflag:s28] =	ssyncadd.s32 $0xFFFFFF00  }
0xc3: {  	_ =	swait.ge [sflag:s29], $0x1000  }
.Ltmp1:
0xc4: {  	[sflag:s29] =	ssyncset.done $0x0;
	(pc) =	sbr.rel @p0 .LBB2_4-.Ltmp1, $4  }
0xc5: {  	s13 =	sshll.u32 s13, $0x8;
	[sflag:s29] =	ssyncadd.s32 $0xFFFFF000  }
0xc6: {  	[tilespmem:s20], [sflag:$0x1] =	stream.indirect.gather [spmem:s2], $0x80, s12, s19, $0xb8;
	v63 =	vld [tilespmem:$0x0]  }
0xc7: {  	s7 =	sadd.s32 $0x20, s7;
	s5 =	sadd.s32 $0x20, s5;
	_ =	swait.ge [sflag:s30], $0x1000  }
0xc8: {  	s18 =	sxor.u32 $0x1DD80, s16;
	s12 =	smov.u32 s21;
	[sflag:s30] =	ssyncset.done $0x0  }
0xc9: {  	s12 =	sand.u32 $0x100, s13;
	[sflag:s30] =	ssyncadd.s32 $0xFFFFF000  }
0xca: {  	[tilespmem:s22], [sflag:$0x2] =	stream.indirect.gather [spmem:s2], $0x80, s18, s19, $0xb8;
	v63 =	vld [tilespmem:$0x0]  }
0xcb: {  	s13 =	sxor.u32 $0x1DD00, s12  }
0xcc: {  	[tilespmem:s13], [sflag:$0x5] =	stream.linear.gather [hbm4b:s7+s4], $0x100, $0x38;
	v63 =	vld [tilespmem:$0x0]  }
0xcd: {  	s18 =	sxor.u32 $0x1DF00, s12  }
0xce: {  	[tilespmem:s18], [sflag:$0x6] =	stream.linear.gather [hbm4b:s5+s4], $0x100, $0x38;
	v63 =	vld [tilespmem:$0x0]  }
0xcf: {  	_ =	swait.ge [sflag:s24], $0x1000  }
0xd0: {  	[sflag:s24] =	ssyncset.done $0x0  }
0xd1: {  	s21 =	sor.u32 $0x1DE00, s12;
	[sflag:s24] =	ssyncadd.s32 $0xFFFFF000  }
0xd2: {  	[spmem:s3] =	stream.indirect.scatter.add.f32 [tilespmem:s20], [sflag:$0x3], $0x80, s21, s19, $0xb8;
	v63 =	vld [tilespmem:$0x0]  }
0xd3: {  	_ =	swait.ge [sflag:s25], $0x1000  }
0xd4: {  	[sflag:s25] =	ssyncset.done $0x0  }
0xd5: {  	s7 =	sor.u32 $0x1DE80, s12;
	[sflag:s25] =	ssyncadd.s32 $0xFFFFF000  }
0xd6: {  	[spmem:s3] =	stream.indirect.scatter.add.f32 [tilespmem:s22], [sflag:$0x4], $0x80, s7, s19, $0xb8;
	v63 =	vld [tilespmem:$0x0]  }
0xd7: {  	_ =	swait.ge [sflag:s26], $0x100  }
0xd8: {  	[sflag:s26] =	ssyncset.done $0x0  }
0xd9: {  	[sflag:s26] =	ssyncadd.s32 $0xFFFFFF00  }
0xda: {  	_ =	swait.ge [sflag:s28], $0x100  }
0xdb: {  	[sflag:s28] =	ssyncset.done $0x0  }
0xdc: {  	[sflag:s28] =	ssyncadd.s32 $0xFFFFFF00  }
0xdd: {  	_ =	swait.ge [sflag:s29], $0x1000  }
0xde: {  	[sflag:s29] =	ssyncset.done $0x0  }
0xdf: {  	[sflag:s29] =	ssyncadd.s32 $0xFFFFF000  }
0xe0: {  	[tilespmem:s20], [sflag:$0x1] =	stream.indirect.gather [spmem:s2], $0x80, s13, s19, $0xb8;
	v63 =	vld [tilespmem:$0x0]  }
0xe1: {  	_ =	swait.ge [sflag:s30], $0x1000  }
0xe2: {  	[sflag:s30] =	ssyncset.done $0x0  }
0xe3: {  	s16 =	sxor.u32 $0x1DD80, s12;
	[sflag:s30] =	ssyncadd.s32 $0xFFFFF000  }
0xe4: {  	[tilespmem:s22], [sflag:$0x2] =	stream.indirect.gather [spmem:s2], $0x80, s16, s19, $0xb8;
	v63 =	vld [tilespmem:$0x0]  }
0xe5: {  	_ =	swait.ge [sflag:s24], $0x1000  }
0xe6: {  	[sflag:s24] =	ssyncset.done $0x0  }
0xe7: {  	[sflag:s24] =	ssyncadd.s32 $0xFFFFF000  }
0xe8: {  	[spmem:s3] =	stream.indirect.scatter.add.f32 [tilespmem:s20], [sflag:$0x3], $0x80, s31, s19, $0xb8;
	v63 =	vld [tilespmem:$0x0]  }
0xe9: {  	_ =	swait.ge [sflag:s25], $0x1000  }
0xea: {  	[sflag:s25] =	ssyncset.done $0x0  }
0xeb: {  	[sflag:s25] =	ssyncadd.s32 $0xFFFFF000  }
0xec: {  	[spmem:s3] =	stream.indirect.scatter.add.f32 [tilespmem:s22], [sflag:$0x4], $0x80, s1, s19, $0xb8;
	v63 =	vld [tilespmem:$0x0]  }
0xed: {  	_ =	swait.ge [sflag:s29], $0x1000  }
0xee: {  	[sflag:s29] =	ssyncset.done $0x0  }
0xef: {  	[sflag:s29] =	ssyncadd.s32 $0xFFFFF000  }
0xf0: {  	_ =	swait.ge [sflag:s30], $0x1000  }
0xf1: {  	[sflag:s30] =	ssyncset.done $0x0  }
0xf2: {  	[sflag:s30] =	ssyncadd.s32 $0xFFFFF000  }
0xf3: {  	[bflag:$0x0] =	sbarrier.arrive $0xFFFF  }
0xf4: {  	s18 =	rddreg [dreg:$0x6]  }
0xf5: {  	[hbm:s18], [sflag:s6] =	dma.local [spmem:s14], $0x2780  }
0xf6: {  	_ =	swait.ge [sflag:s15], $0x2780  }
0xf7: {  	s0 =	sadd.s32 $0x1, s0;
	s21 =	rddreg [dreg:$0x7]  }
0xf8: {  	p0 =	sne.s32 s0, s21  }
.Ltmp2:
0xf9: {  	_ = 	snop;
	(pc) =	sbr.rel @p0 .LBB2_1-.Ltmp2, $3  }
0xfa: {  	_ =	sdelay $0x1  }
0xfb: {  	[sflag:s15] =	ssyncset.done $0x0  }
0xfc: {  	[sflag:s15] =	ssyncadd.s32 $0xFFFFD880  }
0xfd: {  	_ =	sfence.sel $0x180000  }
0xfe: {  	[bflag:$0x0] =	sbarrier.arrive $0xFFFF  }
0xff: {  	_ =	strace $0x9000004D  }
0x100: {  	s0 =	stileid.u32;
	[bflag:$0x2] =	sbarrier.arrive $0xFFFF  }
0x101: {  	p0 =	sne.s32 s0, $0x0;
	s0 =	rddreg [dreg:$0x3]  }
0x102: {  	s0 =	sadd.s32 @!p0 $0x100000, s0  }
0x103: {  	[sflag:s0] =	ssyncadd.tile.s32 @!p0 $0x1;
	_ =	shalt  }
.Lfunc_end2:
_tile_overlayer_lowered:
.L_overlay_start_2:
0x104: {  	(tag) =	ssettag $0x2  }
0x105: {  	s0 =	rddreg [dreg:$0x0];
	s2 =	stileid.u32  }
0x106: {  	s1 =	rddreg [dreg:$0x1];
	p0 =	sne.s32 s2, $0x0  }
0x107: {  	s3 =	rddreg [dreg:$0x2];
	[bflag:$0x3] =	sbarrier.arrive $0xFFFF;
	s2 =	simm.s32 @!p0 $0x1C07  }
0x108: {  	[timem:s3], [sflag:s2] =	dma.local @!p0 [hbm:s0], s1  }
0x109: {  	s0 =	simm.s32 @!p0 $0x7  }
0x10a: {  	_ =	swait.ge @!p0 [sflag:s0], s1  }
0x10b: {  	s1 =	ssub.s32 @!p0 $0x0, s1;
	[sflag:s0] =	ssyncset.done @!p0 $0x0  }
0x10c: {  	[sflag:s0] =	ssyncadd.s32 @!p0 s1  }
0x10d: {  	[bflag:$0x3] =	sbarrier.arrive $0xFFFF  }
0x10e: {  	_ =	shalt  }

// kernel: kernel.8.cloned.1.call-start
scs
__scs_entry_jumppad:
0x0: {  	(pc) =	sbr.rel $0x88, $3  }
0x1: {  	(tag) =	ssettag $0x0;
	lr =	simm.s32 $0x1  }
0x2: {  	[smem:$0x3F9B] =	sst lr;
	_ =	strace $0xD0000000  }
0x3: {  	_ = 	snop  }
0x4: {  	_ = 	snop  }
0x5: {  	_ = 	snop  }
0x6: {  	_ = 	snop  }
0x7: {  	_ = 	snop  }
__scs_overlays_trampoline_lowered:
0x8: {  	[smem:$0x3FAA] =	sst s0  }
0x9: {  	[smem:$0x3FAB] =	sst s1  }
0xa: {  	[smem:$0x3FAC] =	sst s2  }
0xb: {  	[smem:$0x3FAD] =	sst s3  }
0xc: {  	[smem:$0x3FAE] =	sst s4  }
0xd: {  	[smem:$0x3FAF] =	sst s5  }
0xe: {  	[smem:$0x3FB0] =	sst s6  }
0xf: {  	[smem:$0x3FB1] =	sst s7  }
0x10: {  	[smem:$0x3FB2] =	sst s8  }
0x11: {  	[smem:$0x3FB3] =	sst s9;
	s0 =	simm.s32 @!p0 $0x0  }
0x12: {  	s1 =	sld [smem:$0x3F99];
	s0 =	simm.s32 @p0 $0x1  }
0x13: {  	[smem:$0x3FB4] =	sst s0;
	s0 =	simm.s32 @!p1 $0x0  }
0x14: {  	s2 =	sld [smem:$0x3F98];
	s0 =	simm.s32 @p1 $0x1  }
0x15: {  	[smem:$0x3FB5] =	sst s0;
	s0 =	simm.s32 @!p2 $0x0  }
0x16: {  	s3 =	sld [smem:$0x3FDB];
	s0 =	simm.s32 @p2 $0x1  }
0x17: {  	s4 =	simm.s32 $0x1BF5;
	[smem:$0x3FB7] =	sst s0  }
0x18: {  	s0 =	sld [smem:$0x3F9A];
	_ =	swait.ge [sflag:s4], $0x0  }
0x19: {  	s7 =	sld [smem:$0x3F9B]  }
0x1a: {  	s8 =	sadd.s32 $0xFFFFE003, lr  }
0x1b: {  	s9 =	sadd.s32 $0xFFFFFEF7, lr;
	s5 =	simm.s32 $0xFFFFFFFF;
	p2 =	slt.u32 s8, $0xFFFFF086  }
0x1c: {  	p1 =	slt.u32 s9, $0xF7A;
	s5 =	simm.s32 @!p2 $0x0  }
0x1d: {  	s5 =	simm.s32 @p1 $0x1;
	p0 =	seq.s32 s7, s2  }
0x1e: {  	s7 =	smul.u32 @!p0 $0xF7A, s2;
	p2 =	seq.s32 @!p0 s5, $0x0  }
0x1f: {  	s9 =	smul.u32 $0xF7A, s1;
	s8 =	simm.s32 @!p0 $0x1BF5;
	p2 =	por !p2, p0  }
0x20: {  	[sflag:s8] =	ssyncset.s32 @!p0 $0xFFFFF086;
	s6 =	sadd.s32 @!p0 s3, s7;
	s7 =	simm.s32 @!p0 $0x108  }
0x21: {  	s3 =	sadd.s32 s3, s9;
	s6 =	sadd.s32 @!p0 $0x88, s6;
	s7 =	simm.s32 @p2 $0x1082  }
0x22: {  	[simem:s7], [sflag:s8] =	dma.local @!p0 [hbm:s6], $0xF7A  }
0x23: {  	s9 =	sor.u32 $0xD0000000, s2;
	s6 =	simm.s32 $0x108;
	_ =	swait.ge @!p0 [sflag:s8], $0x0  }
0x24: {  	s3 =	sadd.s32 $0x88, s3;
	s6 =	simm.s32 @!p1 $0x1082;
	[sflag:s4] =	ssyncset.s32 $0xFFFFF086  }
0x25: {  	[simem:s6], [sflag:s4] =	dma.local [hbm:s3], $0xF7A  }
0x26: {  	[smem:$0x3F9B] =	sst s1;
	(tag) =	ssettag s2;
	_ =	strace s9  }
0x27: {  	s1 =	sld [smem:$0x3FAB]  }
0x28: {  	s2 =	sld [smem:$0x3FAC]  }
0x29: {  	s4 =	sld [smem:$0x3FAE]  }
0x2a: {  	p0 =	seq.s32 s5, $0x0;
	s5 =	sld [smem:$0x3FAF]  }
0x2b: {  	s6 =	sld [smem:$0x3FB0]  }
0x2c: {  	s7 =	sld [smem:$0x3FB1]  }
0x2d: {  	s3 =	simm.s32 $0x108;
	s8 =	sld [smem:$0x3FB2]  }
0x2e: {  	s3 =	simm.s32 @!p0 $0x1082;
	s9 =	sld [smem:$0x3FB3]  }
0x2f: {  	lr =	sadd.s32 s0, s3;
	s0 =	sld [smem:$0x3FAA]  }
0x30: {  	s3 =	sld [smem:$0x3FAD]  }
0x31: {  	[smem:$0x3FB6] =	sst s10  }
0x32: {  	s10 =	sld [smem:$0x3FB4];
	_ =	sdelay $0x3  }
0x33: {  	p0 =	seq.s32 s10, $0x1;
	s10 =	sld [smem:$0x3FB6];
	_ =	sdelay $0x3  }
0x34: {  	[smem:$0x3FB6] =	sst s10  }
0x35: {  	s10 =	sld [smem:$0x3FB5];
	_ =	sdelay $0x3  }
0x36: {  	p1 =	seq.s32 s10, $0x1;
	s10 =	sld [smem:$0x3FB6];
	_ =	sdelay $0x3  }
0x37: {  	[smem:$0x3FB6] =	sst s10  }
0x38: {  	s10 =	sld [smem:$0x3FB7]  }
0x39: {  	_ = 	snop;
	(pc) =	sbr.ind lr, $3  }
0x3a: {  	_ = 	snop  }
0x3b: {  	_ = 	snop  }
0x3c: {  	p2 =	seq.s32 s10, $0x1;
	s10 =	sld [smem:$0x3FB6]  }
0x3d: {  	_ =	shalt  }
0x3e: {  	_ =	shalt  }
0x3f: {  	_ =	shalt  }
0x40: {  	_ =	shalt  }
0x41: {  	_ =	shalt  }
0x42: {  	_ =	shalt  }
0x43: {  	_ =	shalt  }
0x44: {  	_ =	shalt  }
0x45: {  	_ =	shalt  }
0x46: {  	_ =	shalt  }
0x47: {  	_ =	shalt  }
0x48: {  	_ =	shalt  }
0x49: {  	_ =	shalt  }
0x4a: {  	_ =	shalt  }
0x4b: {  	_ =	shalt  }
0x4c: {  	_ =	shalt  }
0x4d: {  	_ =	shalt  }
0x4e: {  	_ =	shalt  }
0x4f: {  	_ =	shalt  }
0x50: {  	_ =	shalt  }
0x51: {  	_ =	shalt  }
0x52: {  	_ =	shalt  }
0x53: {  	_ =	shalt  }
0x54: {  	_ =	shalt  }
0x55: {  	_ =	shalt  }
0x56: {  	_ =	shalt  }
0x57: {  	_ =	shalt  }
0x58: {  	_ =	shalt  }
0x59: {  	_ =	shalt  }
0x5a: {  	_ =	shalt  }
0x5b: {  	_ =	shalt  }
0x5c: {  	_ =	shalt  }
0x5d: {  	_ =	shalt  }
0x5e: {  	_ =	shalt  }
0x5f: {  	_ =	shalt  }
0x60: {  	_ =	shalt  }
0x61: {  	_ =	shalt  }
0x62: {  	_ =	shalt  }
0x63: {  	_ =	shalt  }
0x64: {  	_ =	shalt  }
0x65: {  	_ =	shalt  }
0x66: {  	_ =	shalt  }
0x67: {  	_ =	shalt  }
0x68: {  	_ =	shalt  }
0x69: {  	_ =	shalt  }
0x6a: {  	_ =	shalt  }
0x6b: {  	_ =	shalt  }
0x6c: {  	_ =	shalt  }
0x6d: {  	_ =	shalt  }
0x6e: {  	_ =	shalt  }
0x6f: {  	_ =	shalt  }
0x70: {  	_ =	shalt  }
0x71: {  	_ =	shalt  }
0x72: {  	_ =	shalt  }
0x73: {  	_ =	shalt  }
0x74: {  	_ =	shalt  }
0x75: {  	_ =	shalt  }
0x76: {  	_ =	shalt  }
0x77: {  	_ =	shalt  }
0x78: {  	_ =	shalt  }
0x79: {  	_ =	shalt  }
0x7a: {  	_ =	shalt  }
0x7b: {  	_ =	shalt  }
0x7c: {  	_ =	shalt  }
0x7d: {  	_ =	shalt  }
0x7e: {  	_ =	shalt  }
0x7f: {  	_ =	shalt  }
0x80: {  	_ =	shalt  }
0x81: {  	_ =	shalt  }
0x82: {  	_ =	shalt  }
0x83: {  	_ =	shalt  }
0x84: {  	_ =	shalt  }
0x85: {  	_ =	shalt  }
0x86: {  	_ =	shalt  }
0x87: {  	_ =	shalt  }
.Lfunc_end0:
.L_simem_size_0:
called_computation_lowered:
.L_overlay_start_0:
0x88: {  	s2 =	sld [smem:$0x3FD9]  }
0x89: {  	s3 =	sld [smem:$0x3FFE];
	_ =	sdelay $0x1  }
0x8a: {  	s1 =	srdreg.scid  }
0x8b: {  	s0 =	sand.u32 $0x1, s1  }
0x8c: {  	s17 =	sshll.u32 s0, $0xA;
	s2 =	sadd.s32 s3, s2  }
0x8d: {  	s2 =	sadd.s32 s2, s17  }
0x8e: {  	[smem:$0x3FC2] =	sst s2  }
0x8f: {  	_ = 	snop  }
0x90: {  	s2 =	sld [smem:$0x3FD0];
	(tm) =	ssettm $0x1  }
0x91: {  	s18 =	sld [smem:$0x3FFB];
	_ =	sdelay $0x3  }
0x92: {  	_ =	strace s18  }
0x93: {  	s3 =	sld [smem:$0x3FFC];
	_ =	sdelay $0x3  }
0x94: {  	_ =	strace s3  }
0x95: {  	s3 =	sld [smem:$0x3FFD];
	_ =	sdelay $0x3  }
0x96: {  	_ =	strace s3  }
0x97: {  	_ =	strace $0x8FFFFFFF  }
0x98: {  	s19 =	sld [smem:$0x3FDB];
	_ =	sdelay $0x1  }
0x99: {  	s4 =	simm.s32 $_scs_section_size  }
0x9a: {  	s5 =	simm.s32 $_size__tile_overlayer_lowered;
	s6 =	simm.s32 $_tile_overlayer_lowered  }
0x9b: {  	s22 =	simm.s32 $0x1BFF;
	s21 =	sshll.u32 s6, $0x1;
	s3 =	sadd.s32 s4, s19  }
0x9c: {  	s7 =	simm.s32 $0x0;
	s20 =	sshll.u32 s5, $0x1;
	s5 =	sadd.s32 s21, s3  }
0x9d: {  	[timem:s7], [sflag:s22] =	dma.local [hbm:s5], s20  }
0x9e: {  	_ =	swait.ge [sflag:s22], s20  }
0x9f: {  	s4 =	ssub.s32 $0x0, s20;
	[sflag:s22] =	ssyncset.done $0x0  }
0xa0: {  	[sflag:s22] =	ssyncadd.s32 s4;
	_ =	sdelay $0x1  }
0xa1: {  	s23 =	simm.s32 $0x1B8B  }
0xa2: {  	_ =	swait.ge [sflag:s23], $0x1  }
0xa3: {  	[sflag:s23] =	ssyncset.done $0x0  }
0xa4: {  	s25 =	simm.s32 $0x1B8E;
	s24 =	sld [smem:$0x3FFE];
	[sflag:s23] =	ssyncadd.s32 $0xFFFFFFFF  }
0xa5: {  	s26 =	simm.s32 $execute0_lowered;
	[smem:$0x3FD2] =	sst s25  }
0xa6: {  	s5 =	sshll.u32 s26, $0x1;
	_ =	strace $0x80000046;
	[dreg:$0x1] =	wrdreg $0xFFFFFFFF  }
0xa7: {  	s28 =	simm.s32 $_size_execute0_lowered;
	s3 =	sadd.s32 s3, s5;
	[dreg:$0x0] =	wrdreg $0x0  }
0xa8: {  	s5 =	sshll.u32 s28, $0x1;
	[dreg:$0x2] =	wrdreg s3  }
0xa9: {  	[dreg:$0x3] =	wrdreg s5  }
0xaa: {  	[dreg:$0x4] =	wrdreg $0xC0  }
0xab: {  	_ =	task [dreg:s7], $0x5FFFF  }
0xac: {  	[dreg:$0x1] =	wrdreg $0xFFFFFFFF  }
0xad: {  	[dreg:$0x0] =	wrdreg $0x60  }
0xae: {  	[dreg:$0x2] =	wrdreg s2  }
0xaf: {  	[dreg:$0x3] =	wrdreg s24  }
0xb0: {  	[dreg:$0x4] =	wrdreg $0x0  }
0xb1: {  	[dreg:$0x5] =	wrdreg $0x9  }
0xb2: {  	_ =	task.clear_ibuf [dreg:s7], $0x6FFFF;
	_ =	strace $0x90000046  }
0xb3: {  	s29 =	simm.s32 $0x9;
	_ =	strace $0x80000048  }
0xb4: {  	_ =	swait.ge [sflag:s29], $0x1  }
0xb5: {  	[sflag:s29] =	ssyncadd.s32 $0xFFFFFFFF  }
0xb6: {  	_ =	strace $0x90000048  }
0xb7: {  	_ =	sfence  }
0xb8: {  	s30 =	sld [smem:$0x0];
	_ =	sdelay $0x2  }
0xb9: {  	s31 =	sshll.u32 s1, $0xD;
	s1 =	sshrl.u32 s1, $0x2  }
0xba: {  	s3 =	sand.u32 $0x4000, s31;
	s1 =	sadd.s32 s1, s30  }
0xbb: {  	s0 =	sor.u32 s3, s0;
	s1 =	sshll.u32 s1, $0x11  }
0xbc: {  	s0 =	sor.u32 s1, s0  }
0xbd: {  	s0 =	sadd.s32 $0x8F2B, s0  }
0xbe: {  	[sflag:s0] =	ssyncadd.remote.s32 $0x1  }
0xbf: {  	_ =	sfence.sel $0xFFFF  }
0xc0: {  	[dreg:$0x0] =	wrdreg $0xFFFFFFFF;
	(pc) =	sbr.abs _section_cstart, $3  }
0xc1: {  	[dreg:$0x1] =	wrdreg $0xFFFFFFFF  }
0xc2: {  	_ =	task.clear_ibuf [dreg:s7], $0x2FFFF;
	_ =	strace $0x9FFFFFFF  }
0xc3: {  	(tm) =	ssettm $0x7FFFFFFF  }
tec
execute0_lowered:
.L_overlay_start_1:
0x0: {  	(tag) =	ssettag $0x1  }
0x1: {  	s0 =	rddreg [dreg:$0x0]  }
0x2: {  	s1 =	rddreg [dreg:$0x1]  }
0x3: {  	s2 =	rddreg [dreg:$0x2];
	s11 =	stileid.u32  }
0x4: {  	s3 =	simm.s32 $0x0;
	s6 =	srdreg.scid;
	s18 =	simm.s32 $0x280  }
0x5: {  	s21 =	simm.s32 $0x40;
	s28 =	simm.s32 $0x2;
	s29 =	simm.s32 $0x3  }
0x6: {  	s30 =	simm.s32 $0x4;
	s20 =	simm.s32 $0x1E300;
	s4 =	smul.u32 $0x280, s11  }
0x7: {  	[smem:$0x7FF] =	sst s3;
	s14 =	sadd.s32 $0x2200, s1;
	s6 =	sand.u32 $0x1, s6  }
0x8: {  	s15 =	sadd.s32 $0x3E800, s1;
	s16 =	sadd.s32 $0x3EE00, s1;
	s17 =	smul.u32 $0x1400, s11  }
0x9: {  	s24 =	sshll.u32 s11, $0x6;
	_ =	strace $0x80000047;
	s8 =	ssub.s32 $0x2, s6  }
0xa: {  	s10 =	sshll.u32 s6, $0x4;
	p0 =	seq.s32 s6, $0x0;
	s5 =	sshrl.u32 s4, $0x3  }
0xb: {  	s9 =	sshrl.u32 s8, $0x1;
	s22 =	sor.u32 s11, s10;
	s4 =	sadd.s32 s4, s2  }
0xc: {  	s16 =	smov.u32 @p0 s15;
	s7 =	sadd.s32 s5, s1;
	s23 =	smul.u32 $0xA00, s22  }
0xd: {  	s1 =	sadd.s32 $0x16800, s1;
	s13 =	ssub.s32 s8, s9;
	s10 =	smul.u32 $0x5000, s22  }
0xe: {  	s25 =	sor.u32 $0x20, s22;
	s15 =	sadd.s32 s16, s5;
	s16 =	sshrl.u32 s4, $0x3  }
0xf: {  	s22 =	simm.s32 $0x1E280;
	s7 =	sadd.s32 $0x16200, s7;
	s26 =	smul.u32 $0x5000, s25  }
0x10: {  	s11 =	smul.u32 $0xA00, s25;
	s13 =	smax.u32 s13, $0x1;
	[dreg:$0x4] =	wrdreg s7  }
0x11: {  	s7 =	sor.u32 $0x1C05, s24;
	s31 =	sadd.s32 s0, s23;
	s8 =	sadd.s32 s14, s23  }
0x12: {  	s10 =	sshrl.u32 s10, $0x3;
	s9 =	sadd.s32 s1, s23;
	[dreg:$0x5] =	wrdreg s7  }
0x13: {  	s14 =	smov.u32 @p0 s0;
	s23 =	simm.s32 $0x0;
	[dreg:$0x6] =	wrdreg s31  }
0x14: {  	s10 =	sadd.s32 s1, s10;
	s6 =	sshrl.u32 s26, $0x3;
	s11 =	sadd.s32 s1, s11  }
0x15: {  	s14 =	sadd.s32 s14, s17;
	s17 =	simm.s32 $0x5;
	s6 =	sadd.s32 s1, s6  }
0x16: {  	v0 =	vimm.f32 $1.000000000e+00;
	v1 =	vlaneseq.u32;
	s26 =	simm.s32 $0x1;
	s10 =	sadd.s32 $0x500, s10;
	s12 =	sadd.s32 $0x500, s6  }
.LBB2_1:
0x17: {  	s0 =	rddreg [dreg:$0x4]  }
0x18: {  	s1 =	rddreg [dreg:$0x5]  }
0x19: {  	[spmem:s16], [sflag:s1] =	dma.local [hbm:s0], $0x50  }
0x1a: {  	_ =	swait.ge [sflag:s17], $0x50  }
0x1b: {  	[sflag:s17] =	ssyncset.done $0x0  }
0x1c: {  	[sflag:s17] =	ssyncadd.s32 $0xFFFFFFB0  }
0x1d: {  	[tilespmem:$0x1E280] =	vst v0  }
0x1e: {  	[tilespmem:$0x1E290] =	vst v0  }
0x1f: {  	[tilespmem:$0x1E2A0] =	vst v0  }
0x20: {  	[tilespmem:$0x1E2B0] =	vst v0  }
0x21: {  	[tilespmem:s18], [sflag:$0x5] =	stream.linear.gather [hbm4b:s14+s3], $0xA000, $0x38;
	[tilespmem:$0x1E580] =	vst v63  }
0x22: {  	_ =	swait.ge [sflag:s17], $0xA000  }
0x23: {  	[sflag:s17] =	ssyncset.done $0x0  }
0x24: {  	s31 =	simm.s32 $0xA280;
	s25 =	rddreg [dreg:$0x6];
	[sflag:s17] =	ssyncadd.s32 $0xFFFF6000  }
0x25: {  	[tilespmem:s31], [sflag:$0x5] =	stream.linear.gather [hbm4b:s25+s3], $0x5000, $0x38;
	[tilespmem:$0x1E580] =	vst v63  }
0x26: {  	_ =	swait.ge [sflag:s17], $0x5000  }
0x27: {  	[sflag:s17] =	ssyncset.done $0x0  }
0x28: {  	s5 =	simm.s32 $0xF280;
	[sflag:s17] =	ssyncadd.s32 $0xFFFFB000  }
0x29: {  	[tilespmem:s5], [sflag:$0x5] =	stream.linear.gather [hbm4b:s8+s3], $0x5000, $0x38;
	[tilespmem:$0x1E580] =	vst v63  }
0x2a: {  	_ =	swait.ge [sflag:s17], $0x5000  }
0x2b: {  	[sflag:s17] =	ssyncset.done $0x0  }
0x2c: {  	[sflag:s17] =	ssyncadd.s32 $0xFFFFB000  }
0x2d: {  	[bflag:$0x0] =	sbarrier.arrive $0xFFFF  }
0x2e: {  	[spmem:s2] =	stream.indirect.scatter.add.f32 [tilespmem:s22], [sflag:$0x1], $0x1, s18, s21, $0xb8;
	[tilespmem:$0x1E580] =	vst v63  }
0x2f: {  	s6 =	simm.s32 $0x300  }
0x30: {  	[spmem:s2] =	stream.indirect.scatter.add.f32 [tilespmem:s22], [sflag:$0x2], $0x1, s6, s21, $0xb8;
	[tilespmem:$0x1E580] =	vst v63  }
0x31: {  	s7 =	simm.s32 $0x380  }
0x32: {  	[spmem:s2] =	stream.indirect.scatter.add.f32 [tilespmem:s22], [sflag:$0x3], $0x1, s7, s21, $0xb8;
	[tilespmem:$0x1E580] =	vst v63  }
0x33: {  	s19 =	simm.s32 $0x400  }
0x34: {  	[spmem:s2] =	stream.indirect.scatter.add.f32 [tilespmem:s22], [sflag:$0x4], $0x1, s19, s21, $0xb8;
	[tilespmem:$0x1E580] =	vst v63  }
0x35: {  	_ =	swait.ge [sflag:s26], $0x40  }
0x36: {  	[sflag:s26] =	ssyncset.done $0x0  }
0x37: {  	s24 =	simm.s32 $0x480;
	[sflag:s26] =	ssyncadd.s32 $0xFFFFFFC0  }
0x38: {  	[spmem:s2] =	stream.indirect.scatter.add.f32 [tilespmem:s22], [sflag:$0x1], $0x1, s24, s21, $0xb8;
	[tilespmem:$0x1E580] =	vst v63  }
0x39: {  	_ =	swait.ge [sflag:s28], $0x40  }
0x3a: {  	[sflag:s28] =	ssyncset.done $0x0  }
0x3b: {  	s25 =	simm.s32 $0x500;
	[sflag:s28] =	ssyncadd.s32 $0xFFFFFFC0  }
0x3c: {  	[spmem:s2] =	stream.indirect.scatter.add.f32 [tilespmem:s22], [sflag:$0x2], $0x1, s25, s21, $0xb8;
	[tilespmem:$0x1E580] =	vst v63  }
0x3d: {  	_ =	swait.ge [sflag:s29], $0x40  }
0x3e: {  	[sflag:s29] =	ssyncset.done $0x0  }
0x3f: {  	s31 =	simm.s32 $0x580;
	[sflag:s29] =	ssyncadd.s32 $0xFFFFFFC0  }
0x40: {  	[spmem:s2] =	stream.indirect.scatter.add.f32 [tilespmem:s22], [sflag:$0x3], $0x1, s31, s21, $0xb8;
	[tilespmem:$0x1E580] =	vst v63  }
0x41: {  	_ =	swait.ge [sflag:s30], $0x40  }
0x42: {  	[sflag:s30] =	ssyncset.done $0x0  }
0x43: {  	s0 =	simm.s32 $0xFFFD9000;
	s1 =	simm.s32 $0x600;
	[sflag:s30] =	ssyncadd.s32 $0xFFFFFFC0  }
.LBB2_2:
0x44: {  	[spmem:s2] =	stream.indirect.scatter.add.f32 [tilespmem:s22], [sflag:$0x4], $0x1, s1, s21, $0xb8;
	[tilespmem:$0x1E580] =	vst v63  }
0x45: {  	s1 =	smov.u32 s0  }
0x46: {  	p0 =	sne.s32 s0, $0xFFFFF800;
	s0 =	sadd.s32 $0x800, s0;
	_ =	swait.ge [sflag:s26], $0x40  }
0x47: {  	s1 =	sshra.s32 s1, $0x2;
	[sflag:s26] =	ssyncset.done $0x0  }
0x48: {  	s5 =	sadd.s32 $0xA280, s1;
	[sflag:s26] =	ssyncadd.s32 $0xFFFFFFC0  }
0x49: {  	[spmem:s2] =	stream.indirect.scatter.add.f32 [tilespmem:s22], [sflag:$0x1], $0x1, s5, s21, $0xb8;
	[tilespmem:$0x1E580] =	vst v63  }
0x4a: {  	_ =	swait.ge [sflag:s28], $0x40  }
0x4b: {  	[sflag:s28] =	ssyncset.done $0x0  }
0x4c: {  	s5 =	sadd.s32 $0xA300, s1;
	[sflag:s28] =	ssyncadd.s32 $0xFFFFFFC0  }
0x4d: {  	[spmem:s2] =	stream.indirect.scatter.add.f32 [tilespmem:s22], [sflag:$0x2], $0x1, s5, s21, $0xb8;
	[tilespmem:$0x1E580] =	vst v63  }
0x4e: {  	_ =	swait.ge [sflag:s29], $0x40  }
0x4f: {  	[sflag:s29] =	ssyncset.done $0x0  }
.Ltmp0:
0x50: {  	s5 =	sadd.s32 $0xA380, s1;
	[sflag:s29] =	ssyncadd.s32 $0xFFFFFFC0;
	(pc) =	sbr.rel @p0 .LBB2_2-.Ltmp0, $4  }
0x51: {  	[spmem:s2] =	stream.indirect.scatter.add.f32 [tilespmem:s22], [sflag:$0x3], $0x1, s5, s21, $0xb8;
	[tilespmem:$0x1E580] =	vst v63  }
0x52: {  	_ =	swait.ge [sflag:s30], $0x40  }
0x53: {  	[sflag:s30] =	ssyncset.done $0x0  }
0x54: {  	s1 =	sadd.s32 $0xA400, s1;
	[sflag:s30] =	ssyncadd.s32 $0xFFFFFFC0  }
0x55: {  	[spmem:s2] =	stream.indirect.scatter.add.f32 [tilespmem:s22], [sflag:$0x4], $0x1, s1, s21, $0xb8;
	[tilespmem:$0x1E580] =	vst v63  }
0x56: {  	_ =	swait.ge [sflag:s26], $0x40  }
0x57: {  	[sflag:s26] =	ssyncset.done $0x0  }
0x58: {  	[sflag:s26] =	ssyncadd.s32 $0xFFFFFFC0  }
0x59: {  	_ =	swait.ge [sflag:s28], $0x40  }
0x5a: {  	[sflag:s28] =	ssyncset.done $0x0  }
0x5b: {  	[sflag:s28] =	ssyncadd.s32 $0xFFFFFFC0  }
0x5c: {  	_ =	swait.ge [sflag:s29], $0x40  }
0x5d: {  	[sflag:s29] =	ssyncset.done $0x0  }
0x5e: {  	[sflag:s29] =	ssyncadd.s32 $0xFFFFFFC0  }
0x5f: {  	_ =	swait.ge [sflag:s30], $0x40  }
0x60: {  	[sflag:s30] =	ssyncset.done $0x0  }
0x61: {  	s19 =	simm.s32 $0xA2A0;
	[sflag:s30] =	ssyncadd.s32 $0xFFFFFFC0  }
0x62: {  	v2 =	vld [tilespmem:s19+$0xFFFFFFE0]  }
0x63: {  	s5 =	simm.s32 $0xF2A0  }
0x64: {  	v3 =	vld [tilespmem:s5+$0xFFFFFFE0]  }
0x65: {  	s0 =	simm.s32 $0x0  }
0x66: {  	v4 =	vor.u32 s0, v1  }
0x67: {  	v5 =	vand.u32 $0x3F, v4;
	vm0 =	vlt.s32 v2, $0x1400  }
0x68: {  	s24 =	simm.s32 $0x142A0;
	v5 =	vadd.s32 $0x2710, v5;
	v6 =	vsel vm0, v2, v4  }
0x69: {  	s25 =	simm.s32 $0x192A0;
	v2 =	vadd.s32 $0xFFFFEC00, v2;
	v57 =	vsel vm0, v3, v5;
	[tilespmem:s24+$0xFFFFFFE0] =	vst v6  }
0x6a: {  	s31 =	simm.s32 $0x16AA0;
	v2 =	vsel vm0, v4, v2;
	[tilespmem:s25+$0xFFFFFFE0] =	vst v57  }
0x6b: {  	s0 =	simm.s32 $0x1BAA0;
	v3 =	vsel vm0, v5, v3;
	[tilespmem:s31+$0xFFFFFFE0] =	vst v2  }
0x6c: {  	[tilespmem:s0+$0xFFFFFFE0] =	vst v3  }
0x6d: {  	v2 =	vld [tilespmem:s19+$0xFFFFFFF0];
	_ =	sdelay $0x1  }
0x6e: {  	v3 =	vld [tilespmem:s5+$0xFFFFFFF0];
	_ =	sdelay $0x2  }
0x6f: {  	vm13 =	vlt.s32 v2, $0x1400  }
0x70: {  	v58 =	vsel vm13, v2, v4  }
0x71: {  	v2 =	vadd.s32 $0xFFFFEC00, v2;
	v59 =	vsel vm13, v3, v5;
	[tilespmem:s24+$0xFFFFFFF0] =	vst v58  }
0x72: {  	v2 =	vsel vm13, v4, v2;
	[tilespmem:s25+$0xFFFFFFF0] =	vst v59  }
0x73: {  	v3 =	vsel vm13, v5, v3;
	[tilespmem:s31+$0xFFFFFFF0] =	vst v2  }
0x74: {  	[tilespmem:s0+$0xFFFFFFF0] =	vst v3  }
0x75: {  	v2 =	vld [tilespmem:s19+$0x0];
	_ =	sdelay $0x1  }
0x76: {  	v3 =	vld [tilespmem:s5+$0x0];
	_ =	sdelay $0x2  }
0x77: {  	vm14 =	vlt.s32 v2, $0x1400  }
0x78: {  	v60 =	vsel vm14, v2, v4  }
0x79: {  	v2 =	vadd.s32 $0xFFFFEC00, v2;
	v61 =	vsel vm14, v3, v5;
	[tilespmem:s24+$0x0] =	vst v60  }
0x7a: {  	v2 =	vsel vm14, v4, v2;
	[tilespmem:s25+$0x0] =	vst v61  }
0x7b: {  	v3 =	vsel vm14, v5, v3;
	[tilespmem:s31+$0x0] =	vst v2  }
0x7c: {  	[tilespmem:s0+$0x0] =	vst v3  }
0x7d: {  	v2 =	vld [tilespmem:s19+$0x10];
	_ =	sdelay $0x1  }
0x7e: {  	v3 =	vld [tilespmem:s5+$0x10];
	_ =	sdelay $0x2  }
0x7f: {  	vm15 =	vlt.s32 v2, $0x1400  }
0x80: {  	v62 =	vsel vm15, v2, v4  }
0x81: {  	v2 =	vadd.s32 $0xFFFFEC00, v2;
	v63 =	vsel vm15, v3, v5;
	[tilespmem:s24+$0x10] =	vst v62  }
0x82: {  	s1 =	simm.s32 $0x10;
	v4 =	vsel vm15, v4, v2;
	[tilespmem:s25+$0x10] =	vst v63  }
0x83: {  	s6 =	simm.s32 $0xA320;
	s19 =	simm.s32 $0x1BAE0;
	s5 =	simm.s32 $0xF320;
	v2 =	vsel vm15, v5, v3;
	[tilespmem:s31+$0x10] =	vst v4  }
.LBB2_4:
0x84: {  	[tilespmem:s0+$0x10] =	vst v2;
	s24 =	sadd.s32 $0x40, s24;
	s25 =	sadd.s32 $0x40, s25;
	s31 =	sadd.s32 $0x40, s31  }
0x85: {  	p0 =	sne.s32 s1, $0x9F0;
	s7 =	smov.u32 s1;
	s1 =	sadd.s32 $0x10, s1;
	v2 =	vld [tilespmem:s6+$0xFFFFFFE0]  }
0x86: {  	s0 =	smov.u32 s19  }
0x87: {  	v3 =	vld [tilespmem:s5+$0xFFFFFFE0];
	_ =	sdelay $0x1  }
0x88: {  	v4 =	vor.u32 s7, v1  }
0x89: {  	v5 =	vand.u32 $0x3F, v4;
	vm0 =	vlt.s32 v2, $0x1400;
	v6 =	vadd.s32 $0xFFFFEC00, v2  }
0x8a: {  	v5 =	vadd.s32 $0x2710, v5;
	v2 =	vsel vm0, v2, v4;
	v6 =	vsel vm0, v4, v6  }
0x8b: {  	[tilespmem:s24+$0xFFFFFFE0] =	vst v2;
	v2 =	vsel vm0, v3, v5;
	v3 =	vsel vm0, v5, v3  }
0x8c: {  	[tilespmem:s25+$0xFFFFFFE0] =	vst v2  }
0x8d: {  	[tilespmem:s31+$0xFFFFFFE0] =	vst v6  }
0x8e: {  	[tilespmem:s19+$0xFFFFFFE0] =	vst v3  }
0x8f: {  	v2 =	vld [tilespmem:s6+$0xFFFFFFF0];
	_ =	sdelay $0x1  }
0x90: {  	v3 =	vld [tilespmem:s5+$0xFFFFFFF0];
	_ =	sdelay $0x2  }
0x91: {  	vm0 =	vlt.s32 v2, $0x1400;
	v6 =	vadd.s32 $0xFFFFEC00, v2  }
0x92: {  	v2 =	vsel vm0, v2, v4;
	v6 =	vsel vm0, v4, v6  }
0x93: {  	[tilespmem:s24+$0xFFFFFFF0] =	vst v2;
	v2 =	vsel vm0, v3, v5;
	v3 =	vsel vm0, v5, v3  }
0x94: {  	[tilespmem:s25+$0xFFFFFFF0] =	vst v2  }
0x95: {  	[tilespmem:s31+$0xFFFFFFF0] =	vst v6  }
0x96: {  	[tilespmem:s19+$0xFFFFFFF0] =	vst v3  }
0x97: {  	v2 =	vld [tilespmem:s6+$0x0];
	_ =	sdelay $0x1  }
0x98: {  	v3 =	vld [tilespmem:s5+$0x0];
	_ =	sdelay $0x2  }
0x99: {  	vm0 =	vlt.s32 v2, $0x1400;
	v6 =	vadd.s32 $0xFFFFEC00, v2  }
0x9a: {  	v2 =	vsel vm0, v2, v4;
	v6 =	vsel vm0, v4, v6  }
0x9b: {  	[tilespmem:s24+$0x0] =	vst v2;
	v2 =	vsel vm0, v3, v5;
	v3 =	vsel vm0, v5, v3  }
0x9c: {  	[tilespmem:s25+$0x0] =	vst v2  }
0x9d: {  	[tilespmem:s31+$0x0] =	vst v6  }
0x9e: {  	[tilespmem:s19+$0x0] =	vst v3  }
0x9f: {  	v2 =	vld [tilespmem:s6+$0x10]  }
0xa0: {  	v3 =	vld [tilespmem:s5+$0x10];
	_ =	sdelay $0x3  }
.Ltmp1:
0xa1: {  	vm0 =	vlt.s32 v2, $0x1400;
	v6 =	vadd.s32 $0xFFFFEC00, v2;
	(pc) =	sbr.rel @p0 .LBB2_4-.Ltmp1, $4  }
0xa2: {  	v7 =	vsel vm0, v2, v4;
	v4 =	vsel vm0, v4, v6;
	v2 =	vsel vm0, v5, v3  }
0xa3: {  	v3 =	vsel vm0, v3, v5;
	[tilespmem:s24+$0x10] =	vst v7  }
0xa4: {  	[tilespmem:s25+$0x10] =	vst v3  }
0xa5: {  	s19 =	sadd.s32 $0x40, s19;
	s6 =	sadd.s32 $0x80, s6;
	s5 =	sadd.s32 $0x80, s5;
	[tilespmem:s31+$0x10] =	vst v4  }
0xa6: {  	[tilespmem:s0+$0x10] =	vst v2;
	s19 =	simm.s32 $0x14280  }
0xa7: {  	[hbm4b:s9+s3] =	stream.linear.scatter [tilespmem:s19], [sflag:$0x5], $0x2800, $0x38;
	[tilespmem:$0x1E580] =	vst v63  }
0xa8: {  	_ =	swait.ge [sflag:s17], $0x2800  }
0xa9: {  	[sflag:s17] =	ssyncset.done $0x0  }
0xaa: {  	s24 =	simm.s32 $0x19280;
	[sflag:s17] =	ssyncadd.s32 $0xFFFFD800  }
0xab: {  	[hbm4b:s10+s3] =	stream.linear.scatter [tilespmem:s24], [sflag:$0x5], $0x2800, $0x38;
	[tilespmem:$0x1E580] =	vst v63  }
0xac: {  	_ =	swait.ge [sflag:s17], $0x2800  }
0xad: {  	[sflag:s17] =	ssyncset.done $0x0  }
0xae: {  	s25 =	simm.s32 $0x16A80;
	[sflag:s17] =	ssyncadd.s32 $0xFFFFD800  }
0xaf: {  	[hbm4b:s11+s3] =	stream.linear.scatter [tilespmem:s25], [sflag:$0x5], $0x2800, $0x38;
	[tilespmem:$0x1E580] =	vst v63  }
0xb0: {  	_ =	swait.ge [sflag:s17], $0x2800  }
0xb1: {  	[sflag:s17] =	ssyncset.done $0x0  }
0xb2: {  	s31 =	simm.s32 $0x1BA80;
	[sflag:s17] =	ssyncadd.s32 $0xFFFFD800  }
0xb3: {  	[hbm4b:s12+s3] =	stream.linear.scatter [tilespmem:s31], [sflag:$0x5], $0x2800, $0x38;
	[tilespmem:$0x1E580] =	vst v63  }
0xb4: {  	_ =	swait.ge [sflag:s17], $0x2800  }
0xb5: {  	[sflag:s17] =	ssyncset.done $0x0  }
0xb6: {  	[sflag:s17] =	ssyncadd.s32 $0xFFFFD800  }
0xb7: {  	[bflag:$0x0] =	sbarrier.arrive $0xFFFF  }
0xb8: {  	[tilespmem:s20], [sflag:$0x5] =	stream.linear.gather [spmem:s4], $0x280, $0x38;
	[tilespmem:$0x1E580] =	vst v63  }
0xb9: {  	_ =	swait.ge [sflag:s17], $0x280  }
0xba: {  	[sflag:s17] =	ssyncset.done $0x0  }
0xbb: {  	[sflag:s17] =	ssyncadd.s32 $0xFFFFFD80  }
0xbc: {  	v2 =	vld [tilespmem:$0x1E300]  }
0xbd: {  	v6 =	vld [tilespmem:$0x1E310];
	_ =	sdelay $0x3  }
0xbe: {  	v3 =	vshra.s32 v2, $0x1  }
0xbf: {  	v4 =	vmul.f32 $5.000000000e-01, v2;
	v7 =	vshra.s32 v6, $0x1;
	v8 =	vmul.f32 $5.000000000e-01, v6  }
0xc0: {  	v10 =	vld [tilespmem:$0x1E320];
	v3 =	vsub.s32 $0x5F3759DF, v3;
	v57 =	vsub.s32 $0x5F3759DF, v7  }
0xc1: {  	v12 =	vld [tilespmem:$0x1E330];
	v5 =	vmul.f32 v3, v4;
	v7 =	vmul.f32 v57, v8;
	_ =	sdelay $0x1  }
0xc2: {  	v14 =	vld [tilespmem:$0x1E340];
	v5 =	vmul.f32 v3, v5;
	v7 =	vmul.f32 v57, v7;
	_ =	sdelay $0x1  }
0xc3: {  	v63 =	vld [tilespmem:$0x1E350];
	v58 =	vshra.s32 v10, $0x1;
	v5 =	vsub.f32 $1.500000000e+00, v5;
	v7 =	vsub.f32 $1.500000000e+00, v7  }
0xc4: {  	v11 =	vmul.f32 $5.000000000e-01, v10;
	v15 =	vshra.s32 v12, $0x1;
	v16 =	vmul.f32 $5.000000000e-01, v12  }
0xc5: {  	v22 =	vld [tilespmem:$0x1E360];
	v3 =	vmul.f32 v3, v5;
	v5 =	vmul.f32 v57, v7;
	v7 =	vsub.s32 $0x5F3759DF, v58  }
0xc6: {  	v19 =	vmul.f32 $5.000000000e-01, v14;
	v15 =	vsub.s32 $0x5F3759DF, v15;
	v13 =	vmul.f32 v7, v11  }
0xc7: {  	v17 =	vmul.f32 v15, v16;
	v9 =	vmul.f32 v3, v4  }
0xc8: {  	v21 =	vmul.f32 $5.000000000e-01, v63;
	v13 =	vmul.f32 v7, v13  }
0xc9: {  	v18 =	vshra.s32 v14, $0x1;
	v17 =	vmul.f32 v15, v17;
	v9 =	vmul.f32 v9, v3  }
0xca: {  	v36 =	vmul.f32 $5.000000000e-01, v22;
	v60 =	vsub.s32 $0x5F3759DF, v18;
	v13 =	vsub.f32 $1.500000000e+00, v13  }
0xcb: {  	v62 =	vmul.f32 v60, v19;
	v61 =	vsub.f32 $1.500000000e+00, v17;
	v9 =	vsub.f32 $1.500000000e+00, v9  }
0xcc: {  	v59 =	vmul.f32 v5, v8;
	v7 =	vmul.f32 v7, v13  }
0xcd: {  	v13 =	vmul.f32 v15, v61;
	v3 =	vmul.f32 v9, v3  }
0xce: {  	v28 =	vshra.s32 v63, $0x1;
	v25 =	vmul.f32 v60, v62;
	v9 =	vmul.f32 v59, v5  }
0xcf: {  	v35 =	vshra.s32 v22, $0x1;
	v27 =	vmul.f32 v13, v16;
	v4 =	vmul.f32 v3, v4  }
0xd0: {  	v15 =	vsub.f32 $1.500000000e+00, v25;
	v20 =	vmul.f32 v7, v11;
	v9 =	vsub.f32 $1.500000000e+00, v9  }
0xd1: {  	v29 =	vsub.s32 $0x5F3759DF, v28;
	v17 =	vmul.f32 v27, v13;
	v4 =	vmul.f32 v4, v3  }
0xd2: {  	v5 =	vmul.f32 v9, v5;
	v9 =	vmul.f32 v60, v15;
	v15 =	vsub.s32 $0x5F3759DF, v35  }
0xd3: {  	v30 =	vmul.f32 v29, v21;
	v17 =	vsub.f32 $1.500000000e+00, v17;
	v37 =	vmul.f32 v15, v36  }
0xd4: {  	v26 =	vmul.f32 v20, v7;
	v4 =	vsub.f32 $1.500000000e+00, v4;
	v8 =	vmul.f32 v5, v8  }
0xd5: {  	v13 =	vmul.f32 v17, v13;
	v17 =	vmul.f32 v15, v37  }
0xd6: {  	v3 =	vmul.f32 v4, v3;
	v8 =	vmul.f32 v8, v5;
	v4 =	vsub.f32 $1.500000000e+00, v26  }
0xd7: {  	vm0 =	vgt.f32 v2, $5.000000000e-01;
	v31 =	vmul.f32 v9, v19;
	v17 =	vsub.f32 $1.500000000e+00, v17  }
0xd8: {  	v4 =	vmul.f32 v4, v7;
	v8 =	vsub.f32 $1.500000000e+00, v8;
	v7 =	vmul.f32 v29, v30  }
0xd9: {  	v2 =	vnsel vm0, $0x0, v3;
	v3 =	vmul.f32 v31, v9;
	v42 =	vmul.f32 v15, v17  }
0xda: {  	v34 =	vmul.f32 v13, v16;
	v11 =	vmul.f32 v4, v11;
	v32 =	vsub.f32 $1.500000000e+00, v7  }
0xdb: {  	v5 =	vmul.f32 v8, v5;
	v8 =	vld [tilespmem:$0x1E370];
	v3 =	vsub.f32 $1.500000000e+00, v3;
	v15 =	vmul.f32 v42, v36  }
0xdc: {  	vm14 =	vgt.f32 v6, $5.000000000e-01;
	v33 =	vmul.f32 v11, v4;
	v6 =	vmul.f32 v29, v32  }
0xdd: {  	vm15 =	vgt.f32 v10, $5.000000000e-01;
	v11 =	vmul.f32 v34, v13;
	v9 =	vmul.f32 v3, v9  }
0xde: {  	vm4 =	vgt.f32 v12, $5.000000000e-01;
	vm5 =	vgt.f32 v14, $5.000000000e-01;
	v15 =	vmul.f32 v15, v42  }
0xdf: {  	v3 =	vmul.f32 v6, v21;
	v19 =	vmul.f32 v9, v19;
	v11 =	vsub.f32 $1.500000000e+00, v11  }
0xe0: {  	v38 =	vshra.s32 v8, $0x1;
	v23 =	vmul.f32 $5.000000000e-01, v8;
	v15 =	vsub.f32 $1.500000000e+00, v15  }
0xe1: {  	v24 =	vmul.f32 v3, v6;
	v20 =	vsub.s32 $0x5F3759DF, v38;
	v39 =	vmul.f32 v19, v9  }
0xe2: {  	vm6 =	vgt.f32 v63, $5.000000000e-01;
	v43 =	vmul.f32 v11, v13;
	v11 =	vld [tilespmem:$0x1E390];
	v40 =	vmul.f32 v20, v23  }
0xe3: {  	v7 =	vsub.f32 $1.500000000e+00, v33;
	v3 =	vnsel vm14, $0x0, v5;
	v53 =	vmul.f32 v15, v42  }
0xe4: {  	v41 =	vsub.f32 $1.500000000e+00, v24;
	v24 =	vld [tilespmem:$0x1E380];
	v5 =	vsub.f32 $1.500000000e+00, v39;
	v19 =	vmul.f32 v20, v40  }
0xe5: {  	vm7 =	vgt.f32 v22, $5.000000000e-01;
	v4 =	vmul.f32 v7, v4;
	v15 =	vmul.f32 v53, v36  }
0xe6: {  	v7 =	vmul.f32 v41, v6;
	v9 =	vmul.f32 v5, v9;
	v44 =	vsub.f32 $1.500000000e+00, v19  }
0xe7: {  	v52 =	vshra.s32 v11, $0x1;
	v25 =	vmul.f32 $5.000000000e-01, v11;
	v58 =	vmul.f32 v15, v53  }
0xe8: {  	v45 =	vmul.f32 v7, v21;
	v21 =	vsub.s32 $0x5F3759DF, v52;
	v46 =	vmul.f32 v20, v44  }
0xe9: {  	v47 =	vshra.s32 v24, $0x1;
	v48 =	vmul.f32 $5.000000000e-01, v24;
	v54 =	vmul.f32 v21, v25  }
0xea: {  	v14 =	vsub.f32 $1.500000000e+00, v58;
	v13 =	vmul.f32 v45, v7;
	v49 =	vsub.s32 $0x5F3759DF, v47  }
0xeb: {  	vm1 =	vgt.f32 v8, $5.000000000e-01;
	v50 =	vmul.f32 v46, v23;
	v51 =	vmul.f32 v49, v48  }
0xec: {  	v4 =	vnsel vm15, $0x0, v4;
	v56 =	vmul.f32 v21, v54;
	v10 =	vmul.f32 v14, v53  }
0xed: {  	v14 =	vld [tilespmem:$0x1E3C0];
	v13 =	vsub.f32 $1.500000000e+00, v13;
	v26 =	vmul.f32 v50, v46;
	v12 =	vmul.f32 v49, v51  }
0xee: {  	v5 =	vnsel vm4, $0x0, v43;
	vm9 =	vgt.f32 v11, $5.000000000e-01;
	v59 =	vsub.f32 $1.500000000e+00, v56  }
0xef: {  	v7 =	vmul.f32 v13, v7;
	v13 =	vld [tilespmem:$0x1E3B0];
	v55 =	vsub.f32 $1.500000000e+00, v26;
	v12 =	vsub.f32 $1.500000000e+00, v12  }
0xf0: {  	v6 =	vnsel vm5, $0x0, v9;
	vm8 =	vgt.f32 v24, $5.000000000e-01;
	v26 =	vld [tilespmem:$0x1E3A0];
	v15 =	vmul.f32 v21, v59  }
0xf1: {  	v9 =	vnsel vm7, $0x0, v10;
	v57 =	vmul.f32 v55, v46;
	v12 =	vmul.f32 v49, v12  }
0xf2: {  	v7 =	vnsel vm6, $0x0, v7;
	v45 =	vmul.f32 $5.000000000e-01, v14;
	v21 =	vmul.f32 v15, v25  }
0xf3: {  	v44 =	vshra.s32 v14, $0x1;
	v60 =	vmul.f32 v57, v23;
	v61 =	vmul.f32 v12, v48  }
0xf4: {  	v27 =	vshra.s32 v13, $0x1;
	v28 =	vmul.f32 $5.000000000e-01, v13;
	v21 =	vmul.f32 v21, v15  }
0xf5: {  	v62 =	vshra.s32 v26, $0x1;
	v63 =	vmul.f32 $5.000000000e-01, v26;
	v17 =	vmul.f32 v61, v12  }
0xf6: {  	v16 =	vmul.f32 v60, v57;
	v18 =	vsub.s32 $0x5F3759DF, v62;
	v34 =	vsub.f32 $1.500000000e+00, v21  }
0xf7: {  	v27 =	vsub.s32 $0x5F3759DF, v27;
	v32 =	vmul.f32 v18, v63;
	v17 =	vsub.f32 $1.500000000e+00, v17  }
0xf8: {  	v33 =	vmul.f32 v27, v28;
	v16 =	vsub.f32 $1.500000000e+00, v16;
	v36 =	vmul.f32 v34, v15  }
0xf9: {  	vm12 =	vgt.f32 v14, $5.000000000e-01;
	v23 =	vmul.f32 v18, v32;
	v12 =	vmul.f32 v17, v12  }
0xfa: {  	vm11 =	vgt.f32 v13, $5.000000000e-01;
	v17 =	vmul.f32 v27, v33;
	v37 =	vmul.f32 v16, v57  }
0xfb: {  	v15 =	vld [tilespmem:$0x1E3D0];
	v39 =	vmul.f32 v36, v25;
	v35 =	vsub.f32 $1.500000000e+00, v23;
	v23 =	vsub.s32 $0x5F3759DF, v44  }
0xfc: {  	v19 =	vmul.f32 v12, v48;
	v17 =	vsub.f32 $1.500000000e+00, v17;
	v46 =	vmul.f32 v23, v45  }
0xfd: {  	vm10 =	vgt.f32 v26, $5.000000000e-01;
	v41 =	vmul.f32 v39, v36;
	v18 =	vmul.f32 v18, v35  }
0xfe: {  	v8 =	vnsel vm1, $0x0, v37;
	v40 =	vmul.f32 v27, v17;
	v27 =	vmul.f32 v23, v46  }
0xff: {  	v38 =	vmul.f32 v19, v12;
	v17 =	vsub.f32 $1.500000000e+00, v41;
	v21 =	vmul.f32 v18, v63  }
0x100: {  	v29 =	vmul.f32 $5.000000000e-01, v15;
	v43 =	vmul.f32 v40, v28;
	v49 =	vsub.f32 $1.500000000e+00, v27  }
0x101: {  	v16 =	vsub.f32 $1.500000000e+00, v38;
	v22 =	vmul.f32 v17, v36;
	v17 =	vld [tilespmem:$0x1E3F0];
	v42 =	vmul.f32 v21, v18  }
0x102: {  	v47 =	vshra.s32 v15, $0x1;
	v21 =	vmul.f32 v43, v40;
	v23 =	vmul.f32 v23, v49  }
0x103: {  	vm13 =	vgt.f32 v15, $5.000000000e-01;
	v12 =	vmul.f32 v16, v12;
	v16 =	vld [tilespmem:$0x1E3E0];
	v19 =	vsub.f32 $1.500000000e+00, v42  }
0x104: {  	v11 =	vnsel vm9, $0x0, v22;
	v21 =	vsub.f32 $1.500000000e+00, v21;
	v31 =	vmul.f32 v23, v45  }
0x105: {  	v10 =	vnsel vm8, $0x0, v12;
	v19 =	vmul.f32 v19, v18;
	v18 =	vsub.s32 $0x5F3759DF, v47  }
0x106: {  	v32 =	vshra.s32 v17, $0x1;
	v33 =	vmul.f32 $5.000000000e-01, v17;
	v48 =	vmul.f32 v18, v29  }
0x107: {  	v21 =	vmul.f32 v21, v40;
	v54 =	vsub.s32 $0x5F3759DF, v32;
	v55 =	vmul.f32 v31, v23  }
0x108: {  	v20 =	vmul.f32 v19, v63;
	v50 =	vshra.s32 v16, $0x1;
	v30 =	vmul.f32 $5.000000000e-01, v16  }
0x109: {  	v56 =	vmul.f32 v54, v33;
	v24 =	vmul.f32 v18, v48;
	v27 =	vsub.s32 $0x5F3759DF, v50  }
0x10a: {  	v12 =	vsub.f32 $1.500000000e+00, v55;
	v20 =	vmul.f32 v20, v19;
	v52 =	vmul.f32 v27, v30  }
0x10b: {  	v28 =	vmul.f32 v21, v28;
	v31 =	vmul.f32 v54, v56;
	v51 =	vsub.f32 $1.500000000e+00, v24  }
0x10c: {  	v23 =	vmul.f32 v12, v23;
	v53 =	vmul.f32 v27, v52;
	v20 =	vsub.f32 $1.500000000e+00, v20  }
0x10d: {  	v28 =	vmul.f32 v28, v21;
	v58 =	vsub.f32 $1.500000000e+00, v31;
	v34 =	vmul.f32 v18, v51  }
0x10e: {  	v25 =	vmul.f32 v23, v45;
	v18 =	vsub.f32 $1.500000000e+00, v53;
	v20 =	vmul.f32 v20, v19  }
0x10f: {  	vm15 =	vgt.f32 v17, $5.000000000e-01;
	v19 =	vld [tilespmem:$0x1E410];
	v24 =	vmul.f32 v54, v58;
	v57 =	vmul.f32 v34, v29  }
0x110: {  	v28 =	vsub.f32 $1.500000000e+00, v28;
	v25 =	vmul.f32 v25, v23;
	v27 =	vmul.f32 v27, v18  }
0x111: {  	vm14 =	vgt.f32 v16, $5.000000000e-01;
	v18 =	vld [tilespmem:$0x1E400];
	v63 =	vmul.f32 v24, v33;
	v32 =	vmul.f32 v57, v34  }
0x112: {  	v28 =	vmul.f32 v28, v21;
	v12 =	vnsel vm10, $0x0, v20;
	v25 =	vsub.f32 $1.500000000e+00, v25  }
0x113: {  	v22 =	vld [tilespmem:$0x1E440];
	v60 =	vmul.f32 v27, v30;
	v21 =	vmul.f32 v63, v24;
	v59 =	vsub.f32 $1.500000000e+00, v32  }
0x114: {  	v42 =	vshra.s32 v19, $0x1;
	v35 =	vmul.f32 $5.000000000e-01, v19;
	v23 =	vmul.f32 v25, v23  }
0x115: {  	v20 =	vld [tilespmem:$0x1E420];
	v62 =	vmul.f32 v60, v27;
	v21 =	vsub.f32 $1.500000000e+00, v21;
	v61 =	vmul.f32 v59, v34  }
0x116: {  	v40 =	vshra.s32 v18, $0x1;
	v41 =	vmul.f32 $5.000000000e-01, v18;
	v34 =	vsub.s32 $0x5F3759DF, v42  }
0x117: {  	v31 =	vsub.s32 $0x5F3759DF, v40;
	v36 =	vsub.f32 $1.500000000e+00, v62;
	v43 =	vmul.f32 v34, v35  }
0x118: {  	vm8 =	vgt.f32 v22, $5.000000000e-01;
	v24 =	vmul.f32 v21, v24;
	v37 =	vmul.f32 v31, v41  }
0x119: {  	vm5 =	vgt.f32 v19, $5.000000000e-01;
	v21 =	vld [tilespmem:$0x1E430];
	v29 =	vmul.f32 v61, v29;
	v27 =	vmul.f32 v36, v27  }
0x11a: {  	v55 =	vshra.s32 v20, $0x1;
	v26 =	vmul.f32 v34, v43;
	v49 =	vmul.f32 v24, v33  }
0x11b: {  	v14 =	vnsel vm12, $0x0, v23;
	v36 =	vmul.f32 $5.000000000e-01, v20;
	v44 =	vmul.f32 v31, v37  }
0x11c: {  	vm4 =	vgt.f32 v18, $5.000000000e-01;
	v29 =	vmul.f32 v29, v61;
	v37 =	vmul.f32 $5.000000000e-01, v22  }
0x11d: {  	v30 =	vmul.f32 v27, v30;
	v46 =	vsub.f32 $1.500000000e+00, v26;
	v13 =	vmul.f32 v49, v24  }
0x11e: {  	v45 =	vsub.f32 $1.500000000e+00, v44;
	v51 =	vsub.f32 $1.500000000e+00, v29;
	v63 =	vmul.f32 $5.000000000e-01, v21  }
0x11f: {  	v47 =	vmul.f32 v30, v27;
	v50 =	vmul.f32 v34, v46;
	v34 =	vsub.s32 $0x5F3759DF, v55  }
0x120: {  	vm6 =	vgt.f32 v20, $5.000000000e-01;
	v48 =	vmul.f32 v31, v45;
	v57 =	vmul.f32 v34, v36  }
0x121: {  	v23 =	vld [tilespmem:$0x1E450];
	v25 =	vmul.f32 v51, v61;
	v26 =	vsub.f32 $1.500000000e+00, v47;
	v53 =	vmul.f32 v50, v35  }
0x122: {  	v13 =	vsub.f32 $1.500000000e+00, v13;
	v52 =	vmul.f32 v48, v41;
	v60 =	vmul.f32 v34, v57  }
0x123: {  	v62 =	vshra.s32 v21, $0x1;
	v29 =	vmul.f32 v53, v50;
	v26 =	vmul.f32 v26, v27  }
0x124: {  	v27 =	vmul.f32 v13, v24;
	v24 =	vsub.s32 $0x5F3759DF, v62;
	v54 =	vmul.f32 v52, v48  }
0x125: {  	v42 =	vmul.f32 v24, v63;
	v58 =	vsub.f32 $1.500000000e+00, v29;
	v29 =	vsub.f32 $1.500000000e+00, v60  }
0x126: {  	vm9 =	vgt.f32 v23, $5.000000000e-01;
	v45 =	vshra.s32 v22, $0x1;
	v56 =	vsub.f32 $1.500000000e+00, v54  }
0x127: {  	v15 =	vnsel vm13, $0x0, v25;
	v44 =	vmul.f32 v24, v42;
	v29 =	vmul.f32 v34, v29  }
0x128: {  	v13 =	vnsel vm11, $0x0, v28;
	v61 =	vmul.f32 v58, v50;
	v59 =	vmul.f32 v56, v48  }
0x129: {  	v16 =	vnsel vm14, $0x0, v26;
	v33 =	vsub.f32 $1.500000000e+00, v44;
	v34 =	vmul.f32 v29, v36  }
0x12a: {  	v50 =	vshra.s32 v23, $0x1;
	v32 =	vmul.f32 v59, v41;
	v41 =	vmul.f32 v61, v35  }
0x12b: {  	v35 =	vsub.s32 $0x5F3759DF, v45;
	v46 =	vmul.f32 v24, v33;
	v34 =	vmul.f32 v34, v29  }
0x12c: {  	v52 =	vsub.s32 $0x5F3759DF, v50;
	v24 =	vld [tilespmem:$0x1E460];
	v39 =	vmul.f32 v35, v37;
	v32 =	vmul.f32 v32, v59  }
0x12d: {  	v43 =	vmul.f32 v41, v61;
	v49 =	vmul.f32 v46, v63;
	v47 =	vsub.f32 $1.500000000e+00, v34  }
0x12e: {  	v48 =	vmul.f32 v35, v39;
	v39 =	vmul.f32 $5.000000000e-01, v23;
	v32 =	vsub.f32 $1.500000000e+00, v32  }
0x12f: {  	v26 =	vld [tilespmem:$0x1E470];
	v38 =	vsub.f32 $1.500000000e+00, v43;
	v53 =	vmul.f32 v49, v46;
	v29 =	vmul.f32 v47, v29  }
0x130: {  	v51 =	vsub.f32 $1.500000000e+00, v48;
	v54 =	vmul.f32 v52, v39;
	v25 =	vmul.f32 v32, v59  }
0x131: {  	v55 =	vshra.s32 v24, $0x1;
	v30 =	vmul.f32 v38, v61;
	v38 =	vmul.f32 $5.000000000e-01, v24  }
0x132: {  	v40 =	vsub.f32 $1.500000000e+00, v53;
	v32 =	vmul.f32 v35, v51;
	v35 =	vsub.s32 $0x5F3759DF, v55  }
0x133: {  	v17 =	vnsel vm15, $0x0, v27;
	v34 =	vmul.f32 v52, v54;
	v42 =	vmul.f32 v35, v38  }
0x134: {  	v62 =	vshra.s32 v26, $0x1;
	v36 =	vmul.f32 v29, v36;
	v28 =	vmul.f32 v40, v46  }
0x135: {  	v41 =	vmul.f32 v32, v37;
	v34 =	vsub.f32 $1.500000000e+00, v34;
	v57 =	vmul.f32 v35, v42  }
0x136: {  	v46 =	vsub.s32 $0x5F3759DF, v62;
	v31 =	vmul.f32 v28, v63;
	v63 =	vmul.f32 $5.000000000e-01, v26  }
0x137: {  	v18 =	vnsel vm4, $0x0, v25;
	v56 =	vmul.f32 v41, v32;
	v33 =	vmul.f32 v52, v34  }
0x138: {  	v58 =	vmul.f32 v36, v29;
	v60 =	vsub.f32 $1.500000000e+00, v57;
	v48 =	vmul.f32 v46, v63  }
0x139: {  	v49 =	vmul.f32 v31, v28;
	v59 =	vsub.f32 $1.500000000e+00, v56;
	v61 =	vmul.f32 v33, v39  }
0x13a: {  	v27 =	vsub.f32 $1.500000000e+00, v58;
	v45 =	vmul.f32 v35, v60;
	v36 =	vmul.f32 v46, v48  }
0x13b: {  	v25 =	vsub.f32 $1.500000000e+00, v49;
	v43 =	vmul.f32 v59, v32;
	v47 =	vmul.f32 v61, v33;
	v32 =	vld [tilespmem:$0x1E480]  }
0x13c: {  	v27 =	vmul.f32 v27, v29;
	v50 =	vmul.f32 v45, v38;
	v36 =	vsub.f32 $1.500000000e+00, v36  }
0x13d: {  	v25 =	vmul.f32 v25, v28;
	v37 =	vmul.f32 v43, v37;
	v40 =	vsub.f32 $1.500000000e+00, v47  }
0x13e: {  	vm7 =	vgt.f32 v21, $5.000000000e-01;
	v31 =	vmul.f32 v50, v45;
	v35 =	vmul.f32 v46, v36  }
0x13f: {  	vm11 =	vgt.f32 v26, $5.000000000e-01;
	v34 =	vld [tilespmem:$0x1E490];
	v37 =	vmul.f32 v37, v43;
	v33 =	vmul.f32 v40, v33  }
0x140: {  	v51 =	vsub.f32 $1.500000000e+00, v31;
	v54 =	vshra.s32 v32, $0x1;
	v55 =	vmul.f32 v35, v63  }
0x141: {  	v52 =	vsub.f32 $1.500000000e+00, v37;
	v53 =	vmul.f32 v33, v39;
	v37 =	vmul.f32 $5.000000000e-01, v32  }
0x142: {  	v31 =	vld [tilespmem:$0x1E4A0];
	v36 =	vsub.s32 $0x5F3759DF, v54;
	v28 =	vmul.f32 v51, v45;
	v57 =	vmul.f32 v55, v35  }
0x143: {  	v19 =	vnsel vm5, $0x0, v30;
	v39 =	vmul.f32 v53, v33;
	v56 =	vmul.f32 v36, v37  }
0x144: {  	v58 =	vshra.s32 v34, $0x1;
	v29 =	vmul.f32 v52, v43;
	v43 =	vmul.f32 $5.000000000e-01, v34  }
0x145: {  	v60 =	vsub.s32 $0x5F3759DF, v58;
	v38 =	vmul.f32 v28, v38;
	v40 =	vmul.f32 v36, v56  }
0x146: {  	v30 =	vsub.f32 $1.500000000e+00, v57;
	v39 =	vsub.f32 $1.500000000e+00, v39;
	v61 =	vmul.f32 v60, v43  }
0x147: {  	v44 =	vmul.f32 $5.000000000e-01, v31;
	v38 =	vmul.f32 v38, v28;
	v59 =	vsub.f32 $1.500000000e+00, v40  }
0x148: {  	v62 =	vshra.s32 v31, $0x1;
	v30 =	vmul.f32 v30, v35;
	v39 =	vmul.f32 v39, v33;
	v33 =	vld [tilespmem:$0x1E4B0]  }
0x149: {  	v41 =	vsub.s32 $0x5F3759DF, v62;
	v35 =	vmul.f32 v60, v61;
	v36 =	vmul.f32 v36, v59  }
0x14a: {  	vm10 =	vgt.f32 v24, $5.000000000e-01;
	v46 =	vmul.f32 v41, v44;
	v42 =	vmul.f32 v30, v63  }
0x14b: {  	v20 =	vnsel vm6, $0x0, v27;
	v38 =	vsub.f32 $1.500000000e+00, v38;
	v45 =	vmul.f32 v36, v37  }
0x14c: {  	v35 =	vsub.f32 $1.500000000e+00, v35;
	v53 =	vmul.f32 v41, v46;
	v63 =	vmul.f32 v42, v30  }
0x14d: {  	v54 =	vshra.s32 v33, $0x1;
	v52 =	vmul.f32 v45, v36;
	v45 =	vmul.f32 $5.000000000e-01, v33  }
0x14e: {  	v40 =	vmul.f32 v60, v35;
	v42 =	vsub.f32 $1.500000000e+00, v53;
	v35 =	vld [tilespmem:$0x1E4C0];
	v55 =	vsub.s32 $0x5F3759DF, v54  }
0x14f: {  	v38 =	vmul.f32 v38, v28;
	v28 =	vsub.f32 $1.500000000e+00, v63;
	v48 =	vmul.f32 v55, v45  }
0x150: {  	vm13 =	vgt.f32 v34, $5.000000000e-01;
	v47 =	vmul.f32 v40, v43;
	v56 =	vmul.f32 v41, v42  }
0x151: {  	v42 =	vmul.f32 v28, v30;
	v27 =	vsub.f32 $1.500000000e+00, v52;
	v58 =	vmul.f32 v55, v48  }
0x152: {  	v21 =	vnsel vm7, $0x0, v25;
	v30 =	vld [tilespmem:$0x1E4D0];
	v57 =	vmul.f32 v47, v40;
	v59 =	vmul.f32 v56, v44  }
0x153: {  	v62 =	vshra.s32 v35, $0x1;
	v36 =	vmul.f32 v27, v36;
	v61 =	vsub.f32 $1.500000000e+00, v58  }
0x154: {  	v47 =	vmul.f32 $5.000000000e-01, v35;
	v25 =	vsub.f32 $1.500000000e+00, v57;
	v22 =	vmul.f32 v59, v56  }
0x155: {  	v63 =	vsub.s32 $0x5F3759DF, v62;
	v60 =	vmul.f32 v36, v37;
	v37 =	vmul.f32 v55, v61  }
0x156: {  	vm12 =	vgt.f32 v32, $5.000000000e-01;
	v52 =	vmul.f32 v63, v47;
	v25 =	vmul.f32 v25, v40  }
0x157: {  	v51 =	vsub.f32 $1.500000000e+00, v22;
	v46 =	vmul.f32 $5.000000000e-01, v30;
	v54 =	vmul.f32 v37, v45  }
0x158: {  	v57 =	vshra.s32 v30, $0x1;
	v53 =	vmul.f32 v25, v43;
	v55 =	vmul.f32 v63, v52  }
0x159: {  	v41 =	vmul.f32 v51, v56;
	v43 =	vsub.s32 $0x5F3759DF, v57;
	v56 =	vmul.f32 v54, v37  }
0x15a: {  	vm14 =	vgt.f32 v31, $5.000000000e-01;
	v58 =	vmul.f32 v43, v46;
	v23 =	vsub.f32 $1.500000000e+00, v55  }
0x15b: {  	v28 =	vmul.f32 v60, v36;
	v44 =	vmul.f32 v41, v44;
	v27 =	vsub.f32 $1.500000000e+00, v56  }
0x15c: {  	v22 =	vnsel vm8, $0x0, v29;
	v61 =	vmul.f32 v43, v58;
	v40 =	vmul.f32 v63, v23  }
0x15d: {  	v29 =	vmul.f32 v53, v25;
	v28 =	vsub.f32 $1.500000000e+00, v28;
	v60 =	vmul.f32 v27, v37  }
0x15e: {  	v44 =	vmul.f32 v44, v41;
	v63 =	vmul.f32 v40, v47;
	v27 =	vld [tilespmem:$0x1E4E0];
	v37 =	vsub.f32 $1.500000000e+00, v61  }
0x15f: {  	v59 =	vsub.f32 $1.500000000e+00, v29;
	v36 =	vmul.f32 v28, v36;
	v49 =	vmul.f32 v60, v45  }
0x160: {  	v28 =	vld [tilespmem:$0x1E4F0];
	v62 =	vsub.f32 $1.500000000e+00, v44;
	v50 =	vmul.f32 v63, v40;
	v37 =	vmul.f32 v43, v37  }
0x161: {  	v23 =	vnsel vm9, $0x0, v39;
	v48 =	vmul.f32 v59, v25;
	v51 =	vmul.f32 v49, v60  }
0x162: {  	v39 =	vmul.f32 v62, v41;
	v52 =	vsub.f32 $1.500000000e+00, v50;
	v54 =	vmul.f32 v37, v46  }
0x163: {  	v53 =	vshra.s32 v27, $0x1;
	v43 =	vmul.f32 $5.000000000e-01, v27;
	v24 =	vsub.f32 $1.500000000e+00, v51  }
0x164: {  	v29 =	vld [tilespmem:$0x1E500];
	v56 =	vmul.f32 v52, v40;
	v55 =	vsub.s32 $0x5F3759DF, v53;
	v59 =	vmul.f32 v54, v37  }
0x165: {  	v61 =	vshra.s32 v28, $0x1;
	v58 =	vmul.f32 v55, v43;
	v41 =	vmul.f32 v24, v60  }
0x166: {  	v60 =	vmul.f32 v56, v47;
	v44 =	vsub.f32 $1.500000000e+00, v59;
	v47 =	vmul.f32 $5.000000000e-01, v28;
	v24 =	vld [tilespmem:$0x1E510]  }
0x167: {  	vm15 =	vgt.f32 v33, $5.000000000e-01;
	v49 =	vsub.s32 $0x5F3759DF, v61;
	v40 =	vmul.f32 v55, v58  }
0x168: {  	v26 =	vnsel vm11, $0x0, v42;
	v44 =	vmul.f32 v44, v37;
	v62 =	vmul.f32 v49, v47  }
0x169: {  	v45 =	vmul.f32 $5.000000000e-01, v29;
	v42 =	vmul.f32 v60, v56;
	v40 =	vsub.f32 $1.500000000e+00, v40  }
0x16a: {  	v57 =	vshra.s32 v29, $0x1;
	v46 =	vmul.f32 v44, v46;
	v32 =	vmul.f32 v49, v62  }
0x16b: {  	v63 =	vmul.f32 v55, v40;
	v40 =	vsub.s32 $0x5F3759DF, v57;
	v52 =	vshra.s32 v24, $0x1  }
0x16c: {  	v53 =	vmul.f32 $5.000000000e-01, v24;
	v51 =	vmul.f32 v40, v45;
	v32 =	vsub.f32 $1.500000000e+00, v32  }
0x16d: {  	v52 =	vsub.s32 $0x5F3759DF, v52;
	v59 =	vmul.f32 v46, v44;
	v50 =	vmul.f32 v63, v43  }
0x16e: {  	v25 =	vnsel vm10, $0x0, v38;
	v58 =	vmul.f32 v52, v53;
	v51 =	vmul.f32 v40, v51  }
0x16f: {  	v42 =	vsub.f32 $1.500000000e+00, v42;
	v49 =	vmul.f32 v49, v32;
	v32 =	vld [tilespmem:$0x1E520];
	v50 =	vmul.f32 v50, v63  }
0x170: {  	v34 =	vld [tilespmem:$0x1E530];
	v62 =	vsub.f32 $1.500000000e+00, v59;
	v54 =	vmul.f32 v52, v58;
	v60 =	vsub.f32 $1.500000000e+00, v51  }
0x171: {  	v38 =	vmul.f32 v42, v56;
	v61 =	vmul.f32 v49, v47;
	v50 =	vsub.f32 $1.500000000e+00, v50  }
0x172: {  	v44 =	vmul.f32 v62, v44;
	v54 =	vsub.f32 $1.500000000e+00, v54;
	v40 =	vmul.f32 v40, v60  }
0x173: {  	v37 =	vnsel vm13, $0x0, v48;
	v42 =	vmul.f32 v50, v63;
	v63 =	vmul.f32 v61, v49  }
0x174: {  	v48 =	vmul.f32 v52, v54;
	v57 =	vshra.s32 v32, $0x1;
	v52 =	vmul.f32 $5.000000000e-01, v32  }
0x175: {  	v54 =	vmul.f32 $5.000000000e-01, v34;
	v55 =	vmul.f32 v40, v45;
	v51 =	vsub.s32 $0x5F3759DF, v57  }
0x176: {  	v43 =	vmul.f32 v42, v43;
	v46 =	vsub.f32 $1.500000000e+00, v63;
	v58 =	vmul.f32 v48, v53  }
0x177: {  	vm4 =	vgt.f32 v35, $5.000000000e-01;
	v59 =	vmul.f32 v51, v52;
	v56 =	vmul.f32 v55, v40  }
0x178: {  	vm11 =	vgt.f32 v34, $5.000000000e-01;
	v46 =	vmul.f32 v46, v49;
	v61 =	vmul.f32 v58, v48  }
0x179: {  	[tilespmem:$0x1E300] =	vst v2;
	v2 =	vld [tilespmem:$0x1E540];
	vm5 =	vgt.f32 v30, $5.000000000e-01;
	v43 =	vmul.f32 v43, v42;
	v62 =	vmul.f32 v51, v59  }
0x17a: {  	v50 =	vsub.f32 $1.500000000e+00, v56;
	v60 =	vmul.f32 v46, v47;
	v47 =	vsub.f32 $1.500000000e+00, v61  }
0x17b: {  	v63 =	vshra.s32 v34, $0x1;
	v49 =	vsub.f32 $1.500000000e+00, v62;
	v43 =	vsub.f32 $1.500000000e+00, v43  }
0x17c: {  	v40 =	vmul.f32 v50, v40;
	v50 =	vsub.s32 $0x5F3759DF, v63;
	v57 =	vmul.f32 v47, v48  }
0x17d: {  	v36 =	vnsel vm12, $0x0, v36;
	v58 =	vmul.f32 v50, v54;
	v59 =	vmul.f32 v51, v49  }
0x17e: {  	[tilespmem:$0x1E320] =	vst v4;
	vm12 =	vgt.f32 v2, $5.000000000e-01;
	v31 =	vmul.f32 v60, v46;
	v4 =	vmul.f32 v43, v42  }
0x17f: {  	vm7 =	vgt.f32 v28, $5.000000000e-01;
	v45 =	vmul.f32 v40, v45;
	v47 =	vmul.f32 v50, v58  }
0x180: {  	[tilespmem:$0x1E310] =	vst v3;
	vm8 =	vgt.f32 v29, $5.000000000e-01;
	v42 =	vld [tilespmem:$0x1E550];
	v3 =	vmul.f32 v57, v53;
	v60 =	vmul.f32 v59, v52  }
0x181: {  	[tilespmem:$0x1E330] =	vst v5;
	v39 =	vnsel vm14, $0x0, v39;
	v31 =	vsub.f32 $1.500000000e+00, v31;
	v45 =	vmul.f32 v45, v40  }
0x182: {  	[tilespmem:$0x1E340] =	vst v6;
	v43 =	vld [tilespmem:$0x1E560];
	v61 =	vsub.f32 $1.500000000e+00, v47;
	v3 =	vmul.f32 v3, v57;
	v35 =	vmul.f32 v60, v59  }
0x183: {  	[tilespmem:$0x1E360] =	vst v9;
	v31 =	vmul.f32 v31, v46;
	v47 =	vshra.s32 v2, $0x1;
	v62 =	vsub.f32 $1.500000000e+00, v45  }
0x184: {  	[tilespmem:$0x1E350] =	vst v7;
	v48 =	vsub.s32 $0x5F3759DF, v47;
	v63 =	vmul.f32 v50, v61;
	v3 =	vsub.f32 $1.500000000e+00, v3  }
0x185: {  	[tilespmem:$0x1E370] =	vst v8;
	v33 =	vld [tilespmem:$0x1E570];
	v45 =	vsub.f32 $1.500000000e+00, v35;
	v35 =	vmul.f32 $5.000000000e-01, v42;
	v5 =	vmul.f32 v62, v40  }
0x186: {  	[tilespmem:$0x1E390] =	vst v11;
	v51 =	vshra.s32 v42, $0x1;
	v40 =	vmul.f32 $5.000000000e-01, v2;
	v46 =	vmul.f32 v63, v54  }
0x187: {  	[tilespmem:$0x1E380] =	vst v10;
	v55 =	vshra.s32 v43, $0x1;
	v3 =	vmul.f32 v3, v57;
	v7 =	vmul.f32 v45, v59  }
0x188: {  	[tilespmem:$0x1E3A0] =	vst v12;
	v56 =	vsub.s32 $0x5F3759DF, v55;
	v45 =	vmul.f32 $5.000000000e-01, v43;
	v49 =	vmul.f32 v48, v40  }
0x189: {  	[tilespmem:$0x1E3C0] =	vst v14;
	v9 =	vmul.f32 v46, v63;
	v50 =	vmul.f32 v7, v52;
	v52 =	vsub.s32 $0x5F3759DF, v51  }
0x18a: {  	[tilespmem:$0x1E3D0] =	vst v15;
	v57 =	vshra.s32 v33, $0x1;
	v46 =	vmul.f32 $5.000000000e-01, v33;
	v53 =	vmul.f32 v52, v35  }
0x18b: {  	[tilespmem:$0x1E3B0] =	vst v13;
	v30 =	vsub.s32 $0x5F3759DF, v57;
	v58 =	vmul.f32 v56, v45;
	v10 =	vmul.f32 v48, v49  }
0x18c: {  	[tilespmem:$0x1E3E0] =	vst v16;
	vm6 =	vgt.f32 v27, $5.000000000e-01;
	v60 =	vmul.f32 v30, v46;
	v13 =	vmul.f32 v52, v53  }
0x18d: {  	[tilespmem:$0x1E3F0] =	vst v17;
	v6 =	vnsel vm4, $0x0, v38;
	v15 =	vmul.f32 v56, v58;
	v10 =	vsub.f32 $1.500000000e+00, v10  }
0x18e: {  	[tilespmem:$0x1E400] =	vst v18;
	v9 =	vsub.f32 $1.500000000e+00, v9;
	v62 =	vmul.f32 v30, v60;
	v13 =	vsub.f32 $1.500000000e+00, v13  }
0x18f: {  	[tilespmem:$0x1E410] =	vst v19;
	v11 =	vmul.f32 v50, v7;
	v19 =	vsub.f32 $1.500000000e+00, v15;
	v8 =	vmul.f32 v48, v10  }
0x190: {  	[tilespmem:$0x1E420] =	vst v20;
	v9 =	vmul.f32 v9, v63;
	v38 =	vsub.f32 $1.500000000e+00, v62;
	v63 =	vmul.f32 v52, v13  }
0x191: {  	[tilespmem:$0x1E430] =	vst v21;
	v59 =	vnsel vm5, $0x0, v44;
	v12 =	vmul.f32 v56, v19;
	v44 =	vmul.f32 v8, v40  }
0x192: {  	[tilespmem:$0x1E470] =	vst v26;
	v41 =	vnsel vm15, $0x0, v41;
	v15 =	vmul.f32 v30, v38;
	v47 =	vmul.f32 v63, v35  }
0x193: {  	[tilespmem:$0x1E440] =	vst v22;
	vm9 =	vgt.f32 v24, $5.000000000e-01;
	v49 =	vmul.f32 v12, v45;
	v14 =	vmul.f32 v44, v8  }
0x194: {  	[tilespmem:$0x1E450] =	vst v23;
	vm10 =	vgt.f32 v32, $5.000000000e-01;
	v50 =	vmul.f32 v15, v46;
	v17 =	vmul.f32 v47, v63  }
0x195: {  	[tilespmem:$0x1E460] =	vst v25;
	v11 =	vsub.f32 $1.500000000e+00, v11;
	v19 =	vmul.f32 v49, v12;
	v14 =	vsub.f32 $1.500000000e+00, v14  }
0x196: {  	[tilespmem:$0x1E480] =	vst v36;
	v61 =	vmul.f32 v9, v54;
	v20 =	vmul.f32 v50, v15;
	v17 =	vsub.f32 $1.500000000e+00, v17  }
0x197: {  	[tilespmem:$0x1E4A0] =	vst v39;
	v7 =	vmul.f32 v11, v7;
	v51 =	vsub.f32 $1.500000000e+00, v19;
	v8 =	vmul.f32 v14, v8  }
0x198: {  	[tilespmem:$0x1E490] =	vst v37;
	v27 =	vmul.f32 v61, v9;
	v52 =	vsub.f32 $1.500000000e+00, v20;
	v10 =	vmul.f32 v17, v63  }
0x199: {  	[tilespmem:$0x1E4B0] =	vst v41;
	v4 =	vnsel vm6, $0x0, v4;
	v11 =	vmul.f32 v51, v12;
	v53 =	vmul.f32 v8, v40  }
0x19a: {  	[tilespmem:$0x1E4C0] =	vst v6;
	v5 =	vnsel vm8, $0x0, v5;
	v54 =	vmul.f32 v52, v15;
	v55 =	vmul.f32 v10, v35  }
0x19b: {  	[tilespmem:$0x1E4E0] =	vst v4;
	v3 =	vnsel vm9, $0x0, v3;
	v56 =	vmul.f32 v11, v45;
	v12 =	vmul.f32 v53, v8  }
0x19c: {  	[tilespmem:$0x1E4D0] =	vst v59;
	v13 =	vsub.f32 $1.500000000e+00, v27;
	v58 =	vmul.f32 v54, v46;
	v57 =	vmul.f32 v55, v10  }
0x19d: {  	[tilespmem:$0x1E500] =	vst v5;
	v48 =	vnsel vm7, $0x0, v31;
	v14 =	vmul.f32 v56, v11;
	v12 =	vsub.f32 $1.500000000e+00, v12  }
0x19e: {  	[tilespmem:$0x1E510] =	vst v3;
	v9 =	vmul.f32 v13, v9;
	v59 =	vmul.f32 v58, v54;
	v4 =	vsub.f32 $1.500000000e+00, v57  }
0x19f: {  	[tilespmem:$0x1E4F0] =	vst v48;
	v7 =	vnsel vm10, $0x0, v7;
	v61 =	vsub.f32 $1.500000000e+00, v14;
	v3 =	vmul.f32 v12, v8  }
0x1a0: {  	[tilespmem:$0x1E520] =	vst v7;
	v60 =	vnsel vm11, $0x0, v9;
	v62 =	vsub.f32 $1.500000000e+00, v59;
	v2 =	vmul.f32 v4, v10  }
0x1a1: {  	vm13 =	vgt.f32 v42, $5.000000000e-01;
	[tilespmem:$0x1E530] =	vst v60;
	v63 =	vmul.f32 v61, v11;
	v3 =	vnsel vm12, $0x0, v3  }
0x1a2: {  	vm14 =	vgt.f32 v43, $5.000000000e-01;
	[tilespmem:$0x1E540] =	vst v3;
	v3 =	vmul.f32 v62, v54;
	v2 =	vnsel vm13, $0x0, v2  }
0x1a3: {  	s23 =	sadd.s32 $0x1, s23;
	vm15 =	vgt.f32 v33, $5.000000000e-01;
	[tilespmem:$0x1E550] =	vst v2;
	v2 =	vnsel vm14, $0x0, v63  }
0x1a4: {  	p0 =	sne.s32 s23, s13;
	[tilespmem:$0x1E560] =	vst v2;
	v2 =	vnsel vm15, $0x0, v3  }
.Ltmp2:
0x1a5: {  	[tilespmem:$0x1E570] =	vst v2;
	(pc) =	sbr.rel @p0 .LBB2_1-.Ltmp2, $4  }
0x1a6: {  	[hbm4b:s15+s3] =	stream.linear.scatter [tilespmem:s20], [sflag:$0x5], $0x280, $0x38;
	[tilespmem:$0x1E580] =	vst v63  }
0x1a7: {  	_ =	swait.ge [sflag:s17], $0x280  }
0x1a8: {  	[sflag:s17] =	ssyncset.done $0x0  }
0x1a9: {  	[sflag:s17] =	ssyncadd.s32 $0xFFFFFD80  }
0x1aa: {  	_ =	sfence.sel $0x180000  }
0x1ab: {  	[bflag:$0x0] =	sbarrier.arrive $0xFFFF  }
0x1ac: {  	_ =	strace $0x90000047  }
0x1ad: {  	s0 =	stileid.u32;
	[bflag:$0x2] =	sbarrier.arrive $0xFFFF  }
0x1ae: {  	p0 =	sne.s32 s0, $0x0;
	s0 =	rddreg [dreg:$0x3]  }
0x1af: {  	s0 =	sadd.s32 @!p0 $0x100000, s0  }
0x1b0: {  	[sflag:s0] =	ssyncadd.tile.s32 @!p0 $0x1;
	_ =	shalt  }
.Lfunc_end2:
_tile_overlayer_lowered:
.L_overlay_start_2:
0x1b1: {  	(tag) =	ssettag $0x2  }
0x1b2: {  	s0 =	rddreg [dreg:$0x0];
	s2 =	stileid.u32  }
0x1b3: {  	s1 =	rddreg [dreg:$0x1];
	p0 =	sne.s32 s2, $0x0  }
0x1b4: {  	s3 =	rddreg [dreg:$0x2];
	[bflag:$0x3] =	sbarrier.arrive $0xFFFF;
	s2 =	simm.s32 @!p0 $0x1C05  }
0x1b5: {  	[timem:s3], [sflag:s2] =	dma.local @!p0 [hbm:s0], s1  }
0x1b6: {  	s0 =	simm.s32 @!p0 $0x5  }
0x1b7: {  	_ =	swait.ge @!p0 [sflag:s0], s1  }
0x1b8: {  	s1 =	ssub.s32 @!p0 $0x0, s1;
	[sflag:s0] =	ssyncset.done @!p0 $0x0  }
0x1b9: {  	[sflag:s0] =	ssyncadd.s32 @!p0 s1  }
0x1ba: {  	[bflag:$0x3] =	sbarrier.arrive $0xFFFF  }
0x1bb: {  	_ =	shalt  }

</sc_bundles>
